<compile_context>
chip_gen: v7x
topology: tpu7x:2x2x1
jax: 0.10.2.dev20260603
libtpu: 0.0.44.dev20260713+nightly
codegen_flags: <defaults>
</compile_context>

<pallas_src>
import functools

import jax
import jax.numpy as jnp
from jax import lax
from jax.experimental import pallas as pl
from jax.experimental.pallas import tpu as pltpu
from jax.experimental.pallas import tpu_sc as plsc

NUM_EMB = 1000000
DIM = 64
BATCH = 16384
HIST = 50

NC = 2
NS = 16
NW = NC * NS
GB = 128
NGB = BATCH // GB // NW
IDX_PER_BLK = GB * HIST
NGRP = NGB * HIST

_MESH = plsc.VectorSubcoreMesh(core_axis_name="c", subcore_axis_name="s")


@functools.partial(
    pl.kernel,
    mesh=_MESH,
    out_type=jax.ShapeDtypeStruct((HIST, DIM, BATCH), jnp.float32),
    scratch_types=[
        pltpu.VMEM((NGB * IDX_PER_BLK,), jnp.int32),
        pltpu.VMEM((GB,), jnp.int32),
        pltpu.VMEM((GB,), jnp.int32),
        pltpu.VMEM((GB // 16, 16), jnp.int32),
        pltpu.VMEM((GB // 16, 16), jnp.int32),
        pltpu.VMEM((GB, 128), jnp.float32),
        pltpu.VMEM((GB, 128), jnp.float32),
        pltpu.VMEM((DIM, GB), jnp.float32),
        pltpu.VMEM((DIM, GB), jnp.float32),
        pltpu.SemaphoreType.DMA,
        pltpu.SemaphoreType.DMA,
        pltpu.SemaphoreType.DMA,
        pltpu.SemaphoreType.DMA,
    ],
    compiler_params=pltpu.CompilerParams(
        use_tc_tiling_on_sc=True, needs_layout_passes=False),
)
def _emb_lookup(idx_hbm, tbl_hbm, out_hbm, stage_v, qa, qb, para, parb,
                rowsa, rowsb, dsta, dstb, g0, g1, w0, w1):
    wid = lax.axis_index("s") * NC + lax.axis_index("c")
    lanes = lax.iota(jnp.int32, 16)
    qs, pars, rows, dsts = (qa, qb), (para, parb), (rowsa, rowsb), (dsta, dstb)
    gs, ws = (g0, g1), (w0, w1)

    pltpu.sync_copy(
        idx_hbm.at[pl.ds(wid * NGB * IDX_PER_BLK, NGB * IDX_PER_BLK)],
        stage_v)

    def extract(g, p):
        base = (g // HIST) * IDX_PER_BLK + g % HIST
        for k in range(GB // 16):
            pos = (lanes + 16 * k) * HIST + base
            ids = plsc.load_gather(stage_v, [pos])
            qs[p][pl.ds(16 * k, 16)] = lax.shift_right_logical(ids, 1)
            pars[p][k, :] = lax.mul(lax.bitwise_and(ids, 1), 64)

    def fire_gather(p):
        pltpu.make_async_copy(tbl_hbm.at[qs[p]], rows[p], gs[p]).start()

    def wait_gather(p):
        pltpu.make_async_copy(tbl_hbm.at[qs[p]], rows[p], gs[p]).wait()

    rot = tuple(lax.bitwise_and(lanes + j, 15) for j in range(16))

    def transpose(p):
        def kblock(kb, carry):
            colb = pars[p][kb, :]
            rowv = lanes + 16 * kb
            for fb in range(DIM // 16):
                colbf = colb + 16 * fb
                vals = [plsc.load_gather(rows[p], [rowv, colbf + rot[j]])
                        for j in range(16)]
                for j in range(16):
                    plsc.store_scatter(
                        dsts[p], [rot[j] + 16 * fb, rowv], vals[j])
            return carry

        lax.fori_loop(0, GB // 16, kblock, 0)

    def out_slice(g):
        return out_hbm.at[g % HIST, pl.ds(0, DIM),
                          pl.ds((wid * NGB + g // HIST) * GB, GB)]

    def fire_write(g, p):
        pltpu.make_async_copy(dsts[p], out_slice(g), ws[p]).start()

    def wait_write(p):
        pltpu.make_async_copy(dsts[p], out_slice(0), ws[p]).wait()

    def phase(g, p, first=False, wait_w=True):
        extract(g, p)
        if wait_w:
            wait_write(p)
        fire_gather(p)
        if not first:
            wait_gather(1 - p)
            transpose(1 - p)
            fire_write(g - 1, 1 - p)

    phase(0, 0, first=True, wait_w=False)
    phase(1, 1, wait_w=False)

    def body(t, carry):
        phase(2 * t, 0)
        phase(2 * t + 1, 1)
        return carry

    lax.fori_loop(1, NGRP // 2, body, 0)

    wait_gather(1)
    transpose(1)
    fire_write(NGRP - 1, 1)
    wait_write(0)
    wait_write(1)


def kernel(token_ids, weight):
    idx = token_ids.astype(jnp.int32).reshape(-1)
    tbl = weight.reshape(NUM_EMB // 2, 2 * DIM)
    out_t = _emb_lookup(idx, tbl)
    return out_t.transpose(2, 0, 1)

# --- scband reference (transcript-rebuilt; emitter-appended) ---
"""Pipeline reference for scband-embedding-82686710383178 (READ-ONLY COPY).

The authoritative reference and input builder live on the scoring server;
editing this copy changes nothing except your own understanding.
"""

import jax, jax.numpy as jnp
import numpy as np

NUM_EMBEDDINGS = 1000000
EMBEDDING_DIM = 64
BATCH = 16384
HIST_LEN = 50


def setup_inputs(seed: int = 0) -> dict:
    key = jax.random.key(seed)
    k_idx, k_w = jax.random.split(key)
    token_ids = jax.random.randint(k_idx, (BATCH, HIST_LEN), 0, NUM_EMBEDDINGS, dtype=jnp.int64 if jax.config.jax_enable_x64 else jnp.int32)
    # trunc_normal_(mean=0, std=1, a=-3, b=3)
    weight = jax.random.truncated_normal(k_w, -3.0, 3.0, (NUM_EMBEDDINGS, EMBEDDING_DIM), dtype=jnp.float32)
    return {"token_ids": token_ids, "weight": weight}


def reference(token_ids, weight):
    # Faithful to torch: self.weight[token_ids]
    return jnp.take(weight, token_ids, axis=0)

if __name__ == "__main__":
    import jax
    _d = setup_inputs()
    print(jax.jit(kernel)(*tuple(_d.values())))

</pallas_src>

<mosaic_0001>
#map = affine_map<(d0, d1) -> (0)>
#map1 = affine_map<(d0, d1) -> (0, 0)>
#map2 = affine_map<(d0, d1) -> (0, 0, 0)>
module attributes {stable_mosaic.version = 14 : i64} {
  func.func @_emb_lookup(%arg0: i32, %arg1: i32, %arg2: memref<819200xi32, #tpu.memory_space<hbm>>, %arg3: memref<500000x128xf32, #tpu.memory_space<hbm>>, %arg4: memref<50x64x16384xf32, #tpu.memory_space<hbm>>, %arg5: memref<25600xi32, #tpu.memory_space<vmem>>, %arg6: memref<128xi32, #tpu.memory_space<vmem>>, %arg7: memref<128xi32, #tpu.memory_space<vmem>>, %arg8: memref<8x16xi32, #tpu.memory_space<vmem>>, %arg9: memref<8x16xi32, #tpu.memory_space<vmem>>, %arg10: memref<128x128xf32, #tpu.memory_space<vmem>>, %arg11: memref<128x128xf32, #tpu.memory_space<vmem>>, %arg12: memref<64x128xf32, #tpu.memory_space<vmem>>, %arg13: memref<64x128xf32, #tpu.memory_space<vmem>>, %arg14: memref<!tpu.dma_semaphore, #tpu.memory_space<semaphore_mem>>, %arg15: memref<!tpu.dma_semaphore, #tpu.memory_space<semaphore_mem>>, %arg16: memref<!tpu.dma_semaphore, #tpu.memory_space<semaphore_mem>>, %arg17: memref<!tpu.dma_semaphore, #tpu.memory_space<semaphore_mem>>) attributes {dimension_semantics = [#tpu.dimension_semantics<core_parallel>, #tpu.dimension_semantics<subcore_parallel>], iteration_bounds = array<i64: 2, 16>, scalar_prefetch = 0 : i64, scratch_operands = 13 : i64, tpu.core_type = #tpu.core_type<sc_vector_subcore>, window_params = [{transform_indices = #map}, {transform_indices = #map1}, {transform_indices = #map2}]} {
    %mul3A = arith.constant 2 : i32
    %mul3A_0 = arith.muli %arg1, %mul3A : i32
    %add3A = arith.addi %mul3A_0, %arg0 : i32
    %iota3A = tpu.iota {dimensions = array<i32: 0>} : vector<16xi32>
    %mul3A_1 = arith.constant 4 : i32
    %mul3A_2 = arith.muli %add3A, %mul3A_1 : i32
    %mul3A_3 = arith.constant 6400 : i32
    %mul3A_4 = arith.muli %mul3A_2, %mul3A_3 : i32
    "tpu.region"() ({
      %run_scoped3A = tpu.sem_alloc : memref<!tpu.dma_semaphore, #tpu.memory_space<semaphore_mem>>
      %dma_start3A_576 = tpu.memref_slice %arg2[%mul3A_4] : memref<819200xi32, #tpu.memory_space<hbm>> -> memref<25600xi32, #tpu.memory_space<hbm>>
      %dma_start3A_577 = tpu.memref_slice %arg2[%mul3A_4] : memref<819200xi32, #tpu.memory_space<hbm>> -> memref<25600xi32, #tpu.memory_space<hbm>>
      tpu.enqueue_dma source(%dma_start3A_577 : memref<25600xi32, #tpu.memory_space<hbm>>) target(%arg5 : memref<25600xi32, #tpu.memory_space<vmem>>) target_semaphore(%run_scoped3A : memref<!tpu.dma_semaphore, #tpu.memory_space<semaphore_mem>>)
      %dma_wait3A_578 = tpu.memref_slice %arg2[%mul3A_4] : memref<819200xi32, #tpu.memory_space<hbm>> -> memref<25600xi32, #tpu.memory_space<hbm>>
      %dma_wait3A_579 = tpu.memref_slice %arg2[%mul3A_4] : memref<819200xi32, #tpu.memory_space<hbm>> -> memref<25600xi32, #tpu.memory_space<hbm>>
      tpu.wait_dma2 semaphore(%run_scoped3A : memref<!tpu.dma_semaphore, #tpu.memory_space<semaphore_mem>>) src(%dma_wait3A_579 : memref<25600xi32, #tpu.memory_space<hbm>>) dst(%arg5 : memref<25600xi32, #tpu.memory_space<vmem>>)
      tpu.yield
    }) : () -> ()
    %add3A_5 = arith.constant 0 : i32
    %add3A_6 = vector.broadcast %add3A_5 : i32 to vector<16xi32>
    %add3A_7 = arith.addi %iota3A, %add3A_6 : vector<16xi32>
    %and3A = arith.constant 15 : i32
    %and3A_8 = vector.broadcast %and3A : i32 to vector<16xi32>
    %and3A_9 = arith.andi %add3A_7, %and3A_8 : vector<16xi32>
    %add3A_10 = arith.constant 1 : i32
    %add3A_11 = vector.broadcast %add3A_10 : i32 to vector<16xi32>
    %add3A_12 = arith.addi %iota3A, %add3A_11 : vector<16xi32>
    %and3A_13 = arith.constant 15 : i32
    %and3A_14 = vector.broadcast %and3A_13 : i32 to vector<16xi32>
    %and3A_15 = arith.andi %add3A_12, %and3A_14 : vector<16xi32>
    %add3A_16 = arith.constant 2 : i32
    %add3A_17 = vector.broadcast %add3A_16 : i32 to vector<16xi32>
    %add3A_18 = arith.addi %iota3A, %add3A_17 : vector<16xi32>
    %and3A_19 = arith.constant 15 : i32
    %and3A_20 = vector.broadcast %and3A_19 : i32 to vector<16xi32>
    %and3A_21 = arith.andi %add3A_18, %and3A_20 : vector<16xi32>
    %add3A_22 = arith.constant 3 : i32
    %add3A_23 = vector.broadcast %add3A_22 : i32 to vector<16xi32>
    %add3A_24 = arith.addi %iota3A, %add3A_23 : vector<16xi32>
    %and3A_25 = arith.constant 15 : i32
    %and3A_26 = vector.broadcast %and3A_25 : i32 to vector<16xi32>
    %and3A_27 = arith.andi %add3A_24, %and3A_26 : vector<16xi32>
    %add3A_28 = arith.constant 4 : i32
    %add3A_29 = vector.broadcast %add3A_28 : i32 to vector<16xi32>
    %add3A_30 = arith.addi %iota3A, %add3A_29 : vector<16xi32>
    %and3A_31 = arith.constant 15 : i32
    %and3A_32 = vector.broadcast %and3A_31 : i32 to vector<16xi32>
    %and3A_33 = arith.andi %add3A_30, %and3A_32 : vector<16xi32>
    %add3A_34 = arith.constant 5 : i32
    %add3A_35 = vector.broadcast %add3A_34 : i32 to vector<16xi32>
    %add3A_36 = arith.addi %iota3A, %add3A_35 : vector<16xi32>
    %and3A_37 = arith.constant 15 : i32
    %and3A_38 = vector.broadcast %and3A_37 : i32 to vector<16xi32>
    %and3A_39 = arith.andi %add3A_36, %and3A_38 : vector<16xi32>
    %add3A_40 = arith.constant 6 : i32
    %add3A_41 = vector.broadcast %add3A_40 : i32 to vector<16xi32>
    %add3A_42 = arith.addi %iota3A, %add3A_41 : vector<16xi32>
    %and3A_43 = arith.constant 15 : i32
    %and3A_44 = vector.broadcast %and3A_43 : i32 to vector<16xi32>
    %and3A_45 = arith.andi %add3A_42, %and3A_44 : vector<16xi32>
    %add3A_46 = arith.constant 7 : i32
    %add3A_47 = vector.broadcast %add3A_46 : i32 to vector<16xi32>
    %add3A_48 = arith.addi %iota3A, %add3A_47 : vector<16xi32>
    %and3A_49 = arith.constant 15 : i32
    %and3A_50 = vector.broadcast %and3A_49 : i32 to vector<16xi32>
    %and3A_51 = arith.andi %add3A_48, %and3A_50 : vector<16xi32>
    %add3A_52 = arith.constant 8 : i32
    %add3A_53 = vector.broadcast %add3A_52 : i32 to vector<16xi32>
    %add3A_54 = arith.addi %iota3A, %add3A_53 : vector<16xi32>
    %and3A_55 = arith.constant 15 : i32
    %and3A_56 = vector.broadcast %and3A_55 : i32 to vector<16xi32>
    %and3A_57 = arith.andi %add3A_54, %and3A_56 : vector<16xi32>
    %add3A_58 = arith.constant 9 : i32
    %add3A_59 = vector.broadcast %add3A_58 : i32 to vector<16xi32>
    %add3A_60 = arith.addi %iota3A, %add3A_59 : vector<16xi32>
    %and3A_61 = arith.constant 15 : i32
    %and3A_62 = vector.broadcast %and3A_61 : i32 to vector<16xi32>
    %and3A_63 = arith.andi %add3A_60, %and3A_62 : vector<16xi32>
    %add3A_64 = arith.constant 10 : i32
    %add3A_65 = vector.broadcast %add3A_64 : i32 to vector<16xi32>
    %add3A_66 = arith.addi %iota3A, %add3A_65 : vector<16xi32>
    %and3A_67 = arith.constant 15 : i32
    %and3A_68 = vector.broadcast %and3A_67 : i32 to vector<16xi32>
    %and3A_69 = arith.andi %add3A_66, %and3A_68 : vector<16xi32>
    %add3A_70 = arith.constant 11 : i32
    %add3A_71 = vector.broadcast %add3A_70 : i32 to vector<16xi32>
    %add3A_72 = arith.addi %iota3A, %add3A_71 : vector<16xi32>
    %and3A_73 = arith.constant 15 : i32
    %and3A_74 = vector.broadcast %and3A_73 : i32 to vector<16xi32>
    %and3A_75 = arith.andi %add3A_72, %and3A_74 : vector<16xi32>
    %add3A_76 = arith.constant 12 : i32
    %add3A_77 = vector.broadcast %add3A_76 : i32 to vector<16xi32>
    %add3A_78 = arith.addi %iota3A, %add3A_77 : vector<16xi32>
    %and3A_79 = arith.constant 15 : i32
    %and3A_80 = vector.broadcast %and3A_79 : i32 to vector<16xi32>
    %and3A_81 = arith.andi %add3A_78, %and3A_80 : vector<16xi32>
    %add3A_82 = arith.constant 13 : i32
    %add3A_83 = vector.broadcast %add3A_82 : i32 to vector<16xi32>
    %add3A_84 = arith.addi %iota3A, %add3A_83 : vector<16xi32>
    %and3A_85 = arith.constant 15 : i32
    %and3A_86 = vector.broadcast %and3A_85 : i32 to vector<16xi32>
    %and3A_87 = arith.andi %add3A_84, %and3A_86 : vector<16xi32>
    %add3A_88 = arith.constant 14 : i32
    %add3A_89 = vector.broadcast %add3A_88 : i32 to vector<16xi32>
    %add3A_90 = arith.addi %iota3A, %add3A_89 : vector<16xi32>
    %and3A_91 = arith.constant 15 : i32
    %and3A_92 = vector.broadcast %and3A_91 : i32 to vector<16xi32>
    %and3A_93 = arith.andi %add3A_90, %and3A_92 : vector<16xi32>
    %add3A_94 = arith.constant 15 : i32
    %add3A_95 = vector.broadcast %add3A_94 : i32 to vector<16xi32>
    %add3A_96 = arith.addi %iota3A, %add3A_95 : vector<16xi32>
    %and3A_97 = arith.constant 15 : i32
    %and3A_98 = vector.broadcast %and3A_97 : i32 to vector<16xi32>
    %and3A_99 = arith.andi %add3A_96, %and3A_98 : vector<16xi32>
    %add3A_100 = arith.constant 0 : i32
    %add3A_101 = vector.broadcast %add3A_100 : i32 to vector<16xi32>
    %add3A_102 = arith.addi %iota3A, %add3A_101 : vector<16xi32>
    %mul3A_103 = arith.constant 50 : i32
    %mul3A_104 = vector.broadcast %mul3A_103 : i32 to vector<16xi32>
    %mul3A_105 = arith.muli %add3A_102, %mul3A_104 : vector<16xi32>
    %add3A_106 = arith.constant 0 : i32
    %add3A_107 = vector.broadcast %add3A_106 : i32 to vector<16xi32>
    %add3A_108 = arith.addi %mul3A_105, %add3A_107 : vector<16xi32>
    %gather3A = tpu.vector_load_idx %arg5[%add3A_108] : memref<25600xi32, #tpu.memory_space<vmem>>[vector<16xi32>], vector<16xi32>,
    %shift_right_logical3A = arith.constant 1 : i32
    %shift_right_logical3A_109 = vector.broadcast %shift_right_logical3A : i32 to vector<16xi32>
    %shift_right_logical3A_110 = arith.shrui %gather3A, %shift_right_logical3A_109 : vector<16xi32>
    %swap3A = arith.constant 0 : index
    %swap3A_111 = tpu.vector_load %arg6[%swap3A] {strides = array<i32>} : memref<128xi32, #tpu.memory_space<vmem>>, vector<16xi32>,
    tpu.vector_store %arg6[%swap3A], %shift_right_logical3A_110 {strides = array<i32>} : memref<128xi32, #tpu.memory_space<vmem>>, vector<16xi32>,
    %and3A_112 = arith.constant 1 : i32
    %and3A_113 = vector.broadcast %and3A_112 : i32 to vector<16xi32>
    %and3A_114 = arith.andi %gather3A, %and3A_113 : vector<16xi32>
    %mul3A_115 = arith.constant 64 : i32
    %mul3A_116 = vector.broadcast %mul3A_115 : i32 to vector<16xi32>
    %mul3A_117 = arith.muli %and3A_114, %mul3A_116 : vector<16xi32>
    %swap3A_118 = arith.constant 0 : i32
    %swap3A_119 = arith.index_cast %swap3A_118 : i32 to index
    %swap3A_120 = arith.constant 0 : index
    %swap3A_121 = tpu.vector_load %arg8[%swap3A_119, %swap3A_120] {strides = array<i32>} : memref<8x16xi32, #tpu.memory_space<vmem>>, vector<16xi32>,
    tpu.vector_store %arg8[%swap3A_119, %swap3A_120], %mul3A_117 {strides = array<i32>} : memref<8x16xi32, #tpu.memory_space<vmem>>, vector<16xi32>,
    %add3A_122 = arith.constant 16 : i32
    %add3A_123 = vector.broadcast %add3A_122 : i32 to vector<16xi32>
    %add3A_124 = arith.addi %iota3A, %add3A_123 : vector<16xi32>
    %mul3A_125 = arith.constant 50 : i32
    %mul3A_126 = vector.broadcast %mul3A_125 : i32 to vector<16xi32>
    %mul3A_127 = arith.muli %add3A_124, %mul3A_126 : vector<16xi32>
    %add3A_128 = arith.constant 0 : i32
    %add3A_129 = vector.broadcast %add3A_128 : i32 to vector<16xi32>
    %add3A_130 = arith.addi %mul3A_127, %add3A_129 : vector<16xi32>
    %gather3A_131 = tpu.vector_load_idx %arg5[%add3A_130] : memref<25600xi32, #tpu.memory_space<vmem>>[vector<16xi32>], vector<16xi32>,
    %shift_right_logical3A_132 = arith.constant 1 : i32
    %shift_right_logical3A_133 = vector.broadcast %shift_right_logical3A_132 : i32 to vector<16xi32>
    %shift_right_logical3A_134 = arith.shrui %gather3A_131, %shift_right_logical3A_133 : vector<16xi32>
    %swap3A_135 = arith.constant 16 : index
    %swap3A_136 = tpu.vector_load %arg6[%swap3A_135] {strides = array<i32>} : memref<128xi32, #tpu.memory_space<vmem>>, vector<16xi32>,
    tpu.vector_store %arg6[%swap3A_135], %shift_right_logical3A_134 {strides = array<i32>} : memref<128xi32, #tpu.memory_space<vmem>>, vector<16xi32>,
    %and3A_137 = arith.constant 1 : i32
    %and3A_138 = vector.broadcast %and3A_137 : i32 to vector<16xi32>
    %and3A_139 = arith.andi %gather3A_131, %and3A_138 : vector<16xi32>
    %mul3A_140 = arith.constant 64 : i32
    %mul3A_141 = vector.broadcast %mul3A_140 : i32 to vector<16xi32>
    %mul3A_142 = arith.muli %and3A_139, %mul3A_141 : vector<16xi32>
    %swap3A_143 = arith.constant 1 : i32
    %swap3A_144 = arith.index_cast %swap3A_143 : i32 to index
    %swap3A_145 = arith.constant 0 : index
    %swap3A_146 = tpu.vector_load %arg8[%swap3A_144, %swap3A_145] {strides = array<i32>} : memref<8x16xi32, #tpu.memory_space<vmem>>, vector<16xi32>,
    tpu.vector_store %arg8[%swap3A_144, %swap3A_145], %mul3A_142 {strides = array<i32>} : memref<8x16xi32, #tpu.memory_space<vmem>>, vector<16xi32>,
    %add3A_147 = arith.constant 32 : i32
    %add3A_148 = vector.broadcast %add3A_147 : i32 to vector<16xi32>
    %add3A_149 = arith.addi %iota3A, %add3A_148 : vector<16xi32>
    %mul3A_150 = arith.constant 50 : i32
    %mul3A_151 = vector.broadcast %mul3A_150 : i32 to vector<16xi32>
    %mul3A_152 = arith.muli %add3A_149, %mul3A_151 : vector<16xi32>
    %add3A_153 = arith.constant 0 : i32
    %add3A_154 = vector.broadcast %add3A_153 : i32 to vector<16xi32>
    %add3A_155 = arith.addi %mul3A_152, %add3A_154 : vector<16xi32>
    %gather3A_156 = tpu.vector_load_idx %arg5[%add3A_155] : memref<25600xi32, #tpu.memory_space<vmem>>[vector<16xi32>], vector<16xi32>,
    %shift_right_logical3A_157 = arith.constant 1 : i32
    %shift_right_logical3A_158 = vector.broadcast %shift_right_logical3A_157 : i32 to vector<16xi32>
    %shift_right_logical3A_159 = arith.shrui %gather3A_156, %shift_right_logical3A_158 : vector<16xi32>
    %swap3A_160 = arith.constant 32 : index
    %swap3A_161 = tpu.vector_load %arg6[%swap3A_160] {strides = array<i32>} : memref<128xi32, #tpu.memory_space<vmem>>, vector<16xi32>,
    tpu.vector_store %arg6[%swap3A_160], %shift_right_logical3A_159 {strides = array<i32>} : memref<128xi32, #tpu.memory_space<vmem>>, vector<16xi32>,
    %and3A_162 = arith.constant 1 : i32
    %and3A_163 = vector.broadcast %and3A_162 : i32 to vector<16xi32>
    %and3A_164 = arith.andi %gather3A_156, %and3A_163 : vector<16xi32>
    %mul3A_165 = arith.constant 64 : i32
    %mul3A_166 = vector.broadcast %mul3A_165 : i32 to vector<16xi32>
    %mul3A_167 = arith.muli %and3A_164, %mul3A_166 : vector<16xi32>
    %swap3A_168 = arith.constant 2 : i32
    %swap3A_169 = arith.index_cast %swap3A_168 : i32 to index
    %swap3A_170 = arith.constant 0 : index
    %swap3A_171 = tpu.vector_load %arg8[%swap3A_169, %swap3A_170] {strides = array<i32>} : memref<8x16xi32, #tpu.memory_space<vmem>>, vector<16xi32>,
    tpu.vector_store %arg8[%swap3A_169, %swap3A_170], %mul3A_167 {strides = array<i32>} : memref<8x16xi32, #tpu.memory_space<vmem>>, vector<16xi32>,
    %add3A_172 = arith.constant 48 : i32
    %add3A_173 = vector.broadcast %add3A_172 : i32 to vector<16xi32>
    %add3A_174 = arith.addi %iota3A, %add3A_173 : vector<16xi32>
    %mul3A_175 = arith.constant 50 : i32
    %mul3A_176 = vector.broadcast %mul3A_175 : i32 to vector<16xi32>
    %mul3A_177 = arith.muli %add3A_174, %mul3A_176 : vector<16xi32>
    %add3A_178 = arith.constant 0 : i32
    %add3A_179 = vector.broadcast %add3A_178 : i32 to vector<16xi32>
    %add3A_180 = arith.addi %mul3A_177, %add3A_179 : vector<16xi32>
    %gather3A_181 = tpu.vector_load_idx %arg5[%add3A_180] : memref<25600xi32, #tpu.memory_space<vmem>>[vector<16xi32>], vector<16xi32>,
    %shift_right_logical3A_182 = arith.constant 1 : i32
    %shift_right_logical3A_183 = vector.broadcast %shift_right_logical3A_182 : i32 to vector<16xi32>
    %shift_right_logical3A_184 = arith.shrui %gather3A_181, %shift_right_logical3A_183 : vector<16xi32>
    %swap3A_185 = arith.constant 48 : index
    %swap3A_186 = tpu.vector_load %arg6[%swap3A_185] {strides = array<i32>} : memref<128xi32, #tpu.memory_space<vmem>>, vector<16xi32>,
    tpu.vector_store %arg6[%swap3A_185], %shift_right_logical3A_184 {strides = array<i32>} : memref<128xi32, #tpu.memory_space<vmem>>, vector<16xi32>,
    %and3A_187 = arith.constant 1 : i32
    %and3A_188 = vector.broadcast %and3A_187 : i32 to vector<16xi32>
    %and3A_189 = arith.andi %gather3A_181, %and3A_188 : vector<16xi32>
    %mul3A_190 = arith.constant 64 : i32
    %mul3A_191 = vector.broadcast %mul3A_190 : i32 to vector<16xi32>
    %mul3A_192 = arith.muli %and3A_189, %mul3A_191 : vector<16xi32>
    %swap3A_193 = arith.constant 3 : i32
    %swap3A_194 = arith.index_cast %swap3A_193 : i32 to index
    %swap3A_195 = arith.constant 0 : index
    %swap3A_196 = tpu.vector_load %arg8[%swap3A_194, %swap3A_195] {strides = array<i32>} : memref<8x16xi32, #tpu.memory_space<vmem>>, vector<16xi32>,
    tpu.vector_store %arg8[%swap3A_194, %swap3A_195], %mul3A_192 {strides = array<i32>} : memref<8x16xi32, #tpu.memory_space<vmem>>, vector<16xi32>,
    %add3A_197 = arith.constant 64 : i32
    %add3A_198 = vector.broadcast %add3A_197 : i32 to vector<16xi32>
    %add3A_199 = arith.addi %iota3A, %add3A_198 : vector<16xi32>
    %mul3A_200 = arith.constant 50 : i32
    %mul3A_201 = vector.broadcast %mul3A_200 : i32 to vector<16xi32>
    %mul3A_202 = arith.muli %add3A_199, %mul3A_201 : vector<16xi32>
    %add3A_203 = arith.constant 0 : i32
    %add3A_204 = vector.broadcast %add3A_203 : i32 to vector<16xi32>
    %add3A_205 = arith.addi %mul3A_202, %add3A_204 : vector<16xi32>
    %gather3A_206 = tpu.vector_load_idx %arg5[%add3A_205] : memref<25600xi32, #tpu.memory_space<vmem>>[vector<16xi32>], vector<16xi32>,
    %shift_right_logical3A_207 = arith.constant 1 : i32
    %shift_right_logical3A_208 = vector.broadcast %shift_right_logical3A_207 : i32 to vector<16xi32>
    %shift_right_logical3A_209 = arith.shrui %gather3A_206, %shift_right_logical3A_208 : vector<16xi32>
    %swap3A_210 = arith.constant 64 : index
    %swap3A_211 = tpu.vector_load %arg6[%swap3A_210] {strides = array<i32>} : memref<128xi32, #tpu.memory_space<vmem>>, vector<16xi32>,
    tpu.vector_store %arg6[%swap3A_210], %shift_right_logical3A_209 {strides = array<i32>} : memref<128xi32, #tpu.memory_space<vmem>>, vector<16xi32>,
    %and3A_212 = arith.constant 1 : i32
    %and3A_213 = vector.broadcast %and3A_212 : i32 to vector<16xi32>
    %and3A_214 = arith.andi %gather3A_206, %and3A_213 : vector<16xi32>
    %mul3A_215 = arith.constant 64 : i32
    %mul3A_216 = vector.broadcast %mul3A_215 : i32 to vector<16xi32>
    %mul3A_217 = arith.muli %and3A_214, %mul3A_216 : vector<16xi32>
    %swap3A_218 = arith.constant 4 : i32
    %swap3A_219 = arith.index_cast %swap3A_218 : i32 to index
    %swap3A_220 = arith.constant 0 : index
    %swap3A_221 = tpu.vector_load %arg8[%swap3A_219, %swap3A_220] {strides = array<i32>} : memref<8x16xi32, #tpu.memory_space<vmem>>, vector<16xi32>,
    tpu.vector_store %arg8[%swap3A_219, %swap3A_220], %mul3A_217 {strides = array<i32>} : memref<8x16xi32, #tpu.memory_space<vmem>>, vector<16xi32>,
    %add3A_222 = arith.constant 80 : i32
    %add3A_223 = vector.broadcast %add3A_222 : i32 to vector<16xi32>
    %add3A_224 = arith.addi %iota3A, %add3A_223 : vector<16xi32>
    %mul3A_225 = arith.constant 50 : i32
    %mul3A_226 = vector.broadcast %mul3A_225 : i32 to vector<16xi32>
    %mul3A_227 = arith.muli %add3A_224, %mul3A_226 : vector<16xi32>
    %add3A_228 = arith.constant 0 : i32
    %add3A_229 = vector.broadcast %add3A_228 : i32 to vector<16xi32>
    %add3A_230 = arith.addi %mul3A_227, %add3A_229 : vector<16xi32>
    %gather3A_231 = tpu.vector_load_idx %arg5[%add3A_230] : memref<25600xi32, #tpu.memory_space<vmem>>[vector<16xi32>], vector<16xi32>,
    %shift_right_logical3A_232 = arith.constant 1 : i32
    %shift_right_logical3A_233 = vector.broadcast %shift_right_logical3A_232 : i32 to vector<16xi32>
    %shift_right_logical3A_234 = arith.shrui %gather3A_231, %shift_right_logical3A_233 : vector<16xi32>
    %swap3A_235 = arith.constant 80 : index
    %swap3A_236 = tpu.vector_load %arg6[%swap3A_235] {strides = array<i32>} : memref<128xi32, #tpu.memory_space<vmem>>, vector<16xi32>,
    tpu.vector_store %arg6[%swap3A_235], %shift_right_logical3A_234 {strides = array<i32>} : memref<128xi32, #tpu.memory_space<vmem>>, vector<16xi32>,
    %and3A_237 = arith.constant 1 : i32
    %and3A_238 = vector.broadcast %and3A_237 : i32 to vector<16xi32>
    %and3A_239 = arith.andi %gather3A_231, %and3A_238 : vector<16xi32>
    %mul3A_240 = arith.constant 64 : i32
    %mul3A_241 = vector.broadcast %mul3A_240 : i32 to vector<16xi32>
    %mul3A_242 = arith.muli %and3A_239, %mul3A_241 : vector<16xi32>
    %swap3A_243 = arith.constant 5 : i32
    %swap3A_244 = arith.index_cast %swap3A_243 : i32 to index
    %swap3A_245 = arith.constant 0 : index
    %swap3A_246 = tpu.vector_load %arg8[%swap3A_244, %swap3A_245] {strides = array<i32>} : memref<8x16xi32, #tpu.memory_space<vmem>>, vector<16xi32>,
    tpu.vector_store %arg8[%swap3A_244, %swap3A_245], %mul3A_242 {strides = array<i32>} : memref<8x16xi32, #tpu.memory_space<vmem>>, vector<16xi32>,
    %add3A_247 = arith.constant 96 : i32
    %add3A_248 = vector.broadcast %add3A_247 : i32 to vector<16xi32>
    %add3A_249 = arith.addi %iota3A, %add3A_248 : vector<16xi32>
    %mul3A_250 = arith.constant 50 : i32
    %mul3A_251 = vector.broadcast %mul3A_250 : i32 to vector<16xi32>
    %mul3A_252 = arith.muli %add3A_249, %mul3A_251 : vector<16xi32>
    %add3A_253 = arith.constant 0 : i32
    %add3A_254 = vector.broadcast %add3A_253 : i32 to vector<16xi32>
    %add3A_255 = arith.addi %mul3A_252, %add3A_254 : vector<16xi32>
    %gather3A_256 = tpu.vector_load_idx %arg5[%add3A_255] : memref<25600xi32, #tpu.memory_space<vmem>>[vector<16xi32>], vector<16xi32>,
    %shift_right_logical3A_257 = arith.constant 1 : i32
    %shift_right_logical3A_258 = vector.broadcast %shift_right_logical3A_257 : i32 to vector<16xi32>
    %shift_right_logical3A_259 = arith.shrui %gather3A_256, %shift_right_logical3A_258 : vector<16xi32>
    %swap3A_260 = arith.constant 96 : index
    %swap3A_261 = tpu.vector_load %arg6[%swap3A_260] {strides = array<i32>} : memref<128xi32, #tpu.memory_space<vmem>>, vector<16xi32>,
    tpu.vector_store %arg6[%swap3A_260], %shift_right_logical3A_259 {strides = array<i32>} : memref<128xi32, #tpu.memory_space<vmem>>, vector<16xi32>,
    %and3A_262 = arith.constant 1 : i32
    %and3A_263 = vector.broadcast %and3A_262 : i32 to vector<16xi32>
    %and3A_264 = arith.andi %gather3A_256, %and3A_263 : vector<16xi32>
    %mul3A_265 = arith.constant 64 : i32
    %mul3A_266 = vector.broadcast %mul3A_265 : i32 to vector<16xi32>
    %mul3A_267 = arith.muli %and3A_264, %mul3A_266 : vector<16xi32>
    %swap3A_268 = arith.constant 6 : i32
    %swap3A_269 = arith.index_cast %swap3A_268 : i32 to index
    %swap3A_270 = arith.constant 0 : index
    %swap3A_271 = tpu.vector_load %arg8[%swap3A_269, %swap3A_270] {strides = array<i32>} : memref<8x16xi32, #tpu.memory_space<vmem>>, vector<16xi32>,
    tpu.vector_store %arg8[%swap3A_269, %swap3A_270], %mul3A_267 {strides = array<i32>} : memref<8x16xi32, #tpu.memory_space<vmem>>, vector<16xi32>,
    %add3A_272 = arith.constant 112 : i32
    %add3A_273 = vector.broadcast %add3A_272 : i32 to vector<16xi32>
    %add3A_274 = arith.addi %iota3A, %add3A_273 : vector<16xi32>
    %mul3A_275 = arith.constant 50 : i32
    %mul3A_276 = vector.broadcast %mul3A_275 : i32 to vector<16xi32>
    %mul3A_277 = arith.muli %add3A_274, %mul3A_276 : vector<16xi32>
    %add3A_278 = arith.constant 0 : i32
    %add3A_279 = vector.broadcast %add3A_278 : i32 to vector<16xi32>
    %add3A_280 = arith.addi %mul3A_277, %add3A_279 : vector<16xi32>
    %gather3A_281 = tpu.vector_load_idx %arg5[%add3A_280] : memref<25600xi32, #tpu.memory_space<vmem>>[vector<16xi32>], vector<16xi32>,
    %shift_right_logical3A_282 = arith.constant 1 : i32
    %shift_right_logical3A_283 = vector.broadcast %shift_right_logical3A_282 : i32 to vector<16xi32>
    %shift_right_logical3A_284 = arith.shrui %gather3A_281, %shift_right_logical3A_283 : vector<16xi32>
    %swap3A_285 = arith.constant 112 : index
    %swap3A_286 = tpu.vector_load %arg6[%swap3A_285] {strides = array<i32>} : memref<128xi32, #tpu.memory_space<vmem>>, vector<16xi32>,
    tpu.vector_store %arg6[%swap3A_285], %shift_right_logical3A_284 {strides = array<i32>} : memref<128xi32, #tpu.memory_space<vmem>>, vector<16xi32>,
    %and3A_287 = arith.constant 1 : i32
    %and3A_288 = vector.broadcast %and3A_287 : i32 to vector<16xi32>
    %and3A_289 = arith.andi %gather3A_281, %and3A_288 : vector<16xi32>
    %mul3A_290 = arith.constant 64 : i32
    %mul3A_291 = vector.broadcast %mul3A_290 : i32 to vector<16xi32>
    %mul3A_292 = arith.muli %and3A_289, %mul3A_291 : vector<16xi32>
    %swap3A_293 = arith.constant 7 : i32
    %swap3A_294 = arith.index_cast %swap3A_293 : i32 to index
    %swap3A_295 = arith.constant 0 : index
    %swap3A_296 = tpu.vector_load %arg8[%swap3A_294, %swap3A_295] {strides = array<i32>} : memref<8x16xi32, #tpu.memory_space<vmem>>, vector<16xi32>,
    tpu.vector_store %arg8[%swap3A_294, %swap3A_295], %mul3A_292 {strides = array<i32>} : memref<8x16xi32, #tpu.memory_space<vmem>>, vector<16xi32>,
    %dma_start3A = arith.constant 0 : i32
    %dma_start3A_297 = arith.constant 0 : i32
    %dma_start3A_298 = tpu.memref_slice %arg3[%dma_start3A, %dma_start3A_297] : memref<500000x128xf32, #tpu.memory_space<hbm>> -> memref<500000x128xf32, #tpu.memory_space<hbm>>
    tpu.enqueue_indirect_dma source(%dma_start3A_298 : memref<500000x128xf32, #tpu.memory_space<hbm>>) target(%arg10 : memref<128x128xf32, #tpu.memory_space<vmem>>) offsets(%arg6 : memref<128xi32, #tpu.memory_space<vmem>>) semaphore(%arg14 : memref<!tpu.dma_semaphore, #tpu.memory_space<semaphore_mem>>)
    %add3A_299 = arith.constant 0 : i32
    %add3A_300 = vector.broadcast %add3A_299 : i32 to vector<16xi32>
    %add3A_301 = arith.addi %iota3A, %add3A_300 : vector<16xi32>
    %mul3A_302 = arith.constant 50 : i32
    %mul3A_303 = vector.broadcast %mul3A_302 : i32 to vector<16xi32>
    %mul3A_304 = arith.muli %add3A_301, %mul3A_303 : vector<16xi32>
    %add3A_305 = arith.constant 1 : i32
    %add3A_306 = vector.broadcast %add3A_305 : i32 to vector<16xi32>
    %add3A_307 = arith.addi %mul3A_304, %add3A_306 : vector<16xi32>
    %gather3A_308 = tpu.vector_load_idx %arg5[%add3A_307] : memref<25600xi32, #tpu.memory_space<vmem>>[vector<16xi32>], vector<16xi32>,
    %shift_right_logical3A_309 = arith.constant 1 : i32
    %shift_right_logical3A_310 = vector.broadcast %shift_right_logical3A_309 : i32 to vector<16xi32>
    %shift_right_logical3A_311 = arith.shrui %gather3A_308, %shift_right_logical3A_310 : vector<16xi32>
    %swap3A_312 = arith.constant 0 : index
    %swap3A_313 = tpu.vector_load %arg7[%swap3A_312] {strides = array<i32>} : memref<128xi32, #tpu.memory_space<vmem>>, vector<16xi32>,
    tpu.vector_store %arg7[%swap3A_312], %shift_right_logical3A_311 {strides = array<i32>} : memref<128xi32, #tpu.memory_space<vmem>>, vector<16xi32>,
    %and3A_314 = arith.constant 1 : i32
    %and3A_315 = vector.broadcast %and3A_314 : i32 to vector<16xi32>
    %and3A_316 = arith.andi %gather3A_308, %and3A_315 : vector<16xi32>
    %mul3A_317 = arith.constant 64 : i32
    %mul3A_318 = vector.broadcast %mul3A_317 : i32 to vector<16xi32>
    %mul3A_319 = arith.muli %and3A_316, %mul3A_318 : vector<16xi32>
    %swap3A_320 = arith.constant 0 : i32
    %swap3A_321 = arith.index_cast %swap3A_320 : i32 to index
    %swap3A_322 = arith.constant 0 : index
    %swap3A_323 = tpu.vector_load %arg9[%swap3A_321, %swap3A_322] {strides = array<i32>} : memref<8x16xi32, #tpu.memory_space<vmem>>, vector<16xi32>,
    tpu.vector_store %arg9[%swap3A_321, %swap3A_322], %mul3A_319 {strides = array<i32>} : memref<8x16xi32, #tpu.memory_space<vmem>>, vector<16xi32>,
    %add3A_324 = arith.constant 16 : i32
    %add3A_325 = vector.broadcast %add3A_324 : i32 to vector<16xi32>
    %add3A_326 = arith.addi %iota3A, %add3A_325 : vector<16xi32>
    %mul3A_327 = arith.constant 50 : i32
    %mul3A_328 = vector.broadcast %mul3A_327 : i32 to vector<16xi32>
    %mul3A_329 = arith.muli %add3A_326, %mul3A_328 : vector<16xi32>
    %add3A_330 = arith.constant 1 : i32
    %add3A_331 = vector.broadcast %add3A_330 : i32 to vector<16xi32>
    %add3A_332 = arith.addi %mul3A_329, %add3A_331 : vector<16xi32>
    %gather3A_333 = tpu.vector_load_idx %arg5[%add3A_332] : memref<25600xi32, #tpu.memory_space<vmem>>[vector<16xi32>], vector<16xi32>,
    %shift_right_logical3A_334 = arith.constant 1 : i32
    %shift_right_logical3A_335 = vector.broadcast %shift_right_logical3A_334 : i32 to vector<16xi32>
    %shift_right_logical3A_336 = arith.shrui %gather3A_333, %shift_right_logical3A_335 : vector<16xi32>
    %swap3A_337 = arith.constant 16 : index
    %swap3A_338 = tpu.vector_load %arg7[%swap3A_337] {strides = array<i32>} : memref<128xi32, #tpu.memory_space<vmem>>, vector<16xi32>,
    tpu.vector_store %arg7[%swap3A_337], %shift_right_logical3A_336 {strides = array<i32>} : memref<128xi32, #tpu.memory_space<vmem>>, vector<16xi32>,
    %and3A_339 = arith.constant 1 : i32
    %and3A_340 = vector.broadcast %and3A_339 : i32 to vector<16xi32>
    %and3A_341 = arith.andi %gather3A_333, %and3A_340 : vector<16xi32>
    %mul3A_342 = arith.constant 64 : i32
    %mul3A_343 = vector.broadcast %mul3A_342 : i32 to vector<16xi32>
    %mul3A_344 = arith.muli %and3A_341, %mul3A_343 : vector<16xi32>
    %swap3A_345 = arith.constant 1 : i32
    %swap3A_346 = arith.index_cast %swap3A_345 : i32 to index
    %swap3A_347 = arith.constant 0 : index
    %swap3A_348 = tpu.vector_load %arg9[%swap3A_346, %swap3A_347] {strides = array<i32>} : memref<8x16xi32, #tpu.memory_space<vmem>>, vector<16xi32>,
    tpu.vector_store %arg9[%swap3A_346, %swap3A_347], %mul3A_344 {strides = array<i32>} : memref<8x16xi32, #tpu.memory_space<vmem>>, vector<16xi32>,
    %add3A_349 = arith.constant 32 : i32
    %add3A_350 = vector.broadcast %add3A_349 : i32 to vector<16xi32>
    %add3A_351 = arith.addi %iota3A, %add3A_350 : vector<16xi32>
    %mul3A_352 = arith.constant 50 : i32
    %mul3A_353 = vector.broadcast %mul3A_352 : i32 to vector<16xi32>
    %mul3A_354 = arith.muli %add3A_351, %mul3A_353 : vector<16xi32>
    %add3A_355 = arith.constant 1 : i32
    %add3A_356 = vector.broadcast %add3A_355 : i32 to vector<16xi32>
    %add3A_357 = arith.addi %mul3A_354, %add3A_356 : vector<16xi32>
    %gather3A_358 = tpu.vector_load_idx %arg5[%add3A_357] : memref<25600xi32, #tpu.memory_space<vmem>>[vector<16xi32>], vector<16xi32>,
    %shift_right_logical3A_359 = arith.constant 1 : i32
    %shift_right_logical3A_360 = vector.broadcast %shift_right_logical3A_359 : i32 to vector<16xi32>
    %shift_right_logical3A_361 = arith.shrui %gather3A_358, %shift_right_logical3A_360 : vector<16xi32>
    %swap3A_362 = arith.constant 32 : index
    %swap3A_363 = tpu.vector_load %arg7[%swap3A_362] {strides = array<i32>} : memref<128xi32, #tpu.memory_space<vmem>>, vector<16xi32>,
    tpu.vector_store %arg7[%swap3A_362], %shift_right_logical3A_361 {strides = array<i32>} : memref<128xi32, #tpu.memory_space<vmem>>, vector<16xi32>,
    %and3A_364 = arith.constant 1 : i32
    %and3A_365 = vector.broadcast %and3A_364 : i32 to vector<16xi32>
    %and3A_366 = arith.andi %gather3A_358, %and3A_365 : vector<16xi32>
    %mul3A_367 = arith.constant 64 : i32
    %mul3A_368 = vector.broadcast %mul3A_367 : i32 to vector<16xi32>
    %mul3A_369 = arith.muli %and3A_366, %mul3A_368 : vector<16xi32>
    %swap3A_370 = arith.constant 2 : i32
    %swap3A_371 = arith.index_cast %swap3A_370 : i32 to index
    %swap3A_372 = arith.constant 0 : index
    %swap3A_373 = tpu.vector_load %arg9[%swap3A_371, %swap3A_372] {strides = array<i32>} : memref<8x16xi32, #tpu.memory_space<vmem>>, vector<16xi32>,
    tpu.vector_store %arg9[%swap3A_371, %swap3A_372], %mul3A_369 {strides = array<i32>} : memref<8x16xi32, #tpu.memory_space<vmem>>, vector<16xi32>,
    %add3A_374 = arith.constant 48 : i32
    %add3A_375 = vector.broadcast %add3A_374 : i32 to vector<16xi32>
    %add3A_376 = arith.addi %iota3A, %add3A_375 : vector<16xi32>
    %mul3A_377 = arith.constant 50 : i32
    %mul3A_378 = vector.broadcast %mul3A_377 : i32 to vector<16xi32>
    %mul3A_379 = arith.muli %add3A_376, %mul3A_378 : vector<16xi32>
    %add3A_380 = arith.constant 1 : i32
    %add3A_381 = vector.broadcast %add3A_380 : i32 to vector<16xi32>
    %add3A_382 = arith.addi %mul3A_379, %add3A_381 : vector<16xi32>
    %gather3A_383 = tpu.vector_load_idx %arg5[%add3A_382] : memref<25600xi32, #tpu.memory_space<vmem>>[vector<16xi32>], vector<16xi32>,
    %shift_right_logical3A_384 = arith.constant 1 : i32
    %shift_right_logical3A_385 = vector.broadcast %shift_right_logical3A_384 : i32 to vector<16xi32>
    %shift_right_logical3A_386 = arith.shrui %gather3A_383, %shift_right_logical3A_385 : vector<16xi32>
    %swap3A_387 = arith.constant 48 : index
    %swap3A_388 = tpu.vector_load %arg7[%swap3A_387] {strides = array<i32>} : memref<128xi32, #tpu.memory_space<vmem>>, vector<16xi32>,
    tpu.vector_store %arg7[%swap3A_387], %shift_right_logical3A_386 {strides = array<i32>} : memref<128xi32, #tpu.memory_space<vmem>>, vector<16xi32>,
    %and3A_389 = arith.constant 1 : i32
    %and3A_390 = vector.broadcast %and3A_389 : i32 to vector<16xi32>
    %and3A_391 = arith.andi %gather3A_383, %and3A_390 : vector<16xi32>
    %mul3A_392 = arith.constant 64 : i32
    %mul3A_393 = vector.broadcast %mul3A_392 : i32 to vector<16xi32>
    %mul3A_394 = arith.muli %and3A_391, %mul3A_393 : vector<16xi32>
    %swap3A_395 = arith.constant 3 : i32
    %swap3A_396 = arith.index_cast %swap3A_395 : i32 to index
    %swap3A_397 = arith.constant 0 : index
    %swap3A_398 = tpu.vector_load %arg9[%swap3A_396, %swap3A_397] {strides = array<i32>} : memref<8x16xi32, #tpu.memory_space<vmem>>, vector<16xi32>,
    tpu.vector_store %arg9[%swap3A_396, %swap3A_397], %mul3A_394 {strides = array<i32>} : memref<8x16xi32, #tpu.memory_space<vmem>>, vector<16xi32>,
    %add3A_399 = arith.constant 64 : i32
    %add3A_400 = vector.broadcast %add3A_399 : i32 to vector<16xi32>
    %add3A_401 = arith.addi %iota3A, %add3A_400 : vector<16xi32>
    %mul3A_402 = arith.constant 50 : i32
    %mul3A_403 = vector.broadcast %mul3A_402 : i32 to vector<16xi32>
    %mul3A_404 = arith.muli %add3A_401, %mul3A_403 : vector<16xi32>
    %add3A_405 = arith.constant 1 : i32
    %add3A_406 = vector.broadcast %add3A_405 : i32 to vector<16xi32>
    %add3A_407 = arith.addi %mul3A_404, %add3A_406 : vector<16xi32>
    %gather3A_408 = tpu.vector_load_idx %arg5[%add3A_407] : memref<25600xi32, #tpu.memory_space<vmem>>[vector<16xi32>], vector<16xi32>,
    %shift_right_logical3A_409 = arith.constant 1 : i32
    %shift_right_logical3A_410 = vector.broadcast %shift_right_logical3A_409 : i32 to vector<16xi32>
    %shift_right_logical3A_411 = arith.shrui %gather3A_408, %shift_right_logical3A_410 : vector<16xi32>
    %swap3A_412 = arith.constant 64 : index
    %swap3A_413 = tpu.vector_load %arg7[%swap3A_412] {strides = array<i32>} : memref<128xi32, #tpu.memory_space<vmem>>, vector<16xi32>,
    tpu.vector_store %arg7[%swap3A_412], %shift_right_logical3A_411 {strides = array<i32>} : memref<128xi32, #tpu.memory_space<vmem>>, vector<16xi32>,
    %and3A_414 = arith.constant 1 : i32
    %and3A_415 = vector.broadcast %and3A_414 : i32 to vector<16xi32>
    %and3A_416 = arith.andi %gather3A_408, %and3A_415 : vector<16xi32>
    %mul3A_417 = arith.constant 64 : i32
    %mul3A_418 = vector.broadcast %mul3A_417 : i32 to vector<16xi32>
    %mul3A_419 = arith.muli %and3A_416, %mul3A_418 : vector<16xi32>
    %swap3A_420 = arith.constant 4 : i32
    %swap3A_421 = arith.index_cast %swap3A_420 : i32 to index
    %swap3A_422 = arith.constant 0 : index
    %swap3A_423 = tpu.vector_load %arg9[%swap3A_421, %swap3A_422] {strides = array<i32>} : memref<8x16xi32, #tpu.memory_space<vmem>>, vector<16xi32>,
    tpu.vector_store %arg9[%swap3A_421, %swap3A_422], %mul3A_419 {strides = array<i32>} : memref<8x16xi32, #tpu.memory_space<vmem>>, vector<16xi32>,
    %add3A_424 = arith.constant 80 : i32
    %add3A_425 = vector.broadcast %add3A_424 : i32 to vector<16xi32>
    %add3A_426 = arith.addi %iota3A, %add3A_425 : vector<16xi32>
    %mul3A_427 = arith.constant 50 : i32
    %mul3A_428 = vector.broadcast %mul3A_427 : i32 to vector<16xi32>
    %mul3A_429 = arith.muli %add3A_426, %mul3A_428 : vector<16xi32>
    %add3A_430 = arith.constant 1 : i32
    %add3A_431 = vector.broadcast %add3A_430 : i32 to vector<16xi32>
    %add3A_432 = arith.addi %mul3A_429, %add3A_431 : vector<16xi32>
    %gather3A_433 = tpu.vector_load_idx %arg5[%add3A_432] : memref<25600xi32, #tpu.memory_space<vmem>>[vector<16xi32>], vector<16xi32>,
    %shift_right_logical3A_434 = arith.constant 1 : i32
    %shift_right_logical3A_435 = vector.broadcast %shift_right_logical3A_434 : i32 to vector<16xi32>
    %shift_right_logical3A_436 = arith.shrui %gather3A_433, %shift_right_logical3A_435 : vector<16xi32>
    %swap3A_437 = arith.constant 80 : index
    %swap3A_438 = tpu.vector_load %arg7[%swap3A_437] {strides = array<i32>} : memref<128xi32, #tpu.memory_space<vmem>>, vector<16xi32>,
    tpu.vector_store %arg7[%swap3A_437], %shift_right_logical3A_436 {strides = array<i32>} : memref<128xi32, #tpu.memory_space<vmem>>, vector<16xi32>,
    %and3A_439 = arith.constant 1 : i32
    %and3A_440 = vector.broadcast %and3A_439 : i32 to vector<16xi32>
    %and3A_441 = arith.andi %gather3A_433, %and3A_440 : vector<16xi32>
    %mul3A_442 = arith.constant 64 : i32
    %mul3A_443 = vector.broadcast %mul3A_442 : i32 to vector<16xi32>
    %mul3A_444 = arith.muli %and3A_441, %mul3A_443 : vector<16xi32>
    %swap3A_445 = arith.constant 5 : i32
    %swap3A_446 = arith.index_cast %swap3A_445 : i32 to index
    %swap3A_447 = arith.constant 0 : index
    %swap3A_448 = tpu.vector_load %arg9[%swap3A_446, %swap3A_447] {strides = array<i32>} : memref<8x16xi32, #tpu.memory_space<vmem>>, vector<16xi32>,
    tpu.vector_store %arg9[%swap3A_446, %swap3A_447], %mul3A_444 {strides = array<i32>} : memref<8x16xi32, #tpu.memory_space<vmem>>, vector<16xi32>,
    %add3A_449 = arith.constant 96 : i32
    %add3A_450 = vector.broadcast %add3A_449 : i32 to vector<16xi32>
    %add3A_451 = arith.addi %iota3A, %add3A_450 : vector<16xi32>
    %mul3A_452 = arith.constant 50 : i32
    %mul3A_453 = vector.broadcast %mul3A_452 : i32 to vector<16xi32>
    %mul3A_454 = arith.muli %add3A_451, %mul3A_453 : vector<16xi32>
    %add3A_455 = arith.constant 1 : i32
    %add3A_456 = vector.broadcast %add3A_455 : i32 to vector<16xi32>
    %add3A_457 = arith.addi %mul3A_454, %add3A_456 : vector<16xi32>
    %gather3A_458 = tpu.vector_load_idx %arg5[%add3A_457] : memref<25600xi32, #tpu.memory_space<vmem>>[vector<16xi32>], vector<16xi32>,
    %shift_right_logical3A_459 = arith.constant 1 : i32
    %shift_right_logical3A_460 = vector.broadcast %shift_right_logical3A_459 : i32 to vector<16xi32>
    %shift_right_logical3A_461 = arith.shrui %gather3A_458, %shift_right_logical3A_460 : vector<16xi32>
    %swap3A_462 = arith.constant 96 : index
    %swap3A_463 = tpu.vector_load %arg7[%swap3A_462] {strides = array<i32>} : memref<128xi32, #tpu.memory_space<vmem>>, vector<16xi32>,
    tpu.vector_store %arg7[%swap3A_462], %shift_right_logical3A_461 {strides = array<i32>} : memref<128xi32, #tpu.memory_space<vmem>>, vector<16xi32>,
    %and3A_464 = arith.constant 1 : i32
    %and3A_465 = vector.broadcast %and3A_464 : i32 to vector<16xi32>
    %and3A_466 = arith.andi %gather3A_458, %and3A_465 : vector<16xi32>
    %mul3A_467 = arith.constant 64 : i32
    %mul3A_468 = vector.broadcast %mul3A_467 : i32 to vector<16xi32>
    %mul3A_469 = arith.muli %and3A_466, %mul3A_468 : vector<16xi32>
    %swap3A_470 = arith.constant 6 : i32
    %swap3A_471 = arith.index_cast %swap3A_470 : i32 to index
    %swap3A_472 = arith.constant 0 : index
    %swap3A_473 = tpu.vector_load %arg9[%swap3A_471, %swap3A_472] {strides = array<i32>} : memref<8x16xi32, #tpu.memory_space<vmem>>, vector<16xi32>,
    tpu.vector_store %arg9[%swap3A_471, %swap3A_472], %mul3A_469 {strides = array<i32>} : memref<8x16xi32, #tpu.memory_space<vmem>>, vector<16xi32>,
    %add3A_474 = arith.constant 112 : i32
    %add3A_475 = vector.broadcast %add3A_474 : i32 to vector<16xi32>
    %add3A_476 = arith.addi %iota3A, %add3A_475 : vector<16xi32>
    %mul3A_477 = arith.constant 50 : i32
    %mul3A_478 = vector.broadcast %mul3A_477 : i32 to vector<16xi32>
    %mul3A_479 = arith.muli %add3A_476, %mul3A_478 : vector<16xi32>
    %add3A_480 = arith.constant 1 : i32
    %add3A_481 = vector.broadcast %add3A_480 : i32 to vector<16xi32>
    %add3A_482 = arith.addi %mul3A_479, %add3A_481 : vector<16xi32>
    %gather3A_483 = tpu.vector_load_idx %arg5[%add3A_482] : memref<25600xi32, #tpu.memory_space<vmem>>[vector<16xi32>], vector<16xi32>,
    %shift_right_logical3A_484 = arith.constant 1 : i32
    %shift_right_logical3A_485 = vector.broadcast %shift_right_logical3A_484 : i32 to vector<16xi32>
    %shift_right_logical3A_486 = arith.shrui %gather3A_483, %shift_right_logical3A_485 : vector<16xi32>
    %swap3A_487 = arith.constant 112 : index
    %swap3A_488 = tpu.vector_load %arg7[%swap3A_487] {strides = array<i32>} : memref<128xi32, #tpu.memory_space<vmem>>, vector<16xi32>,
    tpu.vector_store %arg7[%swap3A_487], %shift_right_logical3A_486 {strides = array<i32>} : memref<128xi32, #tpu.memory_space<vmem>>, vector<16xi32>,
    %and3A_489 = arith.constant 1 : i32
    %and3A_490 = vector.broadcast %and3A_489 : i32 to vector<16xi32>
    %and3A_491 = arith.andi %gather3A_483, %and3A_490 : vector<16xi32>
    %mul3A_492 = arith.constant 64 : i32
    %mul3A_493 = vector.broadcast %mul3A_492 : i32 to vector<16xi32>
    %mul3A_494 = arith.muli %and3A_491, %mul3A_493 : vector<16xi32>
    %swap3A_495 = arith.constant 7 : i32
    %swap3A_496 = arith.index_cast %swap3A_495 : i32 to index
    %swap3A_497 = arith.constant 0 : index
    %swap3A_498 = tpu.vector_load %arg9[%swap3A_496, %swap3A_497] {strides = array<i32>} : memref<8x16xi32, #tpu.memory_space<vmem>>, vector<16xi32>,
    tpu.vector_store %arg9[%swap3A_496, %swap3A_497], %mul3A_494 {strides = array<i32>} : memref<8x16xi32, #tpu.memory_space<vmem>>, vector<16xi32>,
    %dma_start3A_499 = arith.constant 0 : i32
    %dma_start3A_500 = arith.constant 0 : i32
    %dma_start3A_501 = tpu.memref_slice %arg3[%dma_start3A_499, %dma_start3A_500] : memref<500000x128xf32, #tpu.memory_space<hbm>> -> memref<500000x128xf32, #tpu.memory_space<hbm>>
    tpu.enqueue_indirect_dma source(%dma_start3A_501 : memref<500000x128xf32, #tpu.memory_space<hbm>>) target(%arg11 : memref<128x128xf32, #tpu.memory_space<vmem>>) offsets(%arg7 : memref<128xi32, #tpu.memory_space<vmem>>) semaphore(%arg15 : memref<!tpu.dma_semaphore, #tpu.memory_space<semaphore_mem>>)
    %dma_wait3A = arith.constant 0 : i32
    %dma_wait3A_502 = arith.constant 0 : i32
    %dma_wait3A_503 = tpu.memref_slice %arg3[%dma_wait3A, %dma_wait3A_502] : memref<500000x128xf32, #tpu.memory_space<hbm>> -> memref<500000x128xf32, #tpu.memory_space<hbm>>
    tpu.wait_indirect_dma semaphore(%arg14 : memref<!tpu.dma_semaphore, #tpu.memory_space<semaphore_mem>>) src(%dma_wait3A_503 : memref<500000x128xf32, #tpu.memory_space<hbm>>) dst(%arg10 : memref<128x128xf32, #tpu.memory_space<vmem>>)
    %scan3A = arith.constant 0 : i32
    %scan3A_504 = arith.constant 0 : i32
    %scan3A_505 = arith.constant 8 : i32
    %scan3A_506 = arith.addi %scan3A_504, %scan3A_505 : i32
    %scan3A_507 = arith.constant 1 : i32
    scf.for %scan3A_576 = %scan3A_504 to %scan3A_506 step %scan3A_507  : i32 {
      %get3A = arith.index_cast %scan3A_576 : i32 to index
      %get3A_577 = arith.constant 0 : index
      %get3A_578 = tpu.vector_load %arg8[%get3A, %get3A_577] {strides = array<i32>} : memref<8x16xi32, #tpu.memory_space<vmem>>, vector<16xi32>,
      %mul3A_579 = arith.constant 16 : i32
      %mul3A_580 = arith.muli %mul3A_579, %scan3A_576 : i32
      %add3A_581 = vector.broadcast %mul3A_580 : i32 to vector<16xi32>
      %add3A_582 = arith.addi %iota3A, %add3A_581 : vector<16xi32>
      %add3A_583 = arith.constant 0 : i32
      %add3A_584 = vector.broadcast %add3A_583 : i32 to vector<16xi32>
      %add3A_585 = arith.addi %get3A_578, %add3A_584 : vector<16xi32>
      %add3A_586 = arith.addi %add3A_585, %and3A_9 : vector<16xi32>
      %gather3A_587 = tpu.vector_load_idx %arg10[%add3A_582, %add3A_586] : memref<128x128xf32, #tpu.memory_space<vmem>>[vector<16xi32>, vector<16xi32>], vector<16xf32>,
      %add3A_588 = arith.addi %add3A_585, %and3A_15 : vector<16xi32>
      %gather3A_589 = tpu.vector_load_idx %arg10[%add3A_582, %add3A_588] : memref<128x128xf32, #tpu.memory_space<vmem>>[vector<16xi32>, vector<16xi32>], vector<16xf32>,
      %add3A_590 = arith.addi %add3A_585, %and3A_21 : vector<16xi32>
      %gather3A_591 = tpu.vector_load_idx %arg10[%add3A_582, %add3A_590] : memref<128x128xf32, #tpu.memory_space<vmem>>[vector<16xi32>, vector<16xi32>], vector<16xf32>,
      %add3A_592 = arith.addi %add3A_585, %and3A_27 : vector<16xi32>
      %gather3A_593 = tpu.vector_load_idx %arg10[%add3A_582, %add3A_592] : memref<128x128xf32, #tpu.memory_space<vmem>>[vector<16xi32>, vector<16xi32>], vector<16xf32>,
      %add3A_594 = arith.addi %add3A_585, %and3A_33 : vector<16xi32>
      %gather3A_595 = tpu.vector_load_idx %arg10[%add3A_582, %add3A_594] : memref<128x128xf32, #tpu.memory_space<vmem>>[vector<16xi32>, vector<16xi32>], vector<16xf32>,
      %add3A_596 = arith.addi %add3A_585, %and3A_39 : vector<16xi32>
      %gather3A_597 = tpu.vector_load_idx %arg10[%add3A_582, %add3A_596] : memref<128x128xf32, #tpu.memory_space<vmem>>[vector<16xi32>, vector<16xi32>], vector<16xf32>,
      %add3A_598 = arith.addi %add3A_585, %and3A_45 : vector<16xi32>
      %gather3A_599 = tpu.vector_load_idx %arg10[%add3A_582, %add3A_598] : memref<128x128xf32, #tpu.memory_space<vmem>>[vector<16xi32>, vector<16xi32>], vector<16xf32>,
      %add3A_600 = arith.addi %add3A_585, %and3A_51 : vector<16xi32>
      %gather3A_601 = tpu.vector_load_idx %arg10[%add3A_582, %add3A_600] : memref<128x128xf32, #tpu.memory_space<vmem>>[vector<16xi32>, vector<16xi32>], vector<16xf32>,
      %add3A_602 = arith.addi %add3A_585, %and3A_57 : vector<16xi32>
      %gather3A_603 = tpu.vector_load_idx %arg10[%add3A_582, %add3A_602] : memref<128x128xf32, #tpu.memory_space<vmem>>[vector<16xi32>, vector<16xi32>], vector<16xf32>,
      %add3A_604 = arith.addi %add3A_585, %and3A_63 : vector<16xi32>
      %gather3A_605 = tpu.vector_load_idx %arg10[%add3A_582, %add3A_604] : memref<128x128xf32, #tpu.memory_space<vmem>>[vector<16xi32>, vector<16xi32>], vector<16xf32>,
      %add3A_606 = arith.addi %add3A_585, %and3A_69 : vector<16xi32>
      %gather3A_607 = tpu.vector_load_idx %arg10[%add3A_582, %add3A_606] : memref<128x128xf32, #tpu.memory_space<vmem>>[vector<16xi32>, vector<16xi32>], vector<16xf32>,
      %add3A_608 = arith.addi %add3A_585, %and3A_75 : vector<16xi32>
      %gather3A_609 = tpu.vector_load_idx %arg10[%add3A_582, %add3A_608] : memref<128x128xf32, #tpu.memory_space<vmem>>[vector<16xi32>, vector<16xi32>], vector<16xf32>,
      %add3A_610 = arith.addi %add3A_585, %and3A_81 : vector<16xi32>
      %gather3A_611 = tpu.vector_load_idx %arg10[%add3A_582, %add3A_610] : memref<128x128xf32, #tpu.memory_space<vmem>>[vector<16xi32>, vector<16xi32>], vector<16xf32>,
      %add3A_612 = arith.addi %add3A_585, %and3A_87 : vector<16xi32>
      %gather3A_613 = tpu.vector_load_idx %arg10[%add3A_582, %add3A_612] : memref<128x128xf32, #tpu.memory_space<vmem>>[vector<16xi32>, vector<16xi32>], vector<16xf32>,
      %add3A_614 = arith.addi %add3A_585, %and3A_93 : vector<16xi32>
      %gather3A_615 = tpu.vector_load_idx %arg10[%add3A_582, %add3A_614] : memref<128x128xf32, #tpu.memory_space<vmem>>[vector<16xi32>, vector<16xi32>], vector<16xf32>,
      %add3A_616 = arith.addi %add3A_585, %and3A_99 : vector<16xi32>
      %gather3A_617 = tpu.vector_load_idx %arg10[%add3A_582, %add3A_616] : memref<128x128xf32, #tpu.memory_space<vmem>>[vector<16xi32>, vector<16xi32>], vector<16xf32>,
      %add3A_618 = arith.constant 0 : i32
      %add3A_619 = vector.broadcast %add3A_618 : i32 to vector<16xi32>
      %add3A_620 = arith.addi %and3A_9, %add3A_619 : vector<16xi32>
      tpu.vector_store_idx %arg12[%add3A_620, %add3A_582], %gather3A_587 : memref<64x128xf32, #tpu.memory_space<vmem>>[vector<16xi32>, vector<16xi32>], vector<16xf32>,
      %add3A_621 = arith.constant 0 : i32
      %add3A_622 = vector.broadcast %add3A_621 : i32 to vector<16xi32>
      %add3A_623 = arith.addi %and3A_15, %add3A_622 : vector<16xi32>
      tpu.vector_store_idx %arg12[%add3A_623, %add3A_582], %gather3A_589 : memref<64x128xf32, #tpu.memory_space<vmem>>[vector<16xi32>, vector<16xi32>], vector<16xf32>,
      %add3A_624 = arith.constant 0 : i32
      %add3A_625 = vector.broadcast %add3A_624 : i32 to vector<16xi32>
      %add3A_626 = arith.addi %and3A_21, %add3A_625 : vector<16xi32>
      tpu.vector_store_idx %arg12[%add3A_626, %add3A_582], %gather3A_591 : memref<64x128xf32, #tpu.memory_space<vmem>>[vector<16xi32>, vector<16xi32>], vector<16xf32>,
      %add3A_627 = arith.constant 0 : i32
      %add3A_628 = vector.broadcast %add3A_627 : i32 to vector<16xi32>
      %add3A_629 = arith.addi %and3A_27, %add3A_628 : vector<16xi32>
      tpu.vector_store_idx %arg12[%add3A_629, %add3A_582], %gather3A_593 : memref<64x128xf32, #tpu.memory_space<vmem>>[vector<16xi32>, vector<16xi32>], vector<16xf32>,
      %add3A_630 = arith.constant 0 : i32
      %add3A_631 = vector.broadcast %add3A_630 : i32 to vector<16xi32>
      %add3A_632 = arith.addi %and3A_33, %add3A_631 : vector<16xi32>
      tpu.vector_store_idx %arg12[%add3A_632, %add3A_582], %gather3A_595 : memref<64x128xf32, #tpu.memory_space<vmem>>[vector<16xi32>, vector<16xi32>], vector<16xf32>,
      %add3A_633 = arith.constant 0 : i32
      %add3A_634 = vector.broadcast %add3A_633 : i32 to vector<16xi32>
      %add3A_635 = arith.addi %and3A_39, %add3A_634 : vector<16xi32>
      tpu.vector_store_idx %arg12[%add3A_635, %add3A_582], %gather3A_597 : memref<64x128xf32, #tpu.memory_space<vmem>>[vector<16xi32>, vector<16xi32>], vector<16xf32>,
      %add3A_636 = arith.constant 0 : i32
      %add3A_637 = vector.broadcast %add3A_636 : i32 to vector<16xi32>
      %add3A_638 = arith.addi %and3A_45, %add3A_637 : vector<16xi32>
      tpu.vector_store_idx %arg12[%add3A_638, %add3A_582], %gather3A_599 : memref<64x128xf32, #tpu.memory_space<vmem>>[vector<16xi32>, vector<16xi32>], vector<16xf32>,
      %add3A_639 = arith.constant 0 : i32
      %add3A_640 = vector.broadcast %add3A_639 : i32 to vector<16xi32>
      %add3A_641 = arith.addi %and3A_51, %add3A_640 : vector<16xi32>
      tpu.vector_store_idx %arg12[%add3A_641, %add3A_582], %gather3A_601 : memref<64x128xf32, #tpu.memory_space<vmem>>[vector<16xi32>, vector<16xi32>], vector<16xf32>,
      %add3A_642 = arith.constant 0 : i32
      %add3A_643 = vector.broadcast %add3A_642 : i32 to vector<16xi32>
      %add3A_644 = arith.addi %and3A_57, %add3A_643 : vector<16xi32>
      tpu.vector_store_idx %arg12[%add3A_644, %add3A_582], %gather3A_603 : memref<64x128xf32, #tpu.memory_space<vmem>>[vector<16xi32>, vector<16xi32>], vector<16xf32>,
      %add3A_645 = arith.constant 0 : i32
      %add3A_646 = vector.broadcast %add3A_645 : i32 to vector<16xi32>
      %add3A_647 = arith.addi %and3A_63, %add3A_646 : vector<16xi32>
      tpu.vector_store_idx %arg12[%add3A_647, %add3A_582], %gather3A_605 : memref<64x128xf32, #tpu.memory_space<vmem>>[vector<16xi32>, vector<16xi32>], vector<16xf32>,
      %add3A_648 = arith.constant 0 : i32
      %add3A_649 = vector.broadcast %add3A_648 : i32 to vector<16xi32>
      %add3A_650 = arith.addi %and3A_69, %add3A_649 : vector<16xi32>
      tpu.vector_store_idx %arg12[%add3A_650, %add3A_582], %gather3A_607 : memref<64x128xf32, #tpu.memory_space<vmem>>[vector<16xi32>, vector<16xi32>], vector<16xf32>,
      %add3A_651 = arith.constant 0 : i32
      %add3A_652 = vector.broadcast %add3A_651 : i32 to vector<16xi32>
      %add3A_653 = arith.addi %and3A_75, %add3A_652 : vector<16xi32>
      tpu.vector_store_idx %arg12[%add3A_653, %add3A_582], %gather3A_609 : memref<64x128xf32, #tpu.memory_space<vmem>>[vector<16xi32>, vector<16xi32>], vector<16xf32>,
      %add3A_654 = arith.constant 0 : i32
      %add3A_655 = vector.broadcast %add3A_654 : i32 to vector<16xi32>
      %add3A_656 = arith.addi %and3A_81, %add3A_655 : vector<16xi32>
      tpu.vector_store_idx %arg12[%add3A_656, %add3A_582], %gather3A_611 : memref<64x128xf32, #tpu.memory_space<vmem>>[vector<16xi32>, vector<16xi32>], vector<16xf32>,
      %add3A_657 = arith.constant 0 : i32
      %add3A_658 = vector.broadcast %add3A_657 : i32 to vector<16xi32>
      %add3A_659 = arith.addi %and3A_87, %add3A_658 : vector<16xi32>
      tpu.vector_store_idx %arg12[%add3A_659, %add3A_582], %gather3A_613 : memref<64x128xf32, #tpu.memory_space<vmem>>[vector<16xi32>, vector<16xi32>], vector<16xf32>,
      %add3A_660 = arith.constant 0 : i32
      %add3A_661 = vector.broadcast %add3A_660 : i32 to vector<16xi32>
      %add3A_662 = arith.addi %and3A_93, %add3A_661 : vector<16xi32>
      tpu.vector_store_idx %arg12[%add3A_662, %add3A_582], %gather3A_615 : memref<64x128xf32, #tpu.memory_space<vmem>>[vector<16xi32>, vector<16xi32>], vector<16xf32>,
      %add3A_663 = arith.constant 0 : i32
      %add3A_664 = vector.broadcast %add3A_663 : i32 to vector<16xi32>
      %add3A_665 = arith.addi %and3A_99, %add3A_664 : vector<16xi32>
      tpu.vector_store_idx %arg12[%add3A_665, %add3A_582], %gather3A_617 : memref<64x128xf32, #tpu.memory_space<vmem>>[vector<16xi32>, vector<16xi32>], vector<16xf32>,
      %add3A_666 = arith.constant 16 : i32
      %add3A_667 = vector.broadcast %add3A_666 : i32 to vector<16xi32>
      %add3A_668 = arith.addi %get3A_578, %add3A_667 : vector<16xi32>
      %add3A_669 = arith.addi %add3A_668, %and3A_9 : vector<16xi32>
      %gather3A_670 = tpu.vector_load_idx %arg10[%add3A_582, %add3A_669] : memref<128x128xf32, #tpu.memory_space<vmem>>[vector<16xi32>, vector<16xi32>], vector<16xf32>,
      %add3A_671 = arith.addi %add3A_668, %and3A_15 : vector<16xi32>
      %gather3A_672 = tpu.vector_load_idx %arg10[%add3A_582, %add3A_671] : memref<128x128xf32, #tpu.memory_space<vmem>>[vector<16xi32>, vector<16xi32>], vector<16xf32>,
      %add3A_673 = arith.addi %add3A_668, %and3A_21 : vector<16xi32>
      %gather3A_674 = tpu.vector_load_idx %arg10[%add3A_582, %add3A_673] : memref<128x128xf32, #tpu.memory_space<vmem>>[vector<16xi32>, vector<16xi32>], vector<16xf32>,
      %add3A_675 = arith.addi %add3A_668, %and3A_27 : vector<16xi32>
      %gather3A_676 = tpu.vector_load_idx %arg10[%add3A_582, %add3A_675] : memref<128x128xf32, #tpu.memory_space<vmem>>[vector<16xi32>, vector<16xi32>], vector<16xf32>,
      %add3A_677 = arith.addi %add3A_668, %and3A_33 : vector<16xi32>
      %gather3A_678 = tpu.vector_load_idx %arg10[%add3A_582, %add3A_677] : memref<128x128xf32, #tpu.memory_space<vmem>>[vector<16xi32>, vector<16xi32>], vector<16xf32>,
      %add3A_679 = arith.addi %add3A_668, %and3A_39 : vector<16xi32>
      %gather3A_680 = tpu.vector_load_idx %arg10[%add3A_582, %add3A_679] : memref<128x128xf32, #tpu.memory_space<vmem>>[vector<16xi32>, vector<16xi32>], vector<16xf32>,
      %add3A_681 = arith.addi %add3A_668, %and3A_45 : vector<16xi32>
      %gather3A_682 = tpu.vector_load_idx %arg10[%add3A_582, %add3A_681] : memref<128x128xf32, #tpu.memory_space<vmem>>[vector<16xi32>, vector<16xi32>], vector<16xf32>,
      %add3A_683 = arith.addi %add3A_668, %and3A_51 : vector<16xi32>
      %gather3A_684 = tpu.vector_load_idx %arg10[%add3A_582, %add3A_683] : memref<128x128xf32, #tpu.memory_space<vmem>>[vector<16xi32>, vector<16xi32>], vector<16xf32>,
      %add3A_685 = arith.addi %add3A_668, %and3A_57 : vector<16xi32>
      %gather3A_686 = tpu.vector_load_idx %arg10[%add3A_582, %add3A_685] : memref<128x128xf32, #tpu.memory_space<vmem>>[vector<16xi32>, vector<16xi32>], vector<16xf32>,
      %add3A_687 = arith.addi %add3A_668, %and3A_63 : vector<16xi32>
      %gather3A_688 = tpu.vector_load_idx %arg10[%add3A_582, %add3A_687] : memref<128x128xf32, #tpu.memory_space<vmem>>[vector<16xi32>, vector<16xi32>], vector<16xf32>,
      %add3A_689 = arith.addi %add3A_668, %and3A_69 : vector<16xi32>
      %gather3A_690 = tpu.vector_load_idx %arg10[%add3A_582, %add3A_689] : memref<128x128xf32, #tpu.memory_space<vmem>>[vector<16xi32>, vector<16xi32>], vector<16xf32>,
      %add3A_691 = arith.addi %add3A_668, %and3A_75 : vector<16xi32>
      %gather3A_692 = tpu.vector_load_idx %arg10[%add3A_582, %add3A_691] : memref<128x128xf32, #tpu.memory_space<vmem>>[vector<16xi32>, vector<16xi32>], vector<16xf32>,
      %add3A_693 = arith.addi %add3A_668, %and3A_81 : vector<16xi32>
      %gather3A_694 = tpu.vector_load_idx %arg10[%add3A_582, %add3A_693] : memref<128x128xf32, #tpu.memory_space<vmem>>[vector<16xi32>, vector<16xi32>], vector<16xf32>,
      %add3A_695 = arith.addi %add3A_668, %and3A_87 : vector<16xi32>
      %gather3A_696 = tpu.vector_load_idx %arg10[%add3A_582, %add3A_695] : memref<128x128xf32, #tpu.memory_space<vmem>>[vector<16xi32>, vector<16xi32>], vector<16xf32>,
      %add3A_697 = arith.addi %add3A_668, %and3A_93 : vector<16xi32>
      %gather3A_698 = tpu.vector_load_idx %arg10[%add3A_582, %add3A_697] : memref<128x128xf32, #tpu.memory_space<vmem>>[vector<16xi32>, vector<16xi32>], vector<16xf32>,
      %add3A_699 = arith.addi %add3A_668, %and3A_99 : vector<16xi32>
      %gather3A_700 = tpu.vector_load_idx %arg10[%add3A_582, %add3A_699] : memref<128x128xf32, #tpu.memory_space<vmem>>[vector<16xi32>, vector<16xi32>], vector<16xf32>,
      %add3A_701 = arith.constant 16 : i32
      %add3A_702 = vector.broadcast %add3A_701 : i32 to vector<16xi32>
      %add3A_703 = arith.addi %and3A_9, %add3A_702 : vector<16xi32>
      tpu.vector_store_idx %arg12[%add3A_703, %add3A_582], %gather3A_670 : memref<64x128xf32, #tpu.memory_space<vmem>>[vector<16xi32>, vector<16xi32>], vector<16xf32>,
      %add3A_704 = arith.constant 16 : i32
      %add3A_705 = vector.broadcast %add3A_704 : i32 to vector<16xi32>
      %add3A_706 = arith.addi %and3A_15, %add3A_705 : vector<16xi32>
      tpu.vector_store_idx %arg12[%add3A_706, %add3A_582], %gather3A_672 : memref<64x128xf32, #tpu.memory_space<vmem>>[vector<16xi32>, vector<16xi32>], vector<16xf32>,
      %add3A_707 = arith.constant 16 : i32
      %add3A_708 = vector.broadcast %add3A_707 : i32 to vector<16xi32>
      %add3A_709 = arith.addi %and3A_21, %add3A_708 : vector<16xi32>
      tpu.vector_store_idx %arg12[%add3A_709, %add3A_582], %gather3A_674 : memref<64x128xf32, #tpu.memory_space<vmem>>[vector<16xi32>, vector<16xi32>], vector<16xf32>,
      %add3A_710 = arith.constant 16 : i32
      %add3A_711 = vector.broadcast %add3A_710 : i32 to vector<16xi32>
      %add3A_712 = arith.addi %and3A_27, %add3A_711 : vector<16xi32>
      tpu.vector_store_idx %arg12[%add3A_712, %add3A_582], %gather3A_676 : memref<64x128xf32, #tpu.memory_space<vmem>>[vector<16xi32>, vector<16xi32>], vector<16xf32>,
      %add3A_713 = arith.constant 16 : i32
      %add3A_714 = vector.broadcast %add3A_713 : i32 to vector<16xi32>
      %add3A_715 = arith.addi %and3A_33, %add3A_714 : vector<16xi32>
      tpu.vector_store_idx %arg12[%add3A_715, %add3A_582], %gather3A_678 : memref<64x128xf32, #tpu.memory_space<vmem>>[vector<16xi32>, vector<16xi32>], vector<16xf32>,
      %add3A_716 = arith.constant 16 : i32
      %add3A_717 = vector.broadcast %add3A_716 : i32 to vector<16xi32>
      %add3A_718 = arith.addi %and3A_39, %add3A_717 : vector<16xi32>
      tpu.vector_store_idx %arg12[%add3A_718, %add3A_582], %gather3A_680 : memref<64x128xf32, #tpu.memory_space<vmem>>[vector<16xi32>, vector<16xi32>], vector<16xf32>,
      %add3A_719 = arith.constant 16 : i32
      %add3A_720 = vector.broadcast %add3A_719 : i32 to vector<16xi32>
      %add3A_721 = arith.addi %and3A_45, %add3A_720 : vector<16xi32>
      tpu.vector_store_idx %arg12[%add3A_721, %add3A_582], %gather3A_682 : memref<64x128xf32, #tpu.memory_space<vmem>>[vector<16xi32>, vector<16xi32>], vector<16xf32>,
      %add3A_722 = arith.constant 16 : i32
      %add3A_723 = vector.broadcast %add3A_722 : i32 to vector<16xi32>
      %add3A_724 = arith.addi %and3A_51, %add3A_723 : vector<16xi32>
      tpu.vector_store_idx %arg12[%add3A_724, %add3A_582], %gather3A_684 : memref<64x128xf32, #tpu.memory_space<vmem>>[vector<16xi32>, vector<16xi32>], vector<16xf32>,
      %add3A_725 = arith.constant 16 : i32
      %add3A_726 = vector.broadcast %add3A_725 : i32 to vector<16xi32>
      %add3A_727 = arith.addi %and3A_57, %add3A_726 : vector<16xi32>
      tpu.vector_store_idx %arg12[%add3A_727, %add3A_582], %gather3A_686 : memref<64x128xf32, #tpu.memory_space<vmem>>[vector<16xi32>, vector<16xi32>], vector<16xf32>,
      %add3A_728 = arith.constant 16 : i32
      %add3A_729 = vector.broadcast %add3A_728 : i32 to vector<16xi32>
      %add3A_730 = arith.addi %and3A_63, %add3A_729 : vector<16xi32>
      tpu.vector_store_idx %arg12[%add3A_730, %add3A_582], %gather3A_688 : memref<64x128xf32, #tpu.memory_space<vmem>>[vector<16xi32>, vector<16xi32>], vector<16xf32>,
      %add3A_731 = arith.constant 16 : i32
      %add3A_732 = vector.broadcast %add3A_731 : i32 to vector<16xi32>
      %add3A_733 = arith.addi %and3A_69, %add3A_732 : vector<16xi32>
      tpu.vector_store_idx %arg12[%add3A_733, %add3A_582], %gather3A_690 : memref<64x128xf32, #tpu.memory_space<vmem>>[vector<16xi32>, vector<16xi32>], vector<16xf32>,
      %add3A_734 = arith.constant 16 : i32
      %add3A_735 = vector.broadcast %add3A_734 : i32 to vector<16xi32>
      %add3A_736 = arith.addi %and3A_75, %add3A_735 : vector<16xi32>
      tpu.vector_store_idx %arg12[%add3A_736, %add3A_582], %gather3A_692 : memref<64x128xf32, #tpu.memory_space<vmem>>[vector<16xi32>, vector<16xi32>], vector<16xf32>,
      %add3A_737 = arith.constant 16 : i32
      %add3A_738 = vector.broadcast %add3A_737 : i32 to vector<16xi32>
      %add3A_739 = arith.addi %and3A_81, %add3A_738 : vector<16xi32>
      tpu.vector_store_idx %arg12[%add3A_739, %add3A_582], %gather3A_694 : memref<64x128xf32, #tpu.memory_space<vmem>>[vector<16xi32>, vector<16xi32>], vector<16xf32>,
      %add3A_740 = arith.constant 16 : i32
      %add3A_741 = vector.broadcast %add3A_740 : i32 to vector<16xi32>
      %add3A_742 = arith.addi %and3A_87, %add3A_741 : vector<16xi32>
      tpu.vector_store_idx %arg12[%add3A_742, %add3A_582], %gather3A_696 : memref<64x128xf32, #tpu.memory_space<vmem>>[vector<16xi32>, vector<16xi32>], vector<16xf32>,
      %add3A_743 = arith.constant 16 : i32
      %add3A_744 = vector.broadcast %add3A_743 : i32 to vector<16xi32>
      %add3A_745 = arith.addi %and3A_93, %add3A_744 : vector<16xi32>
      tpu.vector_store_idx %arg12[%add3A_745, %add3A_582], %gather3A_698 : memref<64x128xf32, #tpu.memory_space<vmem>>[vector<16xi32>, vector<16xi32>], vector<16xf32>,
      %add3A_746 = arith.constant 16 : i32
      %add3A_747 = vector.broadcast %add3A_746 : i32 to vector<16xi32>
      %add3A_748 = arith.addi %and3A_99, %add3A_747 : vector<16xi32>
      tpu.vector_store_idx %arg12[%add3A_748, %add3A_582], %gather3A_700 : memref<64x128xf32, #tpu.memory_space<vmem>>[vector<16xi32>, vector<16xi32>], vector<16xf32>,
      %add3A_749 = arith.constant 32 : i32
      %add3A_750 = vector.broadcast %add3A_749 : i32 to vector<16xi32>
      %add3A_751 = arith.addi %get3A_578, %add3A_750 : vector<16xi32>
      %add3A_752 = arith.addi %add3A_751, %and3A_9 : vector<16xi32>
      %gather3A_753 = tpu.vector_load_idx %arg10[%add3A_582, %add3A_752] : memref<128x128xf32, #tpu.memory_space<vmem>>[vector<16xi32>, vector<16xi32>], vector<16xf32>,
      %add3A_754 = arith.addi %add3A_751, %and3A_15 : vector<16xi32>
      %gather3A_755 = tpu.vector_load_idx %arg10[%add3A_582, %add3A_754] : memref<128x128xf32, #tpu.memory_space<vmem>>[vector<16xi32>, vector<16xi32>], vector<16xf32>,
      %add3A_756 = arith.addi %add3A_751, %and3A_21 : vector<16xi32>
      %gather3A_757 = tpu.vector_load_idx %arg10[%add3A_582, %add3A_756] : memref<128x128xf32, #tpu.memory_space<vmem>>[vector<16xi32>, vector<16xi32>], vector<16xf32>,
      %add3A_758 = arith.addi %add3A_751, %and3A_27 : vector<16xi32>
      %gather3A_759 = tpu.vector_load_idx %arg10[%add3A_582, %add3A_758] : memref<128x128xf32, #tpu.memory_space<vmem>>[vector<16xi32>, vector<16xi32>], vector<16xf32>,
      %add3A_760 = arith.addi %add3A_751, %and3A_33 : vector<16xi32>
      %gather3A_761 = tpu.vector_load_idx %arg10[%add3A_582, %add3A_760] : memref<128x128xf32, #tpu.memory_space<vmem>>[vector<16xi32>, vector<16xi32>], vector<16xf32>,
      %add3A_762 = arith.addi %add3A_751, %and3A_39 : vector<16xi32>
      %gather3A_763 = tpu.vector_load_idx %arg10[%add3A_582, %add3A_762] : memref<128x128xf32, #tpu.memory_space<vmem>>[vector<16xi32>, vector<16xi32>], vector<16xf32>,
      %add3A_764 = arith.addi %add3A_751, %and3A_45 : vector<16xi32>
      %gather3A_765 = tpu.vector_load_idx %arg10[%add3A_582, %add3A_764] : memref<128x128xf32, #tpu.memory_space<vmem>>[vector<16xi32>, vector<16xi32>], vector<16xf32>,
      %add3A_766 = arith.addi %add3A_751, %and3A_51 : vector<16xi32>
      %gather3A_767 = tpu.vector_load_idx %arg10[%add3A_582, %add3A_766] : memref<128x128xf32, #tpu.memory_space<vmem>>[vector<16xi32>, vector<16xi32>], vector<16xf32>,
      %add3A_768 = arith.addi %add3A_751, %and3A_57 : vector<16xi32>
      %gather3A_769 = tpu.vector_load_idx %arg10[%add3A_582, %add3A_768] : memref<128x128xf32, #tpu.memory_space<vmem>>[vector<16xi32>, vector<16xi32>], vector<16xf32>,
      %add3A_770 = arith.addi %add3A_751, %and3A_63 : vector<16xi32>
      %gather3A_771 = tpu.vector_load_idx %arg10[%add3A_582, %add3A_770] : memref<128x128xf32, #tpu.memory_space<vmem>>[vector<16xi32>, vector<16xi32>], vector<16xf32>,
      %add3A_772 = arith.addi %add3A_751, %and3A_69 : vector<16xi32>
      %gather3A_773 = tpu.vector_load_idx %arg10[%add3A_582, %add3A_772] : memref<128x128xf32, #tpu.memory_space<vmem>>[vector<16xi32>, vector<16xi32>], vector<16xf32>,
      %add3A_774 = arith.addi %add3A_751, %and3A_75 : vector<16xi32>
      %gather3A_775 = tpu.vector_load_idx %arg10[%add3A_582, %add3A_774] : memref<128x128xf32, #tpu.memory_space<vmem>>[vector<16xi32>, vector<16xi32>], vector<16xf32>,
      %add3A_776 = arith.addi %add3A_751, %and3A_81 : vector<16xi32>
      %gather3A_777 = tpu.vector_load_idx %arg10[%add3A_582, %add3A_776] : memref<128x128xf32, #tpu.memory_space<vmem>>[vector<16xi32>, vector<16xi32>], vector<16xf32>,
      %add3A_778 = arith.addi %add3A_751, %and3A_87 : vector<16xi32>
      %gather3A_779 = tpu.vector_load_idx %arg10[%add3A_582, %add3A_778] : memref<128x128xf32, #tpu.memory_space<vmem>>[vector<16xi32>, vector<16xi32>], vector<16xf32>,
      %add3A_780 = arith.addi %add3A_751, %and3A_93 : vector<16xi32>
      %gather3A_781 = tpu.vector_load_idx %arg10[%add3A_582, %add3A_780] : memref<128x128xf32, #tpu.memory_space<vmem>>[vector<16xi32>, vector<16xi32>], vector<16xf32>,
      %add3A_782 = arith.addi %add3A_751, %and3A_99 : vector<16xi32>
      %gather3A_783 = tpu.vector_load_idx %arg10[%add3A_582, %add3A_782] : memref<128x128xf32, #tpu.memory_space<vmem>>[vector<16xi32>, vector<16xi32>], vector<16xf32>,
      %add3A_784 = arith.constant 32 : i32
      %add3A_785 = vector.broadcast %add3A_784 : i32 to vector<16xi32>
      %add3A_786 = arith.addi %and3A_9, %add3A_785 : vector<16xi32>
      tpu.vector_store_idx %arg12[%add3A_786, %add3A_582], %gather3A_753 : memref<64x128xf32, #tpu.memory_space<vmem>>[vector<16xi32>, vector<16xi32>], vector<16xf32>,
      %add3A_787 = arith.constant 32 : i32
      %add3A_788 = vector.broadcast %add3A_787 : i32 to vector<16xi32>
      %add3A_789 = arith.addi %and3A_15, %add3A_788 : vector<16xi32>
      tpu.vector_store_idx %arg12[%add3A_789, %add3A_582], %gather3A_755 : memref<64x128xf32, #tpu.memory_space<vmem>>[vector<16xi32>, vector<16xi32>], vector<16xf32>,
      %add3A_790 = arith.constant 32 : i32
      %add3A_791 = vector.broadcast %add3A_790 : i32 to vector<16xi32>
      %add3A_792 = arith.addi %and3A_21, %add3A_791 : vector<16xi32>
      tpu.vector_store_idx %arg12[%add3A_792, %add3A_582], %gather3A_757 : memref<64x128xf32, #tpu.memory_space<vmem>>[vector<16xi32>, vector<16xi32>], vector<16xf32>,
      %add3A_793 = arith.constant 32 : i32
      %add3A_794 = vector.broadcast %add3A_793 : i32 to vector<16xi32>
      %add3A_795 = arith.addi %and3A_27, %add3A_794 : vector<16xi32>
      tpu.vector_store_idx %arg12[%add3A_795, %add3A_582], %gather3A_759 : memref<64x128xf32, #tpu.memory_space<vmem>>[vector<16xi32>, vector<16xi32>], vector<16xf32>,
      %add3A_796 = arith.constant 32 : i32
      %add3A_797 = vector.broadcast %add3A_796 : i32 to vector<16xi32>
      %add3A_798 = arith.addi %and3A_33, %add3A_797 : vector<16xi32>
      tpu.vector_store_idx %arg12[%add3A_798, %add3A_582], %gather3A_761 : memref<64x128xf32, #tpu.memory_space<vmem>>[vector<16xi32>, vector<16xi32>], vector<16xf32>,
      %add3A_799 = arith.constant 32 : i32
      %add3A_800 = vector.broadcast %add3A_799 : i32 to vector<16xi32>
      %add3A_801 = arith.addi %and3A_39, %add3A_800 : vector<16xi32>
      tpu.vector_store_idx %arg12[%add3A_801, %add3A_582], %gather3A_763 : memref<64x128xf32, #tpu.memory_space<vmem>>[vector<16xi32>, vector<16xi32>], vector<16xf32>,
      %add3A_802 = arith.constant 32 : i32
      %add3A_803 = vector.broadcast %add3A_802 : i32 to vector<16xi32>
      %add3A_804 = arith.addi %and3A_45, %add3A_803 : vector<16xi32>
      tpu.vector_store_idx %arg12[%add3A_804, %add3A_582], %gather3A_765 : memref<64x128xf32, #tpu.memory_space<vmem>>[vector<16xi32>, vector<16xi32>], vector<16xf32>,
      %add3A_805 = arith.constant 32 : i32
      %add3A_806 = vector.broadcast %add3A_805 : i32 to vector<16xi32>
      %add3A_807 = arith.addi %and3A_51, %add3A_806 : vector<16xi32>
      tpu.vector_store_idx %arg12[%add3A_807, %add3A_582], %gather3A_767 : memref<64x128xf32, #tpu.memory_space<vmem>>[vector<16xi32>, vector<16xi32>], vector<16xf32>,
      %add3A_808 = arith.constant 32 : i32
      %add3A_809 = vector.broadcast %add3A_808 : i32 to vector<16xi32>
      %add3A_810 = arith.addi %and3A_57, %add3A_809 : vector<16xi32>
      tpu.vector_store_idx %arg12[%add3A_810, %add3A_582], %gather3A_769 : memref<64x128xf32, #tpu.memory_space<vmem>>[vector<16xi32>, vector<16xi32>], vector<16xf32>,
      %add3A_811 = arith.constant 32 : i32
      %add3A_812 = vector.broadcast %add3A_811 : i32 to vector<16xi32>
      %add3A_813 = arith.addi %and3A_63, %add3A_812 : vector<16xi32>
      tpu.vector_store_idx %arg12[%add3A_813, %add3A_582], %gather3A_771 : memref<64x128xf32, #tpu.memory_space<vmem>>[vector<16xi32>, vector<16xi32>], vector<16xf32>,
      %add3A_814 = arith.constant 32 : i32
      %add3A_815 = vector.broadcast %add3A_814 : i32 to vector<16xi32>
      %add3A_816 = arith.addi %and3A_69, %add3A_815 : vector<16xi32>
      tpu.vector_store_idx %arg12[%add3A_816, %add3A_582], %gather3A_773 : memref<64x128xf32, #tpu.memory_space<vmem>>[vector<16xi32>, vector<16xi32>], vector<16xf32>,
      %add3A_817 = arith.constant 32 : i32
      %add3A_818 = vector.broadcast %add3A_817 : i32 to vector<16xi32>
      %add3A_819 = arith.addi %and3A_75, %add3A_818 : vector<16xi32>
      tpu.vector_store_idx %arg12[%add3A_819, %add3A_582], %gather3A_775 : memref<64x128xf32, #tpu.memory_space<vmem>>[vector<16xi32>, vector<16xi32>], vector<16xf32>,
      %add3A_820 = arith.constant 32 : i32
      %add3A_821 = vector.broadcast %add3A_820 : i32 to vector<16xi32>
      %add3A_822 = arith.addi %and3A_81, %add3A_821 : vector<16xi32>
      tpu.vector_store_idx %arg12[%add3A_822, %add3A_582], %gather3A_777 : memref<64x128xf32, #tpu.memory_space<vmem>>[vector<16xi32>, vector<16xi32>], vector<16xf32>,
      %add3A_823 = arith.constant 32 : i32
      %add3A_824 = vector.broadcast %add3A_823 : i32 to vector<16xi32>
      %add3A_825 = arith.addi %and3A_87, %add3A_824 : vector<16xi32>
      tpu.vector_store_idx %arg12[%add3A_825, %add3A_582], %gather3A_779 : memref<64x128xf32, #tpu.memory_space<vmem>>[vector<16xi32>, vector<16xi32>], vector<16xf32>,
      %add3A_826 = arith.constant 32 : i32
      %add3A_827 = vector.broadcast %add3A_826 : i32 to vector<16xi32>
      %add3A_828 = arith.addi %and3A_93, %add3A_827 : vector<16xi32>
      tpu.vector_store_idx %arg12[%add3A_828, %add3A_582], %gather3A_781 : memref<64x128xf32, #tpu.memory_space<vmem>>[vector<16xi32>, vector<16xi32>], vector<16xf32>,
      %add3A_829 = arith.constant 32 : i32
      %add3A_830 = vector.broadcast %add3A_829 : i32 to vector<16xi32>
      %add3A_831 = arith.addi %and3A_99, %add3A_830 : vector<16xi32>
      tpu.vector_store_idx %arg12[%add3A_831, %add3A_582], %gather3A_783 : memref<64x128xf32, #tpu.memory_space<vmem>>[vector<16xi32>, vector<16xi32>], vector<16xf32>,
      %add3A_832 = arith.constant 48 : i32
      %add3A_833 = vector.broadcast %add3A_832 : i32 to vector<16xi32>
      %add3A_834 = arith.addi %get3A_578, %add3A_833 : vector<16xi32>
      %add3A_835 = arith.addi %add3A_834, %and3A_9 : vector<16xi32>
      %gather3A_836 = tpu.vector_load_idx %arg10[%add3A_582, %add3A_835] : memref<128x128xf32, #tpu.memory_space<vmem>>[vector<16xi32>, vector<16xi32>], vector<16xf32>,
      %add3A_837 = arith.addi %add3A_834, %and3A_15 : vector<16xi32>
      %gather3A_838 = tpu.vector_load_idx %arg10[%add3A_582, %add3A_837] : memref<128x128xf32, #tpu.memory_space<vmem>>[vector<16xi32>, vector<16xi32>], vector<16xf32>,
      %add3A_839 = arith.addi %add3A_834, %and3A_21 : vector<16xi32>
      %gather3A_840 = tpu.vector_load_idx %arg10[%add3A_582, %add3A_839] : memref<128x128xf32, #tpu.memory_space<vmem>>[vector<16xi32>, vector<16xi32>], vector<16xf32>,
      %add3A_841 = arith.addi %add3A_834, %and3A_27 : vector<16xi32>
      %gather3A_842 = tpu.vector_load_idx %arg10[%add3A_582, %add3A_841] : memref<128x128xf32, #tpu.memory_space<vmem>>[vector<16xi32>, vector<16xi32>], vector<16xf32>,
      %add3A_843 = arith.addi %add3A_834, %and3A_33 : vector<16xi32>
      %gather3A_844 = tpu.vector_load_idx %arg10[%add3A_582, %add3A_843] : memref<128x128xf32, #tpu.memory_space<vmem>>[vector<16xi32>, vector<16xi32>], vector<16xf32>,
      %add3A_845 = arith.addi %add3A_834, %and3A_39 : vector<16xi32>
      %gather3A_846 = tpu.vector_load_idx %arg10[%add3A_582, %add3A_845] : memref<128x128xf32, #tpu.memory_space<vmem>>[vector<16xi32>, vector<16xi32>], vector<16xf32>,
      %add3A_847 = arith.addi %add3A_834, %and3A_45 : vector<16xi32>
      %gather3A_848 = tpu.vector_load_idx %arg10[%add3A_582, %add3A_847] : memref<128x128xf32, #tpu.memory_space<vmem>>[vector<16xi32>, vector<16xi32>], vector<16xf32>,
      %add3A_849 = arith.addi %add3A_834, %and3A_51 : vector<16xi32>
      %gather3A_850 = tpu.vector_load_idx %arg10[%add3A_582, %add3A_849] : memref<128x128xf32, #tpu.memory_space<vmem>>[vector<16xi32>, vector<16xi32>], vector<16xf32>,
      %add3A_851 = arith.addi %add3A_834, %and3A_57 : vector<16xi32>
      %gather3A_852 = tpu.vector_load_idx %arg10[%add3A_582, %add3A_851] : memref<128x128xf32, #tpu.memory_space<vmem>>[vector<16xi32>, vector<16xi32>], vector<16xf32>,
      %add3A_853 = arith.addi %add3A_834, %and3A_63 : vector<16xi32>
      %gather3A_854 = tpu.vector_load_idx %arg10[%add3A_582, %add3A_853] : memref<128x128xf32, #tpu.memory_space<vmem>>[vector<16xi32>, vector<16xi32>], vector<16xf32>,
      %add3A_855 = arith.addi %add3A_834, %and3A_69 : vector<16xi32>
      %gather3A_856 = tpu.vector_load_idx %arg10[%add3A_582, %add3A_855] : memref<128x128xf32, #tpu.memory_space<vmem>>[vector<16xi32>, vector<16xi32>], vector<16xf32>,
      %add3A_857 = arith.addi %add3A_834, %and3A_75 : vector<16xi32>
      %gather3A_858 = tpu.vector_load_idx %arg10[%add3A_582, %add3A_857] : memref<128x128xf32, #tpu.memory_space<vmem>>[vector<16xi32>, vector<16xi32>], vector<16xf32>,
      %add3A_859 = arith.addi %add3A_834, %and3A_81 : vector<16xi32>
      %gather3A_860 = tpu.vector_load_idx %arg10[%add3A_582, %add3A_859] : memref<128x128xf32, #tpu.memory_space<vmem>>[vector<16xi32>, vector<16xi32>], vector<16xf32>,
      %add3A_861 = arith.addi %add3A_834, %and3A_87 : vector<16xi32>
      %gather3A_862 = tpu.vector_load_idx %arg10[%add3A_582, %add3A_861] : memref<128x128xf32, #tpu.memory_space<vmem>>[vector<16xi32>, vector<16xi32>], vector<16xf32>,
      %add3A_863 = arith.addi %add3A_834, %and3A_93 : vector<16xi32>
      %gather3A_864 = tpu.vector_load_idx %arg10[%add3A_582, %add3A_863] : memref<128x128xf32, #tpu.memory_space<vmem>>[vector<16xi32>, vector<16xi32>], vector<16xf32>,
      %add3A_865 = arith.addi %add3A_834, %and3A_99 : vector<16xi32>
      %gather3A_866 = tpu.vector_load_idx %arg10[%add3A_582, %add3A_865] : memref<128x128xf32, #tpu.memory_space<vmem>>[vector<16xi32>, vector<16xi32>], vector<16xf32>,
      %add3A_867 = arith.constant 48 : i32
      %add3A_868 = vector.broadcast %add3A_867 : i32 to vector<16xi32>
      %add3A_869 = arith.addi %and3A_9, %add3A_868 : vector<16xi32>
      tpu.vector_store_idx %arg12[%add3A_869, %add3A_582], %gather3A_836 : memref<64x128xf32, #tpu.memory_space<vmem>>[vector<16xi32>, vector<16xi32>], vector<16xf32>,
      %add3A_870 = arith.constant 48 : i32
      %add3A_871 = vector.broadcast %add3A_870 : i32 to vector<16xi32>
      %add3A_872 = arith.addi %and3A_15, %add3A_871 : vector<16xi32>
      tpu.vector_store_idx %arg12[%add3A_872, %add3A_582], %gather3A_838 : memref<64x128xf32, #tpu.memory_space<vmem>>[vector<16xi32>, vector<16xi32>], vector<16xf32>,
      %add3A_873 = arith.constant 48 : i32
      %add3A_874 = vector.broadcast %add3A_873 : i32 to vector<16xi32>
      %add3A_875 = arith.addi %and3A_21, %add3A_874 : vector<16xi32>
      tpu.vector_store_idx %arg12[%add3A_875, %add3A_582], %gather3A_840 : memref<64x128xf32, #tpu.memory_space<vmem>>[vector<16xi32>, vector<16xi32>], vector<16xf32>,
      %add3A_876 = arith.constant 48 : i32
      %add3A_877 = vector.broadcast %add3A_876 : i32 to vector<16xi32>
      %add3A_878 = arith.addi %and3A_27, %add3A_877 : vector<16xi32>
      tpu.vector_store_idx %arg12[%add3A_878, %add3A_582], %gather3A_842 : memref<64x128xf32, #tpu.memory_space<vmem>>[vector<16xi32>, vector<16xi32>], vector<16xf32>,
      %add3A_879 = arith.constant 48 : i32
      %add3A_880 = vector.broadcast %add3A_879 : i32 to vector<16xi32>
      %add3A_881 = arith.addi %and3A_33, %add3A_880 : vector<16xi32>
      tpu.vector_store_idx %arg12[%add3A_881, %add3A_582], %gather3A_844 : memref<64x128xf32, #tpu.memory_space<vmem>>[vector<16xi32>, vector<16xi32>], vector<16xf32>,
      %add3A_882 = arith.constant 48 : i32
      %add3A_883 = vector.broadcast %add3A_882 : i32 to vector<16xi32>
      %add3A_884 = arith.addi %and3A_39, %add3A_883 : vector<16xi32>
      tpu.vector_store_idx %arg12[%add3A_884, %add3A_582], %gather3A_846 : memref<64x128xf32, #tpu.memory_space<vmem>>[vector<16xi32>, vector<16xi32>], vector<16xf32>,
      %add3A_885 = arith.constant 48 : i32
      %add3A_886 = vector.broadcast %add3A_885 : i32 to vector<16xi32>
      %add3A_887 = arith.addi %and3A_45, %add3A_886 : vector<16xi32>
      tpu.vector_store_idx %arg12[%add3A_887, %add3A_582], %gather3A_848 : memref<64x128xf32, #tpu.memory_space<vmem>>[vector<16xi32>, vector<16xi32>], vector<16xf32>,
      %add3A_888 = arith.constant 48 : i32
      %add3A_889 = vector.broadcast %add3A_888 : i32 to vector<16xi32>
      %add3A_890 = arith.addi %and3A_51, %add3A_889 : vector<16xi32>
      tpu.vector_store_idx %arg12[%add3A_890, %add3A_582], %gather3A_850 : memref<64x128xf32, #tpu.memory_space<vmem>>[vector<16xi32>, vector<16xi32>], vector<16xf32>,
      %add3A_891 = arith.constant 48 : i32
      %add3A_892 = vector.broadcast %add3A_891 : i32 to vector<16xi32>
      %add3A_893 = arith.addi %and3A_57, %add3A_892 : vector<16xi32>
      tpu.vector_store_idx %arg12[%add3A_893, %add3A_582], %gather3A_852 : memref<64x128xf32, #tpu.memory_space<vmem>>[vector<16xi32>, vector<16xi32>], vector<16xf32>,
      %add3A_894 = arith.constant 48 : i32
      %add3A_895 = vector.broadcast %add3A_894 : i32 to vector<16xi32>
      %add3A_896 = arith.addi %and3A_63, %add3A_895 : vector<16xi32>
      tpu.vector_store_idx %arg12[%add3A_896, %add3A_582], %gather3A_854 : memref<64x128xf32, #tpu.memory_space<vmem>>[vector<16xi32>, vector<16xi32>], vector<16xf32>,
      %add3A_897 = arith.constant 48 : i32
      %add3A_898 = vector.broadcast %add3A_897 : i32 to vector<16xi32>
      %add3A_899 = arith.addi %and3A_69, %add3A_898 : vector<16xi32>
      tpu.vector_store_idx %arg12[%add3A_899, %add3A_582], %gather3A_856 : memref<64x128xf32, #tpu.memory_space<vmem>>[vector<16xi32>, vector<16xi32>], vector<16xf32>,
      %add3A_900 = arith.constant 48 : i32
      %add3A_901 = vector.broadcast %add3A_900 : i32 to vector<16xi32>
      %add3A_902 = arith.addi %and3A_75, %add3A_901 : vector<16xi32>
      tpu.vector_store_idx %arg12[%add3A_902, %add3A_582], %gather3A_858 : memref<64x128xf32, #tpu.memory_space<vmem>>[vector<16xi32>, vector<16xi32>], vector<16xf32>,
      %add3A_903 = arith.constant 48 : i32
      %add3A_904 = vector.broadcast %add3A_903 : i32 to vector<16xi32>
      %add3A_905 = arith.addi %and3A_81, %add3A_904 : vector<16xi32>
      tpu.vector_store_idx %arg12[%add3A_905, %add3A_582], %gather3A_860 : memref<64x128xf32, #tpu.memory_space<vmem>>[vector<16xi32>, vector<16xi32>], vector<16xf32>,
      %add3A_906 = arith.constant 48 : i32
      %add3A_907 = vector.broadcast %add3A_906 : i32 to vector<16xi32>
      %add3A_908 = arith.addi %and3A_87, %add3A_907 : vector<16xi32>
      tpu.vector_store_idx %arg12[%add3A_908, %add3A_582], %gather3A_862 : memref<64x128xf32, #tpu.memory_space<vmem>>[vector<16xi32>, vector<16xi32>], vector<16xf32>,
      %add3A_909 = arith.constant 48 : i32
      %add3A_910 = vector.broadcast %add3A_909 : i32 to vector<16xi32>
      %add3A_911 = arith.addi %and3A_93, %add3A_910 : vector<16xi32>
      tpu.vector_store_idx %arg12[%add3A_911, %add3A_582], %gather3A_864 : memref<64x128xf32, #tpu.memory_space<vmem>>[vector<16xi32>, vector<16xi32>], vector<16xf32>,
      %add3A_912 = arith.constant 48 : i32
      %add3A_913 = vector.broadcast %add3A_912 : i32 to vector<16xi32>
      %add3A_914 = arith.addi %and3A_99, %add3A_913 : vector<16xi32>
      tpu.vector_store_idx %arg12[%add3A_914, %add3A_582], %gather3A_866 : memref<64x128xf32, #tpu.memory_space<vmem>>[vector<16xi32>, vector<16xi32>], vector<16xf32>,
    }
    %scan3A_508 = arith.constant 8 : i32
    %mul3A_509 = arith.constant 4 : i32
    %mul3A_510 = arith.muli %add3A, %mul3A_509 : i32
    %add3A_511 = arith.constant 0 : i32
    %add3A_512 = arith.addi %mul3A_510, %add3A_511 : i32
    %mul3A_513 = arith.constant 128 : i32
    %mul3A_514 = arith.muli %add3A_512, %mul3A_513 : i32
    %dma_start3A_515 = arith.constant 0 : i32
    %dma_start3A_516 = arith.constant 0 : i32
    %dma_start3A_517 = tpu.memref_slice %arg4[%dma_start3A_515, %dma_start3A_516, %mul3A_514] : memref<50x64x16384xf32, #tpu.memory_space<hbm>> -> memref<1x64x128xf32, #tpu.memory_space<hbm>>
    %dma_start3A_518 = tpu.memref_squeeze %dma_start3A_517 : memref<1x64x128xf32, #tpu.memory_space<hbm>> -> memref<64x128xf32, #tpu.memory_space<hbm>>
    %dma_start3A_519 = arith.constant 0 : i32
    %dma_start3A_520 = tpu.memref_slice %arg4[%dma_start3A_515, %dma_start3A_519, %mul3A_514] : memref<50x64x16384xf32, #tpu.memory_space<hbm>> -> memref<1x64x128xf32, #tpu.memory_space<hbm>>
    %dma_start3A_521 = tpu.memref_squeeze %dma_start3A_520 : memref<1x64x128xf32, #tpu.memory_space<hbm>> -> memref<64x128xf32, #tpu.memory_space<hbm>>
    tpu.enqueue_dma source(%arg12 : memref<64x128xf32, #tpu.memory_space<vmem>>) target(%dma_start3A_521 : memref<64x128xf32, #tpu.memory_space<hbm>>) target_semaphore(%arg16 : memref<!tpu.dma_semaphore, #tpu.memory_space<semaphore_mem>>)
    %scan3A_522 = arith.constant 0 : i32
    %scan3A_523 = arith.constant 1 : i32
    %scan3A_524 = arith.constant 99 : i32
    %scan3A_525 = arith.addi %scan3A_523, %scan3A_524 : i32
    %scan3A_526 = arith.constant 1 : i32
    scf.for %scan3A_576 = %scan3A_523 to %scan3A_525 step %scan3A_526  : i32 {
      %mul3A_577 = arith.constant 2 : i32
      %mul3A_578 = arith.muli %mul3A_577, %scan3A_576 : i32
      %jit3A = arith.constant 50 : i32
      %div3A = arith.divsi %mul3A_578, %jit3A : i32
      %sign3A = arith.constant 0 : i32
      %sign3A_579 = arith.cmpi sgt, %mul3A_578, %sign3A : i32
      %sign3A_580 = arith.extui %sign3A_579 : i1 to i32
      %sign3A_581 = arith.constant 0 : i32
      %sign3A_582 = arith.cmpi slt, %mul3A_578, %sign3A_581 : i32
      %sign3A_583 = arith.extui %sign3A_582 : i1 to i32
      %sign3A_584 = arith.subi %sign3A_580, %sign3A_583 : i32
      %sign3A_585 = arith.constant 0 : i32
      %sign3A_586 = arith.cmpi sgt, %jit3A, %sign3A_585 : i32
      %sign3A_587 = arith.extui %sign3A_586 : i1 to i32
      %sign3A_588 = arith.constant 0 : i32
      %sign3A_589 = arith.cmpi slt, %jit3A, %sign3A_588 : i32
      %sign3A_590 = arith.extui %sign3A_589 : i1 to i32
      %sign3A_591 = arith.subi %sign3A_587, %sign3A_590 : i32
      %ne3A = arith.cmpi ne, %sign3A_584, %sign3A_591 : i32
      %rem3A = arith.remsi %mul3A_578, %jit3A : i32
      %ne3A_592 = arith.constant 0 : i32
      %ne3A_593 = arith.cmpi ne, %rem3A, %ne3A_592 : i32
      %and3A_594 = arith.andi %ne3A, %ne3A_593 : i1
      %sub3A = arith.constant 1 : i32
      %sub3A_595 = arith.subi %div3A, %sub3A : i32
      %select_n3A = arith.select %and3A_594, %sub3A_595, %div3A : i32
      %mul3A_596 = arith.constant 6400 : i32
      %mul3A_597 = arith.muli %select_n3A, %mul3A_596 : i32
      %jit3A_598 = arith.constant 50 : i32
      %eq3A = arith.constant 0 : i32
      %eq3A_599 = arith.cmpi eq, %jit3A_598, %eq3A : i32
      %jit3A_600 = arith.constant 1 : i32
      %select_n3A_601 = arith.select %eq3A_599, %jit3A_600, %jit3A_598 : i32
      %rem3A_602 = arith.remsi %mul3A_578, %select_n3A_601 : i32
      %ne3A_603 = arith.constant 0 : i32
      %ne3A_604 = arith.cmpi ne, %rem3A_602, %ne3A_603 : i32
      %lt3A = arith.constant 0 : i32
      %lt3A_605 = arith.cmpi slt, %rem3A_602, %lt3A : i32
      %lt3A_606 = arith.constant 0 : i32
      %lt3A_607 = arith.cmpi slt, %select_n3A_601, %lt3A_606 : i32
      %ne3A_608 = arith.xori %lt3A_605, %lt3A_607 : i1
      %and3A_609 = arith.andi %ne3A_608, %ne3A_604 : i1
      %add3A_610 = arith.addi %rem3A_602, %select_n3A_601 : i32
      %select_n3A_611 = arith.select %and3A_609, %add3A_610, %rem3A_602 : i32
      %add3A_612 = arith.addi %mul3A_597, %select_n3A_611 : i32
      %add3A_613 = arith.constant 0 : i32
      %add3A_614 = vector.broadcast %add3A_613 : i32 to vector<16xi32>
      %add3A_615 = arith.addi %iota3A, %add3A_614 : vector<16xi32>
      %mul3A_616 = arith.constant 50 : i32
      %mul3A_617 = vector.broadcast %mul3A_616 : i32 to vector<16xi32>
      %mul3A_618 = arith.muli %add3A_615, %mul3A_617 : vector<16xi32>
      %add3A_619 = vector.broadcast %add3A_612 : i32 to vector<16xi32>
      %add3A_620 = arith.addi %mul3A_618, %add3A_619 : vector<16xi32>
      %gather3A_621 = tpu.vector_load_idx %arg5[%add3A_620] : memref<25600xi32, #tpu.memory_space<vmem>>[vector<16xi32>], vector<16xi32>,
      %shift_right_logical3A_622 = arith.constant 1 : i32
      %shift_right_logical3A_623 = vector.broadcast %shift_right_logical3A_622 : i32 to vector<16xi32>
      %shift_right_logical3A_624 = arith.shrui %gather3A_621, %shift_right_logical3A_623 : vector<16xi32>
      %swap3A_625 = arith.constant 0 : index
      %swap3A_626 = tpu.vector_load %arg6[%swap3A_625] {strides = array<i32>} : memref<128xi32, #tpu.memory_space<vmem>>, vector<16xi32>,
      tpu.vector_store %arg6[%swap3A_625], %shift_right_logical3A_624 {strides = array<i32>} : memref<128xi32, #tpu.memory_space<vmem>>, vector<16xi32>,
      %and3A_627 = arith.constant 1 : i32
      %and3A_628 = vector.broadcast %and3A_627 : i32 to vector<16xi32>
      %and3A_629 = arith.andi %gather3A_621, %and3A_628 : vector<16xi32>
      %mul3A_630 = arith.constant 64 : i32
      %mul3A_631 = vector.broadcast %mul3A_630 : i32 to vector<16xi32>
      %mul3A_632 = arith.muli %and3A_629, %mul3A_631 : vector<16xi32>
      %swap3A_633 = arith.constant 0 : i32
      %swap3A_634 = arith.index_cast %swap3A_633 : i32 to index
      %swap3A_635 = arith.constant 0 : index
      %swap3A_636 = tpu.vector_load %arg8[%swap3A_634, %swap3A_635] {strides = array<i32>} : memref<8x16xi32, #tpu.memory_space<vmem>>, vector<16xi32>,
      tpu.vector_store %arg8[%swap3A_634, %swap3A_635], %mul3A_632 {strides = array<i32>} : memref<8x16xi32, #tpu.memory_space<vmem>>, vector<16xi32>,
      %add3A_637 = arith.constant 16 : i32
      %add3A_638 = vector.broadcast %add3A_637 : i32 to vector<16xi32>
      %add3A_639 = arith.addi %iota3A, %add3A_638 : vector<16xi32>
      %mul3A_640 = arith.constant 50 : i32
      %mul3A_641 = vector.broadcast %mul3A_640 : i32 to vector<16xi32>
      %mul3A_642 = arith.muli %add3A_639, %mul3A_641 : vector<16xi32>
      %add3A_643 = vector.broadcast %add3A_612 : i32 to vector<16xi32>
      %add3A_644 = arith.addi %mul3A_642, %add3A_643 : vector<16xi32>
      %gather3A_645 = tpu.vector_load_idx %arg5[%add3A_644] : memref<25600xi32, #tpu.memory_space<vmem>>[vector<16xi32>], vector<16xi32>,
      %shift_right_logical3A_646 = arith.constant 1 : i32
      %shift_right_logical3A_647 = vector.broadcast %shift_right_logical3A_646 : i32 to vector<16xi32>
      %shift_right_logical3A_648 = arith.shrui %gather3A_645, %shift_right_logical3A_647 : vector<16xi32>
      %swap3A_649 = arith.constant 16 : index
      %swap3A_650 = tpu.vector_load %arg6[%swap3A_649] {strides = array<i32>} : memref<128xi32, #tpu.memory_space<vmem>>, vector<16xi32>,
      tpu.vector_store %arg6[%swap3A_649], %shift_right_logical3A_648 {strides = array<i32>} : memref<128xi32, #tpu.memory_space<vmem>>, vector<16xi32>,
      %and3A_651 = arith.constant 1 : i32
      %and3A_652 = vector.broadcast %and3A_651 : i32 to vector<16xi32>
      %and3A_653 = arith.andi %gather3A_645, %and3A_652 : vector<16xi32>
      %mul3A_654 = arith.constant 64 : i32
      %mul3A_655 = vector.broadcast %mul3A_654 : i32 to vector<16xi32>
      %mul3A_656 = arith.muli %and3A_653, %mul3A_655 : vector<16xi32>
      %swap3A_657 = arith.constant 1 : i32
      %swap3A_658 = arith.index_cast %swap3A_657 : i32 to index
      %swap3A_659 = arith.constant 0 : index
      %swap3A_660 = tpu.vector_load %arg8[%swap3A_658, %swap3A_659] {strides = array<i32>} : memref<8x16xi32, #tpu.memory_space<vmem>>, vector<16xi32>,
      tpu.vector_store %arg8[%swap3A_658, %swap3A_659], %mul3A_656 {strides = array<i32>} : memref<8x16xi32, #tpu.memory_space<vmem>>, vector<16xi32>,
      %add3A_661 = arith.constant 32 : i32
      %add3A_662 = vector.broadcast %add3A_661 : i32 to vector<16xi32>
      %add3A_663 = arith.addi %iota3A, %add3A_662 : vector<16xi32>
      %mul3A_664 = arith.constant 50 : i32
      %mul3A_665 = vector.broadcast %mul3A_664 : i32 to vector<16xi32>
      %mul3A_666 = arith.muli %add3A_663, %mul3A_665 : vector<16xi32>
      %add3A_667 = vector.broadcast %add3A_612 : i32 to vector<16xi32>
      %add3A_668 = arith.addi %mul3A_666, %add3A_667 : vector<16xi32>
      %gather3A_669 = tpu.vector_load_idx %arg5[%add3A_668] : memref<25600xi32, #tpu.memory_space<vmem>>[vector<16xi32>], vector<16xi32>,
      %shift_right_logical3A_670 = arith.constant 1 : i32
      %shift_right_logical3A_671 = vector.broadcast %shift_right_logical3A_670 : i32 to vector<16xi32>
      %shift_right_logical3A_672 = arith.shrui %gather3A_669, %shift_right_logical3A_671 : vector<16xi32>
      %swap3A_673 = arith.constant 32 : index
      %swap3A_674 = tpu.vector_load %arg6[%swap3A_673] {strides = array<i32>} : memref<128xi32, #tpu.memory_space<vmem>>, vector<16xi32>,
      tpu.vector_store %arg6[%swap3A_673], %shift_right_logical3A_672 {strides = array<i32>} : memref<128xi32, #tpu.memory_space<vmem>>, vector<16xi32>,
      %and3A_675 = arith.constant 1 : i32
      %and3A_676 = vector.broadcast %and3A_675 : i32 to vector<16xi32>
      %and3A_677 = arith.andi %gather3A_669, %and3A_676 : vector<16xi32>
      %mul3A_678 = arith.constant 64 : i32
      %mul3A_679 = vector.broadcast %mul3A_678 : i32 to vector<16xi32>
      %mul3A_680 = arith.muli %and3A_677, %mul3A_679 : vector<16xi32>
      %swap3A_681 = arith.constant 2 : i32
      %swap3A_682 = arith.index_cast %swap3A_681 : i32 to index
      %swap3A_683 = arith.constant 0 : index
      %swap3A_684 = tpu.vector_load %arg8[%swap3A_682, %swap3A_683] {strides = array<i32>} : memref<8x16xi32, #tpu.memory_space<vmem>>, vector<16xi32>,
      tpu.vector_store %arg8[%swap3A_682, %swap3A_683], %mul3A_680 {strides = array<i32>} : memref<8x16xi32, #tpu.memory_space<vmem>>, vector<16xi32>,
      %add3A_685 = arith.constant 48 : i32
      %add3A_686 = vector.broadcast %add3A_685 : i32 to vector<16xi32>
      %add3A_687 = arith.addi %iota3A, %add3A_686 : vector<16xi32>
      %mul3A_688 = arith.constant 50 : i32
      %mul3A_689 = vector.broadcast %mul3A_688 : i32 to vector<16xi32>
      %mul3A_690 = arith.muli %add3A_687, %mul3A_689 : vector<16xi32>
      %add3A_691 = vector.broadcast %add3A_612 : i32 to vector<16xi32>
      %add3A_692 = arith.addi %mul3A_690, %add3A_691 : vector<16xi32>
      %gather3A_693 = tpu.vector_load_idx %arg5[%add3A_692] : memref<25600xi32, #tpu.memory_space<vmem>>[vector<16xi32>], vector<16xi32>,
      %shift_right_logical3A_694 = arith.constant 1 : i32
      %shift_right_logical3A_695 = vector.broadcast %shift_right_logical3A_694 : i32 to vector<16xi32>
      %shift_right_logical3A_696 = arith.shrui %gather3A_693, %shift_right_logical3A_695 : vector<16xi32>
      %swap3A_697 = arith.constant 48 : index
      %swap3A_698 = tpu.vector_load %arg6[%swap3A_697] {strides = array<i32>} : memref<128xi32, #tpu.memory_space<vmem>>, vector<16xi32>,
      tpu.vector_store %arg6[%swap3A_697], %shift_right_logical3A_696 {strides = array<i32>} : memref<128xi32, #tpu.memory_space<vmem>>, vector<16xi32>,
      %and3A_699 = arith.constant 1 : i32
      %and3A_700 = vector.broadcast %and3A_699 : i32 to vector<16xi32>
      %and3A_701 = arith.andi %gather3A_693, %and3A_700 : vector<16xi32>
      %mul3A_702 = arith.constant 64 : i32
      %mul3A_703 = vector.broadcast %mul3A_702 : i32 to vector<16xi32>
      %mul3A_704 = arith.muli %and3A_701, %mul3A_703 : vector<16xi32>
      %swap3A_705 = arith.constant 3 : i32
      %swap3A_706 = arith.index_cast %swap3A_705 : i32 to index
      %swap3A_707 = arith.constant 0 : index
      %swap3A_708 = tpu.vector_load %arg8[%swap3A_706, %swap3A_707] {strides = array<i32>} : memref<8x16xi32, #tpu.memory_space<vmem>>, vector<16xi32>,
      tpu.vector_store %arg8[%swap3A_706, %swap3A_707], %mul3A_704 {strides = array<i32>} : memref<8x16xi32, #tpu.memory_space<vmem>>, vector<16xi32>,
      %add3A_709 = arith.constant 64 : i32
      %add3A_710 = vector.broadcast %add3A_709 : i32 to vector<16xi32>
      %add3A_711 = arith.addi %iota3A, %add3A_710 : vector<16xi32>
      %mul3A_712 = arith.constant 50 : i32
      %mul3A_713 = vector.broadcast %mul3A_712 : i32 to vector<16xi32>
      %mul3A_714 = arith.muli %add3A_711, %mul3A_713 : vector<16xi32>
      %add3A_715 = vector.broadcast %add3A_612 : i32 to vector<16xi32>
      %add3A_716 = arith.addi %mul3A_714, %add3A_715 : vector<16xi32>
      %gather3A_717 = tpu.vector_load_idx %arg5[%add3A_716] : memref<25600xi32, #tpu.memory_space<vmem>>[vector<16xi32>], vector<16xi32>,
      %shift_right_logical3A_718 = arith.constant 1 : i32
      %shift_right_logical3A_719 = vector.broadcast %shift_right_logical3A_718 : i32 to vector<16xi32>
      %shift_right_logical3A_720 = arith.shrui %gather3A_717, %shift_right_logical3A_719 : vector<16xi32>
      %swap3A_721 = arith.constant 64 : index
      %swap3A_722 = tpu.vector_load %arg6[%swap3A_721] {strides = array<i32>} : memref<128xi32, #tpu.memory_space<vmem>>, vector<16xi32>,
      tpu.vector_store %arg6[%swap3A_721], %shift_right_logical3A_720 {strides = array<i32>} : memref<128xi32, #tpu.memory_space<vmem>>, vector<16xi32>,
      %and3A_723 = arith.constant 1 : i32
      %and3A_724 = vector.broadcast %and3A_723 : i32 to vector<16xi32>
      %and3A_725 = arith.andi %gather3A_717, %and3A_724 : vector<16xi32>
      %mul3A_726 = arith.constant 64 : i32
      %mul3A_727 = vector.broadcast %mul3A_726 : i32 to vector<16xi32>
      %mul3A_728 = arith.muli %and3A_725, %mul3A_727 : vector<16xi32>
      %swap3A_729 = arith.constant 4 : i32
      %swap3A_730 = arith.index_cast %swap3A_729 : i32 to index
      %swap3A_731 = arith.constant 0 : index
      %swap3A_732 = tpu.vector_load %arg8[%swap3A_730, %swap3A_731] {strides = array<i32>} : memref<8x16xi32, #tpu.memory_space<vmem>>, vector<16xi32>,
      tpu.vector_store %arg8[%swap3A_730, %swap3A_731], %mul3A_728 {strides = array<i32>} : memref<8x16xi32, #tpu.memory_space<vmem>>, vector<16xi32>,
      %add3A_733 = arith.constant 80 : i32
      %add3A_734 = vector.broadcast %add3A_733 : i32 to vector<16xi32>
      %add3A_735 = arith.addi %iota3A, %add3A_734 : vector<16xi32>
      %mul3A_736 = arith.constant 50 : i32
      %mul3A_737 = vector.broadcast %mul3A_736 : i32 to vector<16xi32>
      %mul3A_738 = arith.muli %add3A_735, %mul3A_737 : vector<16xi32>
      %add3A_739 = vector.broadcast %add3A_612 : i32 to vector<16xi32>
      %add3A_740 = arith.addi %mul3A_738, %add3A_739 : vector<16xi32>
      %gather3A_741 = tpu.vector_load_idx %arg5[%add3A_740] : memref<25600xi32, #tpu.memory_space<vmem>>[vector<16xi32>], vector<16xi32>,
      %shift_right_logical3A_742 = arith.constant 1 : i32
      %shift_right_logical3A_743 = vector.broadcast %shift_right_logical3A_742 : i32 to vector<16xi32>
      %shift_right_logical3A_744 = arith.shrui %gather3A_741, %shift_right_logical3A_743 : vector<16xi32>
      %swap3A_745 = arith.constant 80 : index
      %swap3A_746 = tpu.vector_load %arg6[%swap3A_745] {strides = array<i32>} : memref<128xi32, #tpu.memory_space<vmem>>, vector<16xi32>,
      tpu.vector_store %arg6[%swap3A_745], %shift_right_logical3A_744 {strides = array<i32>} : memref<128xi32, #tpu.memory_space<vmem>>, vector<16xi32>,
      %and3A_747 = arith.constant 1 : i32
      %and3A_748 = vector.broadcast %and3A_747 : i32 to vector<16xi32>
      %and3A_749 = arith.andi %gather3A_741, %and3A_748 : vector<16xi32>
      %mul3A_750 = arith.constant 64 : i32
      %mul3A_751 = vector.broadcast %mul3A_750 : i32 to vector<16xi32>
      %mul3A_752 = arith.muli %and3A_749, %mul3A_751 : vector<16xi32>
      %swap3A_753 = arith.constant 5 : i32
      %swap3A_754 = arith.index_cast %swap3A_753 : i32 to index
      %swap3A_755 = arith.constant 0 : index
      %swap3A_756 = tpu.vector_load %arg8[%swap3A_754, %swap3A_755] {strides = array<i32>} : memref<8x16xi32, #tpu.memory_space<vmem>>, vector<16xi32>,
      tpu.vector_store %arg8[%swap3A_754, %swap3A_755], %mul3A_752 {strides = array<i32>} : memref<8x16xi32, #tpu.memory_space<vmem>>, vector<16xi32>,
      %add3A_757 = arith.constant 96 : i32
      %add3A_758 = vector.broadcast %add3A_757 : i32 to vector<16xi32>
      %add3A_759 = arith.addi %iota3A, %add3A_758 : vector<16xi32>
      %mul3A_760 = arith.constant 50 : i32
      %mul3A_761 = vector.broadcast %mul3A_760 : i32 to vector<16xi32>
      %mul3A_762 = arith.muli %add3A_759, %mul3A_761 : vector<16xi32>
      %add3A_763 = vector.broadcast %add3A_612 : i32 to vector<16xi32>
      %add3A_764 = arith.addi %mul3A_762, %add3A_763 : vector<16xi32>
      %gather3A_765 = tpu.vector_load_idx %arg5[%add3A_764] : memref<25600xi32, #tpu.memory_space<vmem>>[vector<16xi32>], vector<16xi32>,
      %shift_right_logical3A_766 = arith.constant 1 : i32
      %shift_right_logical3A_767 = vector.broadcast %shift_right_logical3A_766 : i32 to vector<16xi32>
      %shift_right_logical3A_768 = arith.shrui %gather3A_765, %shift_right_logical3A_767 : vector<16xi32>
      %swap3A_769 = arith.constant 96 : index
      %swap3A_770 = tpu.vector_load %arg6[%swap3A_769] {strides = array<i32>} : memref<128xi32, #tpu.memory_space<vmem>>, vector<16xi32>,
      tpu.vector_store %arg6[%swap3A_769], %shift_right_logical3A_768 {strides = array<i32>} : memref<128xi32, #tpu.memory_space<vmem>>, vector<16xi32>,
      %and3A_771 = arith.constant 1 : i32
      %and3A_772 = vector.broadcast %and3A_771 : i32 to vector<16xi32>
      %and3A_773 = arith.andi %gather3A_765, %and3A_772 : vector<16xi32>
      %mul3A_774 = arith.constant 64 : i32
      %mul3A_775 = vector.broadcast %mul3A_774 : i32 to vector<16xi32>
      %mul3A_776 = arith.muli %and3A_773, %mul3A_775 : vector<16xi32>
      %swap3A_777 = arith.constant 6 : i32
      %swap3A_778 = arith.index_cast %swap3A_777 : i32 to index
      %swap3A_779 = arith.constant 0 : index
      %swap3A_780 = tpu.vector_load %arg8[%swap3A_778, %swap3A_779] {strides = array<i32>} : memref<8x16xi32, #tpu.memory_space<vmem>>, vector<16xi32>,
      tpu.vector_store %arg8[%swap3A_778, %swap3A_779], %mul3A_776 {strides = array<i32>} : memref<8x16xi32, #tpu.memory_space<vmem>>, vector<16xi32>,
      %add3A_781 = arith.constant 112 : i32
      %add3A_782 = vector.broadcast %add3A_781 : i32 to vector<16xi32>
      %add3A_783 = arith.addi %iota3A, %add3A_782 : vector<16xi32>
      %mul3A_784 = arith.constant 50 : i32
      %mul3A_785 = vector.broadcast %mul3A_784 : i32 to vector<16xi32>
      %mul3A_786 = arith.muli %add3A_783, %mul3A_785 : vector<16xi32>
      %add3A_787 = vector.broadcast %add3A_612 : i32 to vector<16xi32>
      %add3A_788 = arith.addi %mul3A_786, %add3A_787 : vector<16xi32>
      %gather3A_789 = tpu.vector_load_idx %arg5[%add3A_788] : memref<25600xi32, #tpu.memory_space<vmem>>[vector<16xi32>], vector<16xi32>,
      %shift_right_logical3A_790 = arith.constant 1 : i32
      %shift_right_logical3A_791 = vector.broadcast %shift_right_logical3A_790 : i32 to vector<16xi32>
      %shift_right_logical3A_792 = arith.shrui %gather3A_789, %shift_right_logical3A_791 : vector<16xi32>
      %swap3A_793 = arith.constant 112 : index
      %swap3A_794 = tpu.vector_load %arg6[%swap3A_793] {strides = array<i32>} : memref<128xi32, #tpu.memory_space<vmem>>, vector<16xi32>,
      tpu.vector_store %arg6[%swap3A_793], %shift_right_logical3A_792 {strides = array<i32>} : memref<128xi32, #tpu.memory_space<vmem>>, vector<16xi32>,
      %and3A_795 = arith.constant 1 : i32
      %and3A_796 = vector.broadcast %and3A_795 : i32 to vector<16xi32>
      %and3A_797 = arith.andi %gather3A_789, %and3A_796 : vector<16xi32>
      %mul3A_798 = arith.constant 64 : i32
      %mul3A_799 = vector.broadcast %mul3A_798 : i32 to vector<16xi32>
      %mul3A_800 = arith.muli %and3A_797, %mul3A_799 : vector<16xi32>
      %swap3A_801 = arith.constant 7 : i32
      %swap3A_802 = arith.index_cast %swap3A_801 : i32 to index
      %swap3A_803 = arith.constant 0 : index
      %swap3A_804 = tpu.vector_load %arg8[%swap3A_802, %swap3A_803] {strides = array<i32>} : memref<8x16xi32, #tpu.memory_space<vmem>>, vector<16xi32>,
      tpu.vector_store %arg8[%swap3A_802, %swap3A_803], %mul3A_800 {strides = array<i32>} : memref<8x16xi32, #tpu.memory_space<vmem>>, vector<16xi32>,
      %mul3A_805 = arith.constant 4 : i32
      %mul3A_806 = arith.muli %add3A, %mul3A_805 : i32
      %add3A_807 = arith.constant 0 : i32
      %add3A_808 = arith.addi %mul3A_806, %add3A_807 : i32
      %mul3A_809 = arith.constant 128 : i32
      %mul3A_810 = arith.muli %add3A_808, %mul3A_809 : i32
      %dma_wait3A_811 = arith.constant 0 : i32
      %dma_wait3A_812 = arith.constant 0 : i32
      %dma_wait3A_813 = tpu.memref_slice %arg4[%dma_wait3A_811, %dma_wait3A_812, %mul3A_810] : memref<50x64x16384xf32, #tpu.memory_space<hbm>> -> memref<1x64x128xf32, #tpu.memory_space<hbm>>
      %dma_wait3A_814 = tpu.memref_squeeze %dma_wait3A_813 : memref<1x64x128xf32, #tpu.memory_space<hbm>> -> memref<64x128xf32, #tpu.memory_space<hbm>>
      %dma_wait3A_815 = arith.constant 0 : i32
      %dma_wait3A_816 = tpu.memref_slice %arg4[%dma_wait3A_811, %dma_wait3A_815, %mul3A_810] : memref<50x64x16384xf32, #tpu.memory_space<hbm>> -> memref<1x64x128xf32, #tpu.memory_space<hbm>>
      %dma_wait3A_817 = tpu.memref_squeeze %dma_wait3A_816 : memref<1x64x128xf32, #tpu.memory_space<hbm>> -> memref<64x128xf32, #tpu.memory_space<hbm>>
      tpu.wait_dma2 semaphore(%arg16 : memref<!tpu.dma_semaphore, #tpu.memory_space<semaphore_mem>>) src(%arg12 : memref<64x128xf32, #tpu.memory_space<vmem>>) dst(%dma_wait3A_817 : memref<64x128xf32, #tpu.memory_space<hbm>>)
      %dma_start3A_818 = arith.constant 0 : i32
      %dma_start3A_819 = arith.constant 0 : i32
      %dma_start3A_820 = tpu.memref_slice %arg3[%dma_start3A_818, %dma_start3A_819] : memref<500000x128xf32, #tpu.memory_space<hbm>> -> memref<500000x128xf32, #tpu.memory_space<hbm>>
      tpu.enqueue_indirect_dma source(%dma_start3A_820 : memref<500000x128xf32, #tpu.memory_space<hbm>>) target(%arg10 : memref<128x128xf32, #tpu.memory_space<vmem>>) offsets(%arg6 : memref<128xi32, #tpu.memory_space<vmem>>) semaphore(%arg14 : memref<!tpu.dma_semaphore, #tpu.memory_space<semaphore_mem>>)
      %dma_wait3A_821 = arith.constant 0 : i32
      %dma_wait3A_822 = arith.constant 0 : i32
      %dma_wait3A_823 = tpu.memref_slice %arg3[%dma_wait3A_821, %dma_wait3A_822] : memref<500000x128xf32, #tpu.memory_space<hbm>> -> memref<500000x128xf32, #tpu.memory_space<hbm>>
      tpu.wait_indirect_dma semaphore(%arg15 : memref<!tpu.dma_semaphore, #tpu.memory_space<semaphore_mem>>) src(%dma_wait3A_823 : memref<500000x128xf32, #tpu.memory_space<hbm>>) dst(%arg11 : memref<128x128xf32, #tpu.memory_space<vmem>>)
      %scan3A_824 = arith.constant 0 : i32
      %scan3A_825 = arith.constant 0 : i32
      %scan3A_826 = arith.constant 8 : i32
      %scan3A_827 = arith.addi %scan3A_825, %scan3A_826 : i32
      %scan3A_828 = arith.constant 1 : i32
      scf.for %scan3A_1200 = %scan3A_825 to %scan3A_827 step %scan3A_828  : i32 {
        %get3A = arith.index_cast %scan3A_1200 : i32 to index
        %get3A_1201 = arith.constant 0 : index
        %get3A_1202 = tpu.vector_load %arg9[%get3A, %get3A_1201] {strides = array<i32>} : memref<8x16xi32, #tpu.memory_space<vmem>>, vector<16xi32>,
        %mul3A_1203 = arith.constant 16 : i32
        %mul3A_1204 = arith.muli %mul3A_1203, %scan3A_1200 : i32
        %add3A_1205 = vector.broadcast %mul3A_1204 : i32 to vector<16xi32>
        %add3A_1206 = arith.addi %iota3A, %add3A_1205 : vector<16xi32>
        %add3A_1207 = arith.constant 0 : i32
        %add3A_1208 = vector.broadcast %add3A_1207 : i32 to vector<16xi32>
        %add3A_1209 = arith.addi %get3A_1202, %add3A_1208 : vector<16xi32>
        %add3A_1210 = arith.addi %add3A_1209, %and3A_9 : vector<16xi32>
        %gather3A_1211 = tpu.vector_load_idx %arg11[%add3A_1206, %add3A_1210] : memref<128x128xf32, #tpu.memory_space<vmem>>[vector<16xi32>, vector<16xi32>], vector<16xf32>,
        %add3A_1212 = arith.addi %add3A_1209, %and3A_15 : vector<16xi32>
        %gather3A_1213 = tpu.vector_load_idx %arg11[%add3A_1206, %add3A_1212] : memref<128x128xf32, #tpu.memory_space<vmem>>[vector<16xi32>, vector<16xi32>], vector<16xf32>,
        %add3A_1214 = arith.addi %add3A_1209, %and3A_21 : vector<16xi32>
        %gather3A_1215 = tpu.vector_load_idx %arg11[%add3A_1206, %add3A_1214] : memref<128x128xf32, #tpu.memory_space<vmem>>[vector<16xi32>, vector<16xi32>], vector<16xf32>,
        %add3A_1216 = arith.addi %add3A_1209, %and3A_27 : vector<16xi32>
        %gather3A_1217 = tpu.vector_load_idx %arg11[%add3A_1206, %add3A_1216] : memref<128x128xf32, #tpu.memory_space<vmem>>[vector<16xi32>, vector<16xi32>], vector<16xf32>,
        %add3A_1218 = arith.addi %add3A_1209, %and3A_33 : vector<16xi32>
        %gather3A_1219 = tpu.vector_load_idx %arg11[%add3A_1206, %add3A_1218] : memref<128x128xf32, #tpu.memory_space<vmem>>[vector<16xi32>, vector<16xi32>], vector<16xf32>,
        %add3A_1220 = arith.addi %add3A_1209, %and3A_39 : vector<16xi32>
        %gather3A_1221 = tpu.vector_load_idx %arg11[%add3A_1206, %add3A_1220] : memref<128x128xf32, #tpu.memory_space<vmem>>[vector<16xi32>, vector<16xi32>], vector<16xf32>,
        %add3A_1222 = arith.addi %add3A_1209, %and3A_45 : vector<16xi32>
        %gather3A_1223 = tpu.vector_load_idx %arg11[%add3A_1206, %add3A_1222] : memref<128x128xf32, #tpu.memory_space<vmem>>[vector<16xi32>, vector<16xi32>], vector<16xf32>,
        %add3A_1224 = arith.addi %add3A_1209, %and3A_51 : vector<16xi32>
        %gather3A_1225 = tpu.vector_load_idx %arg11[%add3A_1206, %add3A_1224] : memref<128x128xf32, #tpu.memory_space<vmem>>[vector<16xi32>, vector<16xi32>], vector<16xf32>,
        %add3A_1226 = arith.addi %add3A_1209, %and3A_57 : vector<16xi32>
        %gather3A_1227 = tpu.vector_load_idx %arg11[%add3A_1206, %add3A_1226] : memref<128x128xf32, #tpu.memory_space<vmem>>[vector<16xi32>, vector<16xi32>], vector<16xf32>,
        %add3A_1228 = arith.addi %add3A_1209, %and3A_63 : vector<16xi32>
        %gather3A_1229 = tpu.vector_load_idx %arg11[%add3A_1206, %add3A_1228] : memref<128x128xf32, #tpu.memory_space<vmem>>[vector<16xi32>, vector<16xi32>], vector<16xf32>,
        %add3A_1230 = arith.addi %add3A_1209, %and3A_69 : vector<16xi32>
        %gather3A_1231 = tpu.vector_load_idx %arg11[%add3A_1206, %add3A_1230] : memref<128x128xf32, #tpu.memory_space<vmem>>[vector<16xi32>, vector<16xi32>], vector<16xf32>,
        %add3A_1232 = arith.addi %add3A_1209, %and3A_75 : vector<16xi32>
        %gather3A_1233 = tpu.vector_load_idx %arg11[%add3A_1206, %add3A_1232] : memref<128x128xf32, #tpu.memory_space<vmem>>[vector<16xi32>, vector<16xi32>], vector<16xf32>,
        %add3A_1234 = arith.addi %add3A_1209, %and3A_81 : vector<16xi32>
        %gather3A_1235 = tpu.vector_load_idx %arg11[%add3A_1206, %add3A_1234] : memref<128x128xf32, #tpu.memory_space<vmem>>[vector<16xi32>, vector<16xi32>], vector<16xf32>,
        %add3A_1236 = arith.addi %add3A_1209, %and3A_87 : vector<16xi32>
        %gather3A_1237 = tpu.vector_load_idx %arg11[%add3A_1206, %add3A_1236] : memref<128x128xf32, #tpu.memory_space<vmem>>[vector<16xi32>, vector<16xi32>], vector<16xf32>,
        %add3A_1238 = arith.addi %add3A_1209, %and3A_93 : vector<16xi32>
        %gather3A_1239 = tpu.vector_load_idx %arg11[%add3A_1206, %add3A_1238] : memref<128x128xf32, #tpu.memory_space<vmem>>[vector<16xi32>, vector<16xi32>], vector<16xf32>,
        %add3A_1240 = arith.addi %add3A_1209, %and3A_99 : vector<16xi32>
        %gather3A_1241 = tpu.vector_load_idx %arg11[%add3A_1206, %add3A_1240] : memref<128x128xf32, #tpu.memory_space<vmem>>[vector<16xi32>, vector<16xi32>], vector<16xf32>,
        %add3A_1242 = arith.constant 0 : i32
        %add3A_1243 = vector.broadcast %add3A_1242 : i32 to vector<16xi32>
        %add3A_1244 = arith.addi %and3A_9, %add3A_1243 : vector<16xi32>
        tpu.vector_store_idx %arg13[%add3A_1244, %add3A_1206], %gather3A_1211 : memref<64x128xf32, #tpu.memory_space<vmem>>[vector<16xi32>, vector<16xi32>], vector<16xf32>,
        %add3A_1245 = arith.constant 0 : i32
        %add3A_1246 = vector.broadcast %add3A_1245 : i32 to vector<16xi32>
        %add3A_1247 = arith.addi %and3A_15, %add3A_1246 : vector<16xi32>
        tpu.vector_store_idx %arg13[%add3A_1247, %add3A_1206], %gather3A_1213 : memref<64x128xf32, #tpu.memory_space<vmem>>[vector<16xi32>, vector<16xi32>], vector<16xf32>,
        %add3A_1248 = arith.constant 0 : i32
        %add3A_1249 = vector.broadcast %add3A_1248 : i32 to vector<16xi32>
        %add3A_1250 = arith.addi %and3A_21, %add3A_1249 : vector<16xi32>
        tpu.vector_store_idx %arg13[%add3A_1250, %add3A_1206], %gather3A_1215 : memref<64x128xf32, #tpu.memory_space<vmem>>[vector<16xi32>, vector<16xi32>], vector<16xf32>,
        %add3A_1251 = arith.constant 0 : i32
        %add3A_1252 = vector.broadcast %add3A_1251 : i32 to vector<16xi32>
        %add3A_1253 = arith.addi %and3A_27, %add3A_1252 : vector<16xi32>
        tpu.vector_store_idx %arg13[%add3A_1253, %add3A_1206], %gather3A_1217 : memref<64x128xf32, #tpu.memory_space<vmem>>[vector<16xi32>, vector<16xi32>], vector<16xf32>,
        %add3A_1254 = arith.constant 0 : i32
        %add3A_1255 = vector.broadcast %add3A_1254 : i32 to vector<16xi32>
        %add3A_1256 = arith.addi %and3A_33, %add3A_1255 : vector<16xi32>
        tpu.vector_store_idx %arg13[%add3A_1256, %add3A_1206], %gather3A_1219 : memref<64x128xf32, #tpu.memory_space<vmem>>[vector<16xi32>, vector<16xi32>], vector<16xf32>,
        %add3A_1257 = arith.constant 0 : i32
        %add3A_1258 = vector.broadcast %add3A_1257 : i32 to vector<16xi32>
        %add3A_1259 = arith.addi %and3A_39, %add3A_1258 : vector<16xi32>
        tpu.vector_store_idx %arg13[%add3A_1259, %add3A_1206], %gather3A_1221 : memref<64x128xf32, #tpu.memory_space<vmem>>[vector<16xi32>, vector<16xi32>], vector<16xf32>,
        %add3A_1260 = arith.constant 0 : i32
        %add3A_1261 = vector.broadcast %add3A_1260 : i32 to vector<16xi32>
        %add3A_1262 = arith.addi %and3A_45, %add3A_1261 : vector<16xi32>
        tpu.vector_store_idx %arg13[%add3A_1262, %add3A_1206], %gather3A_1223 : memref<64x128xf32, #tpu.memory_space<vmem>>[vector<16xi32>, vector<16xi32>], vector<16xf32>,
        %add3A_1263 = arith.constant 0 : i32
        %add3A_1264 = vector.broadcast %add3A_1263 : i32 to vector<16xi32>
        %add3A_1265 = arith.addi %and3A_51, %add3A_1264 : vector<16xi32>
        tpu.vector_store_idx %arg13[%add3A_1265, %add3A_1206], %gather3A_1225 : memref<64x128xf32, #tpu.memory_space<vmem>>[vector<16xi32>, vector<16xi32>], vector<16xf32>,
        %add3A_1266 = arith.constant 0 : i32
        %add3A_1267 = vector.broadcast %add3A_1266 : i32 to vector<16xi32>
        %add3A_1268 = arith.addi %and3A_57, %add3A_1267 : vector<16xi32>
        tpu.vector_store_idx %arg13[%add3A_1268, %add3A_1206], %gather3A_1227 : memref<64x128xf32, #tpu.memory_space<vmem>>[vector<16xi32>, vector<16xi32>], vector<16xf32>,
        %add3A_1269 = arith.constant 0 : i32
        %add3A_1270 = vector.broadcast %add3A_1269 : i32 to vector<16xi32>
        %add3A_1271 = arith.addi %and3A_63, %add3A_1270 : vector<16xi32>
        tpu.vector_store_idx %arg13[%add3A_1271, %add3A_1206], %gather3A_1229 : memref<64x128xf32, #tpu.memory_space<vmem>>[vector<16xi32>, vector<16xi32>], vector<16xf32>,
        %add3A_1272 = arith.constant 0 : i32
        %add3A_1273 = vector.broadcast %add3A_1272 : i32 to vector<16xi32>
        %add3A_1274 = arith.addi %and3A_69, %add3A_1273 : vector<16xi32>
        tpu.vector_store_idx %arg13[%add3A_1274, %add3A_1206], %gather3A_1231 : memref<64x128xf32, #tpu.memory_space<vmem>>[vector<16xi32>, vector<16xi32>], vector<16xf32>,
        %add3A_1275 = arith.constant 0 : i32
        %add3A_1276 = vector.broadcast %add3A_1275 : i32 to vector<16xi32>
        %add3A_1277 = arith.addi %and3A_75, %add3A_1276 : vector<16xi32>
        tpu.vector_store_idx %arg13[%add3A_1277, %add3A_1206], %gather3A_1233 : memref<64x128xf32, #tpu.memory_space<vmem>>[vector<16xi32>, vector<16xi32>], vector<16xf32>,
        %add3A_1278 = arith.constant 0 : i32
        %add3A_1279 = vector.broadcast %add3A_1278 : i32 to vector<16xi32>
        %add3A_1280 = arith.addi %and3A_81, %add3A_1279 : vector<16xi32>
        tpu.vector_store_idx %arg13[%add3A_1280, %add3A_1206], %gather3A_1235 : memref<64x128xf32, #tpu.memory_space<vmem>>[vector<16xi32>, vector<16xi32>], vector<16xf32>,
        %add3A_1281 = arith.constant 0 : i32
        %add3A_1282 = vector.broadcast %add3A_1281 : i32 to vector<16xi32>
        %add3A_1283 = arith.addi %and3A_87, %add3A_1282 : vector<16xi32>
        tpu.vector_store_idx %arg13[%add3A_1283, %add3A_1206], %gather3A_1237 : memref<64x128xf32, #tpu.memory_space<vmem>>[vector<16xi32>, vector<16xi32>], vector<16xf32>,
        %add3A_1284 = arith.constant 0 : i32
        %add3A_1285 = vector.broadcast %add3A_1284 : i32 to vector<16xi32>
        %add3A_1286 = arith.addi %and3A_93, %add3A_1285 : vector<16xi32>
        tpu.vector_store_idx %arg13[%add3A_1286, %add3A_1206], %gather3A_1239 : memref<64x128xf32, #tpu.memory_space<vmem>>[vector<16xi32>, vector<16xi32>], vector<16xf32>,
        %add3A_1287 = arith.constant 0 : i32
        %add3A_1288 = vector.broadcast %add3A_1287 : i32 to vector<16xi32>
        %add3A_1289 = arith.addi %and3A_99, %add3A_1288 : vector<16xi32>
        tpu.vector_store_idx %arg13[%add3A_1289, %add3A_1206], %gather3A_1241 : memref<64x128xf32, #tpu.memory_space<vmem>>[vector<16xi32>, vector<16xi32>], vector<16xf32>,
        %add3A_1290 = arith.constant 16 : i32
        %add3A_1291 = vector.broadcast %add3A_1290 : i32 to vector<16xi32>
        %add3A_1292 = arith.addi %get3A_1202, %add3A_1291 : vector<16xi32>
        %add3A_1293 = arith.addi %add3A_1292, %and3A_9 : vector<16xi32>
        %gather3A_1294 = tpu.vector_load_idx %arg11[%add3A_1206, %add3A_1293] : memref<128x128xf32, #tpu.memory_space<vmem>>[vector<16xi32>, vector<16xi32>], vector<16xf32>,
        %add3A_1295 = arith.addi %add3A_1292, %and3A_15 : vector<16xi32>
        %gather3A_1296 = tpu.vector_load_idx %arg11[%add3A_1206, %add3A_1295] : memref<128x128xf32, #tpu.memory_space<vmem>>[vector<16xi32>, vector<16xi32>], vector<16xf32>,
        %add3A_1297 = arith.addi %add3A_1292, %and3A_21 : vector<16xi32>
        %gather3A_1298 = tpu.vector_load_idx %arg11[%add3A_1206, %add3A_1297] : memref<128x128xf32, #tpu.memory_space<vmem>>[vector<16xi32>, vector<16xi32>], vector<16xf32>,
        %add3A_1299 = arith.addi %add3A_1292, %and3A_27 : vector<16xi32>
        %gather3A_1300 = tpu.vector_load_idx %arg11[%add3A_1206, %add3A_1299] : memref<128x128xf32, #tpu.memory_space<vmem>>[vector<16xi32>, vector<16xi32>], vector<16xf32>,
        %add3A_1301 = arith.addi %add3A_1292, %and3A_33 : vector<16xi32>
        %gather3A_1302 = tpu.vector_load_idx %arg11[%add3A_1206, %add3A_1301] : memref<128x128xf32, #tpu.memory_space<vmem>>[vector<16xi32>, vector<16xi32>], vector<16xf32>,
        %add3A_1303 = arith.addi %add3A_1292, %and3A_39 : vector<16xi32>
        %gather3A_1304 = tpu.vector_load_idx %arg11[%add3A_1206, %add3A_1303] : memref<128x128xf32, #tpu.memory_space<vmem>>[vector<16xi32>, vector<16xi32>], vector<16xf32>,
        %add3A_1305 = arith.addi %add3A_1292, %and3A_45 : vector<16xi32>
        %gather3A_1306 = tpu.vector_load_idx %arg11[%add3A_1206, %add3A_1305] : memref<128x128xf32, #tpu.memory_space<vmem>>[vector<16xi32>, vector<16xi32>], vector<16xf32>,
        %add3A_1307 = arith.addi %add3A_1292, %and3A_51 : vector<16xi32>
        %gather3A_1308 = tpu.vector_load_idx %arg11[%add3A_1206, %add3A_1307] : memref<128x128xf32, #tpu.memory_space<vmem>>[vector<16xi32>, vector<16xi32>], vector<16xf32>,
        %add3A_1309 = arith.addi %add3A_1292, %and3A_57 : vector<16xi32>
        %gather3A_1310 = tpu.vector_load_idx %arg11[%add3A_1206, %add3A_1309] : memref<128x128xf32, #tpu.memory_space<vmem>>[vector<16xi32>, vector<16xi32>], vector<16xf32>,
        %add3A_1311 = arith.addi %add3A_1292, %and3A_63 : vector<16xi32>
        %gather3A_1312 = tpu.vector_load_idx %arg11[%add3A_1206, %add3A_1311] : memref<128x128xf32, #tpu.memory_space<vmem>>[vector<16xi32>, vector<16xi32>], vector<16xf32>,
        %add3A_1313 = arith.addi %add3A_1292, %and3A_69 : vector<16xi32>
        %gather3A_1314 = tpu.vector_load_idx %arg11[%add3A_1206, %add3A_1313] : memref<128x128xf32, #tpu.memory_space<vmem>>[vector<16xi32>, vector<16xi32>], vector<16xf32>,
        %add3A_1315 = arith.addi %add3A_1292, %and3A_75 : vector<16xi32>
        %gather3A_1316 = tpu.vector_load_idx %arg11[%add3A_1206, %add3A_1315] : memref<128x128xf32, #tpu.memory_space<vmem>>[vector<16xi32>, vector<16xi32>], vector<16xf32>,
        %add3A_1317 = arith.addi %add3A_1292, %and3A_81 : vector<16xi32>
        %gather3A_1318 = tpu.vector_load_idx %arg11[%add3A_1206, %add3A_1317] : memref<128x128xf32, #tpu.memory_space<vmem>>[vector<16xi32>, vector<16xi32>], vector<16xf32>,
        %add3A_1319 = arith.addi %add3A_1292, %and3A_87 : vector<16xi32>
        %gather3A_1320 = tpu.vector_load_idx %arg11[%add3A_1206, %add3A_1319] : memref<128x128xf32, #tpu.memory_space<vmem>>[vector<16xi32>, vector<16xi32>], vector<16xf32>,
        %add3A_1321 = arith.addi %add3A_1292, %and3A_93 : vector<16xi32>
        %gather3A_1322 = tpu.vector_load_idx %arg11[%add3A_1206, %add3A_1321] : memref<128x128xf32, #tpu.memory_space<vmem>>[vector<16xi32>, vector<16xi32>], vector<16xf32>,
        %add3A_1323 = arith.addi %add3A_1292, %and3A_99 : vector<16xi32>
        %gather3A_1324 = tpu.vector_load_idx %arg11[%add3A_1206, %add3A_1323] : memref<128x128xf32, #tpu.memory_space<vmem>>[vector<16xi32>, vector<16xi32>], vector<16xf32>,
        %add3A_1325 = arith.constant 16 : i32
        %add3A_1326 = vector.broadcast %add3A_1325 : i32 to vector<16xi32>
        %add3A_1327 = arith.addi %and3A_9, %add3A_1326 : vector<16xi32>
        tpu.vector_store_idx %arg13[%add3A_1327, %add3A_1206], %gather3A_1294 : memref<64x128xf32, #tpu.memory_space<vmem>>[vector<16xi32>, vector<16xi32>], vector<16xf32>,
        %add3A_1328 = arith.constant 16 : i32
        %add3A_1329 = vector.broadcast %add3A_1328 : i32 to vector<16xi32>
        %add3A_1330 = arith.addi %and3A_15, %add3A_1329 : vector<16xi32>
        tpu.vector_store_idx %arg13[%add3A_1330, %add3A_1206], %gather3A_1296 : memref<64x128xf32, #tpu.memory_space<vmem>>[vector<16xi32>, vector<16xi32>], vector<16xf32>,
        %add3A_1331 = arith.constant 16 : i32
        %add3A_1332 = vector.broadcast %add3A_1331 : i32 to vector<16xi32>
        %add3A_1333 = arith.addi %and3A_21, %add3A_1332 : vector<16xi32>
        tpu.vector_store_idx %arg13[%add3A_1333, %add3A_1206], %gather3A_1298 : memref<64x128xf32, #tpu.memory_space<vmem>>[vector<16xi32>, vector<16xi32>], vector<16xf32>,
        %add3A_1334 = arith.constant 16 : i32
        %add3A_1335 = vector.broadcast %add3A_1334 : i32 to vector<16xi32>
        %add3A_1336 = arith.addi %and3A_27, %add3A_1335 : vector<16xi32>
        tpu.vector_store_idx %arg13[%add3A_1336, %add3A_1206], %gather3A_1300 : memref<64x128xf32, #tpu.memory_space<vmem>>[vector<16xi32>, vector<16xi32>], vector<16xf32>,
        %add3A_1337 = arith.constant 16 : i32
        %add3A_1338 = vector.broadcast %add3A_1337 : i32 to vector<16xi32>
        %add3A_1339 = arith.addi %and3A_33, %add3A_1338 : vector<16xi32>
        tpu.vector_store_idx %arg13[%add3A_1339, %add3A_1206], %gather3A_1302 : memref<64x128xf32, #tpu.memory_space<vmem>>[vector<16xi32>, vector<16xi32>], vector<16xf32>,
        %add3A_1340 = arith.constant 16 : i32
        %add3A_1341 = vector.broadcast %add3A_1340 : i32 to vector<16xi32>
        %add3A_1342 = arith.addi %and3A_39, %add3A_1341 : vector<16xi32>
        tpu.vector_store_idx %arg13[%add3A_1342, %add3A_1206], %gather3A_1304 : memref<64x128xf32, #tpu.memory_space<vmem>>[vector<16xi32>, vector<16xi32>], vector<16xf32>,
        %add3A_1343 = arith.constant 16 : i32
        %add3A_1344 = vector.broadcast %add3A_1343 : i32 to vector<16xi32>
        %add3A_1345 = arith.addi %and3A_45, %add3A_1344 : vector<16xi32>
        tpu.vector_store_idx %arg13[%add3A_1345, %add3A_1206], %gather3A_1306 : memref<64x128xf32, #tpu.memory_space<vmem>>[vector<16xi32>, vector<16xi32>], vector<16xf32>,
        %add3A_1346 = arith.constant 16 : i32
        %add3A_1347 = vector.broadcast %add3A_1346 : i32 to vector<16xi32>
        %add3A_1348 = arith.addi %and3A_51, %add3A_1347 : vector<16xi32>
        tpu.vector_store_idx %arg13[%add3A_1348, %add3A_1206], %gather3A_1308 : memref<64x128xf32, #tpu.memory_space<vmem>>[vector<16xi32>, vector<16xi32>], vector<16xf32>,
        %add3A_1349 = arith.constant 16 : i32
        %add3A_1350 = vector.broadcast %add3A_1349 : i32 to vector<16xi32>
        %add3A_1351 = arith.addi %and3A_57, %add3A_1350 : vector<16xi32>
        tpu.vector_store_idx %arg13[%add3A_1351, %add3A_1206], %gather3A_1310 : memref<64x128xf32, #tpu.memory_space<vmem>>[vector<16xi32>, vector<16xi32>], vector<16xf32>,
        %add3A_1352 = arith.constant 16 : i32
        %add3A_1353 = vector.broadcast %add3A_1352 : i32 to vector<16xi32>
        %add3A_1354 = arith.addi %and3A_63, %add3A_1353 : vector<16xi32>
        tpu.vector_store_idx %arg13[%add3A_1354, %add3A_1206], %gather3A_1312 : memref<64x128xf32, #tpu.memory_space<vmem>>[vector<16xi32>, vector<16xi32>], vector<16xf32>,
        %add3A_1355 = arith.constant 16 : i32
        %add3A_1356 = vector.broadcast %add3A_1355 : i32 to vector<16xi32>
        %add3A_1357 = arith.addi %and3A_69, %add3A_1356 : vector<16xi32>
        tpu.vector_store_idx %arg13[%add3A_1357, %add3A_1206], %gather3A_1314 : memref<64x128xf32, #tpu.memory_space<vmem>>[vector<16xi32>, vector<16xi32>], vector<16xf32>,
        %add3A_1358 = arith.constant 16 : i32
        %add3A_1359 = vector.broadcast %add3A_1358 : i32 to vector<16xi32>
        %add3A_1360 = arith.addi %and3A_75, %add3A_1359 : vector<16xi32>
        tpu.vector_store_idx %arg13[%add3A_1360, %add3A_1206], %gather3A_1316 : memref<64x128xf32, #tpu.memory_space<vmem>>[vector<16xi32>, vector<16xi32>], vector<16xf32>,
        %add3A_1361 = arith.constant 16 : i32
        %add3A_1362 = vector.broadcast %add3A_1361 : i32 to vector<16xi32>
        %add3A_1363 = arith.addi %and3A_81, %add3A_1362 : vector<16xi32>
        tpu.vector_store_idx %arg13[%add3A_1363, %add3A_1206], %gather3A_1318 : memref<64x128xf32, #tpu.memory_space<vmem>>[vector<16xi32>, vector<16xi32>], vector<16xf32>,
        %add3A_1364 = arith.constant 16 : i32
        %add3A_1365 = vector.broadcast %add3A_1364 : i32 to vector<16xi32>
        %add3A_1366 = arith.addi %and3A_87, %add3A_1365 : vector<16xi32>
        tpu.vector_store_idx %arg13[%add3A_1366, %add3A_1206], %gather3A_1320 : memref<64x128xf32, #tpu.memory_space<vmem>>[vector<16xi32>, vector<16xi32>], vector<16xf32>,
        %add3A_1367 = arith.constant 16 : i32
        %add3A_1368 = vector.broadcast %add3A_1367 : i32 to vector<16xi32>
        %add3A_1369 = arith.addi %and3A_93, %add3A_1368 : vector<16xi32>
        tpu.vector_store_idx %arg13[%add3A_1369, %add3A_1206], %gather3A_1322 : memref<64x128xf32, #tpu.memory_space<vmem>>[vector<16xi32>, vector<16xi32>], vector<16xf32>,
        %add3A_1370 = arith.constant 16 : i32
        %add3A_1371 = vector.broadcast %add3A_1370 : i32 to vector<16xi32>
        %add3A_1372 = arith.addi %and3A_99, %add3A_1371 : vector<16xi32>
        tpu.vector_store_idx %arg13[%add3A_1372, %add3A_1206], %gather3A_1324 : memref<64x128xf32, #tpu.memory_space<vmem>>[vector<16xi32>, vector<16xi32>], vector<16xf32>,
        %add3A_1373 = arith.constant 32 : i32
        %add3A_1374 = vector.broadcast %add3A_1373 : i32 to vector<16xi32>
        %add3A_1375 = arith.addi %get3A_1202, %add3A_1374 : vector<16xi32>
        %add3A_1376 = arith.addi %add3A_1375, %and3A_9 : vector<16xi32>
        %gather3A_1377 = tpu.vector_load_idx %arg11[%add3A_1206, %add3A_1376] : memref<128x128xf32, #tpu.memory_space<vmem>>[vector<16xi32>, vector<16xi32>], vector<16xf32>,
        %add3A_1378 = arith.addi %add3A_1375, %and3A_15 : vector<16xi32>
        %gather3A_1379 = tpu.vector_load_idx %arg11[%add3A_1206, %add3A_1378] : memref<128x128xf32, #tpu.memory_space<vmem>>[vector<16xi32>, vector<16xi32>], vector<16xf32>,
        %add3A_1380 = arith.addi %add3A_1375, %and3A_21 : vector<16xi32>
        %gather3A_1381 = tpu.vector_load_idx %arg11[%add3A_1206, %add3A_1380] : memref<128x128xf32, #tpu.memory_space<vmem>>[vector<16xi32>, vector<16xi32>], vector<16xf32>,
        %add3A_1382 = arith.addi %add3A_1375, %and3A_27 : vector<16xi32>
        %gather3A_1383 = tpu.vector_load_idx %arg11[%add3A_1206, %add3A_1382] : memref<128x128xf32, #tpu.memory_space<vmem>>[vector<16xi32>, vector<16xi32>], vector<16xf32>,
        %add3A_1384 = arith.addi %add3A_1375, %and3A_33 : vector<16xi32>
        %gather3A_1385 = tpu.vector_load_idx %arg11[%add3A_1206, %add3A_1384] : memref<128x128xf32, #tpu.memory_space<vmem>>[vector<16xi32>, vector<16xi32>], vector<16xf32>,
        %add3A_1386 = arith.addi %add3A_1375, %and3A_39 : vector<16xi32>
        %gather3A_1387 = tpu.vector_load_idx %arg11[%add3A_1206, %add3A_1386] : memref<128x128xf32, #tpu.memory_space<vmem>>[vector<16xi32>, vector<16xi32>], vector<16xf32>,
        %add3A_1388 = arith.addi %add3A_1375, %and3A_45 : vector<16xi32>
        %gather3A_1389 = tpu.vector_load_idx %arg11[%add3A_1206, %add3A_1388] : memref<128x128xf32, #tpu.memory_space<vmem>>[vector<16xi32>, vector<16xi32>], vector<16xf32>,
        %add3A_1390 = arith.addi %add3A_1375, %and3A_51 : vector<16xi32>
        %gather3A_1391 = tpu.vector_load_idx %arg11[%add3A_1206, %add3A_1390] : memref<128x128xf32, #tpu.memory_space<vmem>>[vector<16xi32>, vector<16xi32>], vector<16xf32>,
        %add3A_1392 = arith.addi %add3A_1375, %and3A_57 : vector<16xi32>
        %gather3A_1393 = tpu.vector_load_idx %arg11[%add3A_1206, %add3A_1392] : memref<128x128xf32, #tpu.memory_space<vmem>>[vector<16xi32>, vector<16xi32>], vector<16xf32>,
        %add3A_1394 = arith.addi %add3A_1375, %and3A_63 : vector<16xi32>
        %gather3A_1395 = tpu.vector_load_idx %arg11[%add3A_1206, %add3A_1394] : memref<128x128xf32, #tpu.memory_space<vmem>>[vector<16xi32>, vector<16xi32>], vector<16xf32>,
        %add3A_1396 = arith.addi %add3A_1375, %and3A_69 : vector<16xi32>
        %gather3A_1397 = tpu.vector_load_idx %arg11[%add3A_1206, %add3A_1396] : memref<128x128xf32, #tpu.memory_space<vmem>>[vector<16xi32>, vector<16xi32>], vector<16xf32>,
        %add3A_1398 = arith.addi %add3A_1375, %and3A_75 : vector<16xi32>
        %gather3A_1399 = tpu.vector_load_idx %arg11[%add3A_1206, %add3A_1398] : memref<128x128xf32, #tpu.memory_space<vmem>>[vector<16xi32>, vector<16xi32>], vector<16xf32>,
        %add3A_1400 = arith.addi %add3A_1375, %and3A_81 : vector<16xi32>
        %gather3A_1401 = tpu.vector_load_idx %arg11[%add3A_1206, %add3A_1400] : memref<128x128xf32, #tpu.memory_space<vmem>>[vector<16xi32>, vector<16xi32>], vector<16xf32>,
        %add3A_1402 = arith.addi %add3A_1375, %and3A_87 : vector<16xi32>
        %gather3A_1403 = tpu.vector_load_idx %arg11[%add3A_1206, %add3A_1402] : memref<128x128xf32, #tpu.memory_space<vmem>>[vector<16xi32>, vector<16xi32>], vector<16xf32>,
        %add3A_1404 = arith.addi %add3A_1375, %and3A_93 : vector<16xi32>
        %gather3A_1405 = tpu.vector_load_idx %arg11[%add3A_1206, %add3A_1404] : memref<128x128xf32, #tpu.memory_space<vmem>>[vector<16xi32>, vector<16xi32>], vector<16xf32>,
        %add3A_1406 = arith.addi %add3A_1375, %and3A_99 : vector<16xi32>
        %gather3A_1407 = tpu.vector_load_idx %arg11[%add3A_1206, %add3A_1406] : memref<128x128xf32, #tpu.memory_space<vmem>>[vector<16xi32>, vector<16xi32>], vector<16xf32>,
        %add3A_1408 = arith.constant 32 : i32
        %add3A_1409 = vector.broadcast %add3A_1408 : i32 to vector<16xi32>
        %add3A_1410 = arith.addi %and3A_9, %add3A_1409 : vector<16xi32>
        tpu.vector_store_idx %arg13[%add3A_1410, %add3A_1206], %gather3A_1377 : memref<64x128xf32, #tpu.memory_space<vmem>>[vector<16xi32>, vector<16xi32>], vector<16xf32>,
        %add3A_1411 = arith.constant 32 : i32
        %add3A_1412 = vector.broadcast %add3A_1411 : i32 to vector<16xi32>
        %add3A_1413 = arith.addi %and3A_15, %add3A_1412 : vector<16xi32>
        tpu.vector_store_idx %arg13[%add3A_1413, %add3A_1206], %gather3A_1379 : memref<64x128xf32, #tpu.memory_space<vmem>>[vector<16xi32>, vector<16xi32>], vector<16xf32>,
        %add3A_1414 = arith.constant 32 : i32
        %add3A_1415 = vector.broadcast %add3A_1414 : i32 to vector<16xi32>
        %add3A_1416 = arith.addi %and3A_21, %add3A_1415 : vector<16xi32>
        tpu.vector_store_idx %arg13[%add3A_1416, %add3A_1206], %gather3A_1381 : memref<64x128xf32, #tpu.memory_space<vmem>>[vector<16xi32>, vector<16xi32>], vector<16xf32>,
        %add3A_1417 = arith.constant 32 : i32
        %add3A_1418 = vector.broadcast %add3A_1417 : i32 to vector<16xi32>
        %add3A_1419 = arith.addi %and3A_27, %add3A_1418 : vector<16xi32>
        tpu.vector_store_idx %arg13[%add3A_1419, %add3A_1206], %gather3A_1383 : memref<64x128xf32, #tpu.memory_space<vmem>>[vector<16xi32>, vector<16xi32>], vector<16xf32>,
        %add3A_1420 = arith.constant 32 : i32
        %add3A_1421 = vector.broadcast %add3A_1420 : i32 to vector<16xi32>
        %add3A_1422 = arith.addi %and3A_33, %add3A_1421 : vector<16xi32>
        tpu.vector_store_idx %arg13[%add3A_1422, %add3A_1206], %gather3A_1385 : memref<64x128xf32, #tpu.memory_space<vmem>>[vector<16xi32>, vector<16xi32>], vector<16xf32>,
        %add3A_1423 = arith.constant 32 : i32
        %add3A_1424 = vector.broadcast %add3A_1423 : i32 to vector<16xi32>
        %add3A_1425 = arith.addi %and3A_39, %add3A_1424 : vector<16xi32>
        tpu.vector_store_idx %arg13[%add3A_1425, %add3A_1206], %gather3A_1387 : memref<64x128xf32, #tpu.memory_space<vmem>>[vector<16xi32>, vector<16xi32>], vector<16xf32>,
        %add3A_1426 = arith.constant 32 : i32
        %add3A_1427 = vector.broadcast %add3A_1426 : i32 to vector<16xi32>
        %add3A_1428 = arith.addi %and3A_45, %add3A_1427 : vector<16xi32>
        tpu.vector_store_idx %arg13[%add3A_1428, %add3A_1206], %gather3A_1389 : memref<64x128xf32, #tpu.memory_space<vmem>>[vector<16xi32>, vector<16xi32>], vector<16xf32>,
        %add3A_1429 = arith.constant 32 : i32
        %add3A_1430 = vector.broadcast %add3A_1429 : i32 to vector<16xi32>
        %add3A_1431 = arith.addi %and3A_51, %add3A_1430 : vector<16xi32>
        tpu.vector_store_idx %arg13[%add3A_1431, %add3A_1206], %gather3A_1391 : memref<64x128xf32, #tpu.memory_space<vmem>>[vector<16xi32>, vector<16xi32>], vector<16xf32>,
        %add3A_1432 = arith.constant 32 : i32
        %add3A_1433 = vector.broadcast %add3A_1432 : i32 to vector<16xi32>
        %add3A_1434 = arith.addi %and3A_57, %add3A_1433 : vector<16xi32>
        tpu.vector_store_idx %arg13[%add3A_1434, %add3A_1206], %gather3A_1393 : memref<64x128xf32, #tpu.memory_space<vmem>>[vector<16xi32>, vector<16xi32>], vector<16xf32>,
        %add3A_1435 = arith.constant 32 : i32
        %add3A_1436 = vector.broadcast %add3A_1435 : i32 to vector<16xi32>
        %add3A_1437 = arith.addi %and3A_63, %add3A_1436 : vector<16xi32>
        tpu.vector_store_idx %arg13[%add3A_1437, %add3A_1206], %gather3A_1395 : memref<64x128xf32, #tpu.memory_space<vmem>>[vector<16xi32>, vector<16xi32>], vector<16xf32>,
        %add3A_1438 = arith.constant 32 : i32
        %add3A_1439 = vector.broadcast %add3A_1438 : i32 to vector<16xi32>
        %add3A_1440 = arith.addi %and3A_69, %add3A_1439 : vector<16xi32>
        tpu.vector_store_idx %arg13[%add3A_1440, %add3A_1206], %gather3A_1397 : memref<64x128xf32, #tpu.memory_space<vmem>>[vector<16xi32>, vector<16xi32>], vector<16xf32>,
        %add3A_1441 = arith.constant 32 : i32
        %add3A_1442 = vector.broadcast %add3A_1441 : i32 to vector<16xi32>
        %add3A_1443 = arith.addi %and3A_75, %add3A_1442 : vector<16xi32>
        tpu.vector_store_idx %arg13[%add3A_1443, %add3A_1206], %gather3A_1399 : memref<64x128xf32, #tpu.memory_space<vmem>>[vector<16xi32>, vector<16xi32>], vector<16xf32>,
        %add3A_1444 = arith.constant 32 : i32
        %add3A_1445 = vector.broadcast %add3A_1444 : i32 to vector<16xi32>
        %add3A_1446 = arith.addi %and3A_81, %add3A_1445 : vector<16xi32>
        tpu.vector_store_idx %arg13[%add3A_1446, %add3A_1206], %gather3A_1401 : memref<64x128xf32, #tpu.memory_space<vmem>>[vector<16xi32>, vector<16xi32>], vector<16xf32>,
        %add3A_1447 = arith.constant 32 : i32
        %add3A_1448 = vector.broadcast %add3A_1447 : i32 to vector<16xi32>
        %add3A_1449 = arith.addi %and3A_87, %add3A_1448 : vector<16xi32>
        tpu.vector_store_idx %arg13[%add3A_1449, %add3A_1206], %gather3A_1403 : memref<64x128xf32, #tpu.memory_space<vmem>>[vector<16xi32>, vector<16xi32>], vector<16xf32>,
        %add3A_1450 = arith.constant 32 : i32
        %add3A_1451 = vector.broadcast %add3A_1450 : i32 to vector<16xi32>
        %add3A_1452 = arith.addi %and3A_93, %add3A_1451 : vector<16xi32>
        tpu.vector_store_idx %arg13[%add3A_1452, %add3A_1206], %gather3A_1405 : memref<64x128xf32, #tpu.memory_space<vmem>>[vector<16xi32>, vector<16xi32>], vector<16xf32>,
        %add3A_1453 = arith.constant 32 : i32
        %add3A_1454 = vector.broadcast %add3A_1453 : i32 to vector<16xi32>
        %add3A_1455 = arith.addi %and3A_99, %add3A_1454 : vector<16xi32>
        tpu.vector_store_idx %arg13[%add3A_1455, %add3A_1206], %gather3A_1407 : memref<64x128xf32, #tpu.memory_space<vmem>>[vector<16xi32>, vector<16xi32>], vector<16xf32>,
        %add3A_1456 = arith.constant 48 : i32
        %add3A_1457 = vector.broadcast %add3A_1456 : i32 to vector<16xi32>
        %add3A_1458 = arith.addi %get3A_1202, %add3A_1457 : vector<16xi32>
        %add3A_1459 = arith.addi %add3A_1458, %and3A_9 : vector<16xi32>
        %gather3A_1460 = tpu.vector_load_idx %arg11[%add3A_1206, %add3A_1459] : memref<128x128xf32, #tpu.memory_space<vmem>>[vector<16xi32>, vector<16xi32>], vector<16xf32>,
        %add3A_1461 = arith.addi %add3A_1458, %and3A_15 : vector<16xi32>
        %gather3A_1462 = tpu.vector_load_idx %arg11[%add3A_1206, %add3A_1461] : memref<128x128xf32, #tpu.memory_space<vmem>>[vector<16xi32>, vector<16xi32>], vector<16xf32>,
        %add3A_1463 = arith.addi %add3A_1458, %and3A_21 : vector<16xi32>
        %gather3A_1464 = tpu.vector_load_idx %arg11[%add3A_1206, %add3A_1463] : memref<128x128xf32, #tpu.memory_space<vmem>>[vector<16xi32>, vector<16xi32>], vector<16xf32>,
        %add3A_1465 = arith.addi %add3A_1458, %and3A_27 : vector<16xi32>
        %gather3A_1466 = tpu.vector_load_idx %arg11[%add3A_1206, %add3A_1465] : memref<128x128xf32, #tpu.memory_space<vmem>>[vector<16xi32>, vector<16xi32>], vector<16xf32>,
        %add3A_1467 = arith.addi %add3A_1458, %and3A_33 : vector<16xi32>
        %gather3A_1468 = tpu.vector_load_idx %arg11[%add3A_1206, %add3A_1467] : memref<128x128xf32, #tpu.memory_space<vmem>>[vector<16xi32>, vector<16xi32>], vector<16xf32>,
        %add3A_1469 = arith.addi %add3A_1458, %and3A_39 : vector<16xi32>
        %gather3A_1470 = tpu.vector_load_idx %arg11[%add3A_1206, %add3A_1469] : memref<128x128xf32, #tpu.memory_space<vmem>>[vector<16xi32>, vector<16xi32>], vector<16xf32>,
        %add3A_1471 = arith.addi %add3A_1458, %and3A_45 : vector<16xi32>
        %gather3A_1472 = tpu.vector_load_idx %arg11[%add3A_1206, %add3A_1471] : memref<128x128xf32, #tpu.memory_space<vmem>>[vector<16xi32>, vector<16xi32>], vector<16xf32>,
        %add3A_1473 = arith.addi %add3A_1458, %and3A_51 : vector<16xi32>
        %gather3A_1474 = tpu.vector_load_idx %arg11[%add3A_1206, %add3A_1473] : memref<128x128xf32, #tpu.memory_space<vmem>>[vector<16xi32>, vector<16xi32>], vector<16xf32>,
        %add3A_1475 = arith.addi %add3A_1458, %and3A_57 : vector<16xi32>
        %gather3A_1476 = tpu.vector_load_idx %arg11[%add3A_1206, %add3A_1475] : memref<128x128xf32, #tpu.memory_space<vmem>>[vector<16xi32>, vector<16xi32>], vector<16xf32>,
        %add3A_1477 = arith.addi %add3A_1458, %and3A_63 : vector<16xi32>
        %gather3A_1478 = tpu.vector_load_idx %arg11[%add3A_1206, %add3A_1477] : memref<128x128xf32, #tpu.memory_space<vmem>>[vector<16xi32>, vector<16xi32>], vector<16xf32>,
        %add3A_1479 = arith.addi %add3A_1458, %and3A_69 : vector<16xi32>
        %gather3A_1480 = tpu.vector_load_idx %arg11[%add3A_1206, %add3A_1479] : memref<128x128xf32, #tpu.memory_space<vmem>>[vector<16xi32>, vector<16xi32>], vector<16xf32>,
        %add3A_1481 = arith.addi %add3A_1458, %and3A_75 : vector<16xi32>
        %gather3A_1482 = tpu.vector_load_idx %arg11[%add3A_1206, %add3A_1481] : memref<128x128xf32, #tpu.memory_space<vmem>>[vector<16xi32>, vector<16xi32>], vector<16xf32>,
        %add3A_1483 = arith.addi %add3A_1458, %and3A_81 : vector<16xi32>
        %gather3A_1484 = tpu.vector_load_idx %arg11[%add3A_1206, %add3A_1483] : memref<128x128xf32, #tpu.memory_space<vmem>>[vector<16xi32>, vector<16xi32>], vector<16xf32>,
        %add3A_1485 = arith.addi %add3A_1458, %and3A_87 : vector<16xi32>
        %gather3A_1486 = tpu.vector_load_idx %arg11[%add3A_1206, %add3A_1485] : memref<128x128xf32, #tpu.memory_space<vmem>>[vector<16xi32>, vector<16xi32>], vector<16xf32>,
        %add3A_1487 = arith.addi %add3A_1458, %and3A_93 : vector<16xi32>
        %gather3A_1488 = tpu.vector_load_idx %arg11[%add3A_1206, %add3A_1487] : memref<128x128xf32, #tpu.memory_space<vmem>>[vector<16xi32>, vector<16xi32>], vector<16xf32>,
        %add3A_1489 = arith.addi %add3A_1458, %and3A_99 : vector<16xi32>
        %gather3A_1490 = tpu.vector_load_idx %arg11[%add3A_1206, %add3A_1489] : memref<128x128xf32, #tpu.memory_space<vmem>>[vector<16xi32>, vector<16xi32>], vector<16xf32>,
        %add3A_1491 = arith.constant 48 : i32
        %add3A_1492 = vector.broadcast %add3A_1491 : i32 to vector<16xi32>
        %add3A_1493 = arith.addi %and3A_9, %add3A_1492 : vector<16xi32>
        tpu.vector_store_idx %arg13[%add3A_1493, %add3A_1206], %gather3A_1460 : memref<64x128xf32, #tpu.memory_space<vmem>>[vector<16xi32>, vector<16xi32>], vector<16xf32>,
        %add3A_1494 = arith.constant 48 : i32
        %add3A_1495 = vector.broadcast %add3A_1494 : i32 to vector<16xi32>
        %add3A_1496 = arith.addi %and3A_15, %add3A_1495 : vector<16xi32>
        tpu.vector_store_idx %arg13[%add3A_1496, %add3A_1206], %gather3A_1462 : memref<64x128xf32, #tpu.memory_space<vmem>>[vector<16xi32>, vector<16xi32>], vector<16xf32>,
        %add3A_1497 = arith.constant 48 : i32
        %add3A_1498 = vector.broadcast %add3A_1497 : i32 to vector<16xi32>
        %add3A_1499 = arith.addi %and3A_21, %add3A_1498 : vector<16xi32>
        tpu.vector_store_idx %arg13[%add3A_1499, %add3A_1206], %gather3A_1464 : memref<64x128xf32, #tpu.memory_space<vmem>>[vector<16xi32>, vector<16xi32>], vector<16xf32>,
        %add3A_1500 = arith.constant 48 : i32
        %add3A_1501 = vector.broadcast %add3A_1500 : i32 to vector<16xi32>
        %add3A_1502 = arith.addi %and3A_27, %add3A_1501 : vector<16xi32>
        tpu.vector_store_idx %arg13[%add3A_1502, %add3A_1206], %gather3A_1466 : memref<64x128xf32, #tpu.memory_space<vmem>>[vector<16xi32>, vector<16xi32>], vector<16xf32>,
        %add3A_1503 = arith.constant 48 : i32
        %add3A_1504 = vector.broadcast %add3A_1503 : i32 to vector<16xi32>
        %add3A_1505 = arith.addi %and3A_33, %add3A_1504 : vector<16xi32>
        tpu.vector_store_idx %arg13[%add3A_1505, %add3A_1206], %gather3A_1468 : memref<64x128xf32, #tpu.memory_space<vmem>>[vector<16xi32>, vector<16xi32>], vector<16xf32>,
        %add3A_1506 = arith.constant 48 : i32
        %add3A_1507 = vector.broadcast %add3A_1506 : i32 to vector<16xi32>
        %add3A_1508 = arith.addi %and3A_39, %add3A_1507 : vector<16xi32>
        tpu.vector_store_idx %arg13[%add3A_1508, %add3A_1206], %gather3A_1470 : memref<64x128xf32, #tpu.memory_space<vmem>>[vector<16xi32>, vector<16xi32>], vector<16xf32>,
        %add3A_1509 = arith.constant 48 : i32
        %add3A_1510 = vector.broadcast %add3A_1509 : i32 to vector<16xi32>
        %add3A_1511 = arith.addi %and3A_45, %add3A_1510 : vector<16xi32>
        tpu.vector_store_idx %arg13[%add3A_1511, %add3A_1206], %gather3A_1472 : memref<64x128xf32, #tpu.memory_space<vmem>>[vector<16xi32>, vector<16xi32>], vector<16xf32>,
        %add3A_1512 = arith.constant 48 : i32
        %add3A_1513 = vector.broadcast %add3A_1512 : i32 to vector<16xi32>
        %add3A_1514 = arith.addi %and3A_51, %add3A_1513 : vector<16xi32>
        tpu.vector_store_idx %arg13[%add3A_1514, %add3A_1206], %gather3A_1474 : memref<64x128xf32, #tpu.memory_space<vmem>>[vector<16xi32>, vector<16xi32>], vector<16xf32>,
        %add3A_1515 = arith.constant 48 : i32
        %add3A_1516 = vector.broadcast %add3A_1515 : i32 to vector<16xi32>
        %add3A_1517 = arith.addi %and3A_57, %add3A_1516 : vector<16xi32>
        tpu.vector_store_idx %arg13[%add3A_1517, %add3A_1206], %gather3A_1476 : memref<64x128xf32, #tpu.memory_space<vmem>>[vector<16xi32>, vector<16xi32>], vector<16xf32>,
        %add3A_1518 = arith.constant 48 : i32
        %add3A_1519 = vector.broadcast %add3A_1518 : i32 to vector<16xi32>
        %add3A_1520 = arith.addi %and3A_63, %add3A_1519 : vector<16xi32>
        tpu.vector_store_idx %arg13[%add3A_1520, %add3A_1206], %gather3A_1478 : memref<64x128xf32, #tpu.memory_space<vmem>>[vector<16xi32>, vector<16xi32>], vector<16xf32>,
        %add3A_1521 = arith.constant 48 : i32
        %add3A_1522 = vector.broadcast %add3A_1521 : i32 to vector<16xi32>
        %add3A_1523 = arith.addi %and3A_69, %add3A_1522 : vector<16xi32>
        tpu.vector_store_idx %arg13[%add3A_1523, %add3A_1206], %gather3A_1480 : memref<64x128xf32, #tpu.memory_space<vmem>>[vector<16xi32>, vector<16xi32>], vector<16xf32>,
        %add3A_1524 = arith.constant 48 : i32
        %add3A_1525 = vector.broadcast %add3A_1524 : i32 to vector<16xi32>
        %add3A_1526 = arith.addi %and3A_75, %add3A_1525 : vector<16xi32>
        tpu.vector_store_idx %arg13[%add3A_1526, %add3A_1206], %gather3A_1482 : memref<64x128xf32, #tpu.memory_space<vmem>>[vector<16xi32>, vector<16xi32>], vector<16xf32>,
        %add3A_1527 = arith.constant 48 : i32
        %add3A_1528 = vector.broadcast %add3A_1527 : i32 to vector<16xi32>
        %add3A_1529 = arith.addi %and3A_81, %add3A_1528 : vector<16xi32>
        tpu.vector_store_idx %arg13[%add3A_1529, %add3A_1206], %gather3A_1484 : memref<64x128xf32, #tpu.memory_space<vmem>>[vector<16xi32>, vector<16xi32>], vector<16xf32>,
        %add3A_1530 = arith.constant 48 : i32
        %add3A_1531 = vector.broadcast %add3A_1530 : i32 to vector<16xi32>
        %add3A_1532 = arith.addi %and3A_87, %add3A_1531 : vector<16xi32>
        tpu.vector_store_idx %arg13[%add3A_1532, %add3A_1206], %gather3A_1486 : memref<64x128xf32, #tpu.memory_space<vmem>>[vector<16xi32>, vector<16xi32>], vector<16xf32>,
        %add3A_1533 = arith.constant 48 : i32
        %add3A_1534 = vector.broadcast %add3A_1533 : i32 to vector<16xi32>
        %add3A_1535 = arith.addi %and3A_93, %add3A_1534 : vector<16xi32>
        tpu.vector_store_idx %arg13[%add3A_1535, %add3A_1206], %gather3A_1488 : memref<64x128xf32, #tpu.memory_space<vmem>>[vector<16xi32>, vector<16xi32>], vector<16xf32>,
        %add3A_1536 = arith.constant 48 : i32
        %add3A_1537 = vector.broadcast %add3A_1536 : i32 to vector<16xi32>
        %add3A_1538 = arith.addi %and3A_99, %add3A_1537 : vector<16xi32>
        tpu.vector_store_idx %arg13[%add3A_1538, %add3A_1206], %gather3A_1490 : memref<64x128xf32, #tpu.memory_space<vmem>>[vector<16xi32>, vector<16xi32>], vector<16xf32>,
      }
      %scan3A_829 = arith.constant 8 : i32
      %sub3A_830 = arith.constant 1 : i32
      %sub3A_831 = arith.subi %mul3A_578, %sub3A_830 : i32
      %jit3A_832 = arith.constant 50 : i32
      %eq3A_833 = arith.constant 0 : i32
      %eq3A_834 = arith.cmpi eq, %jit3A_832, %eq3A_833 : i32
      %jit3A_835 = arith.constant 1 : i32
      %select_n3A_836 = arith.select %eq3A_834, %jit3A_835, %jit3A_832 : i32
      %rem3A_837 = arith.remsi %sub3A_831, %select_n3A_836 : i32
      %ne3A_838 = arith.constant 0 : i32
      %ne3A_839 = arith.cmpi ne, %rem3A_837, %ne3A_838 : i32
      %lt3A_840 = arith.constant 0 : i32
      %lt3A_841 = arith.cmpi slt, %rem3A_837, %lt3A_840 : i32
      %lt3A_842 = arith.constant 0 : i32
      %lt3A_843 = arith.cmpi slt, %select_n3A_836, %lt3A_842 : i32
      %ne3A_844 = arith.xori %lt3A_841, %lt3A_843 : i1
      %and3A_845 = arith.andi %ne3A_844, %ne3A_839 : i1
      %add3A_846 = arith.addi %rem3A_837, %select_n3A_836 : i32
      %select_n3A_847 = arith.select %and3A_845, %add3A_846, %rem3A_837 : i32
      %mul3A_848 = arith.constant 4 : i32
      %mul3A_849 = arith.muli %add3A, %mul3A_848 : i32
      %jit3A_850 = arith.constant 50 : i32
      %div3A_851 = arith.divsi %sub3A_831, %jit3A_850 : i32
      %sign3A_852 = arith.constant 0 : i32
      %sign3A_853 = arith.cmpi sgt, %sub3A_831, %sign3A_852 : i32
      %sign3A_854 = arith.extui %sign3A_853 : i1 to i32
      %sign3A_855 = arith.constant 0 : i32
      %sign3A_856 = arith.cmpi slt, %sub3A_831, %sign3A_855 : i32
      %sign3A_857 = arith.extui %sign3A_856 : i1 to i32
      %sign3A_858 = arith.subi %sign3A_854, %sign3A_857 : i32
      %sign3A_859 = arith.constant 0 : i32
      %sign3A_860 = arith.cmpi sgt, %jit3A_850, %sign3A_859 : i32
      %sign3A_861 = arith.extui %sign3A_860 : i1 to i32
      %sign3A_862 = arith.constant 0 : i32
      %sign3A_863 = arith.cmpi slt, %jit3A_850, %sign3A_862 : i32
      %sign3A_864 = arith.extui %sign3A_863 : i1 to i32
      %sign3A_865 = arith.subi %sign3A_861, %sign3A_864 : i32
      %ne3A_866 = arith.cmpi ne, %sign3A_858, %sign3A_865 : i32
      %rem3A_867 = arith.remsi %sub3A_831, %jit3A_850 : i32
      %ne3A_868 = arith.constant 0 : i32
      %ne3A_869 = arith.cmpi ne, %rem3A_867, %ne3A_868 : i32
      %and3A_870 = arith.andi %ne3A_866, %ne3A_869 : i1
      %sub3A_871 = arith.constant 1 : i32
      %sub3A_872 = arith.subi %div3A_851, %sub3A_871 : i32
      %select_n3A_873 = arith.select %and3A_870, %sub3A_872, %div3A_851 : i32
      %add3A_874 = arith.addi %mul3A_849, %select_n3A_873 : i32
      %mul3A_875 = arith.constant 128 : i32
      %mul3A_876 = arith.muli %add3A_874, %mul3A_875 : i32
      %dma_start3A_877 = arith.constant 0 : i32
      %dma_start3A_878 = tpu.memref_slice %arg4[%select_n3A_847, %dma_start3A_877, %mul3A_876] : memref<50x64x16384xf32, #tpu.memory_space<hbm>> -> memref<1x64x128xf32, #tpu.memory_space<hbm>>
      %dma_start3A_879 = tpu.memref_squeeze %dma_start3A_878 : memref<1x64x128xf32, #tpu.memory_space<hbm>> -> memref<64x128xf32, #tpu.memory_space<hbm>>
      %dma_start3A_880 = arith.constant 0 : i32
      %dma_start3A_881 = tpu.memref_slice %arg4[%select_n3A_847, %dma_start3A_880, %mul3A_876] : memref<50x64x16384xf32, #tpu.memory_space<hbm>> -> memref<1x64x128xf32, #tpu.memory_space<hbm>>
      %dma_start3A_882 = tpu.memref_squeeze %dma_start3A_881 : memref<1x64x128xf32, #tpu.memory_space<hbm>> -> memref<64x128xf32, #tpu.memory_space<hbm>>
      tpu.enqueue_dma source(%arg13 : memref<64x128xf32, #tpu.memory_space<vmem>>) target(%dma_start3A_882 : memref<64x128xf32, #tpu.memory_space<hbm>>) target_semaphore(%arg17 : memref<!tpu.dma_semaphore, #tpu.memory_space<semaphore_mem>>)
      %mul3A_883 = arith.constant 2 : i32
      %mul3A_884 = arith.muli %mul3A_883, %scan3A_576 : i32
      %add3A_885 = arith.constant 1 : i32
      %add3A_886 = arith.addi %mul3A_884, %add3A_885 : i32
      %jit3A_887 = arith.constant 50 : i32
      %div3A_888 = arith.divsi %add3A_886, %jit3A_887 : i32
      %sign3A_889 = arith.constant 0 : i32
      %sign3A_890 = arith.cmpi sgt, %add3A_886, %sign3A_889 : i32
      %sign3A_891 = arith.extui %sign3A_890 : i1 to i32
      %sign3A_892 = arith.constant 0 : i32
      %sign3A_893 = arith.cmpi slt, %add3A_886, %sign3A_892 : i32
      %sign3A_894 = arith.extui %sign3A_893 : i1 to i32
      %sign3A_895 = arith.subi %sign3A_891, %sign3A_894 : i32
      %sign3A_896 = arith.constant 0 : i32
      %sign3A_897 = arith.cmpi sgt, %jit3A_887, %sign3A_896 : i32
      %sign3A_898 = arith.extui %sign3A_897 : i1 to i32
      %sign3A_899 = arith.constant 0 : i32
      %sign3A_900 = arith.cmpi slt, %jit3A_887, %sign3A_899 : i32
      %sign3A_901 = arith.extui %sign3A_900 : i1 to i32
      %sign3A_902 = arith.subi %sign3A_898, %sign3A_901 : i32
      %ne3A_903 = arith.cmpi ne, %sign3A_895, %sign3A_902 : i32
      %rem3A_904 = arith.remsi %add3A_886, %jit3A_887 : i32
      %ne3A_905 = arith.constant 0 : i32
      %ne3A_906 = arith.cmpi ne, %rem3A_904, %ne3A_905 : i32
      %and3A_907 = arith.andi %ne3A_903, %ne3A_906 : i1
      %sub3A_908 = arith.constant 1 : i32
      %sub3A_909 = arith.subi %div3A_888, %sub3A_908 : i32
      %select_n3A_910 = arith.select %and3A_907, %sub3A_909, %div3A_888 : i32
      %mul3A_911 = arith.constant 6400 : i32
      %mul3A_912 = arith.muli %select_n3A_910, %mul3A_911 : i32
      %jit3A_913 = arith.constant 50 : i32
      %eq3A_914 = arith.constant 0 : i32
      %eq3A_915 = arith.cmpi eq, %jit3A_913, %eq3A_914 : i32
      %jit3A_916 = arith.constant 1 : i32
      %select_n3A_917 = arith.select %eq3A_915, %jit3A_916, %jit3A_913 : i32
      %rem3A_918 = arith.remsi %add3A_886, %select_n3A_917 : i32
      %ne3A_919 = arith.constant 0 : i32
      %ne3A_920 = arith.cmpi ne, %rem3A_918, %ne3A_919 : i32
      %lt3A_921 = arith.constant 0 : i32
      %lt3A_922 = arith.cmpi slt, %rem3A_918, %lt3A_921 : i32
      %lt3A_923 = arith.constant 0 : i32
      %lt3A_924 = arith.cmpi slt, %select_n3A_917, %lt3A_923 : i32
      %ne3A_925 = arith.xori %lt3A_922, %lt3A_924 : i1
      %and3A_926 = arith.andi %ne3A_925, %ne3A_920 : i1
      %add3A_927 = arith.addi %rem3A_918, %select_n3A_917 : i32
      %select_n3A_928 = arith.select %and3A_926, %add3A_927, %rem3A_918 : i32
      %add3A_929 = arith.addi %mul3A_912, %select_n3A_928 : i32
      %add3A_930 = arith.constant 0 : i32
      %add3A_931 = vector.broadcast %add3A_930 : i32 to vector<16xi32>
      %add3A_932 = arith.addi %iota3A, %add3A_931 : vector<16xi32>
      %mul3A_933 = arith.constant 50 : i32
      %mul3A_934 = vector.broadcast %mul3A_933 : i32 to vector<16xi32>
      %mul3A_935 = arith.muli %add3A_932, %mul3A_934 : vector<16xi32>
      %add3A_936 = vector.broadcast %add3A_929 : i32 to vector<16xi32>
      %add3A_937 = arith.addi %mul3A_935, %add3A_936 : vector<16xi32>
      %gather3A_938 = tpu.vector_load_idx %arg5[%add3A_937] : memref<25600xi32, #tpu.memory_space<vmem>>[vector<16xi32>], vector<16xi32>,
      %shift_right_logical3A_939 = arith.constant 1 : i32
      %shift_right_logical3A_940 = vector.broadcast %shift_right_logical3A_939 : i32 to vector<16xi32>
      %shift_right_logical3A_941 = arith.shrui %gather3A_938, %shift_right_logical3A_940 : vector<16xi32>
      %swap3A_942 = arith.constant 0 : index
      %swap3A_943 = tpu.vector_load %arg7[%swap3A_942] {strides = array<i32>} : memref<128xi32, #tpu.memory_space<vmem>>, vector<16xi32>,
      tpu.vector_store %arg7[%swap3A_942], %shift_right_logical3A_941 {strides = array<i32>} : memref<128xi32, #tpu.memory_space<vmem>>, vector<16xi32>,
      %and3A_944 = arith.constant 1 : i32
      %and3A_945 = vector.broadcast %and3A_944 : i32 to vector<16xi32>
      %and3A_946 = arith.andi %gather3A_938, %and3A_945 : vector<16xi32>
      %mul3A_947 = arith.constant 64 : i32
      %mul3A_948 = vector.broadcast %mul3A_947 : i32 to vector<16xi32>
      %mul3A_949 = arith.muli %and3A_946, %mul3A_948 : vector<16xi32>
      %swap3A_950 = arith.constant 0 : i32
      %swap3A_951 = arith.index_cast %swap3A_950 : i32 to index
      %swap3A_952 = arith.constant 0 : index
      %swap3A_953 = tpu.vector_load %arg9[%swap3A_951, %swap3A_952] {strides = array<i32>} : memref<8x16xi32, #tpu.memory_space<vmem>>, vector<16xi32>,
      tpu.vector_store %arg9[%swap3A_951, %swap3A_952], %mul3A_949 {strides = array<i32>} : memref<8x16xi32, #tpu.memory_space<vmem>>, vector<16xi32>,
      %add3A_954 = arith.constant 16 : i32
      %add3A_955 = vector.broadcast %add3A_954 : i32 to vector<16xi32>
      %add3A_956 = arith.addi %iota3A, %add3A_955 : vector<16xi32>
      %mul3A_957 = arith.constant 50 : i32
      %mul3A_958 = vector.broadcast %mul3A_957 : i32 to vector<16xi32>
      %mul3A_959 = arith.muli %add3A_956, %mul3A_958 : vector<16xi32>
      %add3A_960 = vector.broadcast %add3A_929 : i32 to vector<16xi32>
      %add3A_961 = arith.addi %mul3A_959, %add3A_960 : vector<16xi32>
      %gather3A_962 = tpu.vector_load_idx %arg5[%add3A_961] : memref<25600xi32, #tpu.memory_space<vmem>>[vector<16xi32>], vector<16xi32>,
      %shift_right_logical3A_963 = arith.constant 1 : i32
      %shift_right_logical3A_964 = vector.broadcast %shift_right_logical3A_963 : i32 to vector<16xi32>
      %shift_right_logical3A_965 = arith.shrui %gather3A_962, %shift_right_logical3A_964 : vector<16xi32>
      %swap3A_966 = arith.constant 16 : index
      %swap3A_967 = tpu.vector_load %arg7[%swap3A_966] {strides = array<i32>} : memref<128xi32, #tpu.memory_space<vmem>>, vector<16xi32>,
      tpu.vector_store %arg7[%swap3A_966], %shift_right_logical3A_965 {strides = array<i32>} : memref<128xi32, #tpu.memory_space<vmem>>, vector<16xi32>,
      %and3A_968 = arith.constant 1 : i32
      %and3A_969 = vector.broadcast %and3A_968 : i32 to vector<16xi32>
      %and3A_970 = arith.andi %gather3A_962, %and3A_969 : vector<16xi32>
      %mul3A_971 = arith.constant 64 : i32
      %mul3A_972 = vector.broadcast %mul3A_971 : i32 to vector<16xi32>
      %mul3A_973 = arith.muli %and3A_970, %mul3A_972 : vector<16xi32>
      %swap3A_974 = arith.constant 1 : i32
      %swap3A_975 = arith.index_cast %swap3A_974 : i32 to index
      %swap3A_976 = arith.constant 0 : index
      %swap3A_977 = tpu.vector_load %arg9[%swap3A_975, %swap3A_976] {strides = array<i32>} : memref<8x16xi32, #tpu.memory_space<vmem>>, vector<16xi32>,
      tpu.vector_store %arg9[%swap3A_975, %swap3A_976], %mul3A_973 {strides = array<i32>} : memref<8x16xi32, #tpu.memory_space<vmem>>, vector<16xi32>,
      %add3A_978 = arith.constant 32 : i32
      %add3A_979 = vector.broadcast %add3A_978 : i32 to vector<16xi32>
      %add3A_980 = arith.addi %iota3A, %add3A_979 : vector<16xi32>
      %mul3A_981 = arith.constant 50 : i32
      %mul3A_982 = vector.broadcast %mul3A_981 : i32 to vector<16xi32>
      %mul3A_983 = arith.muli %add3A_980, %mul3A_982 : vector<16xi32>
      %add3A_984 = vector.broadcast %add3A_929 : i32 to vector<16xi32>
      %add3A_985 = arith.addi %mul3A_983, %add3A_984 : vector<16xi32>
      %gather3A_986 = tpu.vector_load_idx %arg5[%add3A_985] : memref<25600xi32, #tpu.memory_space<vmem>>[vector<16xi32>], vector<16xi32>,
      %shift_right_logical3A_987 = arith.constant 1 : i32
      %shift_right_logical3A_988 = vector.broadcast %shift_right_logical3A_987 : i32 to vector<16xi32>
      %shift_right_logical3A_989 = arith.shrui %gather3A_986, %shift_right_logical3A_988 : vector<16xi32>
      %swap3A_990 = arith.constant 32 : index
      %swap3A_991 = tpu.vector_load %arg7[%swap3A_990] {strides = array<i32>} : memref<128xi32, #tpu.memory_space<vmem>>, vector<16xi32>,
      tpu.vector_store %arg7[%swap3A_990], %shift_right_logical3A_989 {strides = array<i32>} : memref<128xi32, #tpu.memory_space<vmem>>, vector<16xi32>,
      %and3A_992 = arith.constant 1 : i32
      %and3A_993 = vector.broadcast %and3A_992 : i32 to vector<16xi32>
      %and3A_994 = arith.andi %gather3A_986, %and3A_993 : vector<16xi32>
      %mul3A_995 = arith.constant 64 : i32
      %mul3A_996 = vector.broadcast %mul3A_995 : i32 to vector<16xi32>
      %mul3A_997 = arith.muli %and3A_994, %mul3A_996 : vector<16xi32>
      %swap3A_998 = arith.constant 2 : i32
      %swap3A_999 = arith.index_cast %swap3A_998 : i32 to index
      %swap3A_1000 = arith.constant 0 : index
      %swap3A_1001 = tpu.vector_load %arg9[%swap3A_999, %swap3A_1000] {strides = array<i32>} : memref<8x16xi32, #tpu.memory_space<vmem>>, vector<16xi32>,
      tpu.vector_store %arg9[%swap3A_999, %swap3A_1000], %mul3A_997 {strides = array<i32>} : memref<8x16xi32, #tpu.memory_space<vmem>>, vector<16xi32>,
      %add3A_1002 = arith.constant 48 : i32
      %add3A_1003 = vector.broadcast %add3A_1002 : i32 to vector<16xi32>
      %add3A_1004 = arith.addi %iota3A, %add3A_1003 : vector<16xi32>
      %mul3A_1005 = arith.constant 50 : i32
      %mul3A_1006 = vector.broadcast %mul3A_1005 : i32 to vector<16xi32>
      %mul3A_1007 = arith.muli %add3A_1004, %mul3A_1006 : vector<16xi32>
      %add3A_1008 = vector.broadcast %add3A_929 : i32 to vector<16xi32>
      %add3A_1009 = arith.addi %mul3A_1007, %add3A_1008 : vector<16xi32>
      %gather3A_1010 = tpu.vector_load_idx %arg5[%add3A_1009] : memref<25600xi32, #tpu.memory_space<vmem>>[vector<16xi32>], vector<16xi32>,
      %shift_right_logical3A_1011 = arith.constant 1 : i32
      %shift_right_logical3A_1012 = vector.broadcast %shift_right_logical3A_1011 : i32 to vector<16xi32>
      %shift_right_logical3A_1013 = arith.shrui %gather3A_1010, %shift_right_logical3A_1012 : vector<16xi32>
      %swap3A_1014 = arith.constant 48 : index
      %swap3A_1015 = tpu.vector_load %arg7[%swap3A_1014] {strides = array<i32>} : memref<128xi32, #tpu.memory_space<vmem>>, vector<16xi32>,
      tpu.vector_store %arg7[%swap3A_1014], %shift_right_logical3A_1013 {strides = array<i32>} : memref<128xi32, #tpu.memory_space<vmem>>, vector<16xi32>,
      %and3A_1016 = arith.constant 1 : i32
      %and3A_1017 = vector.broadcast %and3A_1016 : i32 to vector<16xi32>
      %and3A_1018 = arith.andi %gather3A_1010, %and3A_1017 : vector<16xi32>
      %mul3A_1019 = arith.constant 64 : i32
      %mul3A_1020 = vector.broadcast %mul3A_1019 : i32 to vector<16xi32>
      %mul3A_1021 = arith.muli %and3A_1018, %mul3A_1020 : vector<16xi32>
      %swap3A_1022 = arith.constant 3 : i32
      %swap3A_1023 = arith.index_cast %swap3A_1022 : i32 to index
      %swap3A_1024 = arith.constant 0 : index
      %swap3A_1025 = tpu.vector_load %arg9[%swap3A_1023, %swap3A_1024] {strides = array<i32>} : memref<8x16xi32, #tpu.memory_space<vmem>>, vector<16xi32>,
      tpu.vector_store %arg9[%swap3A_1023, %swap3A_1024], %mul3A_1021 {strides = array<i32>} : memref<8x16xi32, #tpu.memory_space<vmem>>, vector<16xi32>,
      %add3A_1026 = arith.constant 64 : i32
      %add3A_1027 = vector.broadcast %add3A_1026 : i32 to vector<16xi32>
      %add3A_1028 = arith.addi %iota3A, %add3A_1027 : vector<16xi32>
      %mul3A_1029 = arith.constant 50 : i32
      %mul3A_1030 = vector.broadcast %mul3A_1029 : i32 to vector<16xi32>
      %mul3A_1031 = arith.muli %add3A_1028, %mul3A_1030 : vector<16xi32>
      %add3A_1032 = vector.broadcast %add3A_929 : i32 to vector<16xi32>
      %add3A_1033 = arith.addi %mul3A_1031, %add3A_1032 : vector<16xi32>
      %gather3A_1034 = tpu.vector_load_idx %arg5[%add3A_1033] : memref<25600xi32, #tpu.memory_space<vmem>>[vector<16xi32>], vector<16xi32>,
      %shift_right_logical3A_1035 = arith.constant 1 : i32
      %shift_right_logical3A_1036 = vector.broadcast %shift_right_logical3A_1035 : i32 to vector<16xi32>
      %shift_right_logical3A_1037 = arith.shrui %gather3A_1034, %shift_right_logical3A_1036 : vector<16xi32>
      %swap3A_1038 = arith.constant 64 : index
      %swap3A_1039 = tpu.vector_load %arg7[%swap3A_1038] {strides = array<i32>} : memref<128xi32, #tpu.memory_space<vmem>>, vector<16xi32>,
      tpu.vector_store %arg7[%swap3A_1038], %shift_right_logical3A_1037 {strides = array<i32>} : memref<128xi32, #tpu.memory_space<vmem>>, vector<16xi32>,
      %and3A_1040 = arith.constant 1 : i32
      %and3A_1041 = vector.broadcast %and3A_1040 : i32 to vector<16xi32>
      %and3A_1042 = arith.andi %gather3A_1034, %and3A_1041 : vector<16xi32>
      %mul3A_1043 = arith.constant 64 : i32
      %mul3A_1044 = vector.broadcast %mul3A_1043 : i32 to vector<16xi32>
      %mul3A_1045 = arith.muli %and3A_1042, %mul3A_1044 : vector<16xi32>
      %swap3A_1046 = arith.constant 4 : i32
      %swap3A_1047 = arith.index_cast %swap3A_1046 : i32 to index
      %swap3A_1048 = arith.constant 0 : index
      %swap3A_1049 = tpu.vector_load %arg9[%swap3A_1047, %swap3A_1048] {strides = array<i32>} : memref<8x16xi32, #tpu.memory_space<vmem>>, vector<16xi32>,
      tpu.vector_store %arg9[%swap3A_1047, %swap3A_1048], %mul3A_1045 {strides = array<i32>} : memref<8x16xi32, #tpu.memory_space<vmem>>, vector<16xi32>,
      %add3A_1050 = arith.constant 80 : i32
      %add3A_1051 = vector.broadcast %add3A_1050 : i32 to vector<16xi32>
      %add3A_1052 = arith.addi %iota3A, %add3A_1051 : vector<16xi32>
      %mul3A_1053 = arith.constant 50 : i32
      %mul3A_1054 = vector.broadcast %mul3A_1053 : i32 to vector<16xi32>
      %mul3A_1055 = arith.muli %add3A_1052, %mul3A_1054 : vector<16xi32>
      %add3A_1056 = vector.broadcast %add3A_929 : i32 to vector<16xi32>
      %add3A_1057 = arith.addi %mul3A_1055, %add3A_1056 : vector<16xi32>
      %gather3A_1058 = tpu.vector_load_idx %arg5[%add3A_1057] : memref<25600xi32, #tpu.memory_space<vmem>>[vector<16xi32>], vector<16xi32>,
      %shift_right_logical3A_1059 = arith.constant 1 : i32
      %shift_right_logical3A_1060 = vector.broadcast %shift_right_logical3A_1059 : i32 to vector<16xi32>
      %shift_right_logical3A_1061 = arith.shrui %gather3A_1058, %shift_right_logical3A_1060 : vector<16xi32>
      %swap3A_1062 = arith.constant 80 : index
      %swap3A_1063 = tpu.vector_load %arg7[%swap3A_1062] {strides = array<i32>} : memref<128xi32, #tpu.memory_space<vmem>>, vector<16xi32>,
      tpu.vector_store %arg7[%swap3A_1062], %shift_right_logical3A_1061 {strides = array<i32>} : memref<128xi32, #tpu.memory_space<vmem>>, vector<16xi32>,
      %and3A_1064 = arith.constant 1 : i32
      %and3A_1065 = vector.broadcast %and3A_1064 : i32 to vector<16xi32>
      %and3A_1066 = arith.andi %gather3A_1058, %and3A_1065 : vector<16xi32>
      %mul3A_1067 = arith.constant 64 : i32
      %mul3A_1068 = vector.broadcast %mul3A_1067 : i32 to vector<16xi32>
      %mul3A_1069 = arith.muli %and3A_1066, %mul3A_1068 : vector<16xi32>
      %swap3A_1070 = arith.constant 5 : i32
      %swap3A_1071 = arith.index_cast %swap3A_1070 : i32 to index
      %swap3A_1072 = arith.constant 0 : index
      %swap3A_1073 = tpu.vector_load %arg9[%swap3A_1071, %swap3A_1072] {strides = array<i32>} : memref<8x16xi32, #tpu.memory_space<vmem>>, vector<16xi32>,
      tpu.vector_store %arg9[%swap3A_1071, %swap3A_1072], %mul3A_1069 {strides = array<i32>} : memref<8x16xi32, #tpu.memory_space<vmem>>, vector<16xi32>,
      %add3A_1074 = arith.constant 96 : i32
      %add3A_1075 = vector.broadcast %add3A_1074 : i32 to vector<16xi32>
      %add3A_1076 = arith.addi %iota3A, %add3A_1075 : vector<16xi32>
      %mul3A_1077 = arith.constant 50 : i32
      %mul3A_1078 = vector.broadcast %mul3A_1077 : i32 to vector<16xi32>
      %mul3A_1079 = arith.muli %add3A_1076, %mul3A_1078 : vector<16xi32>
      %add3A_1080 = vector.broadcast %add3A_929 : i32 to vector<16xi32>
      %add3A_1081 = arith.addi %mul3A_1079, %add3A_1080 : vector<16xi32>
      %gather3A_1082 = tpu.vector_load_idx %arg5[%add3A_1081] : memref<25600xi32, #tpu.memory_space<vmem>>[vector<16xi32>], vector<16xi32>,
      %shift_right_logical3A_1083 = arith.constant 1 : i32
      %shift_right_logical3A_1084 = vector.broadcast %shift_right_logical3A_1083 : i32 to vector<16xi32>
      %shift_right_logical3A_1085 = arith.shrui %gather3A_1082, %shift_right_logical3A_1084 : vector<16xi32>
      %swap3A_1086 = arith.constant 96 : index
      %swap3A_1087 = tpu.vector_load %arg7[%swap3A_1086] {strides = array<i32>} : memref<128xi32, #tpu.memory_space<vmem>>, vector<16xi32>,
      tpu.vector_store %arg7[%swap3A_1086], %shift_right_logical3A_1085 {strides = array<i32>} : memref<128xi32, #tpu.memory_space<vmem>>, vector<16xi32>,
      %and3A_1088 = arith.constant 1 : i32
      %and3A_1089 = vector.broadcast %and3A_1088 : i32 to vector<16xi32>
      %and3A_1090 = arith.andi %gather3A_1082, %and3A_1089 : vector<16xi32>
      %mul3A_1091 = arith.constant 64 : i32
      %mul3A_1092 = vector.broadcast %mul3A_1091 : i32 to vector<16xi32>
      %mul3A_1093 = arith.muli %and3A_1090, %mul3A_1092 : vector<16xi32>
      %swap3A_1094 = arith.constant 6 : i32
      %swap3A_1095 = arith.index_cast %swap3A_1094 : i32 to index
      %swap3A_1096 = arith.constant 0 : index
      %swap3A_1097 = tpu.vector_load %arg9[%swap3A_1095, %swap3A_1096] {strides = array<i32>} : memref<8x16xi32, #tpu.memory_space<vmem>>, vector<16xi32>,
      tpu.vector_store %arg9[%swap3A_1095, %swap3A_1096], %mul3A_1093 {strides = array<i32>} : memref<8x16xi32, #tpu.memory_space<vmem>>, vector<16xi32>,
      %add3A_1098 = arith.constant 112 : i32
      %add3A_1099 = vector.broadcast %add3A_1098 : i32 to vector<16xi32>
      %add3A_1100 = arith.addi %iota3A, %add3A_1099 : vector<16xi32>
      %mul3A_1101 = arith.constant 50 : i32
      %mul3A_1102 = vector.broadcast %mul3A_1101 : i32 to vector<16xi32>
      %mul3A_1103 = arith.muli %add3A_1100, %mul3A_1102 : vector<16xi32>
      %add3A_1104 = vector.broadcast %add3A_929 : i32 to vector<16xi32>
      %add3A_1105 = arith.addi %mul3A_1103, %add3A_1104 : vector<16xi32>
      %gather3A_1106 = tpu.vector_load_idx %arg5[%add3A_1105] : memref<25600xi32, #tpu.memory_space<vmem>>[vector<16xi32>], vector<16xi32>,
      %shift_right_logical3A_1107 = arith.constant 1 : i32
      %shift_right_logical3A_1108 = vector.broadcast %shift_right_logical3A_1107 : i32 to vector<16xi32>
      %shift_right_logical3A_1109 = arith.shrui %gather3A_1106, %shift_right_logical3A_1108 : vector<16xi32>
      %swap3A_1110 = arith.constant 112 : index
      %swap3A_1111 = tpu.vector_load %arg7[%swap3A_1110] {strides = array<i32>} : memref<128xi32, #tpu.memory_space<vmem>>, vector<16xi32>,
      tpu.vector_store %arg7[%swap3A_1110], %shift_right_logical3A_1109 {strides = array<i32>} : memref<128xi32, #tpu.memory_space<vmem>>, vector<16xi32>,
      %and3A_1112 = arith.constant 1 : i32
      %and3A_1113 = vector.broadcast %and3A_1112 : i32 to vector<16xi32>
      %and3A_1114 = arith.andi %gather3A_1106, %and3A_1113 : vector<16xi32>
      %mul3A_1115 = arith.constant 64 : i32
      %mul3A_1116 = vector.broadcast %mul3A_1115 : i32 to vector<16xi32>
      %mul3A_1117 = arith.muli %and3A_1114, %mul3A_1116 : vector<16xi32>
      %swap3A_1118 = arith.constant 7 : i32
      %swap3A_1119 = arith.index_cast %swap3A_1118 : i32 to index
      %swap3A_1120 = arith.constant 0 : index
      %swap3A_1121 = tpu.vector_load %arg9[%swap3A_1119, %swap3A_1120] {strides = array<i32>} : memref<8x16xi32, #tpu.memory_space<vmem>>, vector<16xi32>,
      tpu.vector_store %arg9[%swap3A_1119, %swap3A_1120], %mul3A_1117 {strides = array<i32>} : memref<8x16xi32, #tpu.memory_space<vmem>>, vector<16xi32>,
      %mul3A_1122 = arith.constant 4 : i32
      %mul3A_1123 = arith.muli %add3A, %mul3A_1122 : i32
      %add3A_1124 = arith.constant 0 : i32
      %add3A_1125 = arith.addi %mul3A_1123, %add3A_1124 : i32
      %mul3A_1126 = arith.constant 128 : i32
      %mul3A_1127 = arith.muli %add3A_1125, %mul3A_1126 : i32
      %dma_wait3A_1128 = arith.constant 0 : i32
      %dma_wait3A_1129 = arith.constant 0 : i32
      %dma_wait3A_1130 = tpu.memref_slice %arg4[%dma_wait3A_1128, %dma_wait3A_1129, %mul3A_1127] : memref<50x64x16384xf32, #tpu.memory_space<hbm>> -> memref<1x64x128xf32, #tpu.memory_space<hbm>>
      %dma_wait3A_1131 = tpu.memref_squeeze %dma_wait3A_1130 : memref<1x64x128xf32, #tpu.memory_space<hbm>> -> memref<64x128xf32, #tpu.memory_space<hbm>>
      %dma_wait3A_1132 = arith.constant 0 : i32
      %dma_wait3A_1133 = tpu.memref_slice %arg4[%dma_wait3A_1128, %dma_wait3A_1132, %mul3A_1127] : memref<50x64x16384xf32, #tpu.memory_space<hbm>> -> memref<1x64x128xf32, #tpu.memory_space<hbm>>
      %dma_wait3A_1134 = tpu.memref_squeeze %dma_wait3A_1133 : memref<1x64x128xf32, #tpu.memory_space<hbm>> -> memref<64x128xf32, #tpu.memory_space<hbm>>
      tpu.wait_dma2 semaphore(%arg17 : memref<!tpu.dma_semaphore, #tpu.memory_space<semaphore_mem>>) src(%arg13 : memref<64x128xf32, #tpu.memory_space<vmem>>) dst(%dma_wait3A_1134 : memref<64x128xf32, #tpu.memory_space<hbm>>)
      %dma_start3A_1135 = arith.constant 0 : i32
      %dma_start3A_1136 = arith.constant 0 : i32
      %dma_start3A_1137 = tpu.memref_slice %arg3[%dma_start3A_1135, %dma_start3A_1136] : memref<500000x128xf32, #tpu.memory_space<hbm>> -> memref<500000x128xf32, #tpu.memory_space<hbm>>
      tpu.enqueue_indirect_dma source(%dma_start3A_1137 : memref<500000x128xf32, #tpu.memory_space<hbm>>) target(%arg11 : memref<128x128xf32, #tpu.memory_space<vmem>>) offsets(%arg7 : memref<128xi32, #tpu.memory_space<vmem>>) semaphore(%arg15 : memref<!tpu.dma_semaphore, #tpu.memory_space<semaphore_mem>>)
      %dma_wait3A_1138 = arith.constant 0 : i32
      %dma_wait3A_1139 = arith.constant 0 : i32
      %dma_wait3A_1140 = tpu.memref_slice %arg3[%dma_wait3A_1138, %dma_wait3A_1139] : memref<500000x128xf32, #tpu.memory_space<hbm>> -> memref<500000x128xf32, #tpu.memory_space<hbm>>
      tpu.wait_indirect_dma semaphore(%arg14 : memref<!tpu.dma_semaphore, #tpu.memory_space<semaphore_mem>>) src(%dma_wait3A_1140 : memref<500000x128xf32, #tpu.memory_space<hbm>>) dst(%arg10 : memref<128x128xf32, #tpu.memory_space<vmem>>)
      %scan3A_1141 = arith.constant 0 : i32
      %scan3A_1142 = arith.constant 0 : i32
      %scan3A_1143 = arith.constant 8 : i32
      %scan3A_1144 = arith.addi %scan3A_1142, %scan3A_1143 : i32
      %scan3A_1145 = arith.constant 1 : i32
      scf.for %scan3A_1200 = %scan3A_1142 to %scan3A_1144 step %scan3A_1145  : i32 {
        %get3A = arith.index_cast %scan3A_1200 : i32 to index
        %get3A_1201 = arith.constant 0 : index
        %get3A_1202 = tpu.vector_load %arg8[%get3A, %get3A_1201] {strides = array<i32>} : memref<8x16xi32, #tpu.memory_space<vmem>>, vector<16xi32>,
        %mul3A_1203 = arith.constant 16 : i32
        %mul3A_1204 = arith.muli %mul3A_1203, %scan3A_1200 : i32
        %add3A_1205 = vector.broadcast %mul3A_1204 : i32 to vector<16xi32>
        %add3A_1206 = arith.addi %iota3A, %add3A_1205 : vector<16xi32>
        %add3A_1207 = arith.constant 0 : i32
        %add3A_1208 = vector.broadcast %add3A_1207 : i32 to vector<16xi32>
        %add3A_1209 = arith.addi %get3A_1202, %add3A_1208 : vector<16xi32>
        %add3A_1210 = arith.addi %add3A_1209, %and3A_9 : vector<16xi32>
        %gather3A_1211 = tpu.vector_load_idx %arg10[%add3A_1206, %add3A_1210] : memref<128x128xf32, #tpu.memory_space<vmem>>[vector<16xi32>, vector<16xi32>], vector<16xf32>,
        %add3A_1212 = arith.addi %add3A_1209, %and3A_15 : vector<16xi32>
        %gather3A_1213 = tpu.vector_load_idx %arg10[%add3A_1206, %add3A_1212] : memref<128x128xf32, #tpu.memory_space<vmem>>[vector<16xi32>, vector<16xi32>], vector<16xf32>,
        %add3A_1214 = arith.addi %add3A_1209, %and3A_21 : vector<16xi32>
        %gather3A_1215 = tpu.vector_load_idx %arg10[%add3A_1206, %add3A_1214] : memref<128x128xf32, #tpu.memory_space<vmem>>[vector<16xi32>, vector<16xi32>], vector<16xf32>,
        %add3A_1216 = arith.addi %add3A_1209, %and3A_27 : vector<16xi32>
        %gather3A_1217 = tpu.vector_load_idx %arg10[%add3A_1206, %add3A_1216] : memref<128x128xf32, #tpu.memory_space<vmem>>[vector<16xi32>, vector<16xi32>], vector<16xf32>,
        %add3A_1218 = arith.addi %add3A_1209, %and3A_33 : vector<16xi32>
        %gather3A_1219 = tpu.vector_load_idx %arg10[%add3A_1206, %add3A_1218] : memref<128x128xf32, #tpu.memory_space<vmem>>[vector<16xi32>, vector<16xi32>], vector<16xf32>,
        %add3A_1220 = arith.addi %add3A_1209, %and3A_39 : vector<16xi32>
        %gather3A_1221 = tpu.vector_load_idx %arg10[%add3A_1206, %add3A_1220] : memref<128x128xf32, #tpu.memory_space<vmem>>[vector<16xi32>, vector<16xi32>], vector<16xf32>,
        %add3A_1222 = arith.addi %add3A_1209, %and3A_45 : vector<16xi32>
        %gather3A_1223 = tpu.vector_load_idx %arg10[%add3A_1206, %add3A_1222] : memref<128x128xf32, #tpu.memory_space<vmem>>[vector<16xi32>, vector<16xi32>], vector<16xf32>,
        %add3A_1224 = arith.addi %add3A_1209, %and3A_51 : vector<16xi32>
        %gather3A_1225 = tpu.vector_load_idx %arg10[%add3A_1206, %add3A_1224] : memref<128x128xf32, #tpu.memory_space<vmem>>[vector<16xi32>, vector<16xi32>], vector<16xf32>,
        %add3A_1226 = arith.addi %add3A_1209, %and3A_57 : vector<16xi32>
        %gather3A_1227 = tpu.vector_load_idx %arg10[%add3A_1206, %add3A_1226] : memref<128x128xf32, #tpu.memory_space<vmem>>[vector<16xi32>, vector<16xi32>], vector<16xf32>,
        %add3A_1228 = arith.addi %add3A_1209, %and3A_63 : vector<16xi32>
        %gather3A_1229 = tpu.vector_load_idx %arg10[%add3A_1206, %add3A_1228] : memref<128x128xf32, #tpu.memory_space<vmem>>[vector<16xi32>, vector<16xi32>], vector<16xf32>,
        %add3A_1230 = arith.addi %add3A_1209, %and3A_69 : vector<16xi32>
        %gather3A_1231 = tpu.vector_load_idx %arg10[%add3A_1206, %add3A_1230] : memref<128x128xf32, #tpu.memory_space<vmem>>[vector<16xi32>, vector<16xi32>], vector<16xf32>,
        %add3A_1232 = arith.addi %add3A_1209, %and3A_75 : vector<16xi32>
        %gather3A_1233 = tpu.vector_load_idx %arg10[%add3A_1206, %add3A_1232] : memref<128x128xf32, #tpu.memory_space<vmem>>[vector<16xi32>, vector<16xi32>], vector<16xf32>,
        %add3A_1234 = arith.addi %add3A_1209, %and3A_81 : vector<16xi32>
        %gather3A_1235 = tpu.vector_load_idx %arg10[%add3A_1206, %add3A_1234] : memref<128x128xf32, #tpu.memory_space<vmem>>[vector<16xi32>, vector<16xi32>], vector<16xf32>,
        %add3A_1236 = arith.addi %add3A_1209, %and3A_87 : vector<16xi32>
        %gather3A_1237 = tpu.vector_load_idx %arg10[%add3A_1206, %add3A_1236] : memref<128x128xf32, #tpu.memory_space<vmem>>[vector<16xi32>, vector<16xi32>], vector<16xf32>,
        %add3A_1238 = arith.addi %add3A_1209, %and3A_93 : vector<16xi32>
        %gather3A_1239 = tpu.vector_load_idx %arg10[%add3A_1206, %add3A_1238] : memref<128x128xf32, #tpu.memory_space<vmem>>[vector<16xi32>, vector<16xi32>], vector<16xf32>,
        %add3A_1240 = arith.addi %add3A_1209, %and3A_99 : vector<16xi32>
        %gather3A_1241 = tpu.vector_load_idx %arg10[%add3A_1206, %add3A_1240] : memref<128x128xf32, #tpu.memory_space<vmem>>[vector<16xi32>, vector<16xi32>], vector<16xf32>,
        %add3A_1242 = arith.constant 0 : i32
        %add3A_1243 = vector.broadcast %add3A_1242 : i32 to vector<16xi32>
        %add3A_1244 = arith.addi %and3A_9, %add3A_1243 : vector<16xi32>
        tpu.vector_store_idx %arg12[%add3A_1244, %add3A_1206], %gather3A_1211 : memref<64x128xf32, #tpu.memory_space<vmem>>[vector<16xi32>, vector<16xi32>], vector<16xf32>,
        %add3A_1245 = arith.constant 0 : i32
        %add3A_1246 = vector.broadcast %add3A_1245 : i32 to vector<16xi32>
        %add3A_1247 = arith.addi %and3A_15, %add3A_1246 : vector<16xi32>
        tpu.vector_store_idx %arg12[%add3A_1247, %add3A_1206], %gather3A_1213 : memref<64x128xf32, #tpu.memory_space<vmem>>[vector<16xi32>, vector<16xi32>], vector<16xf32>,
        %add3A_1248 = arith.constant 0 : i32
        %add3A_1249 = vector.broadcast %add3A_1248 : i32 to vector<16xi32>
        %add3A_1250 = arith.addi %and3A_21, %add3A_1249 : vector<16xi32>
        tpu.vector_store_idx %arg12[%add3A_1250, %add3A_1206], %gather3A_1215 : memref<64x128xf32, #tpu.memory_space<vmem>>[vector<16xi32>, vector<16xi32>], vector<16xf32>,
        %add3A_1251 = arith.constant 0 : i32
        %add3A_1252 = vector.broadcast %add3A_1251 : i32 to vector<16xi32>
        %add3A_1253 = arith.addi %and3A_27, %add3A_1252 : vector<16xi32>
        tpu.vector_store_idx %arg12[%add3A_1253, %add3A_1206], %gather3A_1217 : memref<64x128xf32, #tpu.memory_space<vmem>>[vector<16xi32>, vector<16xi32>], vector<16xf32>,
        %add3A_1254 = arith.constant 0 : i32
        %add3A_1255 = vector.broadcast %add3A_1254 : i32 to vector<16xi32>
        %add3A_1256 = arith.addi %and3A_33, %add3A_1255 : vector<16xi32>
        tpu.vector_store_idx %arg12[%add3A_1256, %add3A_1206], %gather3A_1219 : memref<64x128xf32, #tpu.memory_space<vmem>>[vector<16xi32>, vector<16xi32>], vector<16xf32>,
        %add3A_1257 = arith.constant 0 : i32
        %add3A_1258 = vector.broadcast %add3A_1257 : i32 to vector<16xi32>
        %add3A_1259 = arith.addi %and3A_39, %add3A_1258 : vector<16xi32>
        tpu.vector_store_idx %arg12[%add3A_1259, %add3A_1206], %gather3A_1221 : memref<64x128xf32, #tpu.memory_space<vmem>>[vector<16xi32>, vector<16xi32>], vector<16xf32>,
        %add3A_1260 = arith.constant 0 : i32
        %add3A_1261 = vector.broadcast %add3A_1260 : i32 to vector<16xi32>
        %add3A_1262 = arith.addi %and3A_45, %add3A_1261 : vector<16xi32>
        tpu.vector_store_idx %arg12[%add3A_1262, %add3A_1206], %gather3A_1223 : memref<64x128xf32, #tpu.memory_space<vmem>>[vector<16xi32>, vector<16xi32>], vector<16xf32>,
        %add3A_1263 = arith.constant 0 : i32
        %add3A_1264 = vector.broadcast %add3A_1263 : i32 to vector<16xi32>
        %add3A_1265 = arith.addi %and3A_51, %add3A_1264 : vector<16xi32>
        tpu.vector_store_idx %arg12[%add3A_1265, %add3A_1206], %gather3A_1225 : memref<64x128xf32, #tpu.memory_space<vmem>>[vector<16xi32>, vector<16xi32>], vector<16xf32>,
        %add3A_1266 = arith.constant 0 : i32
        %add3A_1267 = vector.broadcast %add3A_1266 : i32 to vector<16xi32>
        %add3A_1268 = arith.addi %and3A_57, %add3A_1267 : vector<16xi32>
        tpu.vector_store_idx %arg12[%add3A_1268, %add3A_1206], %gather3A_1227 : memref<64x128xf32, #tpu.memory_space<vmem>>[vector<16xi32>, vector<16xi32>], vector<16xf32>,
        %add3A_1269 = arith.constant 0 : i32
        %add3A_1270 = vector.broadcast %add3A_1269 : i32 to vector<16xi32>
        %add3A_1271 = arith.addi %and3A_63, %add3A_1270 : vector<16xi32>
        tpu.vector_store_idx %arg12[%add3A_1271, %add3A_1206], %gather3A_1229 : memref<64x128xf32, #tpu.memory_space<vmem>>[vector<16xi32>, vector<16xi32>], vector<16xf32>,
        %add3A_1272 = arith.constant 0 : i32
        %add3A_1273 = vector.broadcast %add3A_1272 : i32 to vector<16xi32>
        %add3A_1274 = arith.addi %and3A_69, %add3A_1273 : vector<16xi32>
        tpu.vector_store_idx %arg12[%add3A_1274, %add3A_1206], %gather3A_1231 : memref<64x128xf32, #tpu.memory_space<vmem>>[vector<16xi32>, vector<16xi32>], vector<16xf32>,
        %add3A_1275 = arith.constant 0 : i32
        %add3A_1276 = vector.broadcast %add3A_1275 : i32 to vector<16xi32>
        %add3A_1277 = arith.addi %and3A_75, %add3A_1276 : vector<16xi32>
        tpu.vector_store_idx %arg12[%add3A_1277, %add3A_1206], %gather3A_1233 : memref<64x128xf32, #tpu.memory_space<vmem>>[vector<16xi32>, vector<16xi32>], vector<16xf32>,
        %add3A_1278 = arith.constant 0 : i32
        %add3A_1279 = vector.broadcast %add3A_1278 : i32 to vector<16xi32>
        %add3A_1280 = arith.addi %and3A_81, %add3A_1279 : vector<16xi32>
        tpu.vector_store_idx %arg12[%add3A_1280, %add3A_1206], %gather3A_1235 : memref<64x128xf32, #tpu.memory_space<vmem>>[vector<16xi32>, vector<16xi32>], vector<16xf32>,
        %add3A_1281 = arith.constant 0 : i32
        %add3A_1282 = vector.broadcast %add3A_1281 : i32 to vector<16xi32>
        %add3A_1283 = arith.addi %and3A_87, %add3A_1282 : vector<16xi32>
        tpu.vector_store_idx %arg12[%add3A_1283, %add3A_1206], %gather3A_1237 : memref<64x128xf32, #tpu.memory_space<vmem>>[vector<16xi32>, vector<16xi32>], vector<16xf32>,
        %add3A_1284 = arith.constant 0 : i32
        %add3A_1285 = vector.broadcast %add3A_1284 : i32 to vector<16xi32>
        %add3A_1286 = arith.addi %and3A_93, %add3A_1285 : vector<16xi32>
        tpu.vector_store_idx %arg12[%add3A_1286, %add3A_1206], %gather3A_1239 : memref<64x128xf32, #tpu.memory_space<vmem>>[vector<16xi32>, vector<16xi32>], vector<16xf32>,
        %add3A_1287 = arith.constant 0 : i32
        %add3A_1288 = vector.broadcast %add3A_1287 : i32 to vector<16xi32>
        %add3A_1289 = arith.addi %and3A_99, %add3A_1288 : vector<16xi32>
        tpu.vector_store_idx %arg12[%add3A_1289, %add3A_1206], %gather3A_1241 : memref<64x128xf32, #tpu.memory_space<vmem>>[vector<16xi32>, vector<16xi32>], vector<16xf32>,
        %add3A_1290 = arith.constant 16 : i32
        %add3A_1291 = vector.broadcast %add3A_1290 : i32 to vector<16xi32>
        %add3A_1292 = arith.addi %get3A_1202, %add3A_1291 : vector<16xi32>
        %add3A_1293 = arith.addi %add3A_1292, %and3A_9 : vector<16xi32>
        %gather3A_1294 = tpu.vector_load_idx %arg10[%add3A_1206, %add3A_1293] : memref<128x128xf32, #tpu.memory_space<vmem>>[vector<16xi32>, vector<16xi32>], vector<16xf32>,
        %add3A_1295 = arith.addi %add3A_1292, %and3A_15 : vector<16xi32>
        %gather3A_1296 = tpu.vector_load_idx %arg10[%add3A_1206, %add3A_1295] : memref<128x128xf32, #tpu.memory_space<vmem>>[vector<16xi32>, vector<16xi32>], vector<16xf32>,
        %add3A_1297 = arith.addi %add3A_1292, %and3A_21 : vector<16xi32>
        %gather3A_1298 = tpu.vector_load_idx %arg10[%add3A_1206, %add3A_1297] : memref<128x128xf32, #tpu.memory_space<vmem>>[vector<16xi32>, vector<16xi32>], vector<16xf32>,
        %add3A_1299 = arith.addi %add3A_1292, %and3A_27 : vector<16xi32>
        %gather3A_1300 = tpu.vector_load_idx %arg10[%add3A_1206, %add3A_1299] : memref<128x128xf32, #tpu.memory_space<vmem>>[vector<16xi32>, vector<16xi32>], vector<16xf32>,
        %add3A_1301 = arith.addi %add3A_1292, %and3A_33 : vector<16xi32>
        %gather3A_1302 = tpu.vector_load_idx %arg10[%add3A_1206, %add3A_1301] : memref<128x128xf32, #tpu.memory_space<vmem>>[vector<16xi32>, vector<16xi32>], vector<16xf32>,
        %add3A_1303 = arith.addi %add3A_1292, %and3A_39 : vector<16xi32>
        %gather3A_1304 = tpu.vector_load_idx %arg10[%add3A_1206, %add3A_1303] : memref<128x128xf32, #tpu.memory_space<vmem>>[vector<16xi32>, vector<16xi32>], vector<16xf32>,
        %add3A_1305 = arith.addi %add3A_1292, %and3A_45 : vector<16xi32>
        %gather3A_1306 = tpu.vector_load_idx %arg10[%add3A_1206, %add3A_1305] : memref<128x128xf32, #tpu.memory_space<vmem>>[vector<16xi32>, vector<16xi32>], vector<16xf32>,
        %add3A_1307 = arith.addi %add3A_1292, %and3A_51 : vector<16xi32>
        %gather3A_1308 = tpu.vector_load_idx %arg10[%add3A_1206, %add3A_1307] : memref<128x128xf32, #tpu.memory_space<vmem>>[vector<16xi32>, vector<16xi32>], vector<16xf32>,
        %add3A_1309 = arith.addi %add3A_1292, %and3A_57 : vector<16xi32>
        %gather3A_1310 = tpu.vector_load_idx %arg10[%add3A_1206, %add3A_1309] : memref<128x128xf32, #tpu.memory_space<vmem>>[vector<16xi32>, vector<16xi32>], vector<16xf32>,
        %add3A_1311 = arith.addi %add3A_1292, %and3A_63 : vector<16xi32>
        %gather3A_1312 = tpu.vector_load_idx %arg10[%add3A_1206, %add3A_1311] : memref<128x128xf32, #tpu.memory_space<vmem>>[vector<16xi32>, vector<16xi32>], vector<16xf32>,
        %add3A_1313 = arith.addi %add3A_1292, %and3A_69 : vector<16xi32>
        %gather3A_1314 = tpu.vector_load_idx %arg10[%add3A_1206, %add3A_1313] : memref<128x128xf32, #tpu.memory_space<vmem>>[vector<16xi32>, vector<16xi32>], vector<16xf32>,
        %add3A_1315 = arith.addi %add3A_1292, %and3A_75 : vector<16xi32>
        %gather3A_1316 = tpu.vector_load_idx %arg10[%add3A_1206, %add3A_1315] : memref<128x128xf32, #tpu.memory_space<vmem>>[vector<16xi32>, vector<16xi32>], vector<16xf32>,
        %add3A_1317 = arith.addi %add3A_1292, %and3A_81 : vector<16xi32>
        %gather3A_1318 = tpu.vector_load_idx %arg10[%add3A_1206, %add3A_1317] : memref<128x128xf32, #tpu.memory_space<vmem>>[vector<16xi32>, vector<16xi32>], vector<16xf32>,
        %add3A_1319 = arith.addi %add3A_1292, %and3A_87 : vector<16xi32>
        %gather3A_1320 = tpu.vector_load_idx %arg10[%add3A_1206, %add3A_1319] : memref<128x128xf32, #tpu.memory_space<vmem>>[vector<16xi32>, vector<16xi32>], vector<16xf32>,
        %add3A_1321 = arith.addi %add3A_1292, %and3A_93 : vector<16xi32>
        %gather3A_1322 = tpu.vector_load_idx %arg10[%add3A_1206, %add3A_1321] : memref<128x128xf32, #tpu.memory_space<vmem>>[vector<16xi32>, vector<16xi32>], vector<16xf32>,
        %add3A_1323 = arith.addi %add3A_1292, %and3A_99 : vector<16xi32>
        %gather3A_1324 = tpu.vector_load_idx %arg10[%add3A_1206, %add3A_1323] : memref<128x128xf32, #tpu.memory_space<vmem>>[vector<16xi32>, vector<16xi32>], vector<16xf32>,
        %add3A_1325 = arith.constant 16 : i32
        %add3A_1326 = vector.broadcast %add3A_1325 : i32 to vector<16xi32>
        %add3A_1327 = arith.addi %and3A_9, %add3A_1326 : vector<16xi32>
        tpu.vector_store_idx %arg12[%add3A_1327, %add3A_1206], %gather3A_1294 : memref<64x128xf32, #tpu.memory_space<vmem>>[vector<16xi32>, vector<16xi32>], vector<16xf32>,
        %add3A_1328 = arith.constant 16 : i32
        %add3A_1329 = vector.broadcast %add3A_1328 : i32 to vector<16xi32>
        %add3A_1330 = arith.addi %and3A_15, %add3A_1329 : vector<16xi32>
        tpu.vector_store_idx %arg12[%add3A_1330, %add3A_1206], %gather3A_1296 : memref<64x128xf32, #tpu.memory_space<vmem>>[vector<16xi32>, vector<16xi32>], vector<16xf32>,
        %add3A_1331 = arith.constant 16 : i32
        %add3A_1332 = vector.broadcast %add3A_1331 : i32 to vector<16xi32>
        %add3A_1333 = arith.addi %and3A_21, %add3A_1332 : vector<16xi32>
        tpu.vector_store_idx %arg12[%add3A_1333, %add3A_1206], %gather3A_1298 : memref<64x128xf32, #tpu.memory_space<vmem>>[vector<16xi32>, vector<16xi32>], vector<16xf32>,
        %add3A_1334 = arith.constant 16 : i32
        %add3A_1335 = vector.broadcast %add3A_1334 : i32 to vector<16xi32>
        %add3A_1336 = arith.addi %and3A_27, %add3A_1335 : vector<16xi32>
        tpu.vector_store_idx %arg12[%add3A_1336, %add3A_1206], %gather3A_1300 : memref<64x128xf32, #tpu.memory_space<vmem>>[vector<16xi32>, vector<16xi32>], vector<16xf32>,
        %add3A_1337 = arith.constant 16 : i32
        %add3A_1338 = vector.broadcast %add3A_1337 : i32 to vector<16xi32>
        %add3A_1339 = arith.addi %and3A_33, %add3A_1338 : vector<16xi32>
        tpu.vector_store_idx %arg12[%add3A_1339, %add3A_1206], %gather3A_1302 : memref<64x128xf32, #tpu.memory_space<vmem>>[vector<16xi32>, vector<16xi32>], vector<16xf32>,
        %add3A_1340 = arith.constant 16 : i32
        %add3A_1341 = vector.broadcast %add3A_1340 : i32 to vector<16xi32>
        %add3A_1342 = arith.addi %and3A_39, %add3A_1341 : vector<16xi32>
        tpu.vector_store_idx %arg12[%add3A_1342, %add3A_1206], %gather3A_1304 : memref<64x128xf32, #tpu.memory_space<vmem>>[vector<16xi32>, vector<16xi32>], vector<16xf32>,
        %add3A_1343 = arith.constant 16 : i32
        %add3A_1344 = vector.broadcast %add3A_1343 : i32 to vector<16xi32>
        %add3A_1345 = arith.addi %and3A_45, %add3A_1344 : vector<16xi32>
        tpu.vector_store_idx %arg12[%add3A_1345, %add3A_1206], %gather3A_1306 : memref<64x128xf32, #tpu.memory_space<vmem>>[vector<16xi32>, vector<16xi32>], vector<16xf32>,
        %add3A_1346 = arith.constant 16 : i32
        %add3A_1347 = vector.broadcast %add3A_1346 : i32 to vector<16xi32>
        %add3A_1348 = arith.addi %and3A_51, %add3A_1347 : vector<16xi32>
        tpu.vector_store_idx %arg12[%add3A_1348, %add3A_1206], %gather3A_1308 : memref<64x128xf32, #tpu.memory_space<vmem>>[vector<16xi32>, vector<16xi32>], vector<16xf32>,
        %add3A_1349 = arith.constant 16 : i32
        %add3A_1350 = vector.broadcast %add3A_1349 : i32 to vector<16xi32>
        %add3A_1351 = arith.addi %and3A_57, %add3A_1350 : vector<16xi32>
        tpu.vector_store_idx %arg12[%add3A_1351, %add3A_1206], %gather3A_1310 : memref<64x128xf32, #tpu.memory_space<vmem>>[vector<16xi32>, vector<16xi32>], vector<16xf32>,
        %add3A_1352 = arith.constant 16 : i32
        %add3A_1353 = vector.broadcast %add3A_1352 : i32 to vector<16xi32>
        %add3A_1354 = arith.addi %and3A_63, %add3A_1353 : vector<16xi32>
        tpu.vector_store_idx %arg12[%add3A_1354, %add3A_1206], %gather3A_1312 : memref<64x128xf32, #tpu.memory_space<vmem>>[vector<16xi32>, vector<16xi32>], vector<16xf32>,
        %add3A_1355 = arith.constant 16 : i32
        %add3A_1356 = vector.broadcast %add3A_1355 : i32 to vector<16xi32>
        %add3A_1357 = arith.addi %and3A_69, %add3A_1356 : vector<16xi32>
        tpu.vector_store_idx %arg12[%add3A_1357, %add3A_1206], %gather3A_1314 : memref<64x128xf32, #tpu.memory_space<vmem>>[vector<16xi32>, vector<16xi32>], vector<16xf32>,
        %add3A_1358 = arith.constant 16 : i32
        %add3A_1359 = vector.broadcast %add3A_1358 : i32 to vector<16xi32>
        %add3A_1360 = arith.addi %and3A_75, %add3A_1359 : vector<16xi32>
        tpu.vector_store_idx %arg12[%add3A_1360, %add3A_1206], %gather3A_1316 : memref<64x128xf32, #tpu.memory_space<vmem>>[vector<16xi32>, vector<16xi32>], vector<16xf32>,
        %add3A_1361 = arith.constant 16 : i32
        %add3A_1362 = vector.broadcast %add3A_1361 : i32 to vector<16xi32>
        %add3A_1363 = arith.addi %and3A_81, %add3A_1362 : vector<16xi32>
        tpu.vector_store_idx %arg12[%add3A_1363, %add3A_1206], %gather3A_1318 : memref<64x128xf32, #tpu.memory_space<vmem>>[vector<16xi32>, vector<16xi32>], vector<16xf32>,
        %add3A_1364 = arith.constant 16 : i32
        %add3A_1365 = vector.broadcast %add3A_1364 : i32 to vector<16xi32>
        %add3A_1366 = arith.addi %and3A_87, %add3A_1365 : vector<16xi32>
        tpu.vector_store_idx %arg12[%add3A_1366, %add3A_1206], %gather3A_1320 : memref<64x128xf32, #tpu.memory_space<vmem>>[vector<16xi32>, vector<16xi32>], vector<16xf32>,
        %add3A_1367 = arith.constant 16 : i32
        %add3A_1368 = vector.broadcast %add3A_1367 : i32 to vector<16xi32>
        %add3A_1369 = arith.addi %and3A_93, %add3A_1368 : vector<16xi32>
        tpu.vector_store_idx %arg12[%add3A_1369, %add3A_1206], %gather3A_1322 : memref<64x128xf32, #tpu.memory_space<vmem>>[vector<16xi32>, vector<16xi32>], vector<16xf32>,
        %add3A_1370 = arith.constant 16 : i32
        %add3A_1371 = vector.broadcast %add3A_1370 : i32 to vector<16xi32>
        %add3A_1372 = arith.addi %and3A_99, %add3A_1371 : vector<16xi32>
        tpu.vector_store_idx %arg12[%add3A_1372, %add3A_1206], %gather3A_1324 : memref<64x128xf32, #tpu.memory_space<vmem>>[vector<16xi32>, vector<16xi32>], vector<16xf32>,
        %add3A_1373 = arith.constant 32 : i32
        %add3A_1374 = vector.broadcast %add3A_1373 : i32 to vector<16xi32>
        %add3A_1375 = arith.addi %get3A_1202, %add3A_1374 : vector<16xi32>
        %add3A_1376 = arith.addi %add3A_1375, %and3A_9 : vector<16xi32>
        %gather3A_1377 = tpu.vector_load_idx %arg10[%add3A_1206, %add3A_1376] : memref<128x128xf32, #tpu.memory_space<vmem>>[vector<16xi32>, vector<16xi32>], vector<16xf32>,
        %add3A_1378 = arith.addi %add3A_1375, %and3A_15 : vector<16xi32>
        %gather3A_1379 = tpu.vector_load_idx %arg10[%add3A_1206, %add3A_1378] : memref<128x128xf32, #tpu.memory_space<vmem>>[vector<16xi32>, vector<16xi32>], vector<16xf32>,
        %add3A_1380 = arith.addi %add3A_1375, %and3A_21 : vector<16xi32>
        %gather3A_1381 = tpu.vector_load_idx %arg10[%add3A_1206, %add3A_1380] : memref<128x128xf32, #tpu.memory_space<vmem>>[vector<16xi32>, vector<16xi32>], vector<16xf32>,
        %add3A_1382 = arith.addi %add3A_1375, %and3A_27 : vector<16xi32>
        %gather3A_1383 = tpu.vector_load_idx %arg10[%add3A_1206, %add3A_1382] : memref<128x128xf32, #tpu.memory_space<vmem>>[vector<16xi32>, vector<16xi32>], vector<16xf32>,
        %add3A_1384 = arith.addi %add3A_1375, %and3A_33 : vector<16xi32>
        %gather3A_1385 = tpu.vector_load_idx %arg10[%add3A_1206, %add3A_1384] : memref<128x128xf32, #tpu.memory_space<vmem>>[vector<16xi32>, vector<16xi32>], vector<16xf32>,
        %add3A_1386 = arith.addi %add3A_1375, %and3A_39 : vector<16xi32>
        %gather3A_1387 = tpu.vector_load_idx %arg10[%add3A_1206, %add3A_1386] : memref<128x128xf32, #tpu.memory_space<vmem>>[vector<16xi32>, vector<16xi32>], vector<16xf32>,
        %add3A_1388 = arith.addi %add3A_1375, %and3A_45 : vector<16xi32>
        %gather3A_1389 = tpu.vector_load_idx %arg10[%add3A_1206, %add3A_1388] : memref<128x128xf32, #tpu.memory_space<vmem>>[vector<16xi32>, vector<16xi32>], vector<16xf32>,
        %add3A_1390 = arith.addi %add3A_1375, %and3A_51 : vector<16xi32>
        %gather3A_1391 = tpu.vector_load_idx %arg10[%add3A_1206, %add3A_1390] : memref<128x128xf32, #tpu.memory_space<vmem>>[vector<16xi32>, vector<16xi32>], vector<16xf32>,
        %add3A_1392 = arith.addi %add3A_1375, %and3A_57 : vector<16xi32>
        %gather3A_1393 = tpu.vector_load_idx %arg10[%add3A_1206, %add3A_1392] : memref<128x128xf32, #tpu.memory_space<vmem>>[vector<16xi32>, vector<16xi32>], vector<16xf32>,
        %add3A_1394 = arith.addi %add3A_1375, %and3A_63 : vector<16xi32>
        %gather3A_1395 = tpu.vector_load_idx %arg10[%add3A_1206, %add3A_1394] : memref<128x128xf32, #tpu.memory_space<vmem>>[vector<16xi32>, vector<16xi32>], vector<16xf32>,
        %add3A_1396 = arith.addi %add3A_1375, %and3A_69 : vector<16xi32>
        %gather3A_1397 = tpu.vector_load_idx %arg10[%add3A_1206, %add3A_1396] : memref<128x128xf32, #tpu.memory_space<vmem>>[vector<16xi32>, vector<16xi32>], vector<16xf32>,
        %add3A_1398 = arith.addi %add3A_1375, %and3A_75 : vector<16xi32>
        %gather3A_1399 = tpu.vector_load_idx %arg10[%add3A_1206, %add3A_1398] : memref<128x128xf32, #tpu.memory_space<vmem>>[vector<16xi32>, vector<16xi32>], vector<16xf32>,
        %add3A_1400 = arith.addi %add3A_1375, %and3A_81 : vector<16xi32>
        %gather3A_1401 = tpu.vector_load_idx %arg10[%add3A_1206, %add3A_1400] : memref<128x128xf32, #tpu.memory_space<vmem>>[vector<16xi32>, vector<16xi32>], vector<16xf32>,
        %add3A_1402 = arith.addi %add3A_1375, %and3A_87 : vector<16xi32>
        %gather3A_1403 = tpu.vector_load_idx %arg10[%add3A_1206, %add3A_1402] : memref<128x128xf32, #tpu.memory_space<vmem>>[vector<16xi32>, vector<16xi32>], vector<16xf32>,
        %add3A_1404 = arith.addi %add3A_1375, %and3A_93 : vector<16xi32>
        %gather3A_1405 = tpu.vector_load_idx %arg10[%add3A_1206, %add3A_1404] : memref<128x128xf32, #tpu.memory_space<vmem>>[vector<16xi32>, vector<16xi32>], vector<16xf32>,
        %add3A_1406 = arith.addi %add3A_1375, %and3A_99 : vector<16xi32>
        %gather3A_1407 = tpu.vector_load_idx %arg10[%add3A_1206, %add3A_1406] : memref<128x128xf32, #tpu.memory_space<vmem>>[vector<16xi32>, vector<16xi32>], vector<16xf32>,
        %add3A_1408 = arith.constant 32 : i32
        %add3A_1409 = vector.broadcast %add3A_1408 : i32 to vector<16xi32>
        %add3A_1410 = arith.addi %and3A_9, %add3A_1409 : vector<16xi32>
        tpu.vector_store_idx %arg12[%add3A_1410, %add3A_1206], %gather3A_1377 : memref<64x128xf32, #tpu.memory_space<vmem>>[vector<16xi32>, vector<16xi32>], vector<16xf32>,
        %add3A_1411 = arith.constant 32 : i32
        %add3A_1412 = vector.broadcast %add3A_1411 : i32 to vector<16xi32>
        %add3A_1413 = arith.addi %and3A_15, %add3A_1412 : vector<16xi32>
        tpu.vector_store_idx %arg12[%add3A_1413, %add3A_1206], %gather3A_1379 : memref<64x128xf32, #tpu.memory_space<vmem>>[vector<16xi32>, vector<16xi32>], vector<16xf32>,
        %add3A_1414 = arith.constant 32 : i32
        %add3A_1415 = vector.broadcast %add3A_1414 : i32 to vector<16xi32>
        %add3A_1416 = arith.addi %and3A_21, %add3A_1415 : vector<16xi32>
        tpu.vector_store_idx %arg12[%add3A_1416, %add3A_1206], %gather3A_1381 : memref<64x128xf32, #tpu.memory_space<vmem>>[vector<16xi32>, vector<16xi32>], vector<16xf32>,
        %add3A_1417 = arith.constant 32 : i32
        %add3A_1418 = vector.broadcast %add3A_1417 : i32 to vector<16xi32>
        %add3A_1419 = arith.addi %and3A_27, %add3A_1418 : vector<16xi32>
        tpu.vector_store_idx %arg12[%add3A_1419, %add3A_1206], %gather3A_1383 : memref<64x128xf32, #tpu.memory_space<vmem>>[vector<16xi32>, vector<16xi32>], vector<16xf32>,
        %add3A_1420 = arith.constant 32 : i32
        %add3A_1421 = vector.broadcast %add3A_1420 : i32 to vector<16xi32>
        %add3A_1422 = arith.addi %and3A_33, %add3A_1421 : vector<16xi32>
        tpu.vector_store_idx %arg12[%add3A_1422, %add3A_1206], %gather3A_1385 : memref<64x128xf32, #tpu.memory_space<vmem>>[vector<16xi32>, vector<16xi32>], vector<16xf32>,
        %add3A_1423 = arith.constant 32 : i32
        %add3A_1424 = vector.broadcast %add3A_1423 : i32 to vector<16xi32>
        %add3A_1425 = arith.addi %and3A_39, %add3A_1424 : vector<16xi32>
        tpu.vector_store_idx %arg12[%add3A_1425, %add3A_1206], %gather3A_1387 : memref<64x128xf32, #tpu.memory_space<vmem>>[vector<16xi32>, vector<16xi32>], vector<16xf32>,
        %add3A_1426 = arith.constant 32 : i32
        %add3A_1427 = vector.broadcast %add3A_1426 : i32 to vector<16xi32>
        %add3A_1428 = arith.addi %and3A_45, %add3A_1427 : vector<16xi32>
        tpu.vector_store_idx %arg12[%add3A_1428, %add3A_1206], %gather3A_1389 : memref<64x128xf32, #tpu.memory_space<vmem>>[vector<16xi32>, vector<16xi32>], vector<16xf32>,
        %add3A_1429 = arith.constant 32 : i32
        %add3A_1430 = vector.broadcast %add3A_1429 : i32 to vector<16xi32>
        %add3A_1431 = arith.addi %and3A_51, %add3A_1430 : vector<16xi32>
        tpu.vector_store_idx %arg12[%add3A_1431, %add3A_1206], %gather3A_1391 : memref<64x128xf32, #tpu.memory_space<vmem>>[vector<16xi32>, vector<16xi32>], vector<16xf32>,
        %add3A_1432 = arith.constant 32 : i32
        %add3A_1433 = vector.broadcast %add3A_1432 : i32 to vector<16xi32>
        %add3A_1434 = arith.addi %and3A_57, %add3A_1433 : vector<16xi32>
        tpu.vector_store_idx %arg12[%add3A_1434, %add3A_1206], %gather3A_1393 : memref<64x128xf32, #tpu.memory_space<vmem>>[vector<16xi32>, vector<16xi32>], vector<16xf32>,
        %add3A_1435 = arith.constant 32 : i32
        %add3A_1436 = vector.broadcast %add3A_1435 : i32 to vector<16xi32>
        %add3A_1437 = arith.addi %and3A_63, %add3A_1436 : vector<16xi32>
        tpu.vector_store_idx %arg12[%add3A_1437, %add3A_1206], %gather3A_1395 : memref<64x128xf32, #tpu.memory_space<vmem>>[vector<16xi32>, vector<16xi32>], vector<16xf32>,
        %add3A_1438 = arith.constant 32 : i32
        %add3A_1439 = vector.broadcast %add3A_1438 : i32 to vector<16xi32>
        %add3A_1440 = arith.addi %and3A_69, %add3A_1439 : vector<16xi32>
        tpu.vector_store_idx %arg12[%add3A_1440, %add3A_1206], %gather3A_1397 : memref<64x128xf32, #tpu.memory_space<vmem>>[vector<16xi32>, vector<16xi32>], vector<16xf32>,
        %add3A_1441 = arith.constant 32 : i32
        %add3A_1442 = vector.broadcast %add3A_1441 : i32 to vector<16xi32>
        %add3A_1443 = arith.addi %and3A_75, %add3A_1442 : vector<16xi32>
        tpu.vector_store_idx %arg12[%add3A_1443, %add3A_1206], %gather3A_1399 : memref<64x128xf32, #tpu.memory_space<vmem>>[vector<16xi32>, vector<16xi32>], vector<16xf32>,
        %add3A_1444 = arith.constant 32 : i32
        %add3A_1445 = vector.broadcast %add3A_1444 : i32 to vector<16xi32>
        %add3A_1446 = arith.addi %and3A_81, %add3A_1445 : vector<16xi32>
        tpu.vector_store_idx %arg12[%add3A_1446, %add3A_1206], %gather3A_1401 : memref<64x128xf32, #tpu.memory_space<vmem>>[vector<16xi32>, vector<16xi32>], vector<16xf32>,
        %add3A_1447 = arith.constant 32 : i32
        %add3A_1448 = vector.broadcast %add3A_1447 : i32 to vector<16xi32>
        %add3A_1449 = arith.addi %and3A_87, %add3A_1448 : vector<16xi32>
        tpu.vector_store_idx %arg12[%add3A_1449, %add3A_1206], %gather3A_1403 : memref<64x128xf32, #tpu.memory_space<vmem>>[vector<16xi32>, vector<16xi32>], vector<16xf32>,
        %add3A_1450 = arith.constant 32 : i32
        %add3A_1451 = vector.broadcast %add3A_1450 : i32 to vector<16xi32>
        %add3A_1452 = arith.addi %and3A_93, %add3A_1451 : vector<16xi32>
        tpu.vector_store_idx %arg12[%add3A_1452, %add3A_1206], %gather3A_1405 : memref<64x128xf32, #tpu.memory_space<vmem>>[vector<16xi32>, vector<16xi32>], vector<16xf32>,
        %add3A_1453 = arith.constant 32 : i32
        %add3A_1454 = vector.broadcast %add3A_1453 : i32 to vector<16xi32>
        %add3A_1455 = arith.addi %and3A_99, %add3A_1454 : vector<16xi32>
        tpu.vector_store_idx %arg12[%add3A_1455, %add3A_1206], %gather3A_1407 : memref<64x128xf32, #tpu.memory_space<vmem>>[vector<16xi32>, vector<16xi32>], vector<16xf32>,
        %add3A_1456 = arith.constant 48 : i32
        %add3A_1457 = vector.broadcast %add3A_1456 : i32 to vector<16xi32>
        %add3A_1458 = arith.addi %get3A_1202, %add3A_1457 : vector<16xi32>
        %add3A_1459 = arith.addi %add3A_1458, %and3A_9 : vector<16xi32>
        %gather3A_1460 = tpu.vector_load_idx %arg10[%add3A_1206, %add3A_1459] : memref<128x128xf32, #tpu.memory_space<vmem>>[vector<16xi32>, vector<16xi32>], vector<16xf32>,
        %add3A_1461 = arith.addi %add3A_1458, %and3A_15 : vector<16xi32>
        %gather3A_1462 = tpu.vector_load_idx %arg10[%add3A_1206, %add3A_1461] : memref<128x128xf32, #tpu.memory_space<vmem>>[vector<16xi32>, vector<16xi32>], vector<16xf32>,
        %add3A_1463 = arith.addi %add3A_1458, %and3A_21 : vector<16xi32>
        %gather3A_1464 = tpu.vector_load_idx %arg10[%add3A_1206, %add3A_1463] : memref<128x128xf32, #tpu.memory_space<vmem>>[vector<16xi32>, vector<16xi32>], vector<16xf32>,
        %add3A_1465 = arith.addi %add3A_1458, %and3A_27 : vector<16xi32>
        %gather3A_1466 = tpu.vector_load_idx %arg10[%add3A_1206, %add3A_1465] : memref<128x128xf32, #tpu.memory_space<vmem>>[vector<16xi32>, vector<16xi32>], vector<16xf32>,
        %add3A_1467 = arith.addi %add3A_1458, %and3A_33 : vector<16xi32>
        %gather3A_1468 = tpu.vector_load_idx %arg10[%add3A_1206, %add3A_1467] : memref<128x128xf32, #tpu.memory_space<vmem>>[vector<16xi32>, vector<16xi32>], vector<16xf32>,
        %add3A_1469 = arith.addi %add3A_1458, %and3A_39 : vector<16xi32>
        %gather3A_1470 = tpu.vector_load_idx %arg10[%add3A_1206, %add3A_1469] : memref<128x128xf32, #tpu.memory_space<vmem>>[vector<16xi32>, vector<16xi32>], vector<16xf32>,
        %add3A_1471 = arith.addi %add3A_1458, %and3A_45 : vector<16xi32>
        %gather3A_1472 = tpu.vector_load_idx %arg10[%add3A_1206, %add3A_1471] : memref<128x128xf32, #tpu.memory_space<vmem>>[vector<16xi32>, vector<16xi32>], vector<16xf32>,
        %add3A_1473 = arith.addi %add3A_1458, %and3A_51 : vector<16xi32>
        %gather3A_1474 = tpu.vector_load_idx %arg10[%add3A_1206, %add3A_1473] : memref<128x128xf32, #tpu.memory_space<vmem>>[vector<16xi32>, vector<16xi32>], vector<16xf32>,
        %add3A_1475 = arith.addi %add3A_1458, %and3A_57 : vector<16xi32>
        %gather3A_1476 = tpu.vector_load_idx %arg10[%add3A_1206, %add3A_1475] : memref<128x128xf32, #tpu.memory_space<vmem>>[vector<16xi32>, vector<16xi32>], vector<16xf32>,
        %add3A_1477 = arith.addi %add3A_1458, %and3A_63 : vector<16xi32>
        %gather3A_1478 = tpu.vector_load_idx %arg10[%add3A_1206, %add3A_1477] : memref<128x128xf32, #tpu.memory_space<vmem>>[vector<16xi32>, vector<16xi32>], vector<16xf32>,
        %add3A_1479 = arith.addi %add3A_1458, %and3A_69 : vector<16xi32>
        %gather3A_1480 = tpu.vector_load_idx %arg10[%add3A_1206, %add3A_1479] : memref<128x128xf32, #tpu.memory_space<vmem>>[vector<16xi32>, vector<16xi32>], vector<16xf32>,
        %add3A_1481 = arith.addi %add3A_1458, %and3A_75 : vector<16xi32>
        %gather3A_1482 = tpu.vector_load_idx %arg10[%add3A_1206, %add3A_1481] : memref<128x128xf32, #tpu.memory_space<vmem>>[vector<16xi32>, vector<16xi32>], vector<16xf32>,
        %add3A_1483 = arith.addi %add3A_1458, %and3A_81 : vector<16xi32>
        %gather3A_1484 = tpu.vector_load_idx %arg10[%add3A_1206, %add3A_1483] : memref<128x128xf32, #tpu.memory_space<vmem>>[vector<16xi32>, vector<16xi32>], vector<16xf32>,
        %add3A_1485 = arith.addi %add3A_1458, %and3A_87 : vector<16xi32>
        %gather3A_1486 = tpu.vector_load_idx %arg10[%add3A_1206, %add3A_1485] : memref<128x128xf32, #tpu.memory_space<vmem>>[vector<16xi32>, vector<16xi32>], vector<16xf32>,
        %add3A_1487 = arith.addi %add3A_1458, %and3A_93 : vector<16xi32>
        %gather3A_1488 = tpu.vector_load_idx %arg10[%add3A_1206, %add3A_1487] : memref<128x128xf32, #tpu.memory_space<vmem>>[vector<16xi32>, vector<16xi32>], vector<16xf32>,
        %add3A_1489 = arith.addi %add3A_1458, %and3A_99 : vector<16xi32>
        %gather3A_1490 = tpu.vector_load_idx %arg10[%add3A_1206, %add3A_1489] : memref<128x128xf32, #tpu.memory_space<vmem>>[vector<16xi32>, vector<16xi32>], vector<16xf32>,
        %add3A_1491 = arith.constant 48 : i32
        %add3A_1492 = vector.broadcast %add3A_1491 : i32 to vector<16xi32>
        %add3A_1493 = arith.addi %and3A_9, %add3A_1492 : vector<16xi32>
        tpu.vector_store_idx %arg12[%add3A_1493, %add3A_1206], %gather3A_1460 : memref<64x128xf32, #tpu.memory_space<vmem>>[vector<16xi32>, vector<16xi32>], vector<16xf32>,
        %add3A_1494 = arith.constant 48 : i32
        %add3A_1495 = vector.broadcast %add3A_1494 : i32 to vector<16xi32>
        %add3A_1496 = arith.addi %and3A_15, %add3A_1495 : vector<16xi32>
        tpu.vector_store_idx %arg12[%add3A_1496, %add3A_1206], %gather3A_1462 : memref<64x128xf32, #tpu.memory_space<vmem>>[vector<16xi32>, vector<16xi32>], vector<16xf32>,
        %add3A_1497 = arith.constant 48 : i32
        %add3A_1498 = vector.broadcast %add3A_1497 : i32 to vector<16xi32>
        %add3A_1499 = arith.addi %and3A_21, %add3A_1498 : vector<16xi32>
        tpu.vector_store_idx %arg12[%add3A_1499, %add3A_1206], %gather3A_1464 : memref<64x128xf32, #tpu.memory_space<vmem>>[vector<16xi32>, vector<16xi32>], vector<16xf32>,
        %add3A_1500 = arith.constant 48 : i32
        %add3A_1501 = vector.broadcast %add3A_1500 : i32 to vector<16xi32>
        %add3A_1502 = arith.addi %and3A_27, %add3A_1501 : vector<16xi32>
        tpu.vector_store_idx %arg12[%add3A_1502, %add3A_1206], %gather3A_1466 : memref<64x128xf32, #tpu.memory_space<vmem>>[vector<16xi32>, vector<16xi32>], vector<16xf32>,
        %add3A_1503 = arith.constant 48 : i32
        %add3A_1504 = vector.broadcast %add3A_1503 : i32 to vector<16xi32>
        %add3A_1505 = arith.addi %and3A_33, %add3A_1504 : vector<16xi32>
        tpu.vector_store_idx %arg12[%add3A_1505, %add3A_1206], %gather3A_1468 : memref<64x128xf32, #tpu.memory_space<vmem>>[vector<16xi32>, vector<16xi32>], vector<16xf32>,
        %add3A_1506 = arith.constant 48 : i32
        %add3A_1507 = vector.broadcast %add3A_1506 : i32 to vector<16xi32>
        %add3A_1508 = arith.addi %and3A_39, %add3A_1507 : vector<16xi32>
        tpu.vector_store_idx %arg12[%add3A_1508, %add3A_1206], %gather3A_1470 : memref<64x128xf32, #tpu.memory_space<vmem>>[vector<16xi32>, vector<16xi32>], vector<16xf32>,
        %add3A_1509 = arith.constant 48 : i32
        %add3A_1510 = vector.broadcast %add3A_1509 : i32 to vector<16xi32>
        %add3A_1511 = arith.addi %and3A_45, %add3A_1510 : vector<16xi32>
        tpu.vector_store_idx %arg12[%add3A_1511, %add3A_1206], %gather3A_1472 : memref<64x128xf32, #tpu.memory_space<vmem>>[vector<16xi32>, vector<16xi32>], vector<16xf32>,
        %add3A_1512 = arith.constant 48 : i32
        %add3A_1513 = vector.broadcast %add3A_1512 : i32 to vector<16xi32>
        %add3A_1514 = arith.addi %and3A_51, %add3A_1513 : vector<16xi32>
        tpu.vector_store_idx %arg12[%add3A_1514, %add3A_1206], %gather3A_1474 : memref<64x128xf32, #tpu.memory_space<vmem>>[vector<16xi32>, vector<16xi32>], vector<16xf32>,
        %add3A_1515 = arith.constant 48 : i32
        %add3A_1516 = vector.broadcast %add3A_1515 : i32 to vector<16xi32>
        %add3A_1517 = arith.addi %and3A_57, %add3A_1516 : vector<16xi32>
        tpu.vector_store_idx %arg12[%add3A_1517, %add3A_1206], %gather3A_1476 : memref<64x128xf32, #tpu.memory_space<vmem>>[vector<16xi32>, vector<16xi32>], vector<16xf32>,
        %add3A_1518 = arith.constant 48 : i32
        %add3A_1519 = vector.broadcast %add3A_1518 : i32 to vector<16xi32>
        %add3A_1520 = arith.addi %and3A_63, %add3A_1519 : vector<16xi32>
        tpu.vector_store_idx %arg12[%add3A_1520, %add3A_1206], %gather3A_1478 : memref<64x128xf32, #tpu.memory_space<vmem>>[vector<16xi32>, vector<16xi32>], vector<16xf32>,
        %add3A_1521 = arith.constant 48 : i32
        %add3A_1522 = vector.broadcast %add3A_1521 : i32 to vector<16xi32>
        %add3A_1523 = arith.addi %and3A_69, %add3A_1522 : vector<16xi32>
        tpu.vector_store_idx %arg12[%add3A_1523, %add3A_1206], %gather3A_1480 : memref<64x128xf32, #tpu.memory_space<vmem>>[vector<16xi32>, vector<16xi32>], vector<16xf32>,
        %add3A_1524 = arith.constant 48 : i32
        %add3A_1525 = vector.broadcast %add3A_1524 : i32 to vector<16xi32>
        %add3A_1526 = arith.addi %and3A_75, %add3A_1525 : vector<16xi32>
        tpu.vector_store_idx %arg12[%add3A_1526, %add3A_1206], %gather3A_1482 : memref<64x128xf32, #tpu.memory_space<vmem>>[vector<16xi32>, vector<16xi32>], vector<16xf32>,
        %add3A_1527 = arith.constant 48 : i32
        %add3A_1528 = vector.broadcast %add3A_1527 : i32 to vector<16xi32>
        %add3A_1529 = arith.addi %and3A_81, %add3A_1528 : vector<16xi32>
        tpu.vector_store_idx %arg12[%add3A_1529, %add3A_1206], %gather3A_1484 : memref<64x128xf32, #tpu.memory_space<vmem>>[vector<16xi32>, vector<16xi32>], vector<16xf32>,
        %add3A_1530 = arith.constant 48 : i32
        %add3A_1531 = vector.broadcast %add3A_1530 : i32 to vector<16xi32>
        %add3A_1532 = arith.addi %and3A_87, %add3A_1531 : vector<16xi32>
        tpu.vector_store_idx %arg12[%add3A_1532, %add3A_1206], %gather3A_1486 : memref<64x128xf32, #tpu.memory_space<vmem>>[vector<16xi32>, vector<16xi32>], vector<16xf32>,
        %add3A_1533 = arith.constant 48 : i32
        %add3A_1534 = vector.broadcast %add3A_1533 : i32 to vector<16xi32>
        %add3A_1535 = arith.addi %and3A_93, %add3A_1534 : vector<16xi32>
        tpu.vector_store_idx %arg12[%add3A_1535, %add3A_1206], %gather3A_1488 : memref<64x128xf32, #tpu.memory_space<vmem>>[vector<16xi32>, vector<16xi32>], vector<16xf32>,
        %add3A_1536 = arith.constant 48 : i32
        %add3A_1537 = vector.broadcast %add3A_1536 : i32 to vector<16xi32>
        %add3A_1538 = arith.addi %and3A_99, %add3A_1537 : vector<16xi32>
        tpu.vector_store_idx %arg12[%add3A_1538, %add3A_1206], %gather3A_1490 : memref<64x128xf32, #tpu.memory_space<vmem>>[vector<16xi32>, vector<16xi32>], vector<16xf32>,
      }
      %scan3A_1146 = arith.constant 8 : i32
      %sub3A_1147 = arith.constant 1 : i32
      %sub3A_1148 = arith.subi %add3A_886, %sub3A_1147 : i32
      %jit3A_1149 = arith.constant 50 : i32
      %eq3A_1150 = arith.constant 0 : i32
      %eq3A_1151 = arith.cmpi eq, %jit3A_1149, %eq3A_1150 : i32
      %jit3A_1152 = arith.constant 1 : i32
      %select_n3A_1153 = arith.select %eq3A_1151, %jit3A_1152, %jit3A_1149 : i32
      %rem3A_1154 = arith.remsi %sub3A_1148, %select_n3A_1153 : i32
      %ne3A_1155 = arith.constant 0 : i32
      %ne3A_1156 = arith.cmpi ne, %rem3A_1154, %ne3A_1155 : i32
      %lt3A_1157 = arith.constant 0 : i32
      %lt3A_1158 = arith.cmpi slt, %rem3A_1154, %lt3A_1157 : i32
      %lt3A_1159 = arith.constant 0 : i32
      %lt3A_1160 = arith.cmpi slt, %select_n3A_1153, %lt3A_1159 : i32
      %ne3A_1161 = arith.xori %lt3A_1158, %lt3A_1160 : i1
      %and3A_1162 = arith.andi %ne3A_1161, %ne3A_1156 : i1
      %add3A_1163 = arith.addi %rem3A_1154, %select_n3A_1153 : i32
      %select_n3A_1164 = arith.select %and3A_1162, %add3A_1163, %rem3A_1154 : i32
      %mul3A_1165 = arith.constant 4 : i32
      %mul3A_1166 = arith.muli %add3A, %mul3A_1165 : i32
      %jit3A_1167 = arith.constant 50 : i32
      %div3A_1168 = arith.divsi %sub3A_1148, %jit3A_1167 : i32
      %sign3A_1169 = arith.constant 0 : i32
      %sign3A_1170 = arith.cmpi sgt, %sub3A_1148, %sign3A_1169 : i32
      %sign3A_1171 = arith.extui %sign3A_1170 : i1 to i32
      %sign3A_1172 = arith.constant 0 : i32
      %sign3A_1173 = arith.cmpi slt, %sub3A_1148, %sign3A_1172 : i32
      %sign3A_1174 = arith.extui %sign3A_1173 : i1 to i32
      %sign3A_1175 = arith.subi %sign3A_1171, %sign3A_1174 : i32
      %sign3A_1176 = arith.constant 0 : i32
      %sign3A_1177 = arith.cmpi sgt, %jit3A_1167, %sign3A_1176 : i32
      %sign3A_1178 = arith.extui %sign3A_1177 : i1 to i32
      %sign3A_1179 = arith.constant 0 : i32
      %sign3A_1180 = arith.cmpi slt, %jit3A_1167, %sign3A_1179 : i32
      %sign3A_1181 = arith.extui %sign3A_1180 : i1 to i32
      %sign3A_1182 = arith.subi %sign3A_1178, %sign3A_1181 : i32
      %ne3A_1183 = arith.cmpi ne, %sign3A_1175, %sign3A_1182 : i32
      %rem3A_1184 = arith.remsi %sub3A_1148, %jit3A_1167 : i32
      %ne3A_1185 = arith.constant 0 : i32
      %ne3A_1186 = arith.cmpi ne, %rem3A_1184, %ne3A_1185 : i32
      %and3A_1187 = arith.andi %ne3A_1183, %ne3A_1186 : i1
      %sub3A_1188 = arith.constant 1 : i32
      %sub3A_1189 = arith.subi %div3A_1168, %sub3A_1188 : i32
      %select_n3A_1190 = arith.select %and3A_1187, %sub3A_1189, %div3A_1168 : i32
      %add3A_1191 = arith.addi %mul3A_1166, %select_n3A_1190 : i32
      %mul3A_1192 = arith.constant 128 : i32
      %mul3A_1193 = arith.muli %add3A_1191, %mul3A_1192 : i32
      %dma_start3A_1194 = arith.constant 0 : i32
      %dma_start3A_1195 = tpu.memref_slice %arg4[%select_n3A_1164, %dma_start3A_1194, %mul3A_1193] : memref<50x64x16384xf32, #tpu.memory_space<hbm>> -> memref<1x64x128xf32, #tpu.memory_space<hbm>>
      %dma_start3A_1196 = tpu.memref_squeeze %dma_start3A_1195 : memref<1x64x128xf32, #tpu.memory_space<hbm>> -> memref<64x128xf32, #tpu.memory_space<hbm>>
      %dma_start3A_1197 = arith.constant 0 : i32
      %dma_start3A_1198 = tpu.memref_slice %arg4[%select_n3A_1164, %dma_start3A_1197, %mul3A_1193] : memref<50x64x16384xf32, #tpu.memory_space<hbm>> -> memref<1x64x128xf32, #tpu.memory_space<hbm>>
      %dma_start3A_1199 = tpu.memref_squeeze %dma_start3A_1198 : memref<1x64x128xf32, #tpu.memory_space<hbm>> -> memref<64x128xf32, #tpu.memory_space<hbm>>
      tpu.enqueue_dma source(%arg12 : memref<64x128xf32, #tpu.memory_space<vmem>>) target(%dma_start3A_1199 : memref<64x128xf32, #tpu.memory_space<hbm>>) target_semaphore(%arg16 : memref<!tpu.dma_semaphore, #tpu.memory_space<semaphore_mem>>)
    }
    %scan3A_527 = arith.constant 99 : i32
    %dma_wait3A_528 = arith.constant 0 : i32
    %dma_wait3A_529 = arith.constant 0 : i32
    %dma_wait3A_530 = tpu.memref_slice %arg3[%dma_wait3A_528, %dma_wait3A_529] : memref<500000x128xf32, #tpu.memory_space<hbm>> -> memref<500000x128xf32, #tpu.memory_space<hbm>>
    tpu.wait_indirect_dma semaphore(%arg15 : memref<!tpu.dma_semaphore, #tpu.memory_space<semaphore_mem>>) src(%dma_wait3A_530 : memref<500000x128xf32, #tpu.memory_space<hbm>>) dst(%arg11 : memref<128x128xf32, #tpu.memory_space<vmem>>)
    %scan3A_531 = arith.constant 0 : i32
    %scan3A_532 = arith.constant 0 : i32
    %scan3A_533 = arith.constant 8 : i32
    %scan3A_534 = arith.addi %scan3A_532, %scan3A_533 : i32
    %scan3A_535 = arith.constant 1 : i32
    scf.for %scan3A_576 = %scan3A_532 to %scan3A_534 step %scan3A_535  : i32 {
      %get3A = arith.index_cast %scan3A_576 : i32 to index
      %get3A_577 = arith.constant 0 : index
      %get3A_578 = tpu.vector_load %arg9[%get3A, %get3A_577] {strides = array<i32>} : memref<8x16xi32, #tpu.memory_space<vmem>>, vector<16xi32>,
      %mul3A_579 = arith.constant 16 : i32
      %mul3A_580 = arith.muli %mul3A_579, %scan3A_576 : i32
      %add3A_581 = vector.broadcast %mul3A_580 : i32 to vector<16xi32>
      %add3A_582 = arith.addi %iota3A, %add3A_581 : vector<16xi32>
      %add3A_583 = arith.constant 0 : i32
      %add3A_584 = vector.broadcast %add3A_583 : i32 to vector<16xi32>
      %add3A_585 = arith.addi %get3A_578, %add3A_584 : vector<16xi32>
      %add3A_586 = arith.addi %add3A_585, %and3A_9 : vector<16xi32>
      %gather3A_587 = tpu.vector_load_idx %arg11[%add3A_582, %add3A_586] : memref<128x128xf32, #tpu.memory_space<vmem>>[vector<16xi32>, vector<16xi32>], vector<16xf32>,
      %add3A_588 = arith.addi %add3A_585, %and3A_15 : vector<16xi32>
      %gather3A_589 = tpu.vector_load_idx %arg11[%add3A_582, %add3A_588] : memref<128x128xf32, #tpu.memory_space<vmem>>[vector<16xi32>, vector<16xi32>], vector<16xf32>,
      %add3A_590 = arith.addi %add3A_585, %and3A_21 : vector<16xi32>
      %gather3A_591 = tpu.vector_load_idx %arg11[%add3A_582, %add3A_590] : memref<128x128xf32, #tpu.memory_space<vmem>>[vector<16xi32>, vector<16xi32>], vector<16xf32>,
      %add3A_592 = arith.addi %add3A_585, %and3A_27 : vector<16xi32>
      %gather3A_593 = tpu.vector_load_idx %arg11[%add3A_582, %add3A_592] : memref<128x128xf32, #tpu.memory_space<vmem>>[vector<16xi32>, vector<16xi32>], vector<16xf32>,
      %add3A_594 = arith.addi %add3A_585, %and3A_33 : vector<16xi32>
      %gather3A_595 = tpu.vector_load_idx %arg11[%add3A_582, %add3A_594] : memref<128x128xf32, #tpu.memory_space<vmem>>[vector<16xi32>, vector<16xi32>], vector<16xf32>,
      %add3A_596 = arith.addi %add3A_585, %and3A_39 : vector<16xi32>
      %gather3A_597 = tpu.vector_load_idx %arg11[%add3A_582, %add3A_596] : memref<128x128xf32, #tpu.memory_space<vmem>>[vector<16xi32>, vector<16xi32>], vector<16xf32>,
      %add3A_598 = arith.addi %add3A_585, %and3A_45 : vector<16xi32>
      %gather3A_599 = tpu.vector_load_idx %arg11[%add3A_582, %add3A_598] : memref<128x128xf32, #tpu.memory_space<vmem>>[vector<16xi32>, vector<16xi32>], vector<16xf32>,
      %add3A_600 = arith.addi %add3A_585, %and3A_51 : vector<16xi32>
      %gather3A_601 = tpu.vector_load_idx %arg11[%add3A_582, %add3A_600] : memref<128x128xf32, #tpu.memory_space<vmem>>[vector<16xi32>, vector<16xi32>], vector<16xf32>,
      %add3A_602 = arith.addi %add3A_585, %and3A_57 : vector<16xi32>
      %gather3A_603 = tpu.vector_load_idx %arg11[%add3A_582, %add3A_602] : memref<128x128xf32, #tpu.memory_space<vmem>>[vector<16xi32>, vector<16xi32>], vector<16xf32>,
      %add3A_604 = arith.addi %add3A_585, %and3A_63 : vector<16xi32>
      %gather3A_605 = tpu.vector_load_idx %arg11[%add3A_582, %add3A_604] : memref<128x128xf32, #tpu.memory_space<vmem>>[vector<16xi32>, vector<16xi32>], vector<16xf32>,
      %add3A_606 = arith.addi %add3A_585, %and3A_69 : vector<16xi32>
      %gather3A_607 = tpu.vector_load_idx %arg11[%add3A_582, %add3A_606] : memref<128x128xf32, #tpu.memory_space<vmem>>[vector<16xi32>, vector<16xi32>], vector<16xf32>,
      %add3A_608 = arith.addi %add3A_585, %and3A_75 : vector<16xi32>
      %gather3A_609 = tpu.vector_load_idx %arg11[%add3A_582, %add3A_608] : memref<128x128xf32, #tpu.memory_space<vmem>>[vector<16xi32>, vector<16xi32>], vector<16xf32>,
      %add3A_610 = arith.addi %add3A_585, %and3A_81 : vector<16xi32>
      %gather3A_611 = tpu.vector_load_idx %arg11[%add3A_582, %add3A_610] : memref<128x128xf32, #tpu.memory_space<vmem>>[vector<16xi32>, vector<16xi32>], vector<16xf32>,
      %add3A_612 = arith.addi %add3A_585, %and3A_87 : vector<16xi32>
      %gather3A_613 = tpu.vector_load_idx %arg11[%add3A_582, %add3A_612] : memref<128x128xf32, #tpu.memory_space<vmem>>[vector<16xi32>, vector<16xi32>], vector<16xf32>,
      %add3A_614 = arith.addi %add3A_585, %and3A_93 : vector<16xi32>
      %gather3A_615 = tpu.vector_load_idx %arg11[%add3A_582, %add3A_614] : memref<128x128xf32, #tpu.memory_space<vmem>>[vector<16xi32>, vector<16xi32>], vector<16xf32>,
      %add3A_616 = arith.addi %add3A_585, %and3A_99 : vector<16xi32>
      %gather3A_617 = tpu.vector_load_idx %arg11[%add3A_582, %add3A_616] : memref<128x128xf32, #tpu.memory_space<vmem>>[vector<16xi32>, vector<16xi32>], vector<16xf32>,
      %add3A_618 = arith.constant 0 : i32
      %add3A_619 = vector.broadcast %add3A_618 : i32 to vector<16xi32>
      %add3A_620 = arith.addi %and3A_9, %add3A_619 : vector<16xi32>
      tpu.vector_store_idx %arg13[%add3A_620, %add3A_582], %gather3A_587 : memref<64x128xf32, #tpu.memory_space<vmem>>[vector<16xi32>, vector<16xi32>], vector<16xf32>,
      %add3A_621 = arith.constant 0 : i32
      %add3A_622 = vector.broadcast %add3A_621 : i32 to vector<16xi32>
      %add3A_623 = arith.addi %and3A_15, %add3A_622 : vector<16xi32>
      tpu.vector_store_idx %arg13[%add3A_623, %add3A_582], %gather3A_589 : memref<64x128xf32, #tpu.memory_space<vmem>>[vector<16xi32>, vector<16xi32>], vector<16xf32>,
      %add3A_624 = arith.constant 0 : i32
      %add3A_625 = vector.broadcast %add3A_624 : i32 to vector<16xi32>
      %add3A_626 = arith.addi %and3A_21, %add3A_625 : vector<16xi32>
      tpu.vector_store_idx %arg13[%add3A_626, %add3A_582], %gather3A_591 : memref<64x128xf32, #tpu.memory_space<vmem>>[vector<16xi32>, vector<16xi32>], vector<16xf32>,
      %add3A_627 = arith.constant 0 : i32
      %add3A_628 = vector.broadcast %add3A_627 : i32 to vector<16xi32>
      %add3A_629 = arith.addi %and3A_27, %add3A_628 : vector<16xi32>
      tpu.vector_store_idx %arg13[%add3A_629, %add3A_582], %gather3A_593 : memref<64x128xf32, #tpu.memory_space<vmem>>[vector<16xi32>, vector<16xi32>], vector<16xf32>,
      %add3A_630 = arith.constant 0 : i32
      %add3A_631 = vector.broadcast %add3A_630 : i32 to vector<16xi32>
      %add3A_632 = arith.addi %and3A_33, %add3A_631 : vector<16xi32>
      tpu.vector_store_idx %arg13[%add3A_632, %add3A_582], %gather3A_595 : memref<64x128xf32, #tpu.memory_space<vmem>>[vector<16xi32>, vector<16xi32>], vector<16xf32>,
      %add3A_633 = arith.constant 0 : i32
      %add3A_634 = vector.broadcast %add3A_633 : i32 to vector<16xi32>
      %add3A_635 = arith.addi %and3A_39, %add3A_634 : vector<16xi32>
      tpu.vector_store_idx %arg13[%add3A_635, %add3A_582], %gather3A_597 : memref<64x128xf32, #tpu.memory_space<vmem>>[vector<16xi32>, vector<16xi32>], vector<16xf32>,
      %add3A_636 = arith.constant 0 : i32
      %add3A_637 = vector.broadcast %add3A_636 : i32 to vector<16xi32>
      %add3A_638 = arith.addi %and3A_45, %add3A_637 : vector<16xi32>
      tpu.vector_store_idx %arg13[%add3A_638, %add3A_582], %gather3A_599 : memref<64x128xf32, #tpu.memory_space<vmem>>[vector<16xi32>, vector<16xi32>], vector<16xf32>,
      %add3A_639 = arith.constant 0 : i32
      %add3A_640 = vector.broadcast %add3A_639 : i32 to vector<16xi32>
      %add3A_641 = arith.addi %and3A_51, %add3A_640 : vector<16xi32>
      tpu.vector_store_idx %arg13[%add3A_641, %add3A_582], %gather3A_601 : memref<64x128xf32, #tpu.memory_space<vmem>>[vector<16xi32>, vector<16xi32>], vector<16xf32>,
      %add3A_642 = arith.constant 0 : i32
      %add3A_643 = vector.broadcast %add3A_642 : i32 to vector<16xi32>
      %add3A_644 = arith.addi %and3A_57, %add3A_643 : vector<16xi32>
      tpu.vector_store_idx %arg13[%add3A_644, %add3A_582], %gather3A_603 : memref<64x128xf32, #tpu.memory_space<vmem>>[vector<16xi32>, vector<16xi32>], vector<16xf32>,
      %add3A_645 = arith.constant 0 : i32
      %add3A_646 = vector.broadcast %add3A_645 : i32 to vector<16xi32>
      %add3A_647 = arith.addi %and3A_63, %add3A_646 : vector<16xi32>
      tpu.vector_store_idx %arg13[%add3A_647, %add3A_582], %gather3A_605 : memref<64x128xf32, #tpu.memory_space<vmem>>[vector<16xi32>, vector<16xi32>], vector<16xf32>,
      %add3A_648 = arith.constant 0 : i32
      %add3A_649 = vector.broadcast %add3A_648 : i32 to vector<16xi32>
      %add3A_650 = arith.addi %and3A_69, %add3A_649 : vector<16xi32>
      tpu.vector_store_idx %arg13[%add3A_650, %add3A_582], %gather3A_607 : memref<64x128xf32, #tpu.memory_space<vmem>>[vector<16xi32>, vector<16xi32>], vector<16xf32>,
      %add3A_651 = arith.constant 0 : i32
      %add3A_652 = vector.broadcast %add3A_651 : i32 to vector<16xi32>
      %add3A_653 = arith.addi %and3A_75, %add3A_652 : vector<16xi32>
      tpu.vector_store_idx %arg13[%add3A_653, %add3A_582], %gather3A_609 : memref<64x128xf32, #tpu.memory_space<vmem>>[vector<16xi32>, vector<16xi32>], vector<16xf32>,
      %add3A_654 = arith.constant 0 : i32
      %add3A_655 = vector.broadcast %add3A_654 : i32 to vector<16xi32>
      %add3A_656 = arith.addi %and3A_81, %add3A_655 : vector<16xi32>
      tpu.vector_store_idx %arg13[%add3A_656, %add3A_582], %gather3A_611 : memref<64x128xf32, #tpu.memory_space<vmem>>[vector<16xi32>, vector<16xi32>], vector<16xf32>,
      %add3A_657 = arith.constant 0 : i32
      %add3A_658 = vector.broadcast %add3A_657 : i32 to vector<16xi32>
      %add3A_659 = arith.addi %and3A_87, %add3A_658 : vector<16xi32>
      tpu.vector_store_idx %arg13[%add3A_659, %add3A_582], %gather3A_613 : memref<64x128xf32, #tpu.memory_space<vmem>>[vector<16xi32>, vector<16xi32>], vector<16xf32>,
      %add3A_660 = arith.constant 0 : i32
      %add3A_661 = vector.broadcast %add3A_660 : i32 to vector<16xi32>
      %add3A_662 = arith.addi %and3A_93, %add3A_661 : vector<16xi32>
      tpu.vector_store_idx %arg13[%add3A_662, %add3A_582], %gather3A_615 : memref<64x128xf32, #tpu.memory_space<vmem>>[vector<16xi32>, vector<16xi32>], vector<16xf32>,
      %add3A_663 = arith.constant 0 : i32
      %add3A_664 = vector.broadcast %add3A_663 : i32 to vector<16xi32>
      %add3A_665 = arith.addi %and3A_99, %add3A_664 : vector<16xi32>
      tpu.vector_store_idx %arg13[%add3A_665, %add3A_582], %gather3A_617 : memref<64x128xf32, #tpu.memory_space<vmem>>[vector<16xi32>, vector<16xi32>], vector<16xf32>,
      %add3A_666 = arith.constant 16 : i32
      %add3A_667 = vector.broadcast %add3A_666 : i32 to vector<16xi32>
      %add3A_668 = arith.addi %get3A_578, %add3A_667 : vector<16xi32>
      %add3A_669 = arith.addi %add3A_668, %and3A_9 : vector<16xi32>
      %gather3A_670 = tpu.vector_load_idx %arg11[%add3A_582, %add3A_669] : memref<128x128xf32, #tpu.memory_space<vmem>>[vector<16xi32>, vector<16xi32>], vector<16xf32>,
      %add3A_671 = arith.addi %add3A_668, %and3A_15 : vector<16xi32>
      %gather3A_672 = tpu.vector_load_idx %arg11[%add3A_582, %add3A_671] : memref<128x128xf32, #tpu.memory_space<vmem>>[vector<16xi32>, vector<16xi32>], vector<16xf32>,
      %add3A_673 = arith.addi %add3A_668, %and3A_21 : vector<16xi32>
      %gather3A_674 = tpu.vector_load_idx %arg11[%add3A_582, %add3A_673] : memref<128x128xf32, #tpu.memory_space<vmem>>[vector<16xi32>, vector<16xi32>], vector<16xf32>,
      %add3A_675 = arith.addi %add3A_668, %and3A_27 : vector<16xi32>
      %gather3A_676 = tpu.vector_load_idx %arg11[%add3A_582, %add3A_675] : memref<128x128xf32, #tpu.memory_space<vmem>>[vector<16xi32>, vector<16xi32>], vector<16xf32>,
      %add3A_677 = arith.addi %add3A_668, %and3A_33 : vector<16xi32>
      %gather3A_678 = tpu.vector_load_idx %arg11[%add3A_582, %add3A_677] : memref<128x128xf32, #tpu.memory_space<vmem>>[vector<16xi32>, vector<16xi32>], vector<16xf32>,
      %add3A_679 = arith.addi %add3A_668, %and3A_39 : vector<16xi32>
      %gather3A_680 = tpu.vector_load_idx %arg11[%add3A_582, %add3A_679] : memref<128x128xf32, #tpu.memory_space<vmem>>[vector<16xi32>, vector<16xi32>], vector<16xf32>,
      %add3A_681 = arith.addi %add3A_668, %and3A_45 : vector<16xi32>
      %gather3A_682 = tpu.vector_load_idx %arg11[%add3A_582, %add3A_681] : memref<128x128xf32, #tpu.memory_space<vmem>>[vector<16xi32>, vector<16xi32>], vector<16xf32>,
      %add3A_683 = arith.addi %add3A_668, %and3A_51 : vector<16xi32>
      %gather3A_684 = tpu.vector_load_idx %arg11[%add3A_582, %add3A_683] : memref<128x128xf32, #tpu.memory_space<vmem>>[vector<16xi32>, vector<16xi32>], vector<16xf32>,
      %add3A_685 = arith.addi %add3A_668, %and3A_57 : vector<16xi32>
      %gather3A_686 = tpu.vector_load_idx %arg11[%add3A_582, %add3A_685] : memref<128x128xf32, #tpu.memory_space<vmem>>[vector<16xi32>, vector<16xi32>], vector<16xf32>,
      %add3A_687 = arith.addi %add3A_668, %and3A_63 : vector<16xi32>
      %gather3A_688 = tpu.vector_load_idx %arg11[%add3A_582, %add3A_687] : memref<128x128xf32, #tpu.memory_space<vmem>>[vector<16xi32>, vector<16xi32>], vector<16xf32>,
      %add3A_689 = arith.addi %add3A_668, %and3A_69 : vector<16xi32>
      %gather3A_690 = tpu.vector_load_idx %arg11[%add3A_582, %add3A_689] : memref<128x128xf32, #tpu.memory_space<vmem>>[vector<16xi32>, vector<16xi32>], vector<16xf32>,
      %add3A_691 = arith.addi %add3A_668, %and3A_75 : vector<16xi32>
      %gather3A_692 = tpu.vector_load_idx %arg11[%add3A_582, %add3A_691] : memref<128x128xf32, #tpu.memory_space<vmem>>[vector<16xi32>, vector<16xi32>], vector<16xf32>,
      %add3A_693 = arith.addi %add3A_668, %and3A_81 : vector<16xi32>
      %gather3A_694 = tpu.vector_load_idx %arg11[%add3A_582, %add3A_693] : memref<128x128xf32, #tpu.memory_space<vmem>>[vector<16xi32>, vector<16xi32>], vector<16xf32>,
      %add3A_695 = arith.addi %add3A_668, %and3A_87 : vector<16xi32>
      %gather3A_696 = tpu.vector_load_idx %arg11[%add3A_582, %add3A_695] : memref<128x128xf32, #tpu.memory_space<vmem>>[vector<16xi32>, vector<16xi32>], vector<16xf32>,
      %add3A_697 = arith.addi %add3A_668, %and3A_93 : vector<16xi32>
      %gather3A_698 = tpu.vector_load_idx %arg11[%add3A_582, %add3A_697] : memref<128x128xf32, #tpu.memory_space<vmem>>[vector<16xi32>, vector<16xi32>], vector<16xf32>,
      %add3A_699 = arith.addi %add3A_668, %and3A_99 : vector<16xi32>
      %gather3A_700 = tpu.vector_load_idx %arg11[%add3A_582, %add3A_699] : memref<128x128xf32, #tpu.memory_space<vmem>>[vector<16xi32>, vector<16xi32>], vector<16xf32>,
      %add3A_701 = arith.constant 16 : i32
      %add3A_702 = vector.broadcast %add3A_701 : i32 to vector<16xi32>
      %add3A_703 = arith.addi %and3A_9, %add3A_702 : vector<16xi32>
      tpu.vector_store_idx %arg13[%add3A_703, %add3A_582], %gather3A_670 : memref<64x128xf32, #tpu.memory_space<vmem>>[vector<16xi32>, vector<16xi32>], vector<16xf32>,
      %add3A_704 = arith.constant 16 : i32
      %add3A_705 = vector.broadcast %add3A_704 : i32 to vector<16xi32>
      %add3A_706 = arith.addi %and3A_15, %add3A_705 : vector<16xi32>
      tpu.vector_store_idx %arg13[%add3A_706, %add3A_582], %gather3A_672 : memref<64x128xf32, #tpu.memory_space<vmem>>[vector<16xi32>, vector<16xi32>], vector<16xf32>,
      %add3A_707 = arith.constant 16 : i32
      %add3A_708 = vector.broadcast %add3A_707 : i32 to vector<16xi32>
      %add3A_709 = arith.addi %and3A_21, %add3A_708 : vector<16xi32>
      tpu.vector_store_idx %arg13[%add3A_709, %add3A_582], %gather3A_674 : memref<64x128xf32, #tpu.memory_space<vmem>>[vector<16xi32>, vector<16xi32>], vector<16xf32>,
      %add3A_710 = arith.constant 16 : i32
      %add3A_711 = vector.broadcast %add3A_710 : i32 to vector<16xi32>
      %add3A_712 = arith.addi %and3A_27, %add3A_711 : vector<16xi32>
      tpu.vector_store_idx %arg13[%add3A_712, %add3A_582], %gather3A_676 : memref<64x128xf32, #tpu.memory_space<vmem>>[vector<16xi32>, vector<16xi32>], vector<16xf32>,
      %add3A_713 = arith.constant 16 : i32
      %add3A_714 = vector.broadcast %add3A_713 : i32 to vector<16xi32>
      %add3A_715 = arith.addi %and3A_33, %add3A_714 : vector<16xi32>
      tpu.vector_store_idx %arg13[%add3A_715, %add3A_582], %gather3A_678 : memref<64x128xf32, #tpu.memory_space<vmem>>[vector<16xi32>, vector<16xi32>], vector<16xf32>,
      %add3A_716 = arith.constant 16 : i32
      %add3A_717 = vector.broadcast %add3A_716 : i32 to vector<16xi32>
      %add3A_718 = arith.addi %and3A_39, %add3A_717 : vector<16xi32>
      tpu.vector_store_idx %arg13[%add3A_718, %add3A_582], %gather3A_680 : memref<64x128xf32, #tpu.memory_space<vmem>>[vector<16xi32>, vector<16xi32>], vector<16xf32>,
      %add3A_719 = arith.constant 16 : i32
      %add3A_720 = vector.broadcast %add3A_719 : i32 to vector<16xi32>
      %add3A_721 = arith.addi %and3A_45, %add3A_720 : vector<16xi32>
      tpu.vector_store_idx %arg13[%add3A_721, %add3A_582], %gather3A_682 : memref<64x128xf32, #tpu.memory_space<vmem>>[vector<16xi32>, vector<16xi32>], vector<16xf32>,
      %add3A_722 = arith.constant 16 : i32
      %add3A_723 = vector.broadcast %add3A_722 : i32 to vector<16xi32>
      %add3A_724 = arith.addi %and3A_51, %add3A_723 : vector<16xi32>
      tpu.vector_store_idx %arg13[%add3A_724, %add3A_582], %gather3A_684 : memref<64x128xf32, #tpu.memory_space<vmem>>[vector<16xi32>, vector<16xi32>], vector<16xf32>,
      %add3A_725 = arith.constant 16 : i32
      %add3A_726 = vector.broadcast %add3A_725 : i32 to vector<16xi32>
      %add3A_727 = arith.addi %and3A_57, %add3A_726 : vector<16xi32>
      tpu.vector_store_idx %arg13[%add3A_727, %add3A_582], %gather3A_686 : memref<64x128xf32, #tpu.memory_space<vmem>>[vector<16xi32>, vector<16xi32>], vector<16xf32>,
      %add3A_728 = arith.constant 16 : i32
      %add3A_729 = vector.broadcast %add3A_728 : i32 to vector<16xi32>
      %add3A_730 = arith.addi %and3A_63, %add3A_729 : vector<16xi32>
      tpu.vector_store_idx %arg13[%add3A_730, %add3A_582], %gather3A_688 : memref<64x128xf32, #tpu.memory_space<vmem>>[vector<16xi32>, vector<16xi32>], vector<16xf32>,
      %add3A_731 = arith.constant 16 : i32
      %add3A_732 = vector.broadcast %add3A_731 : i32 to vector<16xi32>
      %add3A_733 = arith.addi %and3A_69, %add3A_732 : vector<16xi32>
      tpu.vector_store_idx %arg13[%add3A_733, %add3A_582], %gather3A_690 : memref<64x128xf32, #tpu.memory_space<vmem>>[vector<16xi32>, vector<16xi32>], vector<16xf32>,
      %add3A_734 = arith.constant 16 : i32
      %add3A_735 = vector.broadcast %add3A_734 : i32 to vector<16xi32>
      %add3A_736 = arith.addi %and3A_75, %add3A_735 : vector<16xi32>
      tpu.vector_store_idx %arg13[%add3A_736, %add3A_582], %gather3A_692 : memref<64x128xf32, #tpu.memory_space<vmem>>[vector<16xi32>, vector<16xi32>], vector<16xf32>,
      %add3A_737 = arith.constant 16 : i32
      %add3A_738 = vector.broadcast %add3A_737 : i32 to vector<16xi32>
      %add3A_739 = arith.addi %and3A_81, %add3A_738 : vector<16xi32>
      tpu.vector_store_idx %arg13[%add3A_739, %add3A_582], %gather3A_694 : memref<64x128xf32, #tpu.memory_space<vmem>>[vector<16xi32>, vector<16xi32>], vector<16xf32>,
      %add3A_740 = arith.constant 16 : i32
      %add3A_741 = vector.broadcast %add3A_740 : i32 to vector<16xi32>
      %add3A_742 = arith.addi %and3A_87, %add3A_741 : vector<16xi32>
      tpu.vector_store_idx %arg13[%add3A_742, %add3A_582], %gather3A_696 : memref<64x128xf32, #tpu.memory_space<vmem>>[vector<16xi32>, vector<16xi32>], vector<16xf32>,
      %add3A_743 = arith.constant 16 : i32
      %add3A_744 = vector.broadcast %add3A_743 : i32 to vector<16xi32>
      %add3A_745 = arith.addi %and3A_93, %add3A_744 : vector<16xi32>
      tpu.vector_store_idx %arg13[%add3A_745, %add3A_582], %gather3A_698 : memref<64x128xf32, #tpu.memory_space<vmem>>[vector<16xi32>, vector<16xi32>], vector<16xf32>,
      %add3A_746 = arith.constant 16 : i32
      %add3A_747 = vector.broadcast %add3A_746 : i32 to vector<16xi32>
      %add3A_748 = arith.addi %and3A_99, %add3A_747 : vector<16xi32>
      tpu.vector_store_idx %arg13[%add3A_748, %add3A_582], %gather3A_700 : memref<64x128xf32, #tpu.memory_space<vmem>>[vector<16xi32>, vector<16xi32>], vector<16xf32>,
      %add3A_749 = arith.constant 32 : i32
      %add3A_750 = vector.broadcast %add3A_749 : i32 to vector<16xi32>
      %add3A_751 = arith.addi %get3A_578, %add3A_750 : vector<16xi32>
      %add3A_752 = arith.addi %add3A_751, %and3A_9 : vector<16xi32>
      %gather3A_753 = tpu.vector_load_idx %arg11[%add3A_582, %add3A_752] : memref<128x128xf32, #tpu.memory_space<vmem>>[vector<16xi32>, vector<16xi32>], vector<16xf32>,
      %add3A_754 = arith.addi %add3A_751, %and3A_15 : vector<16xi32>
      %gather3A_755 = tpu.vector_load_idx %arg11[%add3A_582, %add3A_754] : memref<128x128xf32, #tpu.memory_space<vmem>>[vector<16xi32>, vector<16xi32>], vector<16xf32>,
      %add3A_756 = arith.addi %add3A_751, %and3A_21 : vector<16xi32>
      %gather3A_757 = tpu.vector_load_idx %arg11[%add3A_582, %add3A_756] : memref<128x128xf32, #tpu.memory_space<vmem>>[vector<16xi32>, vector<16xi32>], vector<16xf32>,
      %add3A_758 = arith.addi %add3A_751, %and3A_27 : vector<16xi32>
      %gather3A_759 = tpu.vector_load_idx %arg11[%add3A_582, %add3A_758] : memref<128x128xf32, #tpu.memory_space<vmem>>[vector<16xi32>, vector<16xi32>], vector<16xf32>,
      %add3A_760 = arith.addi %add3A_751, %and3A_33 : vector<16xi32>
      %gather3A_761 = tpu.vector_load_idx %arg11[%add3A_582, %add3A_760] : memref<128x128xf32, #tpu.memory_space<vmem>>[vector<16xi32>, vector<16xi32>], vector<16xf32>,
      %add3A_762 = arith.addi %add3A_751, %and3A_39 : vector<16xi32>
      %gather3A_763 = tpu.vector_load_idx %arg11[%add3A_582, %add3A_762] : memref<128x128xf32, #tpu.memory_space<vmem>>[vector<16xi32>, vector<16xi32>], vector<16xf32>,
      %add3A_764 = arith.addi %add3A_751, %and3A_45 : vector<16xi32>
      %gather3A_765 = tpu.vector_load_idx %arg11[%add3A_582, %add3A_764] : memref<128x128xf32, #tpu.memory_space<vmem>>[vector<16xi32>, vector<16xi32>], vector<16xf32>,
      %add3A_766 = arith.addi %add3A_751, %and3A_51 : vector<16xi32>
      %gather3A_767 = tpu.vector_load_idx %arg11[%add3A_582, %add3A_766] : memref<128x128xf32, #tpu.memory_space<vmem>>[vector<16xi32>, vector<16xi32>], vector<16xf32>,
      %add3A_768 = arith.addi %add3A_751, %and3A_57 : vector<16xi32>
      %gather3A_769 = tpu.vector_load_idx %arg11[%add3A_582, %add3A_768] : memref<128x128xf32, #tpu.memory_space<vmem>>[vector<16xi32>, vector<16xi32>], vector<16xf32>,
      %add3A_770 = arith.addi %add3A_751, %and3A_63 : vector<16xi32>
      %gather3A_771 = tpu.vector_load_idx %arg11[%add3A_582, %add3A_770] : memref<128x128xf32, #tpu.memory_space<vmem>>[vector<16xi32>, vector<16xi32>], vector<16xf32>,
      %add3A_772 = arith.addi %add3A_751, %and3A_69 : vector<16xi32>
      %gather3A_773 = tpu.vector_load_idx %arg11[%add3A_582, %add3A_772] : memref<128x128xf32, #tpu.memory_space<vmem>>[vector<16xi32>, vector<16xi32>], vector<16xf32>,
      %add3A_774 = arith.addi %add3A_751, %and3A_75 : vector<16xi32>
      %gather3A_775 = tpu.vector_load_idx %arg11[%add3A_582, %add3A_774] : memref<128x128xf32, #tpu.memory_space<vmem>>[vector<16xi32>, vector<16xi32>], vector<16xf32>,
      %add3A_776 = arith.addi %add3A_751, %and3A_81 : vector<16xi32>
      %gather3A_777 = tpu.vector_load_idx %arg11[%add3A_582, %add3A_776] : memref<128x128xf32, #tpu.memory_space<vmem>>[vector<16xi32>, vector<16xi32>], vector<16xf32>,
      %add3A_778 = arith.addi %add3A_751, %and3A_87 : vector<16xi32>
      %gather3A_779 = tpu.vector_load_idx %arg11[%add3A_582, %add3A_778] : memref<128x128xf32, #tpu.memory_space<vmem>>[vector<16xi32>, vector<16xi32>], vector<16xf32>,
      %add3A_780 = arith.addi %add3A_751, %and3A_93 : vector<16xi32>
      %gather3A_781 = tpu.vector_load_idx %arg11[%add3A_582, %add3A_780] : memref<128x128xf32, #tpu.memory_space<vmem>>[vector<16xi32>, vector<16xi32>], vector<16xf32>,
      %add3A_782 = arith.addi %add3A_751, %and3A_99 : vector<16xi32>
      %gather3A_783 = tpu.vector_load_idx %arg11[%add3A_582, %add3A_782] : memref<128x128xf32, #tpu.memory_space<vmem>>[vector<16xi32>, vector<16xi32>], vector<16xf32>,
      %add3A_784 = arith.constant 32 : i32
      %add3A_785 = vector.broadcast %add3A_784 : i32 to vector<16xi32>
      %add3A_786 = arith.addi %and3A_9, %add3A_785 : vector<16xi32>
      tpu.vector_store_idx %arg13[%add3A_786, %add3A_582], %gather3A_753 : memref<64x128xf32, #tpu.memory_space<vmem>>[vector<16xi32>, vector<16xi32>], vector<16xf32>,
      %add3A_787 = arith.constant 32 : i32
      %add3A_788 = vector.broadcast %add3A_787 : i32 to vector<16xi32>
      %add3A_789 = arith.addi %and3A_15, %add3A_788 : vector<16xi32>
      tpu.vector_store_idx %arg13[%add3A_789, %add3A_582], %gather3A_755 : memref<64x128xf32, #tpu.memory_space<vmem>>[vector<16xi32>, vector<16xi32>], vector<16xf32>,
      %add3A_790 = arith.constant 32 : i32
      %add3A_791 = vector.broadcast %add3A_790 : i32 to vector<16xi32>
      %add3A_792 = arith.addi %and3A_21, %add3A_791 : vector<16xi32>
      tpu.vector_store_idx %arg13[%add3A_792, %add3A_582], %gather3A_757 : memref<64x128xf32, #tpu.memory_space<vmem>>[vector<16xi32>, vector<16xi32>], vector<16xf32>,
      %add3A_793 = arith.constant 32 : i32
      %add3A_794 = vector.broadcast %add3A_793 : i32 to vector<16xi32>
      %add3A_795 = arith.addi %and3A_27, %add3A_794 : vector<16xi32>
      tpu.vector_store_idx %arg13[%add3A_795, %add3A_582], %gather3A_759 : memref<64x128xf32, #tpu.memory_space<vmem>>[vector<16xi32>, vector<16xi32>], vector<16xf32>,
      %add3A_796 = arith.constant 32 : i32
      %add3A_797 = vector.broadcast %add3A_796 : i32 to vector<16xi32>
      %add3A_798 = arith.addi %and3A_33, %add3A_797 : vector<16xi32>
      tpu.vector_store_idx %arg13[%add3A_798, %add3A_582], %gather3A_761 : memref<64x128xf32, #tpu.memory_space<vmem>>[vector<16xi32>, vector<16xi32>], vector<16xf32>,
      %add3A_799 = arith.constant 32 : i32
      %add3A_800 = vector.broadcast %add3A_799 : i32 to vector<16xi32>
      %add3A_801 = arith.addi %and3A_39, %add3A_800 : vector<16xi32>
      tpu.vector_store_idx %arg13[%add3A_801, %add3A_582], %gather3A_763 : memref<64x128xf32, #tpu.memory_space<vmem>>[vector<16xi32>, vector<16xi32>], vector<16xf32>,
      %add3A_802 = arith.constant 32 : i32
      %add3A_803 = vector.broadcast %add3A_802 : i32 to vector<16xi32>
      %add3A_804 = arith.addi %and3A_45, %add3A_803 : vector<16xi32>
      tpu.vector_store_idx %arg13[%add3A_804, %add3A_582], %gather3A_765 : memref<64x128xf32, #tpu.memory_space<vmem>>[vector<16xi32>, vector<16xi32>], vector<16xf32>,
      %add3A_805 = arith.constant 32 : i32
      %add3A_806 = vector.broadcast %add3A_805 : i32 to vector<16xi32>
      %add3A_807 = arith.addi %and3A_51, %add3A_806 : vector<16xi32>
      tpu.vector_store_idx %arg13[%add3A_807, %add3A_582], %gather3A_767 : memref<64x128xf32, #tpu.memory_space<vmem>>[vector<16xi32>, vector<16xi32>], vector<16xf32>,
      %add3A_808 = arith.constant 32 : i32
      %add3A_809 = vector.broadcast %add3A_808 : i32 to vector<16xi32>
      %add3A_810 = arith.addi %and3A_57, %add3A_809 : vector<16xi32>
      tpu.vector_store_idx %arg13[%add3A_810, %add3A_582], %gather3A_769 : memref<64x128xf32, #tpu.memory_space<vmem>>[vector<16xi32>, vector<16xi32>], vector<16xf32>,
      %add3A_811 = arith.constant 32 : i32
      %add3A_812 = vector.broadcast %add3A_811 : i32 to vector<16xi32>
      %add3A_813 = arith.addi %and3A_63, %add3A_812 : vector<16xi32>
      tpu.vector_store_idx %arg13[%add3A_813, %add3A_582], %gather3A_771 : memref<64x128xf32, #tpu.memory_space<vmem>>[vector<16xi32>, vector<16xi32>], vector<16xf32>,
      %add3A_814 = arith.constant 32 : i32
      %add3A_815 = vector.broadcast %add3A_814 : i32 to vector<16xi32>
      %add3A_816 = arith.addi %and3A_69, %add3A_815 : vector<16xi32>
      tpu.vector_store_idx %arg13[%add3A_816, %add3A_582], %gather3A_773 : memref<64x128xf32, #tpu.memory_space<vmem>>[vector<16xi32>, vector<16xi32>], vector<16xf32>,
      %add3A_817 = arith.constant 32 : i32
      %add3A_818 = vector.broadcast %add3A_817 : i32 to vector<16xi32>
      %add3A_819 = arith.addi %and3A_75, %add3A_818 : vector<16xi32>
      tpu.vector_store_idx %arg13[%add3A_819, %add3A_582], %gather3A_775 : memref<64x128xf32, #tpu.memory_space<vmem>>[vector<16xi32>, vector<16xi32>], vector<16xf32>,
      %add3A_820 = arith.constant 32 : i32
      %add3A_821 = vector.broadcast %add3A_820 : i32 to vector<16xi32>
      %add3A_822 = arith.addi %and3A_81, %add3A_821 : vector<16xi32>
      tpu.vector_store_idx %arg13[%add3A_822, %add3A_582], %gather3A_777 : memref<64x128xf32, #tpu.memory_space<vmem>>[vector<16xi32>, vector<16xi32>], vector<16xf32>,
      %add3A_823 = arith.constant 32 : i32
      %add3A_824 = vector.broadcast %add3A_823 : i32 to vector<16xi32>
      %add3A_825 = arith.addi %and3A_87, %add3A_824 : vector<16xi32>
      tpu.vector_store_idx %arg13[%add3A_825, %add3A_582], %gather3A_779 : memref<64x128xf32, #tpu.memory_space<vmem>>[vector<16xi32>, vector<16xi32>], vector<16xf32>,
      %add3A_826 = arith.constant 32 : i32
      %add3A_827 = vector.broadcast %add3A_826 : i32 to vector<16xi32>
      %add3A_828 = arith.addi %and3A_93, %add3A_827 : vector<16xi32>
      tpu.vector_store_idx %arg13[%add3A_828, %add3A_582], %gather3A_781 : memref<64x128xf32, #tpu.memory_space<vmem>>[vector<16xi32>, vector<16xi32>], vector<16xf32>,
      %add3A_829 = arith.constant 32 : i32
      %add3A_830 = vector.broadcast %add3A_829 : i32 to vector<16xi32>
      %add3A_831 = arith.addi %and3A_99, %add3A_830 : vector<16xi32>
      tpu.vector_store_idx %arg13[%add3A_831, %add3A_582], %gather3A_783 : memref<64x128xf32, #tpu.memory_space<vmem>>[vector<16xi32>, vector<16xi32>], vector<16xf32>,
      %add3A_832 = arith.constant 48 : i32
      %add3A_833 = vector.broadcast %add3A_832 : i32 to vector<16xi32>
      %add3A_834 = arith.addi %get3A_578, %add3A_833 : vector<16xi32>
      %add3A_835 = arith.addi %add3A_834, %and3A_9 : vector<16xi32>
      %gather3A_836 = tpu.vector_load_idx %arg11[%add3A_582, %add3A_835] : memref<128x128xf32, #tpu.memory_space<vmem>>[vector<16xi32>, vector<16xi32>], vector<16xf32>,
      %add3A_837 = arith.addi %add3A_834, %and3A_15 : vector<16xi32>
      %gather3A_838 = tpu.vector_load_idx %arg11[%add3A_582, %add3A_837] : memref<128x128xf32, #tpu.memory_space<vmem>>[vector<16xi32>, vector<16xi32>], vector<16xf32>,
      %add3A_839 = arith.addi %add3A_834, %and3A_21 : vector<16xi32>
      %gather3A_840 = tpu.vector_load_idx %arg11[%add3A_582, %add3A_839] : memref<128x128xf32, #tpu.memory_space<vmem>>[vector<16xi32>, vector<16xi32>], vector<16xf32>,
      %add3A_841 = arith.addi %add3A_834, %and3A_27 : vector<16xi32>
      %gather3A_842 = tpu.vector_load_idx %arg11[%add3A_582, %add3A_841] : memref<128x128xf32, #tpu.memory_space<vmem>>[vector<16xi32>, vector<16xi32>], vector<16xf32>,
      %add3A_843 = arith.addi %add3A_834, %and3A_33 : vector<16xi32>
      %gather3A_844 = tpu.vector_load_idx %arg11[%add3A_582, %add3A_843] : memref<128x128xf32, #tpu.memory_space<vmem>>[vector<16xi32>, vector<16xi32>], vector<16xf32>,
      %add3A_845 = arith.addi %add3A_834, %and3A_39 : vector<16xi32>
      %gather3A_846 = tpu.vector_load_idx %arg11[%add3A_582, %add3A_845] : memref<128x128xf32, #tpu.memory_space<vmem>>[vector<16xi32>, vector<16xi32>], vector<16xf32>,
      %add3A_847 = arith.addi %add3A_834, %and3A_45 : vector<16xi32>
      %gather3A_848 = tpu.vector_load_idx %arg11[%add3A_582, %add3A_847] : memref<128x128xf32, #tpu.memory_space<vmem>>[vector<16xi32>, vector<16xi32>], vector<16xf32>,
      %add3A_849 = arith.addi %add3A_834, %and3A_51 : vector<16xi32>
      %gather3A_850 = tpu.vector_load_idx %arg11[%add3A_582, %add3A_849] : memref<128x128xf32, #tpu.memory_space<vmem>>[vector<16xi32>, vector<16xi32>], vector<16xf32>,
      %add3A_851 = arith.addi %add3A_834, %and3A_57 : vector<16xi32>
      %gather3A_852 = tpu.vector_load_idx %arg11[%add3A_582, %add3A_851] : memref<128x128xf32, #tpu.memory_space<vmem>>[vector<16xi32>, vector<16xi32>], vector<16xf32>,
      %add3A_853 = arith.addi %add3A_834, %and3A_63 : vector<16xi32>
      %gather3A_854 = tpu.vector_load_idx %arg11[%add3A_582, %add3A_853] : memref<128x128xf32, #tpu.memory_space<vmem>>[vector<16xi32>, vector<16xi32>], vector<16xf32>,
      %add3A_855 = arith.addi %add3A_834, %and3A_69 : vector<16xi32>
      %gather3A_856 = tpu.vector_load_idx %arg11[%add3A_582, %add3A_855] : memref<128x128xf32, #tpu.memory_space<vmem>>[vector<16xi32>, vector<16xi32>], vector<16xf32>,
      %add3A_857 = arith.addi %add3A_834, %and3A_75 : vector<16xi32>
      %gather3A_858 = tpu.vector_load_idx %arg11[%add3A_582, %add3A_857] : memref<128x128xf32, #tpu.memory_space<vmem>>[vector<16xi32>, vector<16xi32>], vector<16xf32>,
      %add3A_859 = arith.addi %add3A_834, %and3A_81 : vector<16xi32>
      %gather3A_860 = tpu.vector_load_idx %arg11[%add3A_582, %add3A_859] : memref<128x128xf32, #tpu.memory_space<vmem>>[vector<16xi32>, vector<16xi32>], vector<16xf32>,
      %add3A_861 = arith.addi %add3A_834, %and3A_87 : vector<16xi32>
      %gather3A_862 = tpu.vector_load_idx %arg11[%add3A_582, %add3A_861] : memref<128x128xf32, #tpu.memory_space<vmem>>[vector<16xi32>, vector<16xi32>], vector<16xf32>,
      %add3A_863 = arith.addi %add3A_834, %and3A_93 : vector<16xi32>
      %gather3A_864 = tpu.vector_load_idx %arg11[%add3A_582, %add3A_863] : memref<128x128xf32, #tpu.memory_space<vmem>>[vector<16xi32>, vector<16xi32>], vector<16xf32>,
      %add3A_865 = arith.addi %add3A_834, %and3A_99 : vector<16xi32>
      %gather3A_866 = tpu.vector_load_idx %arg11[%add3A_582, %add3A_865] : memref<128x128xf32, #tpu.memory_space<vmem>>[vector<16xi32>, vector<16xi32>], vector<16xf32>,
      %add3A_867 = arith.constant 48 : i32
      %add3A_868 = vector.broadcast %add3A_867 : i32 to vector<16xi32>
      %add3A_869 = arith.addi %and3A_9, %add3A_868 : vector<16xi32>
      tpu.vector_store_idx %arg13[%add3A_869, %add3A_582], %gather3A_836 : memref<64x128xf32, #tpu.memory_space<vmem>>[vector<16xi32>, vector<16xi32>], vector<16xf32>,
      %add3A_870 = arith.constant 48 : i32
      %add3A_871 = vector.broadcast %add3A_870 : i32 to vector<16xi32>
      %add3A_872 = arith.addi %and3A_15, %add3A_871 : vector<16xi32>
      tpu.vector_store_idx %arg13[%add3A_872, %add3A_582], %gather3A_838 : memref<64x128xf32, #tpu.memory_space<vmem>>[vector<16xi32>, vector<16xi32>], vector<16xf32>,
      %add3A_873 = arith.constant 48 : i32
      %add3A_874 = vector.broadcast %add3A_873 : i32 to vector<16xi32>
      %add3A_875 = arith.addi %and3A_21, %add3A_874 : vector<16xi32>
      tpu.vector_store_idx %arg13[%add3A_875, %add3A_582], %gather3A_840 : memref<64x128xf32, #tpu.memory_space<vmem>>[vector<16xi32>, vector<16xi32>], vector<16xf32>,
      %add3A_876 = arith.constant 48 : i32
      %add3A_877 = vector.broadcast %add3A_876 : i32 to vector<16xi32>
      %add3A_878 = arith.addi %and3A_27, %add3A_877 : vector<16xi32>
      tpu.vector_store_idx %arg13[%add3A_878, %add3A_582], %gather3A_842 : memref<64x128xf32, #tpu.memory_space<vmem>>[vector<16xi32>, vector<16xi32>], vector<16xf32>,
      %add3A_879 = arith.constant 48 : i32
      %add3A_880 = vector.broadcast %add3A_879 : i32 to vector<16xi32>
      %add3A_881 = arith.addi %and3A_33, %add3A_880 : vector<16xi32>
      tpu.vector_store_idx %arg13[%add3A_881, %add3A_582], %gather3A_844 : memref<64x128xf32, #tpu.memory_space<vmem>>[vector<16xi32>, vector<16xi32>], vector<16xf32>,
      %add3A_882 = arith.constant 48 : i32
      %add3A_883 = vector.broadcast %add3A_882 : i32 to vector<16xi32>
      %add3A_884 = arith.addi %and3A_39, %add3A_883 : vector<16xi32>
      tpu.vector_store_idx %arg13[%add3A_884, %add3A_582], %gather3A_846 : memref<64x128xf32, #tpu.memory_space<vmem>>[vector<16xi32>, vector<16xi32>], vector<16xf32>,
      %add3A_885 = arith.constant 48 : i32
      %add3A_886 = vector.broadcast %add3A_885 : i32 to vector<16xi32>
      %add3A_887 = arith.addi %and3A_45, %add3A_886 : vector<16xi32>
      tpu.vector_store_idx %arg13[%add3A_887, %add3A_582], %gather3A_848 : memref<64x128xf32, #tpu.memory_space<vmem>>[vector<16xi32>, vector<16xi32>], vector<16xf32>,
      %add3A_888 = arith.constant 48 : i32
      %add3A_889 = vector.broadcast %add3A_888 : i32 to vector<16xi32>
      %add3A_890 = arith.addi %and3A_51, %add3A_889 : vector<16xi32>
      tpu.vector_store_idx %arg13[%add3A_890, %add3A_582], %gather3A_850 : memref<64x128xf32, #tpu.memory_space<vmem>>[vector<16xi32>, vector<16xi32>], vector<16xf32>,
      %add3A_891 = arith.constant 48 : i32
      %add3A_892 = vector.broadcast %add3A_891 : i32 to vector<16xi32>
      %add3A_893 = arith.addi %and3A_57, %add3A_892 : vector<16xi32>
      tpu.vector_store_idx %arg13[%add3A_893, %add3A_582], %gather3A_852 : memref<64x128xf32, #tpu.memory_space<vmem>>[vector<16xi32>, vector<16xi32>], vector<16xf32>,
      %add3A_894 = arith.constant 48 : i32
      %add3A_895 = vector.broadcast %add3A_894 : i32 to vector<16xi32>
      %add3A_896 = arith.addi %and3A_63, %add3A_895 : vector<16xi32>
      tpu.vector_store_idx %arg13[%add3A_896, %add3A_582], %gather3A_854 : memref<64x128xf32, #tpu.memory_space<vmem>>[vector<16xi32>, vector<16xi32>], vector<16xf32>,
      %add3A_897 = arith.constant 48 : i32
      %add3A_898 = vector.broadcast %add3A_897 : i32 to vector<16xi32>
      %add3A_899 = arith.addi %and3A_69, %add3A_898 : vector<16xi32>
      tpu.vector_store_idx %arg13[%add3A_899, %add3A_582], %gather3A_856 : memref<64x128xf32, #tpu.memory_space<vmem>>[vector<16xi32>, vector<16xi32>], vector<16xf32>,
      %add3A_900 = arith.constant 48 : i32
      %add3A_901 = vector.broadcast %add3A_900 : i32 to vector<16xi32>
      %add3A_902 = arith.addi %and3A_75, %add3A_901 : vector<16xi32>
      tpu.vector_store_idx %arg13[%add3A_902, %add3A_582], %gather3A_858 : memref<64x128xf32, #tpu.memory_space<vmem>>[vector<16xi32>, vector<16xi32>], vector<16xf32>,
      %add3A_903 = arith.constant 48 : i32
      %add3A_904 = vector.broadcast %add3A_903 : i32 to vector<16xi32>
      %add3A_905 = arith.addi %and3A_81, %add3A_904 : vector<16xi32>
      tpu.vector_store_idx %arg13[%add3A_905, %add3A_582], %gather3A_860 : memref<64x128xf32, #tpu.memory_space<vmem>>[vector<16xi32>, vector<16xi32>], vector<16xf32>,
      %add3A_906 = arith.constant 48 : i32
      %add3A_907 = vector.broadcast %add3A_906 : i32 to vector<16xi32>
      %add3A_908 = arith.addi %and3A_87, %add3A_907 : vector<16xi32>
      tpu.vector_store_idx %arg13[%add3A_908, %add3A_582], %gather3A_862 : memref<64x128xf32, #tpu.memory_space<vmem>>[vector<16xi32>, vector<16xi32>], vector<16xf32>,
      %add3A_909 = arith.constant 48 : i32
      %add3A_910 = vector.broadcast %add3A_909 : i32 to vector<16xi32>
      %add3A_911 = arith.addi %and3A_93, %add3A_910 : vector<16xi32>
      tpu.vector_store_idx %arg13[%add3A_911, %add3A_582], %gather3A_864 : memref<64x128xf32, #tpu.memory_space<vmem>>[vector<16xi32>, vector<16xi32>], vector<16xf32>,
      %add3A_912 = arith.constant 48 : i32
      %add3A_913 = vector.broadcast %add3A_912 : i32 to vector<16xi32>
      %add3A_914 = arith.addi %and3A_99, %add3A_913 : vector<16xi32>
      tpu.vector_store_idx %arg13[%add3A_914, %add3A_582], %gather3A_866 : memref<64x128xf32, #tpu.memory_space<vmem>>[vector<16xi32>, vector<16xi32>], vector<16xf32>,
    }
    %scan3A_536 = arith.constant 8 : i32
    %mul3A_537 = arith.constant 4 : i32
    %mul3A_538 = arith.muli %add3A, %mul3A_537 : i32
    %add3A_539 = arith.constant 3 : i32
    %add3A_540 = arith.addi %mul3A_538, %add3A_539 : i32
    %mul3A_541 = arith.constant 128 : i32
    %mul3A_542 = arith.muli %add3A_540, %mul3A_541 : i32
    %dma_start3A_543 = arith.constant 49 : i32
    %dma_start3A_544 = arith.constant 0 : i32
    %dma_start3A_545 = tpu.memref_slice %arg4[%dma_start3A_543, %dma_start3A_544, %mul3A_542] : memref<50x64x16384xf32, #tpu.memory_space<hbm>> -> memref<1x64x128xf32, #tpu.memory_space<hbm>>
    %dma_start3A_546 = tpu.memref_squeeze %dma_start3A_545 : memref<1x64x128xf32, #tpu.memory_space<hbm>> -> memref<64x128xf32, #tpu.memory_space<hbm>>
    %dma_start3A_547 = arith.constant 0 : i32
    %dma_start3A_548 = tpu.memref_slice %arg4[%dma_start3A_543, %dma_start3A_547, %mul3A_542] : memref<50x64x16384xf32, #tpu.memory_space<hbm>> -> memref<1x64x128xf32, #tpu.memory_space<hbm>>
    %dma_start3A_549 = tpu.memref_squeeze %dma_start3A_548 : memref<1x64x128xf32, #tpu.memory_space<hbm>> -> memref<64x128xf32, #tpu.memory_space<hbm>>
    tpu.enqueue_dma source(%arg13 : memref<64x128xf32, #tpu.memory_space<vmem>>) target(%dma_start3A_549 : memref<64x128xf32, #tpu.memory_space<hbm>>) target_semaphore(%arg17 : memref<!tpu.dma_semaphore, #tpu.memory_space<semaphore_mem>>)
    %mul3A_550 = arith.constant 4 : i32
    %mul3A_551 = arith.muli %add3A, %mul3A_550 : i32
    %add3A_552 = arith.constant 0 : i32
    %add3A_553 = arith.addi %mul3A_551, %add3A_552 : i32
    %mul3A_554 = arith.constant 128 : i32
    %mul3A_555 = arith.muli %add3A_553, %mul3A_554 : i32
    %dma_wait3A_556 = arith.constant 0 : i32
    %dma_wait3A_557 = arith.constant 0 : i32
    %dma_wait3A_558 = tpu.memref_slice %arg4[%dma_wait3A_556, %dma_wait3A_557, %mul3A_555] : memref<50x64x16384xf32, #tpu.memory_space<hbm>> -> memref<1x64x128xf32, #tpu.memory_space<hbm>>
    %dma_wait3A_559 = tpu.memref_squeeze %dma_wait3A_558 : memref<1x64x128xf32, #tpu.memory_space<hbm>> -> memref<64x128xf32, #tpu.memory_space<hbm>>
    %dma_wait3A_560 = arith.constant 0 : i32
    %dma_wait3A_561 = tpu.memref_slice %arg4[%dma_wait3A_556, %dma_wait3A_560, %mul3A_555] : memref<50x64x16384xf32, #tpu.memory_space<hbm>> -> memref<1x64x128xf32, #tpu.memory_space<hbm>>
    %dma_wait3A_562 = tpu.memref_squeeze %dma_wait3A_561 : memref<1x64x128xf32, #tpu.memory_space<hbm>> -> memref<64x128xf32, #tpu.memory_space<hbm>>
    tpu.wait_dma2 semaphore(%arg16 : memref<!tpu.dma_semaphore, #tpu.memory_space<semaphore_mem>>) src(%arg12 : memref<64x128xf32, #tpu.memory_space<vmem>>) dst(%dma_wait3A_562 : memref<64x128xf32, #tpu.memory_space<hbm>>)
    %mul3A_563 = arith.constant 4 : i32
    %mul3A_564 = arith.muli %add3A, %mul3A_563 : i32
    %add3A_565 = arith.constant 0 : i32
    %add3A_566 = arith.addi %mul3A_564, %add3A_565 : i32
    %mul3A_567 = arith.constant 128 : i32
    %mul3A_568 = arith.muli %add3A_566, %mul3A_567 : i32
    %dma_wait3A_569 = arith.constant 0 : i32
    %dma_wait3A_570 = arith.constant 0 : i32
    %dma_wait3A_571 = tpu.memref_slice %arg4[%dma_wait3A_569, %dma_wait3A_570, %mul3A_568] : memref<50x64x16384xf32, #tpu.memory_space<hbm>> -> memref<1x64x128xf32, #tpu.memory_space<hbm>>
    %dma_wait3A_572 = tpu.memref_squeeze %dma_wait3A_571 : memref<1x64x128xf32, #tpu.memory_space<hbm>> -> memref<64x128xf32, #tpu.memory_space<hbm>>
    %dma_wait3A_573 = arith.constant 0 : i32
    %dma_wait3A_574 = tpu.memref_slice %arg4[%dma_wait3A_569, %dma_wait3A_573, %mul3A_568] : memref<50x64x16384xf32, #tpu.memory_space<hbm>> -> memref<1x64x128xf32, #tpu.memory_space<hbm>>
    %dma_wait3A_575 = tpu.memref_squeeze %dma_wait3A_574 : memref<1x64x128xf32, #tpu.memory_space<hbm>> -> memref<64x128xf32, #tpu.memory_space<hbm>>
    tpu.wait_dma2 semaphore(%arg17 : memref<!tpu.dma_semaphore, #tpu.memory_space<semaphore_mem>>) src(%arg13 : memref<64x128xf32, #tpu.memory_space<vmem>>) dst(%dma_wait3A_575 : memref<64x128xf32, #tpu.memory_space<hbm>>)
    return
  }
}

</mosaic_0001>

<sc_bundles>
// kernel: kernel.3.cloned.1.call-start
scs
__scs_entry_jumppad:
0x0: {  	(pc) =	sbr.rel $0x88, $3  }
0x1: {  	(tag) =	ssettag $0x0;
	lr =	simm.s32 $0x1  }
0x2: {  	[smem:$0x3F9F] =	sst lr;
	_ =	strace $0xD0000000  }
0x3: {  	_ = 	snop  }
0x4: {  	_ = 	snop  }
0x5: {  	_ = 	snop  }
0x6: {  	_ = 	snop  }
0x7: {  	_ = 	snop  }
__scs_overlays_trampoline_lowered:
0x8: {  	[smem:$0x3FAE] =	sst s0  }
0x9: {  	[smem:$0x3FAF] =	sst s1  }
0xa: {  	[smem:$0x3FB0] =	sst s2  }
0xb: {  	[smem:$0x3FB1] =	sst s3  }
0xc: {  	[smem:$0x3FB2] =	sst s4  }
0xd: {  	[smem:$0x3FB3] =	sst s5  }
0xe: {  	[smem:$0x3FB4] =	sst s6  }
0xf: {  	[smem:$0x3FB5] =	sst s7  }
0x10: {  	[smem:$0x3FB6] =	sst s8  }
0x11: {  	[smem:$0x3FB7] =	sst s9;
	s0 =	simm.s32 @!p0 $0x0  }
0x12: {  	s1 =	sld [smem:$0x3F9D];
	s0 =	simm.s32 @p0 $0x1  }
0x13: {  	[smem:$0x3FB8] =	sst s0;
	s0 =	simm.s32 @!p1 $0x0  }
0x14: {  	s2 =	sld [smem:$0x3F9C];
	s0 =	simm.s32 @p1 $0x1  }
0x15: {  	[smem:$0x3FB9] =	sst s0;
	s0 =	simm.s32 @!p2 $0x0  }
0x16: {  	s3 =	sld [smem:$0x3FDB];
	s0 =	simm.s32 @p2 $0x1  }
0x17: {  	s4 =	simm.s32 $0x1BF5;
	[smem:$0x3FBB] =	sst s0  }
0x18: {  	s0 =	sld [smem:$0x3F9E];
	_ =	swait.ge [sflag:s4], $0x0  }
0x19: {  	s7 =	sld [smem:$0x3F9F]  }
0x1a: {  	s8 =	sadd.s32 $0xFFFFE003, lr  }
0x1b: {  	s9 =	sadd.s32 $0xFFFFFEF7, lr;
	s5 =	simm.s32 $0xFFFFFFFF;
	p2 =	slt.u32 s8, $0xFFFFF086  }
0x1c: {  	p1 =	slt.u32 s9, $0xF7A;
	s5 =	simm.s32 @!p2 $0x0  }
0x1d: {  	s5 =	simm.s32 @p1 $0x1;
	p0 =	seq.s32 s7, s2  }
0x1e: {  	s7 =	smul.u32 @!p0 $0xF7A, s2;
	p2 =	seq.s32 @!p0 s5, $0x0  }
0x1f: {  	s9 =	smul.u32 $0xF7A, s1;
	s8 =	simm.s32 @!p0 $0x1BF5;
	p2 =	por !p2, p0  }
0x20: {  	[sflag:s8] =	ssyncset.s32 @!p0 $0xFFFFF086;
	s6 =	sadd.s32 @!p0 s3, s7;
	s7 =	simm.s32 @!p0 $0x108  }
0x21: {  	s3 =	sadd.s32 s3, s9;
	s6 =	sadd.s32 @!p0 $0x88, s6;
	s7 =	simm.s32 @p2 $0x1082  }
0x22: {  	[simem:s7], [sflag:s8] =	dma.local @!p0 [hbm:s6], $0xF7A  }
0x23: {  	s9 =	sor.u32 $0xD0000000, s2;
	s6 =	simm.s32 $0x108;
	_ =	swait.ge @!p0 [sflag:s8], $0x0  }
0x24: {  	s3 =	sadd.s32 $0x88, s3;
	s6 =	simm.s32 @!p1 $0x1082;
	[sflag:s4] =	ssyncset.s32 $0xFFFFF086  }
0x25: {  	[simem:s6], [sflag:s4] =	dma.local [hbm:s3], $0xF7A  }
0x26: {  	[smem:$0x3F9F] =	sst s1;
	(tag) =	ssettag s2;
	_ =	strace s9  }
0x27: {  	s1 =	sld [smem:$0x3FAF]  }
0x28: {  	s2 =	sld [smem:$0x3FB0]  }
0x29: {  	s4 =	sld [smem:$0x3FB2]  }
0x2a: {  	p0 =	seq.s32 s5, $0x0;
	s5 =	sld [smem:$0x3FB3]  }
0x2b: {  	s6 =	sld [smem:$0x3FB4]  }
0x2c: {  	s7 =	sld [smem:$0x3FB5]  }
0x2d: {  	s3 =	simm.s32 $0x108;
	s8 =	sld [smem:$0x3FB6]  }
0x2e: {  	s3 =	simm.s32 @!p0 $0x1082;
	s9 =	sld [smem:$0x3FB7]  }
0x2f: {  	lr =	sadd.s32 s0, s3;
	s0 =	sld [smem:$0x3FAE]  }
0x30: {  	s3 =	sld [smem:$0x3FB1]  }
0x31: {  	[smem:$0x3FBA] =	sst s10  }
0x32: {  	s10 =	sld [smem:$0x3FB8];
	_ =	sdelay $0x3  }
0x33: {  	p0 =	seq.s32 s10, $0x1;
	s10 =	sld [smem:$0x3FBA];
	_ =	sdelay $0x3  }
0x34: {  	[smem:$0x3FBA] =	sst s10  }
0x35: {  	s10 =	sld [smem:$0x3FB9];
	_ =	sdelay $0x3  }
0x36: {  	p1 =	seq.s32 s10, $0x1;
	s10 =	sld [smem:$0x3FBA];
	_ =	sdelay $0x3  }
0x37: {  	[smem:$0x3FBA] =	sst s10  }
0x38: {  	s10 =	sld [smem:$0x3FBB]  }
0x39: {  	_ = 	snop;
	(pc) =	sbr.ind lr, $3  }
0x3a: {  	_ = 	snop  }
0x3b: {  	_ = 	snop  }
0x3c: {  	p2 =	seq.s32 s10, $0x1;
	s10 =	sld [smem:$0x3FBA]  }
0x3d: {  	_ =	shalt  }
0x3e: {  	_ =	shalt  }
0x3f: {  	_ =	shalt  }
0x40: {  	_ =	shalt  }
0x41: {  	_ =	shalt  }
0x42: {  	_ =	shalt  }
0x43: {  	_ =	shalt  }
0x44: {  	_ =	shalt  }
0x45: {  	_ =	shalt  }
0x46: {  	_ =	shalt  }
0x47: {  	_ =	shalt  }
0x48: {  	_ =	shalt  }
0x49: {  	_ =	shalt  }
0x4a: {  	_ =	shalt  }
0x4b: {  	_ =	shalt  }
0x4c: {  	_ =	shalt  }
0x4d: {  	_ =	shalt  }
0x4e: {  	_ =	shalt  }
0x4f: {  	_ =	shalt  }
0x50: {  	_ =	shalt  }
0x51: {  	_ =	shalt  }
0x52: {  	_ =	shalt  }
0x53: {  	_ =	shalt  }
0x54: {  	_ =	shalt  }
0x55: {  	_ =	shalt  }
0x56: {  	_ =	shalt  }
0x57: {  	_ =	shalt  }
0x58: {  	_ =	shalt  }
0x59: {  	_ =	shalt  }
0x5a: {  	_ =	shalt  }
0x5b: {  	_ =	shalt  }
0x5c: {  	_ =	shalt  }
0x5d: {  	_ =	shalt  }
0x5e: {  	_ =	shalt  }
0x5f: {  	_ =	shalt  }
0x60: {  	_ =	shalt  }
0x61: {  	_ =	shalt  }
0x62: {  	_ =	shalt  }
0x63: {  	_ =	shalt  }
0x64: {  	_ =	shalt  }
0x65: {  	_ =	shalt  }
0x66: {  	_ =	shalt  }
0x67: {  	_ =	shalt  }
0x68: {  	_ =	shalt  }
0x69: {  	_ =	shalt  }
0x6a: {  	_ =	shalt  }
0x6b: {  	_ =	shalt  }
0x6c: {  	_ =	shalt  }
0x6d: {  	_ =	shalt  }
0x6e: {  	_ =	shalt  }
0x6f: {  	_ =	shalt  }
0x70: {  	_ =	shalt  }
0x71: {  	_ =	shalt  }
0x72: {  	_ =	shalt  }
0x73: {  	_ =	shalt  }
0x74: {  	_ =	shalt  }
0x75: {  	_ =	shalt  }
0x76: {  	_ =	shalt  }
0x77: {  	_ =	shalt  }
0x78: {  	_ =	shalt  }
0x79: {  	_ =	shalt  }
0x7a: {  	_ =	shalt  }
0x7b: {  	_ =	shalt  }
0x7c: {  	_ =	shalt  }
0x7d: {  	_ =	shalt  }
0x7e: {  	_ =	shalt  }
0x7f: {  	_ =	shalt  }
0x80: {  	_ =	shalt  }
0x81: {  	_ =	shalt  }
0x82: {  	_ =	shalt  }
0x83: {  	_ =	shalt  }
0x84: {  	_ =	shalt  }
0x85: {  	_ =	shalt  }
0x86: {  	_ =	shalt  }
0x87: {  	_ =	shalt  }
.Lfunc_end0:
.L_simem_size_0:
called_computation_lowered:
.L_overlay_start_0:
0x88: {  	s2 =	sld [smem:$0x3FD9]  }
0x89: {  	s3 =	sld [smem:$0x3FFE];
	_ =	sdelay $0x1  }
0x8a: {  	s1 =	srdreg.scid  }
0x8b: {  	s0 =	sand.u32 $0x1, s1  }
0x8c: {  	s17 =	sshll.u32 s0, $0xA;
	s2 =	sadd.s32 s3, s2  }
0x8d: {  	s2 =	sadd.s32 s2, s17  }
0x8e: {  	[smem:$0x3FC6] =	sst s2  }
0x8f: {  	_ = 	snop  }
0x90: {  	s2 =	sld [smem:$0x3FD0];
	(tm) =	ssettm $0x1  }
0x91: {  	s18 =	sld [smem:$0x3FFB];
	_ =	sdelay $0x3  }
0x92: {  	_ =	strace s18  }
0x93: {  	s3 =	sld [smem:$0x3FFC];
	_ =	sdelay $0x3  }
0x94: {  	_ =	strace s3  }
0x95: {  	s3 =	sld [smem:$0x3FFD];
	_ =	sdelay $0x3  }
0x96: {  	_ =	strace s3  }
0x97: {  	_ =	strace $0x8FFFFFFF  }
0x98: {  	s19 =	sld [smem:$0x3FDB];
	_ =	sdelay $0x1  }
0x99: {  	s4 =	simm.s32 $_scs_section_size  }
0x9a: {  	s5 =	simm.s32 $_size__tile_overlayer_lowered;
	s6 =	simm.s32 $_tile_overlayer_lowered  }
0x9b: {  	s22 =	simm.s32 $0x1BFF;
	s21 =	sshll.u32 s6, $0x1;
	s3 =	sadd.s32 s4, s19  }
0x9c: {  	s7 =	simm.s32 $0x0;
	s20 =	sshll.u32 s5, $0x1;
	s5 =	sadd.s32 s21, s3  }
0x9d: {  	[timem:s7], [sflag:s22] =	dma.local [hbm:s5], s20  }
0x9e: {  	_ =	swait.ge [sflag:s22], s20  }
0x9f: {  	s4 =	ssub.s32 $0x0, s20;
	[sflag:s22] =	ssyncset.done $0x0  }
0xa0: {  	[sflag:s22] =	ssyncadd.s32 s4;
	_ =	sdelay $0x1  }
0xa1: {  	s23 =	simm.s32 $0x1B8B  }
0xa2: {  	_ =	swait.ge [sflag:s23], $0x1  }
0xa3: {  	[sflag:s23] =	ssyncset.done $0x0  }
0xa4: {  	s25 =	simm.s32 $0x1B8E;
	s24 =	sld [smem:$0x3FFE];
	[sflag:s23] =	ssyncadd.s32 $0xFFFFFFFF  }
0xa5: {  	s26 =	simm.s32 $execute0_lowered;
	[smem:$0x3FD2] =	sst s25  }
0xa6: {  	s5 =	sshll.u32 s26, $0x1;
	_ =	strace $0x80000046;
	[dreg:$0x1] =	wrdreg $0xFFFFFFFF  }
0xa7: {  	s28 =	simm.s32 $_size_execute0_lowered;
	s3 =	sadd.s32 s3, s5;
	[dreg:$0x0] =	wrdreg $0x0  }
0xa8: {  	s5 =	sshll.u32 s28, $0x1;
	[dreg:$0x2] =	wrdreg s3  }
0xa9: {  	[dreg:$0x3] =	wrdreg s5  }
0xaa: {  	[dreg:$0x4] =	wrdreg $0xC0  }
0xab: {  	_ =	task [dreg:s7], $0x5FFFF  }
0xac: {  	[dreg:$0x1] =	wrdreg $0xFFFFFFFF  }
0xad: {  	[dreg:$0x0] =	wrdreg $0x60  }
0xae: {  	[dreg:$0x2] =	wrdreg s24  }
0xaf: {  	[dreg:$0x3] =	wrdreg s2  }
0xb0: {  	[dreg:$0x4] =	wrdreg $0x9  }
0xb1: {  	_ =	task.clear_ibuf [dreg:s7], $0x5FFFF;
	_ =	strace $0x90000046  }
0xb2: {  	s29 =	simm.s32 $0x9;
	_ =	strace $0x80000048  }
0xb3: {  	_ =	swait.ge [sflag:s29], $0x1  }
0xb4: {  	[sflag:s29] =	ssyncadd.s32 $0xFFFFFFFF  }
0xb5: {  	_ =	strace $0x90000048  }
0xb6: {  	_ =	sfence  }
0xb7: {  	s30 =	sld [smem:$0x0];
	_ =	sdelay $0x2  }
0xb8: {  	s31 =	sshll.u32 s1, $0xD;
	s1 =	sshrl.u32 s1, $0x2  }
0xb9: {  	s3 =	sand.u32 $0x4000, s31;
	s1 =	sadd.s32 s1, s30  }
0xba: {  	s0 =	sor.u32 s3, s0;
	s1 =	sshll.u32 s1, $0x11  }
0xbb: {  	s0 =	sor.u32 s1, s0  }
0xbc: {  	s0 =	sadd.s32 $0x8F2B, s0  }
0xbd: {  	[sflag:s0] =	ssyncadd.remote.s32 $0x1  }
0xbe: {  	_ =	sfence.sel $0xFFFF  }
0xbf: {  	[dreg:$0x0] =	wrdreg $0xFFFFFFFF;
	(pc) =	sbr.abs _section_cstart, $3  }
0xc0: {  	[dreg:$0x1] =	wrdreg $0xFFFFFFFF  }
0xc1: {  	_ =	task.clear_ibuf [dreg:s7], $0x2FFFF;
	_ =	strace $0x9FFFFFFF  }
0xc2: {  	(tm) =	ssettm $0x7FFFFFFF  }
0xc3: {  	_ =	shalt  }
tec
execute0_lowered:
.L_overlay_start_1:
0x0: {  	(tag) =	ssettag $0x1  }
0x1: {  	v0 =	vimm.s32 $0xFEDCBA9;
	v1 =	vimm.s32 $0x87654321  }
0x2: {  	v2 =	vimm.s32 $0x10FEDCBA;
	v3 =	vimm.s32 $0x98765432;
	v4 =	vimm.s32 $0x210FEDCB  }
0x3: {  	v5 =	vimm.s32 $0xA9876543;
	v9 =	vimm.s32 $0x3210FEDC;
	v10 =	vimm.s32 $0x543210FE  }
0x4: {  	v11 =	vimm.s32 $0xDCBA9876;
	v12 =	vimm.s32 $0x6543210F;
	v13 =	vimm.s32 $0xEDCBA987  }
0x5: {  	v17 =	vimm.s32 $0xFEDCBA98;
	v18 =	vimm.s32 $0x76543210;
	vm14 =	vcmask $0x300  }
0x6: {  	vm13 =	vcmask $0x704;
	vm11 =	vcmask $0xB08;
	vm12 =	vcmask $0xF0C  }
0x7: {  	vm10 =	vcmask $0x1310;
	vm8 =	vcmask $0x1714;
	vm9 =	vcmask $0x1B18  }
0x8: {  	vm7 =	vcmask $0x1F1C;
	vm5 =	vcmask $0x2320;
	vm6 =	vcmask $0x2724  }
0x9: {  	vm4 =	vcmask $0x2B28;
	vm2 =	vcmask $0x2F2C;
	vm3 =	vcmask $0x3330  }
0xa: {  	vm1 =	vcmask $0x3734;
	vm0 =	vcmask $0x3B38;
	v54 =	vimm.s32 $0x108F  }
0xb: {  	v60 =	vimm.s32 $0x110F;
	v61 =	vimm.s32 $0x118F;
	v19 =	vimm.s32 $0x120F  }
0xc: {  	v20 =	vimm.s32 $0x128F;
	v21 =	vimm.s32 $0x130F;
	v22 =	vimm.s32 $0x138F  }
0xd: {  	v23 =	vimm.s32 $0x140F;
	v24 =	vimm.s32 $0x148F;
	v25 =	vimm.s32 $0x150F  }
0xe: {  	v26 =	vimm.s32 $0x158F;
	v27 =	vimm.s32 $0x160F;
	v28 =	vimm.s32 $0x168F  }
0xf: {  	v29 =	vimm.s32 $0x170F;
	v30 =	vimm.s32 $0x180F;
	v31 =	vimm.s32 $0x188F  }
0x10: {  	v32 =	vimm.s32 $0x190F;
	v33 =	vimm.s32 $0x198F;
	v34 =	vimm.s32 $0x1A0F  }
0x11: {  	v35 =	vimm.s32 $0x1A8F;
	v36 =	vimm.s32 $0x1B0F;
	v37 =	vimm.s32 $0x1B8F  }
0x12: {  	v38 =	vimm.s32 $0x1C0F;
	v39 =	vimm.s32 $0x1C8F;
	v40 =	vimm.s32 $0x1D0F  }
0x13: {  	v41 =	vimm.s32 $0x1D8F;
	v42 =	vimm.s32 $0x1E0F;
	v43 =	vimm.s32 $0x1E8F  }
0x14: {  	v44 =	vimm.s32 $0x1F0F;
	v45 =	vimm.s32 $0x11101F1E;
	v46 =	vimm.s32 $0x15141312  }
0x15: {  	v48 =	vimm.s32 $0x1211101F;
	v50 =	vimm.s32 $0x16151413;
	v51 =	vimm.s32 $0x1A191817  }
0x16: {  	v52 =	vimm.s32 $0x1F1E1D1C;
	v0 =	vunpack.c.l.s4.s8 v0;
	v1 =	vunpack.c.l.s4.s8 v1  }
0x17: {  	v2 =	vunpack.c.l.s4.s8 v2;
	v3 =	vunpack.c.l.s4.s8 v3;
	v4 =	vunpack.c.l.s4.s8 v4  }
0x18: {  	v5 =	vunpack.c.l.s4.s8 v5;
	v10 =	vunpack.c.l.s4.s8 v10;
	v11 =	vunpack.c.l.s4.s8 v11  }
0x19: {  	v12 =	vunpack.c.l.s4.s8 v12;
	v13 =	vunpack.c.l.s4.s8 v13;
	v17 =	vunpack.c.l.s4.s8 v17  }
0x1a: {  	v19 =	vsel vm14, $0x1280, v19;
	v20 =	vsel vm14, $0x1300, v20;
	v21 =	vsel vm14, $0x1380, v21  }
0x1b: {  	v22 =	vsel vm14, $0x1400, v22;
	v23 =	vsel vm14, $0x1480, v23;
	v24 =	vsel vm14, $0x1500, v24  }
0x1c: {  	v25 =	vsel vm14, $0x1580, v25;
	v26 =	vsel vm14, $0x1600, v26;
	v27 =	vsel vm14, $0x1680, v27  }
0x1d: {  	v28 =	vsel vm14, $0x1700, v28;
	v29 =	vsel vm14, $0x1780, v29;
	v30 =	vsel vm14, $0x1880, v30  }
0x1e: {  	v31 =	vsel vm14, $0x1900, v31;
	v32 =	vsel vm14, $0x1980, v32;
	v33 =	vsel vm14, $0x1A00, v33  }
0x1f: {  	v34 =	vsel vm14, $0x1A80, v34;
	v35 =	vsel vm14, $0x1B00, v35;
	v36 =	vsel vm14, $0x1B80, v36  }
0x20: {  	v37 =	vsel vm14, $0x1C00, v37;
	v38 =	vsel vm14, $0x1C80, v38;
	v39 =	vsel vm14, $0x1D00, v39  }
0x21: {  	v40 =	vsel vm14, $0x1D80, v40;
	v41 =	vsel vm14, $0x1E00, v41;
	v42 =	vsel vm14, $0x1E80, v42  }
0x22: {  	v43 =	vsel vm14, $0x1F00, v43;
	v44 =	vsel vm14, $0x1F80, v44;
	v49 =	vunpack.c.0.s8.s32 v48  }
0x23: {  	v19 =	vsel vm13, $0x1301, v19;
	v20 =	vsel vm13, $0x1381, v20;
	v21 =	vsel vm13, $0x1401, v21  }
0x24: {  	v22 =	vsel vm13, $0x1481, v22;
	v23 =	vsel vm13, $0x1501, v23;
	v24 =	vsel vm13, $0x1581, v24  }
0x25: {  	v25 =	vsel vm13, $0x1601, v25;
	v26 =	vsel vm13, $0x1681, v26;
	v27 =	vsel vm13, $0x1701, v27  }
0x26: {  	v28 =	vsel vm13, $0x1781, v28;
	v29 =	vsel vm13, $0x1001, v29;
	v30 =	vsel vm13, $0x1901, v30  }
0x27: {  	v31 =	vsel vm13, $0x1981, v31;
	v32 =	vsel vm13, $0x1A01, v32;
	v33 =	vsel vm13, $0x1A81, v33  }
0x28: {  	v34 =	vsel vm13, $0x1B01, v34;
	v35 =	vsel vm13, $0x1B81, v35;
	v36 =	vsel vm13, $0x1C01, v36  }
0x29: {  	v37 =	vsel vm13, $0x1C81, v37;
	v38 =	vsel vm13, $0x1D01, v38;
	v39 =	vsel vm13, $0x1D81, v39  }
0x2a: {  	v40 =	vsel vm13, $0x1E01, v40;
	v41 =	vsel vm13, $0x1E81, v41;
	v42 =	vsel vm13, $0x1F01, v42  }
0x2b: {  	v43 =	vsel vm13, $0x1F81, v43;
	v44 =	vsel vm13, $0x1801, v44;
	v0 =	vunpack.c.0.s8.s32 v0  }
0x2c: {  	v1 =	vunpack.c.0.s8.s32 v1;
	v2 =	vunpack.c.0.s8.s32 v2;
	v3 =	vunpack.c.0.s8.s32 v3  }
0x2d: {  	v4 =	vunpack.c.0.s8.s32 v4;
	v5 =	vunpack.c.0.s8.s32 v5;
	v10 =	vunpack.c.0.s8.s32 v10  }
0x2e: {  	v11 =	vunpack.c.0.s8.s32 v11;
	v12 =	vunpack.c.0.s8.s32 v12;
	v13 =	vunpack.c.0.s8.s32 v13  }
0x2f: {  	v53 =	vunpack.c.0.s8.s32 v17;
	v17 =	vsel vm14, $0x1180, v60;
	v60 =	vunpack.c.0.s8.s32 v45  }
0x30: {  	v19 =	vsel vm11, $0x1382, v19;
	v20 =	vsel vm11, $0x1402, v20;
	v21 =	vsel vm11, $0x1482, v21  }
0x31: {  	v22 =	vsel vm11, $0x1502, v22;
	v23 =	vsel vm11, $0x1582, v23;
	v24 =	vsel vm11, $0x1602, v24  }
0x32: {  	v25 =	vsel vm11, $0x1682, v25;
	v26 =	vsel vm11, $0x1702, v26;
	v27 =	vsel vm11, $0x1782, v27  }
0x33: {  	v28 =	vsel vm11, $0x1002, v28;
	v29 =	vsel vm11, $0x1082, v29;
	v30 =	vsel vm11, $0x1982, v30  }
0x34: {  	v31 =	vsel vm11, $0x1A02, v31;
	v32 =	vsel vm11, $0x1A82, v32;
	v33 =	vsel vm11, $0x1B02, v33  }
0x35: {  	v34 =	vsel vm11, $0x1B82, v34;
	v35 =	vsel vm11, $0x1C02, v35;
	v36 =	vsel vm11, $0x1C82, v36  }
0x36: {  	v37 =	vsel vm11, $0x1D02, v37;
	v38 =	vsel vm11, $0x1D82, v38;
	v39 =	vsel vm11, $0x1E02, v39  }
0x37: {  	v40 =	vsel vm11, $0x1E82, v40;
	v41 =	vsel vm11, $0x1F02, v41;
	v42 =	vsel vm11, $0x1F82, v42  }
0x38: {  	v43 =	vsel vm11, $0x1802, v43;
	v44 =	vsel vm11, $0x1882, v44;
	v45 =	vunpack.c.0.s8.s32 v50  }
0x39: {  	v17 =	vsel vm13, $0x1201, v17;
	v19 =	vsel vm12, $0x1403, v19;
	v20 =	vsel vm12, $0x1483, v20  }
0x3a: {  	v21 =	vsel vm12, $0x1503, v21;
	v22 =	vsel vm12, $0x1583, v22;
	v23 =	vsel vm12, $0x1603, v23  }
0x3b: {  	v24 =	vsel vm12, $0x1683, v24;
	v25 =	vsel vm12, $0x1703, v25;
	v26 =	vsel vm12, $0x1783, v26  }
0x3c: {  	v27 =	vsel vm12, $0x1003, v27;
	v28 =	vsel vm12, $0x1083, v28;
	v29 =	vsel vm12, $0x1103, v29  }
0x3d: {  	v30 =	vsel vm12, $0x1A03, v30;
	v31 =	vsel vm12, $0x1A83, v31;
	v32 =	vsel vm12, $0x1B03, v32  }
0x3e: {  	v33 =	vsel vm12, $0x1B83, v33;
	v34 =	vsel vm12, $0x1C03, v34;
	v35 =	vsel vm12, $0x1C83, v35  }
0x3f: {  	v36 =	vsel vm12, $0x1D03, v36;
	v37 =	vsel vm12, $0x1D83, v37;
	v38 =	vsel vm12, $0x1E03, v38  }
0x40: {  	v39 =	vsel vm12, $0x1E83, v39;
	v40 =	vsel vm12, $0x1F03, v40;
	v41 =	vsel vm12, $0x1F83, v41  }
0x41: {  	v42 =	vsel vm12, $0x1803, v42;
	v6 =	vcombine.low v1, v0;
	v7 =	vcombine.low v3, v2  }
0x42: {  	v43 =	vsel vm12, $0x1883, v43;
	v8 =	vcombine.low v5, v4;
	v16 =	vcombine.low v11, v10  }
0x43: {  	v44 =	vsel vm12, $0x1903, v44;
	v0 =	vcombine.low v0, v1;
	v1 =	vcombine.low v2, v3  }
0x44: {  	v3 =	vcombine.low v4, v5;
	v4 =	vimm.s32 $0xA0F;
	v5 =	vimm.s32 $0xA8F  }
0x45: {  	v17 =	vsel vm11, $0x1282, v17;
	v19 =	vsel vm10, $0x1484, v19;
	v20 =	vsel vm10, $0x1504, v20  }
0x46: {  	v21 =	vsel vm10, $0x1584, v21;
	v22 =	vsel vm10, $0x1604, v22;
	v23 =	vsel vm10, $0x1684, v23  }
0x47: {  	v24 =	vsel vm10, $0x1704, v24;
	v25 =	vsel vm10, $0x1784, v25;
	v26 =	vsel vm10, $0x1004, v26  }
0x48: {  	v27 =	vsel vm10, $0x1084, v27;
	v28 =	vsel vm10, $0x1104, v28;
	v29 =	vsel vm10, $0x1184, v29  }
0x49: {  	v30 =	vsel vm10, $0x1A84, v30;
	v31 =	vsel vm10, $0x1B04, v31;
	v32 =	vsel vm10, $0x1B84, v32  }
0x4a: {  	v33 =	vsel vm10, $0x1C04, v33;
	v34 =	vsel vm10, $0x1C84, v34;
	v35 =	vsel vm10, $0x1D04, v35  }
0x4b: {  	v36 =	vsel vm10, $0x1D84, v36;
	v37 =	vsel vm10, $0x1E04, v37;
	v38 =	vsel vm10, $0x1E84, v38  }
0x4c: {  	v39 =	vsel vm10, $0x1F04, v39;
	v40 =	vsel vm10, $0x1F84, v40;
	v41 =	vsel vm10, $0x1804, v41  }
0x4d: {  	v42 =	vsel vm10, $0x1884, v42;
	v43 =	vsel vm10, $0x1904, v43;
	v44 =	vsel vm10, $0x1984, v44  }
0x4e: {  	[tilespmem:$0x1F910] =	vst v45;
	v45 =	vunpack.c.0.s8.s32 v51;
	v4 =	vsel vm14, $0xA80, v4;
	v5 =	vsel vm14, $0xB00, v5  }
0x4f: {  	v17 =	vsel vm12, $0x1303, v17;
	v19 =	vsel vm8, $0x1505, v19;
	v20 =	vsel vm8, $0x1585, v20  }
0x50: {  	v21 =	vsel vm8, $0x1605, v21;
	v22 =	vsel vm8, $0x1685, v22;
	v23 =	vsel vm8, $0x1705, v23  }
0x51: {  	v24 =	vsel vm8, $0x1785, v24;
	v25 =	vsel vm8, $0x1005, v25;
	v26 =	vsel vm8, $0x1085, v26  }
0x52: {  	v27 =	vsel vm8, $0x1105, v27;
	v28 =	vsel vm8, $0x1185, v28;
	v29 =	vsel vm8, $0x1205, v29  }
0x53: {  	v30 =	vsel vm8, $0x1B05, v30;
	v31 =	vsel vm8, $0x1B85, v31;
	v32 =	vsel vm8, $0x1C05, v32  }
0x54: {  	v33 =	vsel vm8, $0x1C85, v33;
	v34 =	vsel vm8, $0x1D05, v34;
	v35 =	vsel vm8, $0x1D85, v35  }
0x55: {  	v36 =	vsel vm8, $0x1E05, v36;
	v37 =	vsel vm8, $0x1E85, v37;
	v38 =	vsel vm8, $0x1F05, v38  }
0x56: {  	v39 =	vsel vm8, $0x1F85, v39;
	v40 =	vsel vm8, $0x1805, v40;
	v41 =	vsel vm8, $0x1885, v41  }
0x57: {  	v42 =	vsel vm8, $0x1905, v42;
	v43 =	vsel vm8, $0x1985, v43;
	v44 =	vsel vm8, $0x1A05, v44  }
0x58: {  	v6 =	vand.u32 $0xF, v6;
	v7 =	vand.u32 $0xF, v7;
	v0 =	vand.u32 $0xF, v0  }
0x59: {  	v4 =	vsel vm13, $0xB01, v4;
	v5 =	vsel vm13, $0xB81, v5;
	v17 =	vsel vm10, $0x1384, v17  }
0x5a: {  	v19 =	vsel vm9, $0x1586, v19;
	v20 =	vsel vm9, $0x1606, v20;
	v21 =	vsel vm9, $0x1686, v21  }
0x5b: {  	v22 =	vsel vm9, $0x1706, v22;
	v23 =	vsel vm9, $0x1786, v23;
	v24 =	vsel vm9, $0x1006, v24  }
0x5c: {  	v25 =	vsel vm9, $0x1086, v25;
	v26 =	vsel vm9, $0x1106, v26;
	v27 =	vsel vm9, $0x1186, v27  }
0x5d: {  	v28 =	vsel vm9, $0x1206, v28;
	v29 =	vsel vm9, $0x1286, v29;
	v30 =	vsel vm9, $0x1B86, v30  }
0x5e: {  	v31 =	vsel vm9, $0x1C06, v31;
	v32 =	vsel vm9, $0x1C86, v32;
	v33 =	vsel vm9, $0x1D06, v33  }
0x5f: {  	v34 =	vsel vm9, $0x1D86, v34;
	v35 =	vsel vm9, $0x1E06, v35;
	v36 =	vsel vm9, $0x1E86, v36  }
0x60: {  	v37 =	vsel vm9, $0x1F06, v37;
	v38 =	vsel vm9, $0x1F86, v38;
	v39 =	vsel vm9, $0x1806, v39  }
0x61: {  	v40 =	vsel vm9, $0x1886, v40;
	v41 =	vsel vm9, $0x1906, v41;
	v42 =	vsel vm9, $0x1986, v42  }
0x62: {  	v43 =	vsel vm9, $0x1A06, v43;
	v44 =	vsel vm9, $0x1A86, v44;
	[tilespmem:$0x1F720] =	vst v6;
	v6 =	vunpack.c.l.s4.s8 v9  }
0x63: {  	[tilespmem:$0x1F730] =	vst v7;
	v7 =	vand.u32 $0xF, v8;
	v8 =	vimm.s32 $0x43210FED;
	v9 =	vimm.s32 $0xCBA98765  }
0x64: {  	[tilespmem:$0x1F7A0] =	vst v0;
	v0 =	vand.u32 $0xF, v1;
	v4 =	vsel vm11, $0xB82, v4;
	v5 =	vsel vm11, $0xC02, v5  }
0x65: {  	v17 =	vsel vm8, $0x1405, v17;
	v19 =	vsel vm7, $0x1607, v19;
	v20 =	vsel vm7, $0x1687, v20  }
0x66: {  	v21 =	vsel vm7, $0x1707, v21;
	v22 =	vsel vm7, $0x1787, v22;
	v23 =	vsel vm7, $0x1007, v23  }
0x67: {  	v24 =	vsel vm7, $0x1087, v24;
	v25 =	vsel vm7, $0x1107, v25;
	v26 =	vsel vm7, $0x1187, v26  }
0x68: {  	v27 =	vsel vm7, $0x1207, v27;
	v28 =	vsel vm7, $0x1287, v28;
	v29 =	vsel vm7, $0x1307, v29  }
0x69: {  	v30 =	vsel vm7, $0x1C07, v30;
	v31 =	vsel vm7, $0x1C87, v31;
	v32 =	vsel vm7, $0x1D07, v32  }
0x6a: {  	v33 =	vsel vm7, $0x1D87, v33;
	v34 =	vsel vm7, $0x1E07, v34;
	v35 =	vsel vm7, $0x1E87, v35  }
0x6b: {  	v36 =	vsel vm7, $0x1F07, v36;
	v37 =	vsel vm7, $0x1F87, v37;
	v38 =	vsel vm7, $0x1807, v38  }
0x6c: {  	v39 =	vsel vm7, $0x1887, v39;
	v40 =	vsel vm7, $0x1907, v40;
	v41 =	vsel vm7, $0x1987, v41  }
0x6d: {  	v42 =	vsel vm7, $0x1A07, v42;
	v43 =	vsel vm7, $0x1A87, v43;
	v44 =	vsel vm7, $0x1B07, v44  }
0x6e: {  	[tilespmem:$0x1F740] =	vst v7;
	v7 =	vimm.s32 $0xBA987654;
	v8 =	vunpack.c.l.s4.s8 v8;
	v9 =	vunpack.c.l.s4.s8 v9  }
0x6f: {  	[tilespmem:$0x1F7B0] =	vst v0;
	v0 =	vand.u32 $0xF, v3;
	v3 =	vimm.s32 $0x98F;
	v4 =	vsel vm12, $0xC03, v4  }
0x70: {  	v5 =	vsel vm12, $0xC83, v5;
	v17 =	vsel vm9, $0x1486, v17;
	v6 =	vunpack.c.0.s8.s32 v6  }
0x71: {  	v7 =	vunpack.c.l.s4.s8 v7;
	[tilespmem:$0x1F7C0] =	vst v0;
	v0 =	vimm.s32 $0xF;
	v3 =	vsel vm14, $0xA00, v3  }
0x72: {  	v4 =	vsel vm10, $0xC84, v4;
	v5 =	vsel vm10, $0xD04, v5;
	v17 =	vsel vm7, $0x1507, v17  }
0x73: {  	v8 =	vunpack.c.0.s8.s32 v8;
	v9 =	vunpack.c.0.s8.s32 v9;
	v0 =	vsel vm14, $0x80, v0  }
0x74: {  	v3 =	vsel vm13, $0xA81, v3;
	v4 =	vsel vm8, $0xD05, v4;
	v5 =	vsel vm8, $0xD85, v5  }
0x75: {  	v7 =	vunpack.c.0.s8.s32 v7;
	v0 =	vsel vm13, $0x101, v0;
	v3 =	vsel vm11, $0xB02, v3  }
0x76: {  	v4 =	vsel vm9, $0xD86, v4;
	v5 =	vsel vm9, $0xE06, v5;
	v15 =	vcombine.low v9, v8  }
0x77: {  	v0 =	vsel vm11, $0x182, v0;
	v3 =	vsel vm12, $0xB83, v3;
	v4 =	vsel vm7, $0xE07, v4  }
0x78: {  	v5 =	vsel vm7, $0xE87, v5;
	v14 =	vcombine.low v7, v6;
	v1 =	vcombine.low v6, v7  }
0x79: {  	v0 =	vsel vm12, $0x203, v0;
	v6 =	vimm.s32 $0xB0F;
	v7 =	vimm.s32 $0xB8F  }
0x7a: {  	v3 =	vsel vm10, $0xC04, v3;
	v0 =	vsel vm10, $0x284, v0;
	v6 =	vsel vm14, $0xB80, v6  }
0x7b: {  	v7 =	vsel vm14, $0xC00, v7;
	v3 =	vsel vm8, $0xC85, v3;
	v14 =	vand.u32 $0xF, v14  }
0x7c: {  	v1 =	vand.u32 $0xF, v1;
	v0 =	vsel vm8, $0x305, v0;
	v6 =	vsel vm13, $0xC01, v6  }
0x7d: {  	v7 =	vsel vm13, $0xC81, v7;
	v3 =	vsel vm9, $0xD06, v3;
	[tilespmem:$0x1F750] =	vst v14;
	v14 =	vand.u32 $0xF, v15  }
0x7e: {  	v15 =	vand.u32 $0xF, v16;
	v0 =	vsel vm9, $0x386, v0;
	v16 =	vsel vm14, $0x1100, v54  }
0x7f: {  	v6 =	vsel vm11, $0xC82, v6;
	v7 =	vsel vm11, $0xD02, v7;
	v3 =	vsel vm7, $0xD87, v3;
	[tilespmem:$0x1F760] =	vst v14  }
0x80: {  	v54 =	vimm.s32 $0x13121110;
	v14 =	vunpack.c.l.s4.s8 v18;
	[tilespmem:$0x1F770] =	vst v15;
	v15 =	vcombine.low v13, v12  }
0x81: {  	v0 =	vsel vm7, $0x407, v0;
	v18 =	vsel vm14, $0x1200, v61;
	v61 =	vunpack.c.0.s8.s32 v46  }
0x82: {  	v16 =	vsel vm13, $0x1181, v16;
	v6 =	vsel vm12, $0xD03, v6;
	v7 =	vsel vm12, $0xD83, v7  }
0x83: {  	[tilespmem:$0x1F920] =	vst v45;
	v45 =	vunpack.c.0.s8.s32 v54;
	v0 =	vsel vm5, $0x488, v0;
	v18 =	vsel vm13, $0x1281, v18  }
0x84: {  	v16 =	vsel vm11, $0x1202, v16;
	v6 =	vsel vm10, $0xD84, v6;
	v7 =	vsel vm10, $0xE04, v7  }
0x85: {  	v14 =	vunpack.c.0.s8.s32 v14;
	v2 =	vand.u32 $0xF, v15;
	v0 =	vsel vm6, $0x509, v0  }
0x86: {  	v15 =	vimm.s32 $0x100F;
	v16 =	vsel vm12, $0x1283, v16;
	v18 =	vsel vm11, $0x1302, v18  }
0x87: {  	v6 =	vsel vm8, $0xE05, v6;
	v7 =	vsel vm8, $0xE85, v7;
	[tilespmem:$0x1F780] =	vst v2;
	v2 =	vand.u32 $0xF, v53  }
0x88: {  	v0 =	vsel vm4, $0x58A, v0;
	v15 =	vsel vm14, $0x1080, v15;
	v18 =	vsel vm12, $0x1383, v18  }
0x89: {  	v16 =	vsel vm10, $0x1304, v16;
	v6 =	vsel vm9, $0xE86, v6;
	v7 =	vsel vm9, $0xF06, v7  }
0x8a: {  	v53 =	vunpack.c.0.s8.s32 v52;
	v2 =	vcombine.low v2, v14;
	v0 =	vsel vm2, $0x60B, v0  }
0x8b: {  	v14 =	vimm.s32 $0xF0F;
	v15 =	vsel vm13, $0x1101, v15;
	v18 =	vsel vm10, $0x1404, v18  }
0x8c: {  	v16 =	vsel vm8, $0x1385, v16;
	v6 =	vsel vm7, $0xF07, v6;
	v7 =	vsel vm7, $0xF87, v7  }
0x8d: {  	v0 =	vsel vm3, $0x68C, v0;
	v14 =	vsel vm14, $0xF80, v14;
	v15 =	vsel vm11, $0x1182, v15  }
0x8e: {  	v16 =	vsel vm9, $0x1406, v16;
	v18 =	vsel vm8, $0x1485, v18;
	[tilespmem:$0x1F790] =	vst v2;
	v2 =	vcombine.low v8, v9  }
0x8f: {  	v0 =	vsel vm1, $0x70D, v0;
	v8 =	vimm.s32 $0xC0F;
	v9 =	vimm.s32 $0xC8F  }
0x90: {  	v14 =	vsel vm13, $0x801, v14;
	v15 =	vsel vm12, $0x1203, v15;
	v18 =	vsel vm9, $0x1506, v18  }
0x91: {  	v16 =	vsel vm7, $0x1487, v16;
	v0 =	vsel vm0, $0x78E, v0;
	v8 =	vsel vm14, $0xC80, v8  }
0x92: {  	[tilespmem:$0x1F7D0] =	vst v1;
	v9 =	vsel vm14, $0xD00, v9;
	v14 =	vsel vm11, $0x882, v14;
	v1 =	vand.u32 $0xF, v2  }
0x93: {  	v15 =	vsel vm10, $0x1284, v15;
	v18 =	vsel vm7, $0x1587, v18;
	[tilespmem:$0x1F7E0] =	vst v1;
	v1 =	vcombine.low v10, v11  }
0x94: {  	v2 =	vcombine.low v12, v13;
	v12 =	vimm.s32 $0xE0F;
	v13 =	vimm.s32 $0xE8F  }
0x95: {  	v8 =	vsel vm13, $0xD01, v8;
	v9 =	vsel vm13, $0xD81, v9;
	v1 =	vand.u32 $0xF, v1  }
0x96: {  	v14 =	vsel vm12, $0x903, v14;
	v15 =	vsel vm8, $0x1305, v15;
	[tilespmem:$0x1F7F0] =	vst v1;
	v1 =	vand.u32 $0xF, v2  }
0x97: {  	v10 =	vimm.s32 $0xD0F;
	v11 =	vimm.s32 $0xD8F;
	[tilespmem:$0x1F800] =	vst v1;
	v1 =	vimm.s32 $0x8F  }
0x98: {  	v12 =	vsel vm14, $0xE80, v12;
	v13 =	vsel vm14, $0xF00, v13;
	v1 =	vsel vm14, $0x100, v1  }
0x99: {  	v8 =	vsel vm11, $0xD82, v8;
	v2 =	vimm.s32 $0x10F;
	v1 =	vsel vm13, $0x181, v1  }
0x9a: {  	v9 =	vsel vm11, $0xE02, v9;
	v2 =	vsel vm14, $0x180, v2;
	v1 =	vsel vm11, $0x202, v1  }
0x9b: {  	v14 =	vsel vm10, $0x984, v14;
	v2 =	vsel vm13, $0x201, v2;
	v1 =	vsel vm12, $0x283, v1  }
0x9c: {  	v15 =	vsel vm9, $0x1386, v15;
	v2 =	vsel vm11, $0x282, v2;
	v1 =	vsel vm10, $0x304, v1  }
0x9d: {  	v10 =	vsel vm14, $0xD80, v10;
	v2 =	vsel vm12, $0x303, v2;
	v1 =	vsel vm8, $0x385, v1  }
0x9e: {  	v11 =	vsel vm14, $0xE00, v11;
	v2 =	vsel vm10, $0x384, v2;
	v1 =	vsel vm9, $0x406, v1  }
0x9f: {  	v12 =	vsel vm13, $0xF01, v12;
	v2 =	vsel vm8, $0x405, v2;
	v1 =	vsel vm7, $0x487, v1  }
0xa0: {  	v13 =	vsel vm13, $0xF81, v13;
	v2 =	vsel vm9, $0x486, v2;
	v1 =	vsel vm5, $0x508, v1  }
0xa1: {  	v8 =	vsel vm12, $0xE03, v8;
	v2 =	vsel vm7, $0x507, v2;
	v1 =	vsel vm6, $0x589, v1  }
0xa2: {  	v9 =	vsel vm12, $0xE83, v9;
	v2 =	vsel vm5, $0x588, v2;
	v1 =	vsel vm4, $0x60A, v1  }
0xa3: {  	v14 =	vsel vm8, $0xA05, v14;
	v2 =	vsel vm6, $0x609, v2;
	v1 =	vsel vm2, $0x68B, v1  }
0xa4: {  	v15 =	vsel vm7, $0x1407, v15;
	v2 =	vsel vm4, $0x68A, v2;
	v1 =	vsel vm3, $0x70C, v1  }
0xa5: {  	[tilespmem:$0x1F810] =	vst v0;
	v10 =	vsel vm13, $0xE01, v10;
	v2 =	vsel vm2, $0x70B, v2;
	v0 =	vsel vm1, $0x78D, v1  }
0xa6: {  	v11 =	vsel vm13, $0xE81, v11;
	v1 =	vsel vm3, $0x78C, v2;
	v0 =	vsel vm0, $0xE, v0  }
0xa7: {  	v12 =	vsel vm11, $0xF82, v12;
	v13 =	vsel vm11, $0x802, v13;
	[tilespmem:$0x1F820] =	vst v0;
	v0 =	vsel vm1, $0xD, v1  }
0xa8: {  	v8 =	vsel vm10, $0xE84, v8;
	v1 =	vimm.s32 $0x18F;
	v0 =	vsel vm0, $0x8E, v0  }
0xa9: {  	v9 =	vsel vm10, $0xF04, v9;
	v14 =	vsel vm9, $0xA86, v14;
	[tilespmem:$0x1F830] =	vst v0;
	v0 =	vsel vm14, $0x200, v1  }
0xaa: {  	v10 =	vsel vm11, $0xE82, v10;
	v1 =	vimm.s32 $0x20F;
	v0 =	vsel vm13, $0x281, v0  }
0xab: {  	v11 =	vsel vm11, $0xF02, v11;
	v1 =	vsel vm14, $0x280, v1;
	v0 =	vsel vm11, $0x302, v0  }
0xac: {  	v2 =	vimm.s32 $0x28F;
	v1 =	vsel vm13, $0x301, v1;
	v0 =	vsel vm12, $0x383, v0  }
0xad: {  	v2 =	vsel vm14, $0x300, v2;
	v1 =	vsel vm11, $0x382, v1;
	v0 =	vsel vm10, $0x404, v0  }
0xae: {  	v2 =	vsel vm13, $0x381, v2;
	v1 =	vsel vm12, $0x403, v1;
	v0 =	vsel vm8, $0x485, v0  }
0xaf: {  	v2 =	vsel vm11, $0x402, v2;
	v1 =	vsel vm10, $0x484, v1;
	v0 =	vsel vm9, $0x506, v0  }
0xb0: {  	v2 =	vsel vm12, $0x483, v2;
	v1 =	vsel vm8, $0x505, v1;
	v0 =	vsel vm7, $0x587, v0  }
0xb1: {  	v2 =	vsel vm10, $0x504, v2;
	v1 =	vsel vm9, $0x586, v1;
	v0 =	vsel vm5, $0x608, v0  }
0xb2: {  	v2 =	vsel vm8, $0x585, v2;
	v1 =	vsel vm7, $0x607, v1;
	v0 =	vsel vm6, $0x689, v0  }
0xb3: {  	v2 =	vsel vm9, $0x606, v2;
	v1 =	vsel vm5, $0x688, v1;
	v0 =	vsel vm4, $0x70A, v0  }
0xb4: {  	v2 =	vsel vm7, $0x687, v2;
	v1 =	vsel vm6, $0x709, v1;
	v0 =	vsel vm2, $0x78B, v0  }
0xb5: {  	v2 =	vsel vm5, $0x708, v2;
	v1 =	vsel vm4, $0x78A, v1;
	v0 =	vsel vm3, $0xC, v0  }
0xb6: {  	v2 =	vsel vm6, $0x789, v2;
	v1 =	vsel vm2, $0xB, v1;
	v0 =	vsel vm1, $0x8D, v0  }
0xb7: {  	v2 =	vsel vm4, $0xA, v2;
	v1 =	vsel vm3, $0x8C, v1;
	v0 =	vsel vm0, $0x10E, v0  }
0xb8: {  	v12 =	vsel vm12, $0x803, v12;
	v2 =	vsel vm2, $0x8B, v2;
	[tilespmem:$0x1F840] =	vst v0;
	v0 =	vsel vm1, $0x10D, v1  }
0xb9: {  	v13 =	vsel vm12, $0x883, v13;
	v1 =	vsel vm3, $0x10C, v2;
	v0 =	vsel vm0, $0x18E, v0  }
0xba: {  	v8 =	vsel vm8, $0xF05, v8;
	v9 =	vsel vm8, $0xF85, v9;
	[tilespmem:$0x1F850] =	vst v0;
	v0 =	vsel vm1, $0x18D, v1  }
0xbb: {  	v14 =	vsel vm7, $0xB07, v14;
	v1 =	vimm.s32 $0x30F;
	v0 =	vsel vm0, $0x20E, v0  }
0xbc: {  	v10 =	vsel vm12, $0xF03, v10;
	v11 =	vsel vm12, $0xF83, v11;
	[tilespmem:$0x1F860] =	vst v0;
	v0 =	vsel vm14, $0x380, v1  }
0xbd: {  	v12 =	vsel vm10, $0x884, v12;
	v1 =	vimm.s32 $0x38F;
	v0 =	vsel vm13, $0x401, v0  }
0xbe: {  	v13 =	vsel vm10, $0x904, v13;
	v1 =	vsel vm14, $0x400, v1;
	v0 =	vsel vm11, $0x482, v0  }
0xbf: {  	v2 =	vimm.s32 $0x40F;
	v1 =	vsel vm13, $0x481, v1;
	v0 =	vsel vm12, $0x503, v0  }
0xc0: {  	v2 =	vsel vm14, $0x480, v2;
	v1 =	vsel vm11, $0x502, v1;
	v0 =	vsel vm10, $0x584, v0  }
0xc1: {  	v2 =	vsel vm13, $0x501, v2;
	v1 =	vsel vm12, $0x583, v1;
	v0 =	vsel vm8, $0x605, v0  }
0xc2: {  	v2 =	vsel vm11, $0x582, v2;
	v1 =	vsel vm10, $0x604, v1;
	v0 =	vsel vm9, $0x686, v0  }
0xc3: {  	v2 =	vsel vm12, $0x603, v2;
	v1 =	vsel vm8, $0x685, v1;
	v0 =	vsel vm7, $0x707, v0  }
0xc4: {  	v2 =	vsel vm10, $0x684, v2;
	v1 =	vsel vm9, $0x706, v1;
	v0 =	vsel vm5, $0x788, v0  }
0xc5: {  	v2 =	vsel vm8, $0x705, v2;
	v1 =	vsel vm7, $0x787, v1;
	v0 =	vsel vm6, $0x9, v0  }
0xc6: {  	v2 =	vsel vm9, $0x786, v2;
	v1 =	vsel vm5, $0x8, v1;
	v0 =	vsel vm4, $0x8A, v0  }
0xc7: {  	v2 =	vsel vm7, $0x7, v2;
	v1 =	vsel vm6, $0x89, v1;
	v0 =	vsel vm2, $0x10B, v0  }
0xc8: {  	v2 =	vsel vm5, $0x88, v2;
	v1 =	vsel vm4, $0x10A, v1;
	v0 =	vsel vm3, $0x18C, v0  }
0xc9: {  	v2 =	vsel vm6, $0x109, v2;
	v1 =	vsel vm2, $0x18B, v1;
	v0 =	vsel vm1, $0x20D, v0  }
0xca: {  	v2 =	vsel vm4, $0x18A, v2;
	v1 =	vsel vm3, $0x20C, v1;
	v0 =	vsel vm0, $0x28E, v0  }
0xcb: {  	v8 =	vsel vm9, $0xF86, v8;
	v2 =	vsel vm2, $0x20B, v2;
	[tilespmem:$0x1F870] =	vst v0;
	v0 =	vsel vm1, $0x28D, v1  }
0xcc: {  	v9 =	vsel vm9, $0x806, v9;
	v1 =	vsel vm3, $0x28C, v2;
	v0 =	vsel vm0, $0x30E, v0  }
0xcd: {  	v10 =	vsel vm10, $0xF84, v10;
	v11 =	vsel vm10, $0x804, v11;
	[tilespmem:$0x1F880] =	vst v0;
	v0 =	vsel vm1, $0x30D, v1  }
0xce: {  	v12 =	vsel vm8, $0x905, v12;
	v1 =	vimm.s32 $0x48F;
	v0 =	vsel vm0, $0x38E, v0  }
0xcf: {  	v13 =	vsel vm8, $0x985, v13;
	v8 =	vsel vm7, $0x807, v8;
	[tilespmem:$0x1F890] =	vst v0;
	v0 =	vsel vm14, $0x500, v1  }
0xd0: {  	v9 =	vsel vm7, $0x887, v9;
	v1 =	vimm.s32 $0x50F;
	v0 =	vsel vm13, $0x581, v0  }
0xd1: {  	v10 =	vsel vm8, $0x805, v10;
	v1 =	vsel vm14, $0x580, v1;
	v0 =	vsel vm11, $0x602, v0  }
0xd2: {  	v2 =	vimm.s32 $0x58F;
	v1 =	vsel vm13, $0x601, v1;
	v0 =	vsel vm12, $0x683, v0  }
0xd3: {  	v2 =	vsel vm14, $0x600, v2;
	v1 =	vsel vm11, $0x682, v1;
	v0 =	vsel vm10, $0x704, v0  }
0xd4: {  	v2 =	vsel vm13, $0x681, v2;
	v1 =	vsel vm12, $0x703, v1;
	v0 =	vsel vm8, $0x785, v0  }
0xd5: {  	v2 =	vsel vm11, $0x702, v2;
	v1 =	vsel vm10, $0x784, v1;
	v0 =	vsel vm9, $0x6, v0  }
0xd6: {  	v2 =	vsel vm12, $0x783, v2;
	v1 =	vsel vm8, $0x5, v1;
	v0 =	vsel vm7, $0x87, v0  }
0xd7: {  	v2 =	vsel vm10, $0x4, v2;
	v1 =	vsel vm9, $0x86, v1;
	v0 =	vsel vm5, $0x108, v0  }
0xd8: {  	v2 =	vsel vm8, $0x85, v2;
	v1 =	vsel vm7, $0x107, v1;
	v0 =	vsel vm6, $0x189, v0  }
0xd9: {  	v2 =	vsel vm9, $0x106, v2;
	v1 =	vsel vm5, $0x188, v1;
	v0 =	vsel vm4, $0x20A, v0  }
0xda: {  	v2 =	vsel vm7, $0x187, v2;
	v1 =	vsel vm6, $0x209, v1;
	v0 =	vsel vm2, $0x28B, v0  }
0xdb: {  	v2 =	vsel vm5, $0x208, v2;
	v1 =	vsel vm4, $0x28A, v1;
	v0 =	vsel vm3, $0x30C, v0  }
0xdc: {  	v2 =	vsel vm6, $0x289, v2;
	v1 =	vsel vm2, $0x30B, v1;
	v0 =	vsel vm1, $0x38D, v0  }
0xdd: {  	v2 =	vsel vm4, $0x30A, v2;
	v1 =	vsel vm3, $0x38C, v1;
	v0 =	vsel vm0, $0x40E, v0  }
0xde: {  	v11 =	vsel vm8, $0x885, v11;
	v2 =	vsel vm2, $0x38B, v2;
	[tilespmem:$0x1F8A0] =	vst v0;
	v0 =	vsel vm1, $0x40D, v1  }
0xdf: {  	v12 =	vsel vm9, $0x986, v12;
	v1 =	vsel vm3, $0x40C, v2;
	v0 =	vsel vm0, $0x48E, v0  }
0xe0: {  	v13 =	vsel vm9, $0xA06, v13;
	v10 =	vsel vm9, $0x886, v10;
	[tilespmem:$0x1F8B0] =	vst v0;
	v0 =	vsel vm1, $0x48D, v1  }
0xe1: {  	v11 =	vsel vm9, $0x906, v11;
	v1 =	vimm.s32 $0x60F;
	v0 =	vsel vm0, $0x50E, v0  }
0xe2: {  	v12 =	vsel vm7, $0xA07, v12;
	v13 =	vsel vm7, $0xA87, v13;
	[tilespmem:$0x1F8C0] =	vst v0;
	v0 =	vsel vm14, $0x680, v1  }
0xe3: {  	v10 =	vsel vm7, $0x907, v10;
	v1 =	vimm.s32 $0x68F;
	v0 =	vsel vm13, $0x701, v0  }
0xe4: {  	v2 =	vimm.s32 $0x70F;
	v1 =	vsel vm14, $0x700, v1;
	v0 =	vsel vm11, $0x782, v0  }
0xe5: {  	v2 =	vsel vm14, $0x780, v2;
	v1 =	vsel vm13, $0x781, v1;
	v0 =	vsel vm12, $0x3, v0  }
0xe6: {  	v2 =	vsel vm13, $0x1, v2;
	v1 =	vsel vm11, $0x2, v1;
	v0 =	vsel vm10, $0x84, v0  }
0xe7: {  	v2 =	vsel vm11, $0x82, v2;
	v1 =	vsel vm12, $0x83, v1;
	v0 =	vsel vm8, $0x105, v0  }
0xe8: {  	v2 =	vsel vm12, $0x103, v2;
	v1 =	vsel vm10, $0x104, v1;
	v0 =	vsel vm9, $0x186, v0  }
0xe9: {  	v2 =	vsel vm10, $0x184, v2;
	v1 =	vsel vm8, $0x185, v1;
	v0 =	vsel vm7, $0x207, v0  }
0xea: {  	v2 =	vsel vm8, $0x205, v2;
	v1 =	vsel vm9, $0x206, v1;
	v0 =	vsel vm5, $0x288, v0  }
0xeb: {  	v2 =	vsel vm9, $0x286, v2;
	v1 =	vsel vm7, $0x287, v1;
	v0 =	vsel vm6, $0x309, v0  }
0xec: {  	v2 =	vsel vm7, $0x307, v2;
	v1 =	vsel vm5, $0x308, v1;
	v0 =	vsel vm4, $0x38A, v0  }
0xed: {  	v2 =	vsel vm5, $0x388, v2;
	v1 =	vsel vm6, $0x389, v1;
	v0 =	vsel vm2, $0x40B, v0  }
0xee: {  	v2 =	vsel vm6, $0x409, v2;
	v1 =	vsel vm4, $0x40A, v1;
	v0 =	vsel vm3, $0x48C, v0  }
0xef: {  	v2 =	vsel vm4, $0x48A, v2;
	v1 =	vsel vm2, $0x48B, v1;
	v0 =	vsel vm1, $0x50D, v0  }
0xf0: {  	v2 =	vsel vm2, $0x50B, v2;
	v1 =	vsel vm3, $0x50C, v1;
	v0 =	vsel vm0, $0x58E, v0  }
0xf1: {  	[tilespmem:$0x1F8D0] =	vst v0;
	v0 =	vsel vm1, $0x58D, v1;
	v1 =	vsel vm3, $0x58C, v2;
	v2 =	vimm.s32 $0x90F  }
0xf2: {  	v11 =	vsel vm7, $0x987, v11;
	v0 =	vsel vm0, $0x60E, v0;
	v2 =	vsel vm14, $0x980, v2  }
0xf3: {  	[tilespmem:$0x1F8E0] =	vst v0;
	v0 =	vsel vm1, $0x60D, v1;
	v1 =	vimm.s32 $0x1C1B1A19;
	v2 =	vsel vm13, $0xA01, v2  }
0xf4: {  	v0 =	vsel vm0, $0x68E, v0;
	v55 =	vunpack.c.0.s8.s32 v1;
	v1 =	vimm.s32 $0x18171615  }
0xf5: {  	[tilespmem:$0x1F8F0] =	vst v0;
	v0 =	vimm.s32 $0x101F1E1D;
	v58 =	vunpack.c.0.s8.s32 v1;
	v1 =	vimm.s32 $0x88F  }
0xf6: {  	v56 =	vunpack.c.0.s8.s32 v0;
	v0 =	vimm.s32 $0x14131211;
	v1 =	vsel vm14, $0x900, v1  }
0xf7: {  	v57 =	vunpack.c.0.s8.s32 v0;
	v0 =	vimm.s32 $0x1D1C1B1A;
	v1 =	vsel vm13, $0x981, v1  }
0xf8: {  	v59 =	vunpack.c.0.s8.s32 v0;
	v0 =	vimm.s32 $0x80F;
	v1 =	vsel vm11, $0xA02, v1  }
0xf9: {  	v2 =	vsel vm11, $0xA82, v2;
	v0 =	vsel vm14, $0x880, v0;
	v1 =	vsel vm12, $0xA83, v1  }
0xfa: {  	v2 =	vsel vm12, $0xB03, v2;
	v0 =	vsel vm13, $0x901, v0;
	v1 =	vsel vm10, $0xB04, v1  }
0xfb: {  	v2 =	vsel vm10, $0xB84, v2;
	v0 =	vsel vm11, $0x982, v0;
	v1 =	vsel vm8, $0xB85, v1  }
0xfc: {  	v2 =	vsel vm8, $0xC05, v2;
	v0 =	vsel vm12, $0xA03, v0;
	v1 =	vsel vm9, $0xC06, v1  }
0xfd: {  	v2 =	vsel vm9, $0xC86, v2;
	v0 =	vsel vm10, $0xA84, v0;
	v1 =	vsel vm7, $0xC87, v1  }
0xfe: {  	v2 =	vsel vm7, $0xD07, v2;
	v0 =	vsel vm8, $0xB05, v0;
	v1 =	vsel vm5, $0xD08, v1  }
0xff: {  	v0 =	vsel vm9, $0xB86, v0;
	v46 =	vsel vm6, $0xD89, v1;
	v1 =	vsel vm5, $0xE88, v4  }
0x100: {  	[tilespmem:$0x1F900] =	vst v49;
	v4 =	vsel vm5, $0x1688, v19;
	v0 =	vsel vm7, $0xC07, v0;
	v49 =	vsel vm6, $0xF09, v1  }
0x101: {  	v1 =	vsel vm5, $0x808, v7;
	v4 =	vsel vm6, $0x1709, v4;
	v7 =	vsel vm5, $0x1008, v22  }
0x102: {  	v22 =	vsel vm5, $0x1208, v26;
	v26 =	vsel vm5, $0x1C88, v30;
	v30 =	vsel vm5, $0x1E88, v34  }
0x103: {  	v34 =	vsel vm5, $0x1888, v38;
	v38 =	vsel vm5, $0x1A88, v42;
	v42 =	vimm.s32 $0x1B1A1918  }
0x104: {  	v0 =	vsel vm5, $0xC88, v0;
	v52 =	vsel vm6, $0x889, v1;
	v1 =	vsel vm5, $0x988, v10  }
0x105: {  	[tilespmem:$0x1F940] =	vst v45;
	v7 =	vsel vm6, $0x1089, v7;
	v4 =	vsel vm4, $0x178A, v4;
	v45 =	vsel vm6, $0xD09, v0  }
0x106: {  	v0 =	vsel vm5, $0xD88, v2;
	v54 =	vsel vm6, $0xA09, v1;
	v1 =	vsel vm5, $0xB08, v13  }
0x107: {  	v2 =	vsel vm5, $0x1588, v17;
	v7 =	vsel vm4, $0x110A, v7;
	v4 =	vsel vm2, $0x100B, v4  }
0x108: {  	v47 =	vsel vm6, $0xE09, v0;
	v0 =	vsel vm5, $0xE08, v3;
	v2 =	vsel vm6, $0x1609, v2  }
0x109: {  	v3 =	vsel vm5, $0x1608, v18;
	v4 =	vsel vm3, $0x108C, v4;
	v7 =	vsel vm2, $0x118B, v7  }
0x10a: {  	v48 =	vsel vm6, $0xE89, v0;
	v0 =	vsel vm5, $0xF08, v5;
	v3 =	vsel vm6, $0x1689, v3  }
0x10b: {  	v5 =	vsel vm5, $0x1708, v20;
	v20 =	vsel vm6, $0x1D09, v26;
	v2 =	vsel vm4, $0x168A, v2  }
0x10c: {  	v7 =	vsel vm3, $0x120C, v7;
	v4 =	vsel vm1, $0x110D, v4;
	v50 =	vsel vm6, $0xF89, v0  }
0x10d: {  	v0 =	vsel vm5, $0xF88, v6;
	v5 =	vsel vm6, $0x1789, v5;
	v6 =	vsel vm5, $0x1788, v21  }
0x10e: {  	v3 =	vsel vm4, $0x170A, v3;
	v2 =	vsel vm2, $0x170B, v2;
	v7 =	vsel vm1, $0x128D, v7  }
0x10f: {  	v51 =	vsel vm6, $0x809, v0;
	v0 =	vsel vm5, $0x888, v8;
	v6 =	vsel vm6, $0x1009, v6  }
0x110: {  	v8 =	vsel vm5, $0x1088, v23;
	v23 =	vsel vm5, $0x1288, v27;
	v27 =	vsel vm5, $0x1D08, v31  }
0x111: {  	v31 =	vsel vm5, $0x1F08, v35;
	v35 =	vsel vm5, $0x1908, v39;
	v39 =	vsel vm5, $0x1B08, v43  }
0x112: {  	v43 =	vsel vm4, $0xD8A, v45;
	v45 =	vsel vm4, $0xE8A, v47;
	v5 =	vsel vm4, $0x100A, v5  }
0x113: {  	[tilespmem:$0x1F930] =	vst v53;
	v2 =	vsel vm3, $0x178C, v2;
	v3 =	vsel vm2, $0x178B, v3;
	v53 =	vsel vm6, $0x909, v0  }
0x114: {  	v0 =	vsel vm5, $0x908, v9;
	v9 =	vsel vm6, $0xB89, v1;
	v1 =	vsel vm5, $0x1508, v16  }
0x115: {  	v8 =	vsel vm6, $0x1109, v8;
	v16 =	vsel vm6, $0x1289, v22;
	v17 =	vsel vm6, $0x1309, v23  }
0x116: {  	v21 =	vsel vm6, $0x1D89, v27;
	v6 =	vsel vm4, $0x108A, v6;
	v3 =	vsel vm3, $0x100C, v3  }
0x117: {  	v5 =	vsel vm2, $0x108B, v5;
	v2 =	vsel vm1, $0x100D, v2;
	v10 =	vsel vm6, $0x989, v0  }
0x118: {  	v0 =	vsel vm5, $0xA08, v11;
	v1 =	vsel vm6, $0x1589, v1;
	v9 =	vsel vm4, $0xC0A, v9  }
0x119: {  	v8 =	vsel vm4, $0x118A, v8;
	v5 =	vsel vm3, $0x110C, v5;
	v6 =	vsel vm2, $0x110B, v6  }
0x11a: {  	v3 =	vsel vm1, $0x108D, v3;
	v11 =	vsel vm6, $0xA89, v0;
	v0 =	vsel vm5, $0xA88, v12  }
0x11b: {  	v10 =	vsel vm4, $0xA0A, v10;
	v9 =	vsel vm2, $0xC8B, v9;
	v1 =	vsel vm4, $0x160A, v1  }
0x11c: {  	v6 =	vsel vm3, $0x118C, v6;
	v8 =	vsel vm2, $0x120B, v8;
	v5 =	vsel vm1, $0x118D, v5  }
0x11d: {  	v12 =	vsel vm6, $0xB09, v0;
	v0 =	vsel vm5, $0xB88, v14;
	v14 =	vsel vm5, $0x1108, v24  }
0x11e: {  	v24 =	vsel vm5, $0x1308, v28;
	v28 =	vsel vm5, $0x1D88, v32;
	v32 =	vsel vm5, $0x1F88, v36  }
0x11f: {  	v36 =	vsel vm5, $0x1988, v40;
	v40 =	vsel vm5, $0x1B88, v44;
	v44 =	vsel vm4, $0xE0A, v46  }
0x120: {  	v10 =	vsel vm2, $0xA8B, v10;
	v11 =	vsel vm4, $0xB0A, v11;
	v9 =	vsel vm3, $0xD0C, v9  }
0x121: {  	v1 =	vsel vm2, $0x168B, v1;
	v8 =	vsel vm3, $0x128C, v8;
	v6 =	vsel vm1, $0x120D, v6  }
0x122: {  	v13 =	vsel vm6, $0xC09, v0;
	v0 =	vsel vm5, $0x1488, v15;
	v15 =	vsel vm5, $0x1188, v25  }
0x123: {  	v14 =	vsel vm6, $0x1189, v14;
	v18 =	vsel vm6, $0x1389, v24;
	v25 =	vsel vm5, $0x1388, v29  }
0x124: {  	v22 =	vsel vm6, $0x1E09, v28;
	v29 =	vsel vm5, $0x1E08, v33;
	v24 =	vsel vm6, $0x1F09, v30  }
0x125: {  	v33 =	vsel vm5, $0x1808, v37;
	v26 =	vsel vm6, $0x1809, v32;
	v28 =	vsel vm6, $0x1909, v34  }
0x126: {  	v30 =	vsel vm6, $0x1A09, v36;
	v37 =	vsel vm5, $0x1A08, v41;
	v32 =	vsel vm6, $0x1B09, v38  }
0x127: {  	v34 =	vsel vm6, $0x1C09, v40;
	v41 =	vimm.s32 $0x17161514;
	v36 =	vsel vm2, $0xE8B, v44  }
0x128: {  	v40 =	vsel vm4, $0xF8A, v49;
	v10 =	vsel vm3, $0xB0C, v10;
	v11 =	vsel vm2, $0xB8B, v11  }
0x129: {  	v9 =	vsel vm1, $0xD8D, v9;
	v1 =	vsel vm3, $0x170C, v1;
	v8 =	vsel vm1, $0x130D, v8  }
0x12a: {  	v0 =	vsel vm6, $0x1509, v0;
	v15 =	vsel vm6, $0x1209, v15;
	v19 =	vsel vm6, $0x1409, v25  }
0x12b: {  	v23 =	vsel vm6, $0x1E89, v29;
	v25 =	vsel vm6, $0x1F89, v31;
	v27 =	vsel vm6, $0x1889, v33  }
0x12c: {  	v29 =	vsel vm6, $0x1989, v35;
	v31 =	vsel vm6, $0x1A89, v37;
	v33 =	vsel vm6, $0x1B89, v39  }
0x12d: {  	v38 =	vunpack.c.0.s8.s32 v41;
	v39 =	vunpack.c.0.s8.s32 v42;
	v35 =	vsel vm2, $0xE0B, v43  }
0x12e: {  	v37 =	vsel vm2, $0xF0B, v45;
	v36 =	vsel vm3, $0xF0C, v36;
	v41 =	vsel vm4, $0x80A, v50  }
0x12f: {  	v45 =	vsel vm4, $0x88A, v51;
	v51 =	vsel vm4, $0xA8A, v54;
	v10 =	vsel vm1, $0xB8D, v10  }
0x130: {  	v11 =	vsel vm3, $0xC0C, v11;
	v9 =	vsel vm0, $0xE0E, v9;
	v1 =	vsel vm1, $0x178D, v1  }
0x131: {  	v35 =	vsel vm3, $0xE8C, v35;
	v37 =	vsel vm3, $0xF8C, v37;
	v46 =	vsel vm1, $0xF8D, v36  }
0x132: {  	v10 =	vsel vm0, $0xC0E, v10;
	v11 =	vsel vm1, $0xC8D, v11;
	v0 =	vsel vm4, $0x158A, v0  }
0x133: {  	[tilespmem:$0x1FA20] =	vst v9;
	v9 =	vsel vm4, $0x120A, v14;
	v14 =	vsel vm4, $0x148A, v19;
	v54 =	vsel vm4, $0x1F0A, v23  }
0x134: {  	v35 =	vsel vm1, $0xF0D, v35;
	v47 =	vsel vm1, $0x80D, v37;
	v37 =	vsel vm4, $0xF0A, v48  }
0x135: {  	v0 =	vsel vm2, $0x160B, v0;
	v9 =	vsel vm2, $0x128B, v9;
	v14 =	vsel vm2, $0x150B, v14  }
0x136: {  	v35 =	vsel vm0, $0xF8E, v35;
	v36 =	vsel vm0, $0x88E, v47;
	v47 =	vsel vm4, $0x98A, v53  }
0x137: {  	v53 =	vsel vm4, $0x1E8A, v22;
	v0 =	vsel vm3, $0x168C, v0;
	v9 =	vsel vm3, $0x130C, v9;
	[tilespmem:$0x1F950] =	vst v35  }
0x138: {  	v14 =	vsel vm3, $0x158C, v14;
	v35 =	vsel vm0, $0x80E, v46;
	[tilespmem:$0x1F970] =	vst v36;
	v36 =	vsel vm2, $0x80B, v40  }
0x139: {  	v46 =	vsel vm4, $0x90A, v52;
	v52 =	vsel vm4, $0x1E0A, v21;
	v40 =	vsel vm4, $0x188A, v26  }
0x13a: {  	v0 =	vsel vm1, $0x170D, v0;
	v9 =	vsel vm1, $0x138D, v9;
	v14 =	vsel vm1, $0x160D, v14  }
0x13b: {  	[tilespmem:$0x1F960] =	vst v35;
	v35 =	vsel vm2, $0xF8B, v37;
	v37 =	vsel vm2, $0x88B, v41;
	v36 =	vsel vm3, $0x88C, v36  }
0x13c: {  	v41 =	vsel vm4, $0x190A, v27;
	v21 =	vsel vm2, $0x190B, v40;
	v0 =	vsel vm0, $0x178E, v0  }
0x13d: {  	v35 =	vsel vm3, $0x80C, v35;
	v37 =	vsel vm3, $0x90C, v37;
	v42 =	vsel vm1, $0x90D, v36  }
0x13e: {  	v36 =	vsel vm2, $0x98B, v46;
	v46 =	vsel vm4, $0x1B8A, v32;
	v22 =	vsel vm2, $0x198B, v41  }
0x13f: {  	v21 =	vsel vm3, $0x198C, v21;
	[tilespmem:$0x1FA30] =	vst v0;
	v0 =	vsel vm0, $0x100E, v1;
	v1 =	vimm.s32 $0x21202F2E  }
0x140: {  	v35 =	vsel vm1, $0x88D, v35;
	v43 =	vsel vm1, $0x98D, v37;
	v37 =	vsel vm2, $0xA0B, v47  }
0x141: {  	v36 =	vsel vm3, $0xA0C, v36;
	v47 =	vsel vm4, $0x1C0A, v33;
	v22 =	vsel vm3, $0x1A0C, v22  }
0x142: {  	v27 =	vsel vm2, $0x1C0B, v46;
	v21 =	vsel vm1, $0x1A0D, v21;
	[tilespmem:$0x1FA40] =	vst v0;
	v0 =	vsel vm0, $0x108E, v2  }
0x143: {  	v35 =	vsel vm0, $0x90E, v35;
	v44 =	vsel vm0, $0xA0E, v43;
	v37 =	vsel vm3, $0xA8C, v37  }
0x144: {  	v48 =	vsel vm1, $0xA8D, v36;
	v36 =	vsel vm4, $0x1F8A, v24;
	v43 =	vsel vm4, $0x1A0A, v29  }
0x145: {  	v27 =	vsel vm3, $0x1C8C, v27;
	v22 =	vsel vm1, $0x1A8D, v22;
	[tilespmem:$0x1FA50] =	vst v0;
	v0 =	vsel vm0, $0x110E, v3  }
0x146: {  	[tilespmem:$0x1F980] =	vst v35;
	v35 =	vsel vm0, $0x98E, v42;
	v49 =	vsel vm1, $0xB0D, v37;
	v37 =	vsel vm4, $0x180A, v25  }
0x147: {  	[tilespmem:$0x1F9A0] =	vst v44;
	v42 =	vsel vm4, $0x198A, v28;
	v44 =	vsel vm4, $0x1A8A, v30;
	v19 =	vsel vm2, $0x180B, v36  }
0x148: {  	v24 =	vsel vm2, $0x1A8B, v43;
	v28 =	vsel vm2, $0x1C8B, v47;
	v27 =	vsel vm1, $0x1D0D, v27;
	[tilespmem:$0x1FA60] =	vst v0  }
0x149: {  	v0 =	vsel vm0, $0x118E, v4;
	[tilespmem:$0x1F990] =	vst v35;
	v35 =	vsel vm2, $0x90B, v45;
	v50 =	vsel vm0, $0xB8E, v49  }
0x14a: {  	v45 =	vsel vm4, $0x1B0A, v31;
	v49 =	vimm.s32 $0x2C2B2A29;
	v19 =	vsel vm3, $0x188C, v19  }
0x14b: {  	v23 =	vsel vm2, $0x1A0B, v42;
	v25 =	vsel vm2, $0x1B0B, v44;
	v24 =	vsel vm3, $0x1B0C, v24  }
0x14c: {  	v28 =	vsel vm3, $0x1D0C, v28;
	[tilespmem:$0x1FA70] =	vst v0;
	v0 =	vsel vm0, $0x120E, v5;
	v35 =	vsel vm3, $0x98C, v35  }
0x14d: {  	v23 =	vsel vm3, $0x1A8C, v23;
	v25 =	vsel vm3, $0x1B8C, v25;
	v26 =	vsel vm2, $0x1B8B, v45  }
0x14e: {  	[tilespmem:$0x1F9E0] =	vst v10;
	v19 =	vsel vm1, $0x190D, v19;
	v24 =	vsel vm1, $0x1B8D, v24;
	v28 =	vsel vm1, $0x1D8D, v28  }
0x14f: {  	[tilespmem:$0x1FA80] =	vst v0;
	v0 =	vsel vm0, $0x128E, v6;
	v35 =	vsel vm1, $0xA0D, v35;
	v26 =	vsel vm3, $0x1C0C, v26  }
0x150: {  	v23 =	vsel vm1, $0x1B0D, v23;
	v25 =	vsel vm1, $0x1C0D, v25;
	[tilespmem:$0x1FA90] =	vst v0;
	v35 =	vsel vm0, $0xA8E, v35  }
0x151: {  	v0 =	vsel vm0, $0x130E, v7;
	[tilespmem:$0x1F9B0] =	vst v35;
	v35 =	vsel vm0, $0xB0E, v48;
	v48 =	vsel vm4, $0x1C8A, v34  }
0x152: {  	v26 =	vsel vm1, $0x1C8D, v26;
	[tilespmem:$0x1F9C0] =	vst v35;
	v35 =	vsel vm2, $0xB0B, v51;
	v29 =	vsel vm2, $0x1D0B, v48  }
0x153: {  	[tilespmem:$0x1FAA0] =	vst v0;
	v0 =	vsel vm0, $0x138E, v8;
	v35 =	vsel vm3, $0xB8C, v35;
	v29 =	vsel vm3, $0x1D8C, v29  }
0x154: {  	[tilespmem:$0x1FAB0] =	vst v0;
	v0 =	vsel vm0, $0x140E, v9;
	v10 =	vsel vm1, $0xC0D, v35;
	v29 =	vsel vm1, $0x1E0D, v29  }
0x155: {  	v51 =	vunpack.c.0.s8.s32 v49;
	v10 =	vsel vm0, $0xC8E, v10;
	v7 =	vsel vm0, $0x1E8E, v29  }
0x156: {  	[tilespmem:$0x1F9F0] =	vst v10;
	v10 =	vsel vm0, $0xD0E, v11;
	v11 =	vsel vm4, $0xC8A, v13;
	v13 =	vsel vm4, $0x140A, v18  }
0x157: {  	v18 =	vsel vm2, $0x1F8B, v54;
	[tilespmem:$0x1FA00] =	vst v10;
	v10 =	vsel vm4, $0xB8A, v12;
	v11 =	vsel vm2, $0xD0B, v11  }
0x158: {  	v12 =	vsel vm4, $0x138A, v17;
	v13 =	vsel vm2, $0x148B, v13;
	v17 =	vsel vm2, $0x1F0B, v53  }
0x159: {  	v18 =	vsel vm3, $0x180C, v18;
	v53 =	vimm.s32 $0x24232221;
	v10 =	vsel vm2, $0xC0B, v10  }
0x15a: {  	v11 =	vsel vm3, $0xD8C, v11;
	v12 =	vsel vm2, $0x140B, v12;
	v10 =	vsel vm3, $0xC8C, v10  }
0x15b: {  	v13 =	vsel vm3, $0x150C, v13;
	v17 =	vsel vm3, $0x1F8C, v17;
	v10 =	vsel vm1, $0xD0D, v10  }
0x15c: {  	v18 =	vsel vm1, $0x188D, v18;
	v12 =	vsel vm3, $0x148C, v12;
	v10 =	vsel vm0, $0xD8E, v10  }
0x15d: {  	v13 =	vsel vm1, $0x158D, v13;
	v17 =	vsel vm1, $0x180D, v17;
	[tilespmem:$0x1FA10] =	vst v10;
	v10 =	vsel vm1, $0xE0D, v11  }
0x15e: {  	[tilespmem:$0x1F9D0] =	vst v50;
	v12 =	vsel vm1, $0x150D, v12;
	v50 =	vsel vm0, $0xE8E, v10;
	v10 =	vsel vm4, $0x128A, v15  }
0x15f: {  	v11 =	vsel vm4, $0x130A, v16;
	v16 =	vsel vm2, $0x1E8B, v52;
	v10 =	vsel vm2, $0x130B, v10  }
0x160: {  	v52 =	vimm.s32 $0x202F2E2D;
	v11 =	vsel vm2, $0x138B, v11;
	v10 =	vsel vm3, $0x138C, v10  }
0x161: {  	v15 =	vsel vm4, $0x1D8A, v20;
	v11 =	vsel vm3, $0x140C, v11;
	v10 =	vsel vm1, $0x140D, v10  }
0x162: {  	[tilespmem:$0x1FAC0] =	vst v0;
	v16 =	vsel vm3, $0x1F0C, v16;
	v11 =	vsel vm1, $0x148D, v11;
	v0 =	vsel vm0, $0x148E, v10  }
0x163: {  	v20 =	vsel vm2, $0x188B, v37;
	v34 =	vunpack.c.0.s8.s32 v52;
	[tilespmem:$0x1FAD0] =	vst v0;
	v0 =	vsel vm0, $0x150E, v11  }
0x164: {  	v15 =	vsel vm2, $0x1E0B, v15;
	v20 =	vsel vm3, $0x190C, v20;
	[tilespmem:$0x1FAE0] =	vst v0;
	v0 =	vsel vm0, $0x158E, v12  }
0x165: {  	v16 =	vsel vm1, $0x1F8D, v16;
	v15 =	vsel vm3, $0x1E8C, v15;
	[tilespmem:$0x1FAF0] =	vst v0;
	v0 =	vsel vm0, $0x160E, v13  }
0x166: {  	v20 =	vsel vm1, $0x198D, v20;
	v15 =	vsel vm1, $0x1F0D, v15;
	[tilespmem:$0x1FB00] =	vst v0;
	v0 =	vsel vm0, $0x168E, v14  }
0x167: {  	v10 =	vsel vm0, $0x1E0E, v28;
	v11 =	vsel vm0, $0x1D0E, v26;
	[tilespmem:$0x1FB10] =	vst v0;
	v0 =	vsel vm0, $0x1F8E, v15  }
0x168: {  	v12 =	vsel vm0, $0x1D8E, v27;
	v13 =	vunpack.c.0.s8.s32 v1;
	[tilespmem:$0x1FB20] =	vst v0;
	v0 =	vsel vm0, $0x180E, v16  }
0x169: {  	v1 =	vimm.s32 $0x2E2D2C2B;
	v14 =	vsel vm0, $0x198E, v19;
	[tilespmem:$0x1FB30] =	vst v0;
	v0 =	vsel vm0, $0x188E, v17  }
0x16a: {  	v19 =	vsel vm0, $0x1B0E, v22;
	v16 =	vsel vm0, $0x1C8E, v25;
	[tilespmem:$0x1FB40] =	vst v0;
	v0 =	vsel vm0, $0x190E, v18  }
0x16b: {  	v25 =	vunpack.c.0.s8.s32 v1;
	v1 =	vimm.s32 $0x2A292827;
	[tilespmem:$0x1FB50] =	vst v0;
	v0 =	vimm.s32 $0x2D2C2B2A  }
0x16c: {  	v17 =	vsel vm0, $0x1A0E, v20;
	v9 =	vunpack.c.0.s8.s32 v0;
	v0 =	vimm.s32 $0x25242322  }
0x16d: {  	v20 =	vsel vm0, $0x1B8E, v23;
	v42 =	vunpack.c.0.s8.s32 v0;
	v0 =	vimm.s32 $0x29282726  }
0x16e: {  	v18 =	vsel vm0, $0x1A8E, v21;
	v29 =	vunpack.c.0.s8.s32 v0;
	v0 =	vimm.s32 $0x2221202F  }
0x16f: {  	v21 =	vsel vm0, $0x1C0E, v24;
	v24 =	vunpack.c.0.s8.s32 v0;
	v0 =	vimm.s32 $0x26252423  }
0x170: {  	v28 =	vunpack.c.0.s8.s32 v1;
	v27 =	vunpack.c.0.s8.s32 v0;
	v0 =	vimm.s32 $0x2F2E2D2C  }
0x171: {  	v1 =	vimm.s32 $0x27262524;
	v26 =	vunpack.c.0.s8.s32 v0;
	v0 =	vimm.s32 $0x23222120  }
0x172: {  	v33 =	vunpack.c.0.s8.s32 v1;
	v8 =	vunpack.c.0.s8.s32 v0;
	v0 =	vimm.s32 $0x2B2A2928  }
0x173: {  	v1 =	vimm.s32 $0x303F3E3D;
	v52 =	vunpack.c.0.s8.s32 v0;
	v0 =	vimm.s32 $0x3C3B3A39  }
0x174: {  	v32 =	vunpack.c.0.s8.s32 v1;
	v23 =	vunpack.c.0.s8.s32 v0;
	v0 =	vimm.s32 $0x34333231  }
0x175: {  	v1 =	vimm.s32 $0x3D3C3B3A;
	v31 =	vunpack.c.0.s8.s32 v0;
	v0 =	vimm.s32 $0x38373635  }
0x176: {  	v37 =	vunpack.c.0.s8.s32 v1;
	v36 =	vunpack.c.0.s8.s32 v0;
	v0 =	vimm.s32 $0x31303F3E  }
0x177: {  	v15 =	vmovc v51;
	v1 =	vimm.s32 $0x39383736;
	v51 =	vunpack.c.0.s8.s32 v0;
	v0 =	vimm.s32 $0x35343332  }
0x178: {  	v48 =	vunpack.c.0.s8.s32 v1;
	v22 =	vunpack.c.0.s8.s32 v0;
	v0 =	vimm.s32 $0x3E3D3C3B  }
0x179: {  	v1 =	vimm.s32 $0x36353433;
	v49 =	vunpack.c.0.s8.s32 v0;
	v0 =	vimm.s32 $0x3231303F  }
0x17a: {  	v35 =	vunpack.c.0.s8.s32 v53;
	v53 =	vunpack.c.0.s8.s32 v0;
	v0 =	vunpack.c.0.s8.s32 v1;
	_ =	sdelay $0x1  }
0x17b: {  	[tilespmem:$0x1FB60] =	vst v0;
	v0 =	vimm.s32 $0x3A393837  }
0x17c: {  	s3 =	srdreg.scid;
	v3 =	vlaneseq.u32;
	v0 =	vunpack.c.0.s8.s32 v0  }
0x17d: {  	s1 =	rddreg [dreg:$0x0];
	s5 =	sand.u32 $0x1, s3;
	s3 =	simm.s32 $0x0;
	v2 =	vmul.u32 $0x32, v3  }
0x17e: {  	[smem:$0x7FF] =	sst s3;
	[tilespmem:$0x1FB70] =	vst v0  }
0x17f: {  	s2 =	rddreg [dreg:$0x1];
	_ =	strace $0x80000047;
	[tilespmem:$0x1FCA0] =	vst v2  }
0x180: {  	[tilespmem:$0x1FCD0] =	vst v55  }
0x181: {  	[tilespmem:$0x1FCE0] =	vst v56  }
0x182: {  	[tilespmem:$0x1FCF0] =	vst v57  }
0x183: {  	[tilespmem:$0x1FD00] =	vst v58  }
0x184: {  	v62 =	vimm.s32 $0x19181716;
	[tilespmem:$0x1FD10] =	vst v59  }
0x185: {  	v63 =	vimm.s32 $0x1E1D1C1B;
	v62 =	vunpack.c.0.s8.s32 v62;
	[tilespmem:$0x1FD20] =	vst v60  }
0x186: {  	v63 =	vunpack.c.0.s8.s32 v63;
	[tilespmem:$0x1FD30] =	vst v61  }
0x187: {  	[tilespmem:$0x1FD40] =	vst v62  }
0x188: {  	[tilespmem:$0x1FD50] =	vst v63  }
0x189: {  	[tilespmem:$0x1FD60] =	vst v38  }
0x18a: {  	[tilespmem:$0x1FD70] =	vst v39  }
0x18b: {  	[tilespmem:$0x1FD80] =	vst v50  }
0x18c: {  	v54 =	vimm.s32 $0x28272625;
	[tilespmem:$0x1FD90] =	vst v15  }
0x18d: {  	v30 =	vunpack.c.0.s8.s32 v54;
	[tilespmem:$0x1FDA0] =	vst v34  }
0x18e: {  	[tilespmem:$0x1FDB0] =	vst v35  }
0x18f: {  	[tilespmem:$0x1FDC0] =	vst v30  }
0x190: {  	[tilespmem:$0x1FDD0] =	vst v17  }
0x191: {  	[tilespmem:$0x1FDE0] =	vst v18  }
0x192: {  	[tilespmem:$0x1FDF0] =	vst v19  }
0x193: {  	[tilespmem:$0x1FE00] =	vst v20  }
0x194: {  	[tilespmem:$0x1FE10] =	vst v21  }
0x195: {  	[tilespmem:$0x1FE20] =	vst v16  }
0x196: {  	[tilespmem:$0x1FE30] =	vst v11  }
0x197: {  	[tilespmem:$0x1FE40] =	vst v12  }
0x198: {  	[tilespmem:$0x1FE50] =	vst v10  }
0x199: {  	[tilespmem:$0x1FE60] =	vst v7  }
0x19a: {  	[tilespmem:$0x1FE70] =	vst v9  }
0x19b: {  	[tilespmem:$0x1FE80] =	vst v13  }
0x19c: {  	[tilespmem:$0x1FE90] =	vst v42  }
0x19d: {  	[tilespmem:$0x1FEA0] =	vst v29  }
0x19e: {  	[tilespmem:$0x1FEB0] =	vst v25  }
0x19f: {  	[tilespmem:$0x1FEC0] =	vst v24  }
0x1a0: {  	[tilespmem:$0x1FED0] =	vst v27  }
0x1a1: {  	[tilespmem:$0x1FEE0] =	vst v28  }
0x1a2: {  	[tilespmem:$0x1FEF0] =	vst v26  }
0x1a3: {  	[tilespmem:$0x1FF00] =	vst v8  }
0x1a4: {  	[tilespmem:$0x1FF10] =	vst v33  }
0x1a5: {  	[tilespmem:$0x1FF20] =	vst v52  }
0x1a6: {  	[tilespmem:$0x1FF30] =	vst v23  }
0x1a7: {  	[tilespmem:$0x1FF40] =	vst v32  }
0x1a8: {  	[tilespmem:$0x1FF50] =	vst v31  }
0x1a9: {  	[tilespmem:$0x1FF60] =	vst v36  }
0x1aa: {  	[tilespmem:$0x1FF70] =	vst v37  }
0x1ab: {  	[tilespmem:$0x1FF80] =	vst v51  }
0x1ac: {  	v0 =	vimm.s32 $0x3F3E3D3C;
	[tilespmem:$0x1FF90] =	vst v22  }
0x1ad: {  	v0 =	vunpack.c.0.s8.s32 v0;
	[tilespmem:$0x1FFA0] =	vst v48  }
0x1ae: {  	v1 =	vimm.s32 $0x33323130;
	[tilespmem:$0x1FFB0] =	vst v49  }
0x1af: {  	[tilespmem:$0x1FB80] =	vst v0;
	v0 =	vunpack.c.0.s8.s32 v1  }
0x1b0: {  	v4 =	vmul.u32 $0x80, v3;
	[tilespmem:$0x1FFC0] =	vst v53  }
0x1b1: {  	v54 =	vmul.u32 $0x81, v3;
	[tilespmem:$0x1FB90] =	vst v0;
	v0 =	vimm.s32 $0x37363534  }
0x1b2: {  	[tilespmem:$0x1FFD0] =	vst v4;
	v0 =	vunpack.c.0.s8.s32 v0  }
0x1b3: {  	[tilespmem:$0x1FFE0] =	vst v54;
	v1 =	vimm.s32 $0x3B3A3938  }
0x1b4: {  	[tilespmem:$0x1FBA0] =	vst v0;
	v0 =	vunpack.c.0.s8.s32 v1  }
0x1b5: {  	[tilespmem:$0x1FFF0] =	vst v14  }
0x1b6: {  	[tilespmem:$0x1FBB0] =	vst v0;
	v0 =	vadd.s32 $0x320, v2  }
0x1b7: {  	[tilespmem:$0x1FBC0] =	vst v0;
	v0 =	vadd.s32 $0x640, v2  }
0x1b8: {  	[tilespmem:$0x1FBD0] =	vst v0;
	v0 =	vadd.s32 $0x960, v2  }
0x1b9: {  	[tilespmem:$0x1FBE0] =	vst v0;
	v0 =	vadd.s32 $0xC80, v2  }
0x1ba: {  	[tilespmem:$0x1FBF0] =	vst v0;
	v0 =	vadd.s32 $0xFA0, v2  }
0x1bb: {  	[tilespmem:$0x1FC00] =	vst v0;
	v0 =	vadd.s32 $0x12C0, v2  }
0x1bc: {  	s0 =	stileid.u32;
	s10 =	simm.s32 $0x5;
	[tilespmem:$0x1FC10] =	vst v0;
	v0 =	vadd.s32 $0x15E0, v2  }
0x1bd: {  	s11 =	simm.s32 $0x80;
	s12 =	simm.s32 $0x6400;
	s13 =	simm.s32 $0x6D00;
	[tilespmem:$0x1FC20] =	vst v0;
	v0 =	vor.u32 $0x1, v2  }
0x1be: {  	s14 =	simm.s32 $0x6480;
	s15 =	simm.s32 $0xAD00;
	s16 =	simm.s32 $0x1;
	[tilespmem:$0x1FC30] =	vst v0;
	v0 =	vadd.s32 $0x321, v2  }
0x1bf: {  	s17 =	simm.s32 $0xED00;
	s18 =	simm.s32 $0x400;
	s4 =	sshll.u32 s0, $0x1;
	[tilespmem:$0x1FC40] =	vst v0;
	v0 =	vadd.s32 $0x641, v2  }
0x1c0: {  	s19 =	simm.s32 $0x20000;
	s20 =	simm.s32 $0x3;
	s7 =	sor.u32 s5, s4;
	[tilespmem:$0x1FC50] =	vst v0;
	v0 =	vadd.s32 $0x961, v2  }
0x1c1: {  	s21 =	simm.s32 $0x2;
	s22 =	simm.s32 $0x10D00;
	s6 =	smul.u32 $0xC80, s7;
	[tilespmem:$0x1FC60] =	vst v0;
	v0 =	vadd.s32 $0xC81, v2  }
0x1c2: {  	s23 =	simm.s32 $0x4;
	s24 =	simm.s32 $0x0;
	s4 =	sadd.s32 $0xF42A00, s1;
	[tilespmem:$0x1FC70] =	vst v0;
	v0 =	vadd.s32 $0xFA1, v2  }
0x1c3: {  	s5 =	ssub.s32 $0x2, s5;
	s8 =	sshll.u32 s7, $0x9;
	s1 =	sadd.s32 s6, s1;
	[tilespmem:$0x1FC80] =	vst v0;
	v0 =	vadd.s32 $0x12C1, v2  }
0x1c4: {  	s29 =	sshrl.u32 s5, $0x1;
	s6 =	sadd.s32 s2, s8;
	s30 =	sadd.s32 $0x600, s1;
	[tilespmem:$0x1FC90] =	vst v0;
	v0 =	vadd.s32 $0x15E1, v2  }
0x1c5: {  	s9 =	ssub.s32 s5, s29;
	s31 =	sadd.s32 $0x620180, s6;
	[dreg:$0x3] =	wrdreg s30;
	[tilespmem:$0x1FCB0] =	vst v0;
	v0 =	vor.u32 $0x10, v3  }
0x1c6: {  	s7 =	sshll.u32 s7, $0x2;
	s9 =	smax.u32 s9, $0x1;
	v5 =	vmovc v56;
	v6 =	vmov v57;
	vm0 =	vcmask $0x1F10;
	[dreg:$0x4] =	wrdreg s31;
	v2 =	vmov v55;
	[tilespmem:$0x1FCC0] =	vst v0  }
.LBB2_1:
0x1c7: {  	s0 =	rddreg [dreg:$0x3]  }
0x1c8: {  	[tilespmem:s3], [sflag:$0x5] =	stream.linear.gather [hbm4b:s0+s3], $0x6400, $0x38;
	[tilespmem:$0x12D00] =	vst v63  }
0x1c9: {  	_ =	swait.ge [sflag:s10], $0x6400  }
0x1ca: {  	v0 =	vld [tilespmem:$0x1FCA0];
	_ =	sdelay $0x5  }
0x1cb: {  	[sflag:s10] =	ssyncset.done $0x0  }
0x1cc: {  	[sflag:s10] =	ssyncadd.s32 $0xFFFF9C00  }
0x1cd: {  	v0 =	vld.idx.msk [tilespmem:v0+s3+$0x0], $0xffff;
	_ =	sdelay $0x4  }
0x1ce: {  	v1 =	vshrl.u32 v0, $0x1;
	v0 =	vshll.u32 v0, $0x6  }
0x1cf: {  	v0 =	vand.u32 $0x40, v0  }
0x1d0: {  	[tilespmem:$0x6500] =	vst v0;
	v0 =	vld [tilespmem:$0x1FBC0];
	_ =	sdelay $0x6  }
0x1d1: {  	[tilespmem:$0x6400] =	vst v1  }
0x1d2: {  	v0 =	vld.idx.msk [tilespmem:v0+s3+$0x0], $0xffff;
	_ =	sdelay $0x4  }
0x1d3: {  	v1 =	vshrl.u32 v0, $0x1;
	v0 =	vshll.u32 v0, $0x6  }
0x1d4: {  	v0 =	vand.u32 $0x40, v0  }
0x1d5: {  	[tilespmem:$0x6580] =	vst v0;
	v0 =	vld [tilespmem:$0x1FBD0];
	_ =	sdelay $0x6  }
0x1d6: {  	[tilespmem:$0x6410] =	vst v1  }
0x1d7: {  	v0 =	vld.idx.msk [tilespmem:v0+s3+$0x0], $0xffff;
	_ =	sdelay $0x4  }
0x1d8: {  	v1 =	vshrl.u32 v0, $0x1;
	v0 =	vshll.u32 v0, $0x6  }
0x1d9: {  	v0 =	vand.u32 $0x40, v0  }
0x1da: {  	[tilespmem:$0x6600] =	vst v0;
	v0 =	vld [tilespmem:$0x1FBE0];
	_ =	sdelay $0x6  }
0x1db: {  	[tilespmem:$0x6420] =	vst v1  }
0x1dc: {  	v0 =	vld.idx.msk [tilespmem:v0+s3+$0x0], $0xffff;
	_ =	sdelay $0x4  }
0x1dd: {  	v1 =	vshrl.u32 v0, $0x1;
	v0 =	vshll.u32 v0, $0x6  }
0x1de: {  	v0 =	vand.u32 $0x40, v0  }
0x1df: {  	[tilespmem:$0x6680] =	vst v0;
	v0 =	vld [tilespmem:$0x1FBF0];
	_ =	sdelay $0x6  }
0x1e0: {  	[tilespmem:$0x6430] =	vst v1  }
0x1e1: {  	v0 =	vld.idx.msk [tilespmem:v0+s3+$0x0], $0xffff;
	_ =	sdelay $0x4  }
0x1e2: {  	v1 =	vshrl.u32 v0, $0x1;
	v0 =	vshll.u32 v0, $0x6  }
0x1e3: {  	v0 =	vand.u32 $0x40, v0  }
0x1e4: {  	[tilespmem:$0x6700] =	vst v0;
	v0 =	vld [tilespmem:$0x1FC00];
	_ =	sdelay $0x6  }
0x1e5: {  	[tilespmem:$0x6440] =	vst v1  }
0x1e6: {  	v0 =	vld.idx.msk [tilespmem:v0+s3+$0x0], $0xffff;
	_ =	sdelay $0x4  }
0x1e7: {  	v1 =	vshrl.u32 v0, $0x1;
	v0 =	vshll.u32 v0, $0x6  }
0x1e8: {  	v0 =	vand.u32 $0x40, v0  }
0x1e9: {  	[tilespmem:$0x6780] =	vst v0;
	v0 =	vld [tilespmem:$0x1FC10];
	_ =	sdelay $0x6  }
0x1ea: {  	[tilespmem:$0x6450] =	vst v1  }
0x1eb: {  	v0 =	vld.idx.msk [tilespmem:v0+s3+$0x0], $0xffff;
	_ =	sdelay $0x4  }
0x1ec: {  	v1 =	vshrl.u32 v0, $0x1;
	v0 =	vshll.u32 v0, $0x6  }
0x1ed: {  	v0 =	vand.u32 $0x40, v0  }
0x1ee: {  	[tilespmem:$0x6800] =	vst v0;
	v0 =	vld [tilespmem:$0x1FC20];
	_ =	sdelay $0x6  }
0x1ef: {  	[tilespmem:$0x6460] =	vst v1  }
0x1f0: {  	v0 =	vld.idx.msk [tilespmem:v0+s3+$0x0], $0xffff;
	_ =	sdelay $0x4  }
0x1f1: {  	v1 =	vshrl.u32 v0, $0x1;
	v0 =	vshll.u32 v0, $0x6  }
0x1f2: {  	v0 =	vand.u32 $0x40, v0  }
0x1f3: {  	[tilespmem:$0x6880] =	vst v0;
	v0 =	vld [tilespmem:$0x1FC30];
	_ =	sdelay $0x5  }
0x1f4: {  	[tilespmem:$0x6470] =	vst v1  }
0x1f5: {  	[tilespmem:s13], [sflag:$0x1] =	stream.indirect.gather [hbm4b:s4+s11], $0x80, s12, s11, $0xb8;
	[tilespmem:$0x12D00] =	vst v63  }
0x1f6: {  	v0 =	vld.idx.msk [tilespmem:v0+s3+$0x0], $0xffff;
	_ =	sdelay $0x4  }
0x1f7: {  	v1 =	vshrl.u32 v0, $0x1;
	v0 =	vshll.u32 v0, $0x6  }
0x1f8: {  	v0 =	vand.u32 $0x40, v0  }
0x1f9: {  	[tilespmem:$0x6900] =	vst v0;
	v0 =	vld [tilespmem:$0x1FC40];
	_ =	sdelay $0x6  }
0x1fa: {  	[tilespmem:$0x6480] =	vst v1  }
0x1fb: {  	v0 =	vld.idx.msk [tilespmem:v0+s3+$0x0], $0xffff;
	_ =	sdelay $0x4  }
0x1fc: {  	v1 =	vshrl.u32 v0, $0x1;
	v0 =	vshll.u32 v0, $0x6  }
0x1fd: {  	v0 =	vand.u32 $0x40, v0  }
0x1fe: {  	[tilespmem:$0x6980] =	vst v0;
	v0 =	vld [tilespmem:$0x1FC50];
	_ =	sdelay $0x6  }
0x1ff: {  	[tilespmem:$0x6490] =	vst v1  }
0x200: {  	v0 =	vld.idx.msk [tilespmem:v0+s3+$0x0], $0xffff;
	_ =	sdelay $0x4  }
0x201: {  	v1 =	vshrl.u32 v0, $0x1;
	v0 =	vshll.u32 v0, $0x6  }
0x202: {  	v0 =	vand.u32 $0x40, v0  }
0x203: {  	[tilespmem:$0x6A00] =	vst v0;
	v0 =	vld [tilespmem:$0x1FC60];
	_ =	sdelay $0x6  }
0x204: {  	[tilespmem:$0x64A0] =	vst v1  }
0x205: {  	v0 =	vld.idx.msk [tilespmem:v0+s3+$0x0], $0xffff;
	_ =	sdelay $0x4  }
0x206: {  	v1 =	vshrl.u32 v0, $0x1;
	v0 =	vshll.u32 v0, $0x6  }
0x207: {  	v0 =	vand.u32 $0x40, v0  }
0x208: {  	[tilespmem:$0x6A80] =	vst v0;
	v0 =	vld [tilespmem:$0x1FC70];
	_ =	sdelay $0x6  }
0x209: {  	[tilespmem:$0x64B0] =	vst v1  }
0x20a: {  	v0 =	vld.idx.msk [tilespmem:v0+s3+$0x0], $0xffff;
	_ =	sdelay $0x4  }
0x20b: {  	v1 =	vshrl.u32 v0, $0x1;
	v0 =	vshll.u32 v0, $0x6  }
0x20c: {  	v0 =	vand.u32 $0x40, v0  }
0x20d: {  	[tilespmem:$0x6B00] =	vst v0;
	v0 =	vld [tilespmem:$0x1FC80];
	_ =	sdelay $0x6  }
0x20e: {  	[tilespmem:$0x64C0] =	vst v1  }
0x20f: {  	v0 =	vld.idx.msk [tilespmem:v0+s3+$0x0], $0xffff;
	_ =	sdelay $0x4  }
0x210: {  	v1 =	vshrl.u32 v0, $0x1;
	v0 =	vshll.u32 v0, $0x6  }
0x211: {  	v0 =	vand.u32 $0x40, v0  }
0x212: {  	[tilespmem:$0x6B80] =	vst v0;
	v0 =	vld [tilespmem:$0x1FC90];
	_ =	sdelay $0x6  }
0x213: {  	[tilespmem:$0x64D0] =	vst v1  }
0x214: {  	v0 =	vld.idx.msk [tilespmem:v0+s3+$0x0], $0xffff;
	_ =	sdelay $0x4  }
0x215: {  	v1 =	vshrl.u32 v0, $0x1;
	v0 =	vshll.u32 v0, $0x6  }
0x216: {  	v0 =	vand.u32 $0x40, v0  }
0x217: {  	[tilespmem:$0x6C00] =	vst v0;
	v0 =	vld [tilespmem:$0x1FCB0];
	_ =	sdelay $0x6  }
0x218: {  	[tilespmem:$0x64E0] =	vst v1  }
0x219: {  	v0 =	vld.idx.msk [tilespmem:v0+s3+$0x0], $0xffff;
	_ =	sdelay $0x4  }
0x21a: {  	v1 =	vshrl.u32 v0, $0x1;
	v0 =	vshll.u32 v0, $0x6  }
0x21b: {  	[tilespmem:$0x64F0] =	vst v1;
	v0 =	vand.u32 $0x40, v0  }
0x21c: {  	[tilespmem:$0x6C80] =	vst v0  }
0x21d: {  	[tilespmem:s15], [sflag:$0x2] =	stream.indirect.gather [hbm4b:s4+s11], $0x80, s14, s11, $0xb8;
	[tilespmem:$0x12D00] =	vst v63  }
0x21e: {  	_ =	swait.ge [sflag:s16], $0x4000  }
0x21f: {  	[sflag:s16] =	ssyncset.done $0x0  }
0x220: {  	s25 =	simm.s32 $0x6500;
	s26 =	simm.s32 $0x0;
	v37 =	vmovc v61;
	v34 =	vmovc v62;
	v58 =	vmov v63;
	v46 =	vmov v38;
	v47 =	vmov v39;
	[sflag:s16] =	ssyncadd.s32 $0xFFFFC000  }
.LBB2_2:
0x221: {  	v0 =	vld [tilespmem:s25+$0x0];
	_ =	sdelay $0x4  }
0x222: {  	v14 =	vadd.s32 v3, v0;
	v3 =	vld [tilespmem:$0x1F720];
	_ =	sdelay $0x1  }
0x223: {  	v1 =	vmov s26  }
0x224: {  	v1 =	vshll.u32 v1, $0x7  }
0x225: {  	v30 =	vor.u32 v4, v1;
	v15 =	vand.u32 $0xFFFFFF80, v14  }
0x226: {  	v1 =	vand.u32 $0x7F, v14;
	v14 =	vadd.s32 v30, v15;
	v15 =	vadd.s32 v3, v0;
	v3 =	vld [tilespmem:$0x1F730];
	_ =	sdelay $0x4  }
0x227: {  	v16 =	vor.u32 v1, v14;
	v14 =	vadd.s32 v3, v0;
	v3 =	vld [tilespmem:$0x1F740];
	_ =	sdelay $0x4  }
0x228: {  	v18 =	vadd.s32 v3, v0;
	v3 =	vld [tilespmem:$0x1F750];
	_ =	sdelay $0x4  }
0x229: {  	v1 =	vand.u32 $0xFFFFFF80, v15;
	v62 =	vadd.s32 v3, v0;
	v3 =	vld [tilespmem:$0x1F760]  }
0x22a: {  	v15 =	vand.u32 $0x7F, v15;
	v1 =	vadd.s32 v30, v1  }
0x22b: {  	v15 =	vor.u32 v15, v1;
	v17 =	vand.u32 $0xFFFFFF80, v14  }
0x22c: {  	v14 =	vand.u32 $0x7F, v14;
	v17 =	vadd.s32 v30, v17;
	v1 =	vand.u32 $0xFFFFFF80, v18  }
0x22d: {  	v17 =	vor.u32 v14, v17;
	v14 =	vand.u32 $0x7F, v18;
	v1 =	vadd.s32 v30, v1  }
0x22e: {  	v19 =	vor.u32 v14, v1;
	v14 =	vadd.s32 v3, v0;
	v3 =	vld [tilespmem:$0x1F770];
	_ =	sdelay $0x4  }
0x22f: {  	v21 =	vadd.s32 v3, v0;
	v3 =	vld [tilespmem:$0x1F780];
	_ =	sdelay $0x1  }
0x230: {  	v1 =	vand.u32 $0xFFFFFF80, v62;
	v18 =	vand.u32 $0x7F, v62;
	v20 =	vand.u32 $0xFFFFFF80, v14  }
0x231: {  	v1 =	vadd.s32 v30, v1;
	v14 =	vand.u32 $0x7F, v14;
	v20 =	vadd.s32 v30, v20  }
0x232: {  	v18 =	vor.u32 v18, v1;
	v20 =	vor.u32 v14, v20  }
0x233: {  	v1 =	vand.u32 $0xFFFFFF80, v21;
	v14 =	vand.u32 $0x7F, v21;
	v21 =	vadd.s32 v3, v0;
	v3 =	vld [tilespmem:$0x1F790];
	_ =	sdelay $0x3  }
0x234: {  	v1 =	vadd.s32 v30, v1  }
0x235: {  	v22 =	vor.u32 v14, v1;
	v14 =	vadd.s32 v3, v0;
	v3 =	vld [tilespmem:$0x1F7A0];
	_ =	sdelay $0x4  }
0x236: {  	v24 =	vadd.s32 v3, v0;
	v3 =	vld [tilespmem:$0x1F7B0];
	_ =	sdelay $0x1  }
0x237: {  	v1 =	vand.u32 $0xFFFFFF80, v21;
	v21 =	vand.u32 $0x7F, v21;
	v23 =	vand.u32 $0xFFFFFF80, v14  }
0x238: {  	v1 =	vadd.s32 v30, v1;
	v14 =	vand.u32 $0x7F, v14;
	v23 =	vadd.s32 v30, v23  }
0x239: {  	v21 =	vor.u32 v21, v1;
	v23 =	vor.u32 v14, v23  }
0x23a: {  	v1 =	vand.u32 $0xFFFFFF80, v24;
	v14 =	vand.u32 $0x7F, v24;
	v24 =	vadd.s32 v3, v0;
	v3 =	vld [tilespmem:$0x1F7C0];
	_ =	sdelay $0x3  }
0x23b: {  	v1 =	vadd.s32 v30, v1  }
0x23c: {  	v25 =	vor.u32 v14, v1;
	v14 =	vadd.s32 v3, v0;
	v3 =	vld [tilespmem:$0x1F7D0];
	_ =	sdelay $0x4  }
0x23d: {  	v27 =	vadd.s32 v3, v0;
	v3 =	vld [tilespmem:$0x1F7E0];
	_ =	sdelay $0x1  }
0x23e: {  	v1 =	vand.u32 $0xFFFFFF80, v24;
	v24 =	vand.u32 $0x7F, v24;
	v26 =	vand.u32 $0xFFFFFF80, v14  }
0x23f: {  	v1 =	vadd.s32 v30, v1;
	v14 =	vand.u32 $0x7F, v14;
	v26 =	vadd.s32 v30, v26  }
0x240: {  	v24 =	vor.u32 v24, v1;
	v26 =	vor.u32 v14, v26;
	v1 =	vand.u32 $0xFFFFFF80, v27  }
0x241: {  	v14 =	vand.u32 $0x7F, v27;
	v1 =	vadd.s32 v30, v1;
	v27 =	vadd.s32 v3, v0  }
0x242: {  	v28 =	vor.u32 v14, v1;
	v1 =	vand.u32 $0xFFFFFF80, v27  }
0x243: {  	v14 =	vand.u32 $0x7F, v27;
	v1 =	vadd.s32 v30, v1  }
0x244: {  	v40 =	vor.u32 v14, v1;
	v1 =	vld [tilespmem:$0x1FFE0];
	_ =	sdelay $0x4  }
0x245: {  	v42 =	vor.u32 s26, v1;
	v1 =	vld [tilespmem:$0x1F810];
	_ =	sdelay $0x4  }
0x246: {  	v43 =	vor.u32 s26, v1;
	v1 =	vld [tilespmem:$0x1F820];
	_ =	sdelay $0x4  }
0x247: {  	v44 =	vor.u32 s26, v1;
	v1 =	vld [tilespmem:$0x1F830];
	_ =	sdelay $0x4  }
0x248: {  	v45 =	vor.u32 s26, v1;
	v1 =	vld [tilespmem:$0x1F840];
	_ =	sdelay $0x4  }
0x249: {  	v10 =	vor.u32 s26, v1;
	v1 =	vld [tilespmem:$0x1F850];
	_ =	sdelay $0x4  }
0x24a: {  	v11 =	vor.u32 s26, v1;
	v1 =	vld [tilespmem:$0x1F860];
	_ =	sdelay $0x4  }
0x24b: {  	v48 =	vor.u32 s26, v1;
	v1 =	vld [tilespmem:$0x1F870];
	_ =	sdelay $0x4  }
0x24c: {  	v49 =	vor.u32 s26, v1;
	v1 =	vld [tilespmem:$0x1F880];
	_ =	sdelay $0x4  }
0x24d: {  	v1 =	vor.u32 s26, v1  }
0x24e: {  	[tilespmem:$0x1F4E0] =	vst v1;
	v1 =	vld [tilespmem:$0x1F890];
	_ =	sdelay $0x4  }
0x24f: {  	v1 =	vor.u32 s26, v1  }
0x250: {  	[tilespmem:$0x1F500] =	vst v1;
	v1 =	vld [tilespmem:$0x1F8A0];
	_ =	sdelay $0x4  }
0x251: {  	v1 =	vor.u32 s26, v1  }
0x252: {  	[tilespmem:$0x1F520] =	vst v1;
	v1 =	vld [tilespmem:$0x1F8B0];
	_ =	sdelay $0x4  }
0x253: {  	v1 =	vor.u32 s26, v1  }
0x254: {  	[tilespmem:$0x1F530] =	vst v1;
	v1 =	vld [tilespmem:$0x1F8C0];
	_ =	sdelay $0x4  }
0x255: {  	v1 =	vor.u32 s26, v1  }
0x256: {  	[tilespmem:$0x1F540] =	vst v1;
	v1 =	vld [tilespmem:$0x1F8D0];
	_ =	sdelay $0x4  }
0x257: {  	v1 =	vor.u32 s26, v1  }
0x258: {  	[tilespmem:$0x1F550] =	vst v1;
	v1 =	vld [tilespmem:$0x1F8E0];
	_ =	sdelay $0x4  }
0x259: {  	v3 =	vld [tilespmem:$0x1F7F0];
	v1 =	vor.u32 s26, v1  }
0x25a: {  	[tilespmem:$0x1F580] =	vst v1;
	v1 =	vld [tilespmem:$0x1FCC0];
	_ =	sdelay $0x2  }
0x25b: {  	v7 =	vld [tilespmem:$0x1FD00]  }
0x25c: {  	v27 =	vadd.s32 v3, v0;
	v3 =	vld [tilespmem:$0x1F800]  }
0x25d: {  	v33 =	vadd.s32 v1, v0;
	v1 =	vld [tilespmem:$0x1F8F0]  }
0x25e: {  	v36 =	vld [tilespmem:$0x1FD20]  }
0x25f: {  	v12 =	vld [tilespmem:$0x1FD10];
	_ =	sdelay $0x1  }
0x260: {  	v50 =	vsel vm0, v5, v2  }
0x261: {  	v51 =	vsel vm0, v7, v6;
	v29 =	vadd.s32 v3, v0;
	v1 =	vor.u32 s26, v1  }
0x262: {  	v54 =	vsel vm0, v34, v37;
	v32 =	vand.u32 $0xFFFFFF80, v29;
	[tilespmem:$0x1F5A0] =	vst v1;
	v1 =	vcombine.low v51, v50  }
0x263: {  	v53 =	vsel vm0, v36, v12;
	v29 =	vand.u32 $0x7F, v29;
	v32 =	vadd.s32 v30, v32  }
0x264: {  	v4 =	vld [tilespmem:$0x1FD00];
	v35 =	vand.u32 $0xFFFFFF80, v33;
	[tilespmem:$0x1F410] =	vst v1;
	v38 =	vadd.s32 v1, v0;
	v1 =	vcombine.low v54, v53  }
0x265: {  	v7 =	vld [tilespmem:$0x1F900];
	v41 =	vor.u32 v29, v32;
	v63 =	vand.u32 $0x7F, v33;
	v37 =	vadd.s32 v30, v35  }
0x266: {  	v12 =	vld [tilespmem:$0x1F910];
	v2 =	vor.u32 v63, v37;
	v39 =	vand.u32 $0xFFFFFF80, v38;
	v33 =	vadd.s32 v1, v0  }
0x267: {  	v52 =	vld.idx.msk [tilespmem:v16+s13+$0x0], $0xffff;
	v32 =	vand.u32 $0x7F, v38;
	v34 =	vadd.s32 v30, v39;
	v35 =	vand.u32 $0xFFFFFF80, v33  }
0x268: {  	v55 =	vld.idx.msk [tilespmem:v15+s13+$0x0], $0xffff;
	[tilespmem:$0x1F5B0] =	vst v2;
	v2 =	vor.u32 v32, v34;
	v36 =	vand.u32 $0x7F, v33;
	v37 =	vadd.s32 v30, v35  }
0x269: {  	v3 =	vld [tilespmem:$0x1FCF0];
	[tilespmem:$0x1F5C0] =	vst v2;
	v2 =	vor.u32 v36, v37  }
0x26a: {  	[tilespmem:$0x1F5D0] =	vst v2;
	v2 =	vld [tilespmem:$0x1FCE0]  }
0x26b: {  	v15 =	vld [tilespmem:$0x1F920]  }
0x26c: {  	v16 =	vld [tilespmem:$0x1F930]  }
0x26d: {  	v56 =	vld.idx.msk [tilespmem:v17+s13+$0x0], $0xffff  }
0x26e: {  	v14 =	vld [tilespmem:$0x1F940]  }
0x26f: {  	v2 =	vsel vm0, v3, v2;
	v3 =	vld [tilespmem:$0x1FCD0]  }
0x270: {  	v58 =	vsel vm0, v7, v58;
	v59 =	vsel vm0, v15, v12;
	v57 =	vld.idx.msk [tilespmem:v19+s13+$0x0], $0xffff  }
0x271: {  	v60 =	vld.idx.msk [tilespmem:v18+s13+$0x0], $0xffff;
	[tilespmem:$0x1F420] =	vst v1;
	v1 =	vcombine.low v59, v58  }
0x272: {  	v61 =	vld.idx.msk [tilespmem:v20+s13+$0x0], $0xffff;
	v31 =	vand.u32 $0xFFFFFF80, v27;
	v27 =	vand.u32 $0x7F, v27  }
0x273: {  	v6 =	vld [tilespmem:$0x1FD40];
	v63 =	vsel vm0, v14, v16;
	[tilespmem:$0x1F430] =	vst v1;
	v38 =	vadd.s32 v1, v0;
	v1 =	vsel vm0, v47, v46  }
0x274: {  	v62 =	vld.idx.msk [tilespmem:v22+s13+$0x0], $0xffff;
	v39 =	vand.u32 $0xFFFFFF80, v38;
	v5 =	vcombine.low v1, v63;
	v3 =	vsel vm0, v3, v4  }
0x275: {  	v29 =	vld.idx.msk [tilespmem:v21+s13+$0x0], $0xffff;
	v19 =	vand.u32 $0x7F, v38;
	v20 =	vadd.s32 v30, v39;
	v4 =	vcombine.low v3, v2  }
0x276: {  	v31 =	vadd.s32 v30, v31;
	[tilespmem:$0x1F440] =	vst v5;
	v21 =	vadd.s32 v5, v0;
	v39 =	vor.u32 v19, v20;
	v5 =	vld [tilespmem:$0x1FD30]  }
0x277: {  	v46 =	vand.u32 $0xFFFFFF80, v21;
	v20 =	vand.u32 $0x7F, v21;
	[tilespmem:$0x1F450] =	vst v4;
	v21 =	vadd.s32 v4, v0;
	v4 =	vld [tilespmem:$0x1FD20]  }
0x278: {  	v27 =	vor.u32 v27, v31;
	v31 =	vld.idx.msk [tilespmem:v23+s13+$0x0], $0xffff  }
0x279: {  	v40 =	vld.idx.msk [tilespmem:v40+s13+$0x0], $0xffff  }
0x27a: {  	v41 =	vld.idx.msk [tilespmem:v41+s13+$0x0], $0xffff  }
0x27b: {  	v35 =	vld.idx.msk [tilespmem:v28+s13+$0x0], $0xffff  }
0x27c: {  	v4 =	vsel vm0, v5, v4;
	v5 =	vld [tilespmem:$0x1FD10]  }
0x27d: {  	v28 =	vsel vm0, v12, v7;
	v7 =	vld [tilespmem:$0x1FD60]  }
0x27e: {  	v32 =	vld.idx.msk [tilespmem:v25+s13+$0x0], $0xffff  }
0x27f: {  	v33 =	vld.idx.msk [tilespmem:v24+s13+$0x0], $0xffff;
	v22 =	vadd.s32 v30, v46  }
0x280: {  	v34 =	vld.idx.msk [tilespmem:v26+s13+$0x0], $0xffff;
	v38 =	vor.u32 v20, v22  }
0x281: {  	v36 =	vld.idx.msk [tilespmem:v27+s13+$0x0], $0xffff;
	[tilespmem:v42+s17+$0x0] =	vst.idx.msk $0xffff, v52;
	v23 =	vand.u32 $0xFFFFFF80, v21;
	v20 =	vand.u32 $0x7F, v21;
	v5 =	vsel vm0, v5, v6  }
0x282: {  	v21 =	vadd.s32 v30, v23;
	v23 =	vsel vm0, v7, v14;
	v7 =	vld [tilespmem:$0x1FD70];
	v6 =	vcombine.low v5, v4  }
0x283: {  	[tilespmem:v43+s17+$0x0] =	vst.idx.msk $0xffff, v55  }
0x284: {  	[tilespmem:$0x1F460] =	vst v6;
	v22 =	vadd.s32 v6, v0;
	v6 =	vld [tilespmem:$0x1FD50]  }
0x285: {  	[tilespmem:v44+s17+$0x0] =	vst.idx.msk $0xffff, v56  }
0x286: {  	[tilespmem:v45+s17+$0x0] =	vst.idx.msk $0xffff, v57;
	v2 =	vcombine.low v2, v3  }
0x287: {  	[tilespmem:v10+s17+$0x0] =	vst.idx.msk $0xffff, v60;
	v24 =	vsel vm0, v16, v7  }
0x288: {  	v60 =	vadd.s32 v2, v0;
	v37 =	vor.u32 v20, v21;
	v7 =	vcombine.low v24, v23  }
0x289: {  	[tilespmem:$0x1F4D0] =	vst v2;
	v2 =	vcombine.low v4, v5;
	v21 =	vand.u32 $0xFFFFFF80, v22;
	v6 =	vsel vm0, v6, v15  }
0x28a: {  	v22 =	vand.u32 $0x7F, v22;
	v25 =	vadd.s32 v30, v21;
	v12 =	vcombine.low v6, v28  }
0x28b: {  	[tilespmem:$0x1F480] =	vst v7;
	v4 =	vld [tilespmem:$0x1F4E0];
	v5 =	vadd.s32 v2, v0;
	v42 =	vor.u32 v22, v25  }
0x28c: {  	[tilespmem:$0x1F4F0] =	vst v2;
	v2 =	vld [tilespmem:$0x1F500];
	v25 =	vadd.s32 v7, v0;
	v7 =	vcombine.low v50, v51;
	v26 =	vadd.s32 v12, v0  }
0x28d: {  	v22 =	vand.u32 $0xFFFFFF80, v26;
	v23 =	vand.u32 $0x7F, v26  }
0x28e: {  	[tilespmem:$0x1F490] =	vst v7;
	v26 =	vadd.s32 v7, v0;
	v7 =	vcombine.low v53, v54;
	v24 =	vadd.s32 v30, v22  }
0x28f: {  	[tilespmem:v11+s17+$0x0] =	vst.idx.msk $0xffff, v61;
	v14 =	vcombine.low v63, v1;
	v43 =	vor.u32 v23, v24;
	v23 =	vand.u32 $0xFFFFFF80, v25  }
0x290: {  	[tilespmem:v48+s17+$0x0] =	vst.idx.msk $0xffff, v62;
	v24 =	vand.u32 $0x7F, v25;
	v27 =	vadd.s32 v7, v0;
	v25 =	vadd.s32 v30, v23  }
0x291: {  	[tilespmem:$0x1F4A0] =	vst v7;
	v7 =	vcombine.low v58, v59;
	v44 =	vor.u32 v24, v25;
	v24 =	vand.u32 $0xFFFFFF80, v26  }
0x292: {  	[tilespmem:v49+s17+$0x0] =	vst.idx.msk $0xffff, v29;
	v59 =	vadd.s32 v14, v0;
	v25 =	vand.u32 $0x7F, v26;
	v26 =	vadd.s32 v30, v24  }
0x293: {  	[tilespmem:v4+s17+$0x0] =	vst.idx.msk $0xffff, v31;
	v58 =	vadd.s32 v7, v0;
	v45 =	vor.u32 v25, v26;
	v25 =	vand.u32 $0xFFFFFF80, v27  }
0x294: {  	[tilespmem:v2+s17+$0x0] =	vst.idx.msk $0xffff, v32;
	v2 =	vld [tilespmem:$0x1F520];
	v1 =	vand.u32 $0xFFFFFF80, v58;
	v26 =	vand.u32 $0x7F, v27;
	v27 =	vadd.s32 v30, v25  }
0x295: {  	v1 =	vadd.s32 v30, v1;
	v52 =	vor.u32 v26, v27;
	v27 =	vand.u32 $0x7F, v58  }
0x296: {  	v23 =	vor.u32 v27, v1;
	v1 =	vand.u32 $0xFFFFFF80, v59  }
0x297: {  	v3 =	vand.u32 $0x7F, v59;
	v1 =	vadd.s32 v30, v1  }
0x298: {  	v24 =	vor.u32 v3, v1;
	v1 =	vand.u32 $0xFFFFFF80, v60;
	v3 =	vcombine.low v28, v6  }
0x299: {  	v4 =	vand.u32 $0x7F, v60;
	v1 =	vadd.s32 v30, v1  }
0x29a: {  	v25 =	vor.u32 v4, v1;
	v1 =	vand.u32 $0xFFFFFF80, v5;
	v6 =	vadd.s32 v3, v0  }
0x29b: {  	v5 =	vand.u32 $0x7F, v5;
	v1 =	vadd.s32 v30, v1;
	v29 =	vand.u32 $0xFFFFFF80, v6  }
0x29c: {  	[tilespmem:v2+s17+$0x0] =	vst.idx.msk $0xffff, v33;
	v2 =	vld [tilespmem:$0x1F530];
	v46 =	vor.u32 v5, v1;
	v1 =	vand.u32 $0x7F, v6;
	v6 =	vadd.s32 v30, v29  }
0x29d: {  	v28 =	vor.u32 v1, v6;
	v1 =	vld [tilespmem:$0x1F540];
	_ =	sdelay $0x4  }
0x29e: {  	v4 =	vld [tilespmem:$0x1F550];
	_ =	sdelay $0x1  }
0x29f: {  	[tilespmem:v2+s17+$0x0] =	vst.idx.msk $0xffff, v34  }
0x2a0: {  	[tilespmem:v1+s17+$0x0] =	vst.idx.msk $0xffff, v35;
	v1 =	vld [tilespmem:$0x1FFE0];
	_ =	sdelay $0x4  }
0x2a1: {  	[tilespmem:v4+s17+$0x0] =	vst.idx.msk $0xffff, v40;
	v1 =	vor.u32 $0x800, v1  }
0x2a2: {  	[tilespmem:$0x1F560] =	vst v1;
	v4 =	vor.u32 s26, v1;
	v1 =	vld [tilespmem:$0x1F950];
	_ =	sdelay $0x2  }
0x2a3: {  	v47 =	vlaneseq.u32  }
0x2a4: {  	v2 =	vor.u32 $0x20, v47  }
0x2a5: {  	[tilespmem:$0x1F570] =	vst v2;
	v48 =	vor.u32 s26, v1;
	v1 =	vadd.s32 v2, v0;
	v2 =	vld [tilespmem:$0x1F580];
	_ =	sdelay $0x7  }
0x2a6: {  	[tilespmem:v2+s17+$0x0] =	vst.idx.msk $0xffff, v36;
	v2 =	vld [tilespmem:$0x1F5A0]  }
0x2a7: {  	v18 =	vld [tilespmem:$0x1FD90]  }
0x2a8: {  	v11 =	vld [tilespmem:$0x1FDB0]  }
0x2a9: {  	v20 =	vld [tilespmem:$0x1FDA0]  }
0x2aa: {  	[tilespmem:$0x1F4C0] =	vst v14;
	v14 =	vld [tilespmem:$0x1FDC0]  }
0x2ab: {  	v17 =	vld [tilespmem:$0x1FED0];
	v61 =	vand.u32 $0xFFFFFF80, v1  }
0x2ac: {  	v19 =	vld [tilespmem:$0x1FEE0];
	v1 =	vand.u32 $0x7F, v1;
	v32 =	vadd.s32 v30, v61  }
0x2ad: {  	v22 =	vor.u32 v1, v32;
	v1 =	vld [tilespmem:$0x1F5D0]  }
0x2ae: {  	[tilespmem:v2+s17+$0x0] =	vst.idx.msk $0xffff, v41;
	v2 =	vld [tilespmem:$0x1F5B0]  }
0x2af: {  	v16 =	vld [tilespmem:$0x1FE90];
	[tilespmem:$0x1F470] =	vst v12;
	v33 =	vsel vm0, v14, v11;
	v34 =	vsel vm0, v20, v18  }
0x2b0: {  	v12 =	vld [tilespmem:$0x1FEA0];
	[tilespmem:$0x1F510] =	vst v3;
	v3 =	vcombine.low v33, v34  }
0x2b1: {  	v10 =	vld [tilespmem:$0x1FEB0]  }
0x2b2: {  	[tilespmem:$0x1F4B0] =	vst v7;
	v7 =	vld [tilespmem:$0x1FEC0];
	v62 =	vadd.s32 v3, v0  }
0x2b3: {  	[tilespmem:$0x1F590] =	vst v3;
	v3 =	vld [tilespmem:$0x1F5C0];
	v63 =	vand.u32 $0xFFFFFF80, v62  }
0x2b4: {  	v26 =	vld [tilespmem:$0x1FEF0];
	v40 =	vadd.s32 v30, v63;
	v36 =	vand.u32 $0x7F, v62  }
0x2b5: {  	v56 =	vsel vm0, v12, v16;
	v21 =	vor.u32 v36, v40;
	v41 =	vsel vm0, v13, v9;
	v36 =	vld.idx.msk [tilespmem:v1+s13+$0x0], $0xffff  }
0x2b6: {  	v54 =	vld.idx.msk [tilespmem:v2+s13+$0x0], $0xffff;
	v2 =	vcombine.low v56, v41  }
0x2b7: {  	v1 =	vld [tilespmem:$0x1FF10]  }
0x2b8: {  	[tilespmem:$0x1F5E0] =	vst v2;
	v35 =	vadd.s32 v2, v0;
	v2 =	vld [tilespmem:$0x1FF20];
	_ =	sdelay $0x1  }
0x2b9: {  	v31 =	vsel vm0, v18, v14;
	v14 =	vld [tilespmem:$0x1FF10];
	v58 =	vsel vm0, v19, v17;
	v57 =	vsel vm0, v7, v10  }
0x2ba: {  	v5 =	vcombine.low v58, v57;
	v55 =	vld.idx.msk [tilespmem:v3+s13+$0x0], $0xffff  }
0x2bb: {  	v39 =	vld.idx.msk [tilespmem:v39+s13+$0x0], $0xffff  }
0x2bc: {  	v59 =	vsel vm0, v8, v26;
	v32 =	vadd.s32 v5, v0;
	v38 =	vld.idx.msk [tilespmem:v38+s13+$0x0], $0xffff;
	v60 =	vsel vm0, v2, v1  }
0x2bd: {  	v53 =	vand.u32 $0x7F, v32;
	v37 =	vld.idx.msk [tilespmem:v37+s13+$0x0], $0xffff;
	v63 =	vand.u32 $0xFFFFFF80, v35;
	v1 =	vcombine.low v60, v59  }
0x2be: {  	v42 =	vld.idx.msk [tilespmem:v42+s13+$0x0], $0xffff;
	v40 =	vand.u32 $0x7F, v35;
	v35 =	vand.u32 $0xFFFFFF80, v32;
	v32 =	vsel vm0, v11, v20  }
0x2bf: {  	v43 =	vld.idx.msk [tilespmem:v43+s13+$0x0], $0xffff;
	v61 =	vadd.s32 v30, v63;
	v62 =	vadd.s32 v30, v35;
	v51 =	vadd.s32 v1, v0  }
0x2c0: {  	v44 =	vld.idx.msk [tilespmem:v44+s13+$0x0], $0xffff;
	v27 =	vor.u32 v40, v61;
	v20 =	vor.u32 v53, v62;
	v50 =	vand.u32 $0xFFFFFF80, v51  }
0x2c1: {  	v45 =	vld.idx.msk [tilespmem:v45+s13+$0x0], $0xffff;
	[tilespmem:$0x1F600] =	vst v1;
	v1 =	vcombine.low v31, v32;
	v8 =	vand.u32 $0x7F, v51;
	v63 =	vadd.s32 v30, v50  }
0x2c2: {  	v35 =	vld.idx.msk [tilespmem:v23+s13+$0x0], $0xffff;
	v62 =	vsel vm0, v16, v13;
	v18 =	vor.u32 v8, v63;
	v63 =	vsel vm0, v9, v12  }
0x2c3: {  	v61 =	vld.idx.msk [tilespmem:v24+s13+$0x0], $0xffff;
	[tilespmem:$0x1F610] =	vst v1;
	v40 =	vadd.s32 v1, v0;
	v1 =	vcombine.low v63, v62  }
0x2c4: {  	v2 =	vld [tilespmem:$0x1F970]  }
0x2c5: {  	v8 =	vld.idx.msk [tilespmem:v52+s13+$0x0], $0xffff;
	v11 =	vadd.s32 v1, v0  }
0x2c6: {  	v9 =	vand.u32 $0xFFFFFF80, v40;
	v53 =	vand.u32 $0x7F, v40;
	v40 =	vld.idx.msk [tilespmem:v25+s13+$0x0], $0xffff;
	v13 =	vand.u32 $0xFFFFFF80, v11  }
0x2c7: {  	[tilespmem:$0x1F620] =	vst v1;
	v1 =	vld [tilespmem:$0x1F960];
	v11 =	vand.u32 $0x7F, v11;
	v13 =	vadd.s32 v30, v13  }
0x2c8: {  	v9 =	vadd.s32 v30, v9;
	v29 =	vor.u32 v11, v13;
	v11 =	vld [tilespmem:$0x1FF00]  }
0x2c9: {  	[tilespmem:$0x1F5F0] =	vst v5;
	v5 =	vsel vm0, v10, v19;
	v19 =	vor.u32 v53, v9;
	v9 =	vld.idx.msk [tilespmem:v46+s13+$0x0], $0xffff  }
0x2ca: {  	v13 =	vld.idx.msk [tilespmem:v28+s13+$0x0], $0xffff  }
0x2cb: {  	v6 =	vsel vm0, v17, v7;
	[tilespmem:v4+s17+$0x0] =	vst.idx.msk $0xffff, v54;
	v4 =	vld [tilespmem:$0x1F990]  }
0x2cc: {  	v3 =	vcombine.low v5, v6;
	v1 =	vor.u32 s26, v1  }
0x2cd: {  	v50 =	vsel vm0, v14, v11;
	v11 =	vld [tilespmem:$0x1F9D0]  }
0x2ce: {  	[tilespmem:$0x1F630] =	vst v3;
	v12 =	vadd.s32 v3, v0;
	v3 =	vld [tilespmem:$0x1F980]  }
0x2cf: {  	v49 =	vld [tilespmem:$0x1FF20];
	v2 =	vor.u32 s26, v2;
	v7 =	vand.u32 $0xFFFFFF80, v12  }
0x2d0: {  	v12 =	vand.u32 $0x7F, v12;
	v7 =	vadd.s32 v30, v7;
	[tilespmem:v48+s17+$0x0] =	vst.idx.msk $0xffff, v55;
	v10 =	vor.u32 s26, v4;
	v4 =	vld [tilespmem:$0x1F9A0]  }
0x2d1: {  	[tilespmem:v1+s17+$0x0] =	vst.idx.msk $0xffff, v36;
	v1 =	vor.u32 v12, v7;
	v7 =	vld [tilespmem:$0x1F9B0]  }
0x2d2: {  	v12 =	vor.u32 s26, v11;
	v11 =	vld [tilespmem:$0x1FA00]  }
0x2d3: {  	v3 =	vor.u32 s26, v3;
	_ =	sdelay $0x1  }
0x2d4: {  	[tilespmem:v2+s17+$0x0] =	vst.idx.msk $0xffff, v39;
	v2 =	vld [tilespmem:$0x1F9C0]  }
0x2d5: {  	v56 =	vcombine.low v41, v56;
	v4 =	vor.u32 s26, v4  }
0x2d6: {  	v51 =	vsel vm0, v26, v49;
	v7 =	vor.u32 s26, v7;
	v46 =	vor.u32 s26, v11;
	v11 =	vld [tilespmem:$0x1FA10]  }
0x2d7: {  	v25 =	vcombine.low v6, v5;
	v14 =	vcombine.low v51, v50;
	[tilespmem:v3+s17+$0x0] =	vst.idx.msk $0xffff, v38;
	v3 =	vld [tilespmem:$0x1F9E0]  }
0x2d8: {  	v28 =	vcombine.low v57, v58;
	v55 =	vcombine.low v34, v33;
	[tilespmem:v10+s17+$0x0] =	vst.idx.msk $0xffff, v37;
	v10 =	vld [tilespmem:$0x1F9F0]  }
0x2d9: {  	v54 =	vadd.s32 v56, v0;
	v41 =	vadd.s32 v14, v0;
	v2 =	vor.u32 s26, v2  }
0x2da: {  	v57 =	vcombine.low v59, v60;
	v53 =	vadd.s32 v55, v0;
	v48 =	vand.u32 $0xFFFFFF80, v41;
	[tilespmem:v4+s17+$0x0] =	vst.idx.msk $0xffff, v42  }
0x2db: {  	v4 =	vand.u32 $0x7F, v41;
	[tilespmem:v7+s17+$0x0] =	vst.idx.msk $0xffff, v43;
	v7 =	vadd.s32 v30, v48;
	v49 =	vor.u32 s26, v11;
	v11 =	vld [tilespmem:$0x1FA20]  }
0x2dc: {  	[tilespmem:$0x1F640] =	vst v14;
	v3 =	vor.u32 s26, v3;
	v14 =	vor.u32 v4, v7;
	v4 =	vand.u32 $0xFFFFFF80, v53  }
0x2dd: {  	[tilespmem:$0x1F650] =	vst v55;
	v10 =	vor.u32 s26, v10;
	v7 =	vand.u32 $0x7F, v53;
	v4 =	vadd.s32 v30, v4  }
0x2de: {  	v59 =	vcombine.low v32, v31;
	[tilespmem:v2+s17+$0x0] =	vst.idx.msk $0xffff, v44;
	v39 =	vor.u32 v7, v4;
	v7 =	vand.u32 $0xFFFFFF80, v54  }
0x2df: {  	v55 =	vadd.s32 v28, v0;
	[tilespmem:v12+s17+$0x0] =	vst.idx.msk $0xffff, v45;
	v12 =	vand.u32 $0x7F, v54;
	v7 =	vadd.s32 v30, v7  }
0x2e0: {  	v2 =	vor.u32 v12, v7;
	v7 =	vand.u32 $0xFFFFFF80, v55;
	v50 =	vor.u32 s26, v11  }
0x2e1: {  	[tilespmem:v3+s17+$0x0] =	vst.idx.msk $0xffff, v8;
	v8 =	vand.u32 $0x7F, v55;
	v12 =	vadd.s32 v57, v0;
	v7 =	vadd.s32 v30, v7  }
0x2e2: {  	v15 =	vld [tilespmem:$0x1FD80];
	v60 =	vcombine.low v62, v63;
	[tilespmem:v10+s17+$0x0] =	vst.idx.msk $0xffff, v35;
	v16 =	vor.u32 v8, v7;
	v8 =	vand.u32 $0xFFFFFF80, v12  }
0x2e3: {  	v23 =	vld [tilespmem:$0x1FF30];
	[tilespmem:v46+s17+$0x0] =	vst.idx.msk $0xffff, v61;
	v10 =	vand.u32 $0x7F, v12;
	v12 =	vadd.s32 v59, v0;
	v8 =	vadd.s32 v30, v8  }
0x2e4: {  	v24 =	vld [tilespmem:$0x1FF60];
	v61 =	vadd.s32 v60, v0;
	[tilespmem:v49+s17+$0x0] =	vst.idx.msk $0xffff, v40;
	v17 =	vor.u32 v10, v8;
	v10 =	vand.u32 $0xFFFFFF80, v12  }
0x2e5: {  	v31 =	vld [tilespmem:$0x1FF50];
	v5 =	vadd.s32 v30, v10;
	[tilespmem:v50+s17+$0x0] =	vst.idx.msk $0xffff, v9;
	v9 =	vand.u32 $0x7F, v12;
	v12 =	vand.u32 $0xFFFFFF80, v61  }
0x2e6: {  	v6 =	vand.u32 $0x7F, v61;
	v10 =	vadd.s32 v30, v12;
	v3 =	vor.u32 v9, v5;
	v5 =	vld [tilespmem:$0x1FF90]  }
0x2e7: {  	v4 =	vor.u32 v6, v10;
	v6 =	vld [tilespmem:$0x1FFA0]  }
0x2e8: {  	[tilespmem:$0x1F660] =	vst v56;
	v52 =	vor.u32 s26, v15;
	v56 =	vld [tilespmem:$0x1FF40]  }
0x2e9: {  	v32 =	vld [tilespmem:$0x1FF70]  }
0x2ea: {  	v34 =	vld [tilespmem:$0x1FB70]  }
0x2eb: {  	v51 =	vld [tilespmem:$0x1FF80]  }
0x2ec: {  	v61 =	vsel vm0, v6, v5;
	v5 =	vld [tilespmem:$0x1FFB0]  }
0x2ed: {  	[tilespmem:v52+s17+$0x0] =	vst.idx.msk $0xffff, v13;
	v6 =	vld [tilespmem:$0x1FFC0]  }
0x2ee: {  	v42 =	vsel vm0, v56, v23;
	v43 =	vsel vm0, v24, v31;
	v13 =	vld.idx.msk [tilespmem:v21+s13+$0x0], $0xffff  }
0x2ef: {  	v48 =	vcombine.low v43, v42;
	v50 =	vor.u32 $0x30, v47;
	v21 =	vld [tilespmem:$0x1FB60]  }
0x2f0: {  	v45 =	vsel vm0, v51, v32;
	v9 =	vadd.s32 v25, v0;
	v62 =	vadd.s32 v50, v0;
	v1 =	vld.idx.msk [tilespmem:v1+s13+$0x0], $0xffff  }
0x2f1: {  	v12 =	vand.u32 $0xFFFFFF80, v9;
	v9 =	vand.u32 $0x7F, v9;
	v63 =	vand.u32 $0xFFFFFF80, v62;
	v2 =	vld.idx.msk [tilespmem:v2+s13+$0x0], $0xffff  }
0x2f2: {  	v12 =	vadd.s32 v30, v12;
	v35 =	vadd.s32 v30, v63;
	v63 =	vsel vm0, v6, v5;
	v5 =	vld.idx.msk [tilespmem:v29+s13+$0x0], $0xffff  }
0x2f3: {  	v44 =	vld.idx.msk [tilespmem:v18+s13+$0x0], $0xffff;
	v18 =	vadd.s32 v48, v0;
	v9 =	vor.u32 v9, v12;
	v12 =	vand.u32 $0x7F, v62  }
0x2f4: {  	v62 =	vld.idx.msk [tilespmem:v19+s13+$0x0], $0xffff;
	v19 =	vand.u32 $0xFFFFFF80, v18;
	v11 =	vsel vm0, v34, v21;
	v49 =	vcombine.low v61, v45  }
0x2f5: {  	v38 =	vand.u32 $0x7F, v18;
	[tilespmem:$0x1F680] =	vst v1;
	v1 =	vadd.s32 v30, v19;
	v53 =	vcombine.low v11, v63  }
0x2f6: {  	[tilespmem:$0x1F6B0] =	vst v2;
	v1 =	vor.u32 v38, v1;
	v33 =	vadd.s32 v49, v0  }
0x2f7: {  	v2 =	vld [tilespmem:$0x1FFE0];
	v46 =	vadd.s32 v53, v0;
	[tilespmem:$0x1F670] =	vst v5;
	v5 =	vor.u32 v12, v35;
	v35 =	vand.u32 $0xFFFFFF80, v33  }
0x2f8: {  	v19 =	vand.u32 $0xFFFFFF80, v46;
	[tilespmem:$0x1F6D0] =	vst v5;
	v5 =	vld.idx.msk [tilespmem:v14+s13+$0x0], $0xffff;
	v14 =	vand.u32 $0x7F, v33;
	v47 =	vadd.s32 v30, v35  }
0x2f9: {  	v58 =	vld [tilespmem:$0x1FBA0];
	[tilespmem:$0x1F6E0] =	vst v1;
	v15 =	vand.u32 $0x7F, v46;
	v46 =	vadd.s32 v30, v19;
	v1 =	vor.u32 v14, v47  }
0x2fa: {  	v54 =	vld [tilespmem:$0x1FB90];
	[tilespmem:$0x1F6F0] =	vst v1;
	v1 =	vor.u32 v15, v46  }
0x2fb: {  	[tilespmem:$0x1F700] =	vst v1;
	v1 =	vld [tilespmem:$0x1FA30]  }
0x2fc: {  	v10 =	vld.idx.msk [tilespmem:v22+s13+$0x0], $0xffff  }
0x2fd: {  	v36 =	vor.u32 $0x1000, v2;
	v2 =	vld.idx.msk [tilespmem:v16+s13+$0x0], $0xffff  }
0x2fe: {  	v35 =	vld [tilespmem:$0x1FB80]  }
0x2ff: {  	v33 =	vld [tilespmem:$0x1FBB0]  }
0x300: {  	v16 =	vor.u32 s26, v1;
	v1 =	vld [tilespmem:$0x1FA40]  }
0x301: {  	v40 =	vld.idx.msk [tilespmem:v27+s13+$0x0], $0xffff  }
0x302: {  	v41 =	vld.idx.msk [tilespmem:v20+s13+$0x0], $0xffff  }
0x303: {  	v9 =	vld.idx.msk [tilespmem:v9+s13+$0x0], $0xffff;
	[tilespmem:$0x1F6C0] =	vst v2;
	v2 =	vor.u32 s26, v36  }
0x304: {  	v14 =	vld.idx.msk [tilespmem:v3+s13+$0x0], $0xffff;
	v8 =	vsel vm0, v54, v35;
	v7 =	vsel vm0, v33, v58  }
0x305: {  	v3 =	vld [tilespmem:$0x1FA50];
	v22 =	vcombine.low v7, v8;
	v1 =	vor.u32 s26, v1  }
0x306: {  	v12 =	vld.idx.msk [tilespmem:v17+s13+$0x0], $0xffff  }
0x307: {  	v15 =	vld.idx.msk [tilespmem:v4+s13+$0x0], $0xffff;
	[tilespmem:$0x1F690] =	vst v5;
	v47 =	vadd.s32 v22, v0  }
0x308: {  	v5 =	vld.idx.msk [tilespmem:v39+s13+$0x0], $0xffff;
	[tilespmem:v2+s17+$0x0] =	vst.idx.msk $0xffff, v10;
	v52 =	vand.u32 $0xFFFFFF80, v47  }
0x309: {  	v17 =	vand.u32 $0x7F, v47;
	v2 =	vadd.s32 v30, v52;
	[tilespmem:v16+s17+$0x0] =	vst.idx.msk $0xffff, v13  }
0x30a: {  	v6 =	vsel vm0, v31, v56;
	v56 =	vor.u32 s26, v3;
	v3 =	vld [tilespmem:$0x1FA60];
	[tilespmem:v1+s17+$0x0] =	vst.idx.msk $0xffff, v40;
	v1 =	vor.u32 v17, v2  }
0x30b: {  	[tilespmem:$0x1F710] =	vst v1;
	v1 =	vld [tilespmem:$0x1FA90];
	_ =	sdelay $0x3  }
0x30c: {  	v10 =	vor.u32 s26, v3;
	v3 =	vld [tilespmem:$0x1FA70]  }
0x30d: {  	[tilespmem:v56+s17+$0x0] =	vst.idx.msk $0xffff, v41;
	v56 =	vor.u32 s26, v1;
	v1 =	vld [tilespmem:$0x1FAA0];
	_ =	sdelay $0x4  }
0x30e: {  	v19 =	vor.u32 s26, v3;
	v37 =	vor.u32 s26, v1;
	v1 =	vld [tilespmem:$0x1FAB0];
	_ =	sdelay $0x2  }
0x30f: {  	[tilespmem:$0x1F6A0] =	vst v5  }
0x310: {  	v13 =	vld [tilespmem:$0x1FA80];
	[tilespmem:v10+s17+$0x0] =	vst.idx.msk $0xffff, v44  }
0x311: {  	v5 =	vsel vm0, v23, v24;
	[tilespmem:v19+s17+$0x0] =	vst.idx.msk $0xffff, v62;
	v19 =	vor.u32 s26, v1;
	v1 =	vld [tilespmem:$0x1FAC0]  }
0x312: {  	v38 =	vcombine.low v5, v6;
	_ =	sdelay $0x1  }
0x313: {  	v20 =	vadd.s32 v38, v0  }
0x314: {  	v55 =	vld [tilespmem:$0x1FF90];
	v52 =	vand.u32 $0xFFFFFF80, v20  }
0x315: {  	v13 =	vor.u32 s26, v13;
	v2 =	vand.u32 $0x7F, v20;
	v20 =	vor.u32 s26, v1;
	v1 =	vld [tilespmem:$0x1F670];
	_ =	sdelay $0x3  }
0x316: {  	v4 =	vsel vm0, v55, v51;
	v55 =	vld [tilespmem:$0x1FFC0]  }
0x317: {  	[tilespmem:v13+s17+$0x0] =	vst.idx.msk $0xffff, v1;
	v1 =	vld [tilespmem:$0x1FAD0];
	_ =	sdelay $0x1  }
0x318: {  	v27 =	vld [tilespmem:$0x1FFB0]  }
0x319: {  	v29 =	vld [tilespmem:$0x1FFA0]  }
0x31a: {  	v51 =	vsel vm0, v58, v54;
	v54 =	vld [tilespmem:$0x1F680];
	v16 =	vadd.s32 v30, v52;
	v52 =	vsel vm0, v35, v33  }
0x31b: {  	v58 =	vld [tilespmem:$0x1F690];
	v13 =	vor.u32 s26, v1;
	v1 =	vsel vm0, v21, v55;
	v55 =	vcombine.low v52, v51  }
0x31c: {  	v44 =	vld [tilespmem:$0x1F6A0]  }
0x31d: {  	v35 =	vcombine.low v42, v43;
	v43 =	vmov v55;
	v55 =	vld [tilespmem:$0x1F6B0]  }
0x31e: {  	v3 =	vsel vm0, v32, v29  }
0x31f: {  	v39 =	vcombine.low v3, v4;
	[tilespmem:v56+s17+$0x0] =	vst.idx.msk $0xffff, v54;
	v56 =	vld [tilespmem:$0x1FAE0]  }
0x320: {  	[tilespmem:v37+s17+$0x0] =	vst.idx.msk $0xffff, v58;
	v37 =	vld [tilespmem:$0x1FAF0]  }
0x321: {  	v45 =	vcombine.low v45, v61;
	v32 =	vadd.s32 v39, v0;
	[tilespmem:v19+s17+$0x0] =	vst.idx.msk $0xffff, v44;
	v52 =	vld [tilespmem:$0x1FB00]  }
0x322: {  	v61 =	vcombine.low v8, v7;
	v10 =	vand.u32 $0xFFFFFF80, v32;
	v21 =	vsel vm0, v27, v34;
	[tilespmem:v20+s17+$0x0] =	vst.idx.msk $0xffff, v55;
	v20 =	vld [tilespmem:$0x1FB10]  }
0x323: {  	v17 =	vand.u32 $0x7F, v32;
	v10 =	vadd.s32 v30, v10;
	v58 =	vld [tilespmem:$0x1F6C0];
	v62 =	vcombine.low v21, v1  }
0x324: {  	v2 =	vor.u32 v2, v16;
	v10 =	vor.u32 v17, v10;
	v16 =	vor.u32 s26, v56  }
0x325: {  	v8 =	vld [tilespmem:$0x1F6D0];
	v17 =	vor.u32 s26, v37;
	v40 =	vadd.s32 v62, v0;
	v56 =	vadd.s32 v43, v0  }
0x326: {  	v42 =	vmovc v62;
	v62 =	vcombine.low v6, v5;
	v5 =	vld [tilespmem:$0x1F6E0];
	v51 =	vand.u32 $0xFFFFFF80, v40;
	v54 =	vor.u32 s26, v52  }
0x327: {  	v18 =	vand.u32 $0x7F, v40;
	v40 =	vadd.s32 v35, v0;
	v20 =	vor.u32 s26, v20  }
0x328: {  	v44 =	vmov v35;
	v35 =	vcombine.low v63, v11;
	v63 =	vcombine.low v4, v3;
	v3 =	vld [tilespmem:$0x1F700];
	[tilespmem:v13+s17+$0x0] =	vst.idx.msk $0xffff, v58  }
0x329: {  	v41 =	vld [tilespmem:$0x1FFE0];
	v33 =	vand.u32 $0xFFFFFF80, v56;
	[tilespmem:v16+s17+$0x0] =	vst.idx.msk $0xffff, v12  }
0x32a: {  	v19 =	vadd.s32 v30, v51;
	v34 =	vadd.s32 v30, v33;
	v33 =	vld [tilespmem:$0x1FB20];
	[tilespmem:v17+s17+$0x0] =	vst.idx.msk $0xffff, v14  }
0x32b: {  	v11 =	vand.u32 $0xFFFFFF80, v40;
	v51 =	vadd.s32 v62, v0;
	v14 =	vand.u32 $0x7F, v40;
	v40 =	vld [tilespmem:$0x1FB30];
	[tilespmem:v54+s17+$0x0] =	vst.idx.msk $0xffff, v15  }
0x32c: {  	v11 =	vadd.s32 v30, v11;
	v15 =	vadd.s32 v45, v0;
	[tilespmem:v20+s17+$0x0] =	vst.idx.msk $0xffff, v9;
	v20 =	vld [tilespmem:$0x1FB50]  }
0x32d: {  	v13 =	vor.u32 v18, v19;
	v12 =	vand.u32 $0x7F, v56;
	v7 =	vand.u32 $0xFFFFFF80, v15;
	v8 =	vld.idx.msk [tilespmem:v8+s13+$0x0], $0xffff  }
0x32e: {  	v7 =	vadd.s32 v30, v7;
	v9 =	vor.u32 v14, v11;
	v11 =	vand.u32 $0x7F, v15;
	v5 =	vld.idx.msk [tilespmem:v5+s13+$0x0], $0xffff  }
0x32f: {  	v12 =	vor.u32 v12, v34;
	v54 =	vcombine.low v1, v21;
	v7 =	vor.u32 v11, v7;
	v11 =	vld [tilespmem:$0x1F6F0]  }
0x330: {  	v52 =	vadd.s32 v63, v0;
	v14 =	vadd.s32 v35, v0;
	v15 =	vadd.s32 v61, v0;
	v3 =	vld.idx.msk [tilespmem:v3+s13+$0x0], $0xffff  }
0x331: {  	v0 =	vadd.s32 v54, v0;
	v6 =	vand.u32 $0xFFFFFF80, v14;
	v14 =	vand.u32 $0x7F, v14;
	v1 =	vld.idx.msk [tilespmem:v2+s13+$0x0], $0xffff  }
0x332: {  	v4 =	vand.u32 $0xFFFFFF80, v15;
	v15 =	vand.u32 $0x7F, v15;
	v2 =	vand.u32 $0xFFFFFF80, v51;
	v10 =	vld.idx.msk [tilespmem:v10+s13+$0x0], $0xffff  }
0x333: {  	v13 =	vld.idx.msk [tilespmem:v13+s13+$0x0], $0xffff;
	v55 =	vand.u32 $0xFFFFFF80, v0;
	v0 =	vand.u32 $0x7F, v0;
	v6 =	vadd.s32 v30, v6  }
0x334: {  	v12 =	vld.idx.msk [tilespmem:v12+s13+$0x0], $0xffff;
	v4 =	vadd.s32 v30, v4;
	v2 =	vadd.s32 v30, v2;
	v6 =	vor.u32 v14, v6  }
0x335: {  	v56 =	vadd.s32 v30, v55;
	v14 =	vld [tilespmem:$0x1F710];
	v4 =	vor.u32 v15, v4;
	v15 =	vand.u32 $0x7F, v51  }
0x336: {  	v0 =	vor.u32 v0, v56;
	v2 =	vor.u32 v15, v2;
	v15 =	vand.u32 $0xFFFFFF80, v52;
	v9 =	vld.idx.msk [tilespmem:v9+s13+$0x0], $0xffff  }
0x337: {  	v15 =	vadd.s32 v30, v15;
	v30 =	vor.u32 $0x1800, v41;
	v41 =	vld [tilespmem:$0x1FB40]  }
0x338: {  	v7 =	vld.idx.msk [tilespmem:v7+s13+$0x0], $0xffff  }
0x339: {  	v16 =	vand.u32 $0x7F, v52;
	v6 =	vld.idx.msk [tilespmem:v6+s13+$0x0], $0xffff  }
0x33a: {  	v15 =	vor.u32 v16, v15;
	v4 =	vld.idx.msk [tilespmem:v4+s13+$0x0], $0xffff  }
0x33b: {  	v32 =	vor.u32 s26, v30;
	v0 =	vld.idx.msk [tilespmem:v0+s13+$0x0], $0xffff  }
0x33c: {  	v17 =	vor.u32 s26, v33;
	v11 =	vld.idx.msk [tilespmem:v11+s13+$0x0], $0xffff  }
0x33d: {  	v18 =	vor.u32 s26, v40;
	v2 =	vld.idx.msk [tilespmem:v2+s13+$0x0], $0xffff  }
0x33e: {  	v19 =	vor.u32 s26, v41;
	v14 =	vld.idx.msk [tilespmem:v14+s13+$0x0], $0xffff  }
0x33f: {  	v20 =	vor.u32 s26, v20;
	v15 =	vld.idx.msk [tilespmem:v15+s13+$0x0], $0xffff  }
0x340: {  	[tilespmem:v32+s17+$0x0] =	vst.idx.msk $0xffff, v8;
	v8 =	vld [tilespmem:$0x1FFF0]  }
0x341: {  	v52 =	vld [tilespmem:$0x1FDD0];
	[tilespmem:v17+s17+$0x0] =	vst.idx.msk $0xffff, v5  }
0x342: {  	v55 =	vld [tilespmem:$0x1FDE0];
	[tilespmem:v18+s17+$0x0] =	vst.idx.msk $0xffff, v11  }
0x343: {  	v56 =	vld [tilespmem:$0x1FDF0];
	[tilespmem:v19+s17+$0x0] =	vst.idx.msk $0xffff, v3  }
0x344: {  	[tilespmem:v20+s17+$0x0] =	vst.idx.msk $0xffff, v14;
	v20 =	vld [tilespmem:$0x1FE00]  }
0x345: {  	v21 =	vld [tilespmem:$0x1FE10];
	v8 =	vor.u32 s26, v8  }
0x346: {  	v5 =	vor.u32 s26, v52  }
0x347: {  	v11 =	vor.u32 s26, v55  }
0x348: {  	v3 =	vor.u32 s26, v56  }
0x349: {  	v46 =	vld [tilespmem:$0x1FD60];
	v14 =	vor.u32 s26, v20  }
0x34a: {  	v51 =	vld [tilespmem:$0x1FE20];
	[tilespmem:v8+s17+$0x0] =	vst.idx.msk $0xffff, v1;
	v1 =	vor.u32 s26, v21  }
0x34b: {  	v47 =	vld [tilespmem:$0x1FD70];
	[tilespmem:v5+s17+$0x0] =	vst.idx.msk $0xffff, v10  }
0x34c: {  	[tilespmem:v11+s17+$0x0] =	vst.idx.msk $0xffff, v13;
	v11 =	vld [tilespmem:$0x1FE30]  }
0x34d: {  	[tilespmem:v3+s17+$0x0] =	vst.idx.msk $0xffff, v12;
	v12 =	vld [tilespmem:$0x1FE40]  }
0x34e: {  	v10 =	vld [tilespmem:$0x1FE50];
	[tilespmem:v14+s17+$0x0] =	vst.idx.msk $0xffff, v9  }
0x34f: {  	v5 =	vor.u32 s26, v51;
	[tilespmem:v1+s17+$0x0] =	vst.idx.msk $0xffff, v7;
	v7 =	vld [tilespmem:$0x1FE60]  }
0x350: {  	v37 =	vld [tilespmem:$0x1FD30]  }
0x351: {  	v58 =	vld [tilespmem:$0x1FD50];
	v8 =	vor.u32 s26, v11  }
0x352: {  	v34 =	vld [tilespmem:$0x1FD40];
	v3 =	vor.u32 s26, v12  }
0x353: {  	v13 =	vld [tilespmem:$0x1FE80];
	v9 =	vor.u32 s26, v10  }
0x354: {  	p0 =	sne.s32 s26, $0x70;
	[tilespmem:v5+s17+$0x0] =	vst.idx.msk $0xffff, v6;
	v6 =	vld [tilespmem:$0x1FCF0];
	v1 =	vor.u32 s26, v7  }
.Ltmp0:
0x355: {  	v5 =	vld [tilespmem:$0x1FCE0];
	(pc) =	sbr.rel @p0 .LBB2_2-.Ltmp0, $4  }
0x356: {  	[tilespmem:v8+s17+$0x0] =	vst.idx.msk $0xffff, v4;
	v4 =	vld [tilespmem:$0x1FFD0]  }
0x357: {  	v8 =	vld [tilespmem:$0x1FF00];
	[tilespmem:v3+s17+$0x0] =	vst.idx.msk $0xffff, v2  }
0x358: {  	v2 =	vld [tilespmem:$0x1FCD0];
	[tilespmem:v9+s17+$0x0] =	vst.idx.msk $0xffff, v15  }
0x359: {  	s25 =	sadd.s32 $0x80, s25;
	s26 =	sadd.s32 $0x10, s26;
	v3 =	vlaneseq.u32;
	v9 =	vld [tilespmem:$0x1FE70];
	[tilespmem:v1+s17+$0x0] =	vst.idx.msk $0xffff, v0  }
0x35a: {  	[tilespmem:$0x1F2A0] =	vst v30  }
0x35b: {  	[tilespmem:$0x1F2B0] =	vst v54  }
0x35c: {  	[tilespmem:$0x1F2C0] =	vst v63  }
0x35d: {  	[tilespmem:$0x1F2D0] =	vst v62  }
0x35e: {  	[tilespmem:$0x1F2E0] =	vst v61  }
0x35f: {  	[tilespmem:$0x1F2F0] =	vst v35  }
0x360: {  	[tilespmem:$0x1F300] =	vst v45  }
0x361: {  	[tilespmem:$0x1F310] =	vst v44  }
0x362: {  	[tilespmem:$0x1F320] =	vst v43  }
0x363: {  	[tilespmem:$0x1F330] =	vst v42  }
0x364: {  	[tilespmem:$0x1F340] =	vst v39  }
0x365: {  	[tilespmem:$0x1F350] =	vst v38  }
0x366: {  	[tilespmem:$0x1F360] =	vst v22  }
0x367: {  	[tilespmem:$0x1F370] =	vst v36  }
0x368: {  	[tilespmem:$0x1F380] =	vst v53  }
0x369: {  	[tilespmem:$0x1F390] =	vst v49  }
0x36a: {  	[tilespmem:$0x1F3A0] =	vst v48  }
0x36b: {  	[tilespmem:$0x1F3B0] =	vst v50  }
0x36c: {  	[tilespmem:$0x1F3C0] =	vst v25  }
0x36d: {  	[tilespmem:$0x1F3D0] =	vst v60  }
0x36e: {  	[tilespmem:$0x1F3E0] =	vst v59  }
0x36f: {  	[tilespmem:$0x1F3F0] =	vst v57  }
0x370: {  	[hbm4b:s6+s18] =	stream.strided.scatter [tilespmem:s17], [sflag:$0x3], $0x2000, s19, s18, $0x38;
	[tilespmem:$0x12D00] =	vst v63  }
0x371: {  	[tilespmem:$0x1F400] =	vst v28;
	s25 =	simm.s32 $0x1  }
.LBB2_4:
0x372: {  	s1 =	smul.u32 $0x52, s25;
	_ =	sdelay $0x1  }
0x373: {  	s26 =	smul.u32 $0x29, s25;
	s1 =	sshrl.u32 s1, $0xB  }
0x374: {  	s1 =	sand.u32 $0x1F, s1  }
0x375: {  	v0 =	vld [tilespmem:$0x1FCA0];
	s26 =	sshrl.u32 s26, $0xA;
	s1 =	smul.u32 $0x32, s1  }
0x376: {  	s30 =	sshll.u32 s25, $0x1;
	s26 =	sand.u32 $0x3F, s26  }
0x377: {  	s29 =	smul.u32 $0x1900, s26;
	s1 =	ssub.s32 s30, s1  }
0x378: {  	s28 =	sand.u32 $0xFE, s1  }
0x379: {  	s1 =	sor.u32 s28, s29  }
0x37a: {  	v0 =	vadd.s32 s1, v0;
	_ =	sdelay $0x2  }
0x37b: {  	v1 =	vld [tilespmem:$0x1FBC0]  }
0x37c: {  	s31 =	simm.s32 $0x0  }
0x37d: {  	v0 =	vld.idx.msk [tilespmem:v0+s31+$0x0], $0xffff;
	_ =	sdelay $0x2  }
0x37e: {  	v1 =	vadd.s32 s1, v1;
	_ =	sdelay $0x1  }
0x37f: {  	v2 =	vshrl.u32 v0, $0x1;
	v0 =	vshll.u32 v0, $0x6  }
0x380: {  	[tilespmem:$0x6400] =	vst v2;
	v0 =	vand.u32 $0x40, v0  }
0x381: {  	[tilespmem:$0x6500] =	vst v0  }
0x382: {  	v0 =	vld.idx.msk [tilespmem:v1+s31+$0x0], $0xffff  }
0x383: {  	v1 =	vld [tilespmem:$0x1FBD0];
	_ =	sdelay $0x4  }
0x384: {  	v1 =	vadd.s32 s1, v1;
	_ =	sdelay $0x1  }
0x385: {  	v2 =	vshrl.u32 v0, $0x1;
	v0 =	vshll.u32 v0, $0x6  }
0x386: {  	[tilespmem:$0x6410] =	vst v2;
	v0 =	vand.u32 $0x40, v0  }
0x387: {  	[tilespmem:$0x6580] =	vst v0  }
0x388: {  	v0 =	vld.idx.msk [tilespmem:v1+s31+$0x0], $0xffff  }
0x389: {  	v1 =	vld [tilespmem:$0x1FBE0];
	_ =	sdelay $0x4  }
0x38a: {  	v1 =	vadd.s32 s1, v1;
	_ =	sdelay $0x1  }
0x38b: {  	v2 =	vshrl.u32 v0, $0x1;
	v0 =	vshll.u32 v0, $0x6  }
0x38c: {  	[tilespmem:$0x6420] =	vst v2;
	v0 =	vand.u32 $0x40, v0  }
0x38d: {  	[tilespmem:$0x6600] =	vst v0  }
0x38e: {  	v0 =	vld.idx.msk [tilespmem:v1+s31+$0x0], $0xffff  }
0x38f: {  	v1 =	vld [tilespmem:$0x1FBF0];
	_ =	sdelay $0x4  }
0x390: {  	v1 =	vadd.s32 s1, v1;
	_ =	sdelay $0x1  }
0x391: {  	v2 =	vshrl.u32 v0, $0x1;
	v0 =	vshll.u32 v0, $0x6  }
0x392: {  	[tilespmem:$0x6430] =	vst v2;
	v0 =	vand.u32 $0x40, v0  }
0x393: {  	[tilespmem:$0x6680] =	vst v0  }
0x394: {  	v0 =	vld.idx.msk [tilespmem:v1+s31+$0x0], $0xffff  }
0x395: {  	v1 =	vld [tilespmem:$0x1FC00];
	_ =	sdelay $0x4  }
0x396: {  	v1 =	vadd.s32 s1, v1;
	_ =	sdelay $0x1  }
0x397: {  	v2 =	vshrl.u32 v0, $0x1;
	v0 =	vshll.u32 v0, $0x6  }
0x398: {  	[tilespmem:$0x6440] =	vst v2;
	v0 =	vand.u32 $0x40, v0  }
0x399: {  	[tilespmem:$0x6700] =	vst v0  }
0x39a: {  	v0 =	vld.idx.msk [tilespmem:v1+s31+$0x0], $0xffff  }
0x39b: {  	v1 =	vld [tilespmem:$0x1FC10];
	_ =	sdelay $0x4  }
0x39c: {  	v1 =	vadd.s32 s1, v1;
	_ =	sdelay $0x1  }
0x39d: {  	v2 =	vshrl.u32 v0, $0x1;
	v0 =	vshll.u32 v0, $0x6  }
0x39e: {  	[tilespmem:$0x6450] =	vst v2;
	v0 =	vand.u32 $0x40, v0  }
0x39f: {  	[tilespmem:$0x6780] =	vst v0  }
0x3a0: {  	v0 =	vld.idx.msk [tilespmem:v1+s31+$0x0], $0xffff  }
0x3a1: {  	v1 =	vld [tilespmem:$0x1FC20];
	_ =	sdelay $0x4  }
0x3a2: {  	v1 =	vadd.s32 s1, v1;
	_ =	sdelay $0x1  }
0x3a3: {  	v2 =	vshrl.u32 v0, $0x1;
	v0 =	vshll.u32 v0, $0x6  }
0x3a4: {  	[tilespmem:$0x6460] =	vst v2;
	v0 =	vand.u32 $0x40, v0  }
0x3a5: {  	[tilespmem:$0x6800] =	vst v0  }
0x3a6: {  	v0 =	vld.idx.msk [tilespmem:v1+s31+$0x0], $0xffff;
	_ =	sdelay $0x4  }
0x3a7: {  	v1 =	vshrl.u32 v0, $0x1;
	v0 =	vshll.u32 v0, $0x6  }
0x3a8: {  	[tilespmem:$0x6470] =	vst v1;
	v0 =	vand.u32 $0x40, v0  }
0x3a9: {  	[tilespmem:$0x6880] =	vst v0  }
0x3aa: {  	_ =	swait.ge [sflag:s20], $0x2000  }
0x3ab: {  	[sflag:s20] =	ssyncset.done $0x0  }
0x3ac: {  	[sflag:s20] =	ssyncadd.s32 $0xFFFFE000  }
0x3ad: {  	[tilespmem:s13], [sflag:$0x1] =	stream.indirect.gather [hbm4b:s4+s11], $0x80, s12, s11, $0xb8;
	[tilespmem:$0x12D00] =	vst v63  }
0x3ae: {  	_ =	swait.ge [sflag:s21], $0x4000  }
0x3af: {  	v5 =	vld [tilespmem:$0x1F720]  }
0x3b0: {  	v6 =	vld [tilespmem:$0x1F730]  }
0x3b1: {  	v7 =	vld [tilespmem:$0x1F740]  }
0x3b2: {  	v8 =	vld [tilespmem:$0x1F750]  }
0x3b3: {  	v9 =	vld [tilespmem:$0x1F760]  }
0x3b4: {  	v10 =	vld [tilespmem:$0x1F770]  }
0x3b5: {  	v11 =	vld [tilespmem:$0x1F780]  }
0x3b6: {  	v12 =	vld [tilespmem:$0x1F790]  }
0x3b7: {  	v13 =	vld [tilespmem:$0x1F7A0]  }
0x3b8: {  	v15 =	vld [tilespmem:$0x1F7B0]  }
0x3b9: {  	v16 =	vld [tilespmem:$0x1F7C0]  }
0x3ba: {  	v17 =	vld [tilespmem:$0x1F7D0]  }
0x3bb: {  	v18 =	vld [tilespmem:$0x1F7E0]  }
0x3bc: {  	v19 =	vld [tilespmem:$0x1F7F0]  }
0x3bd: {  	v20 =	vld [tilespmem:$0x1F800]  }
0x3be: {  	v21 =	vld [tilespmem:$0x1F810]  }
0x3bf: {  	v22 =	vld [tilespmem:$0x1F820]  }
0x3c0: {  	v23 =	vld [tilespmem:$0x1F830]  }
0x3c1: {  	v24 =	vld [tilespmem:$0x1F840]  }
0x3c2: {  	v25 =	vld [tilespmem:$0x1F850]  }
0x3c3: {  	v26 =	vld [tilespmem:$0x1F860]  }
0x3c4: {  	v27 =	vld [tilespmem:$0x1F870]  }
0x3c5: {  	v28 =	vld [tilespmem:$0x1F880]  }
0x3c6: {  	v29 =	vld [tilespmem:$0x1F890]  }
0x3c7: {  	v46 =	vld [tilespmem:$0x1F8A0]  }
0x3c8: {  	v47 =	vld [tilespmem:$0x1F8B0]  }
0x3c9: {  	v48 =	vld [tilespmem:$0x1F8C0]  }
0x3ca: {  	[sflag:s21] =	ssyncset.done $0x0;
	v49 =	vld [tilespmem:$0x1F8D0]  }
0x3cb: {  	s1 =	simm.s32 $0x6900;
	v50 =	vld [tilespmem:$0x1F8E0];
	[sflag:s21] =	ssyncadd.s32 $0xFFFFC000  }
.LBB2_5:
0x3cc: {  	v1 =	vld [tilespmem:s1+$0x0];
	_ =	sdelay $0x2  }
0x3cd: {  	v0 =	vmov s31  }
0x3ce: {  	v0 =	vshll.u32 v0, $0x7  }
0x3cf: {  	v52 =	vmov v5;
	v0 =	vor.u32 v4, v0;
	v2 =	vadd.s32 v3, v1  }
0x3d0: {  	v53 =	vmovc v6;
	v4 =	vadd.s32 v5, v1;
	v5 =	vadd.s32 v6, v1;
	v6 =	vadd.s32 v7, v1  }
0x3d1: {  	v55 =	vmovc v8;
	v59 =	vmovc v11;
	v8 =	vadd.s32 v8, v1;
	v11 =	vadd.s32 v11, v1;
	v3 =	vand.u32 $0xFFFFFF80, v2  }
0x3d2: {  	v14 =	vadd.s32 v15, v1;
	v2 =	vand.u32 $0x7F, v2;
	v3 =	vadd.s32 v0, v3  }
0x3d3: {  	v32 =	vmovc v15;
	v15 =	vadd.s32 v17, v1;
	v2 =	vor.u32 v2, v3;
	v3 =	vand.u32 $0xFFFFFF80, v4  }
0x3d4: {  	v54 =	vmovc v7;
	v7 =	vand.u32 $0xFFFFFF80, v6;
	v4 =	vand.u32 $0x7F, v4;
	v3 =	vadd.s32 v0, v3  }
0x3d5: {  	v6 =	vand.u32 $0x7F, v6;
	v3 =	vor.u32 v4, v3;
	v4 =	vand.u32 $0xFFFFFF80, v5  }
0x3d6: {  	v7 =	vadd.s32 v0, v7;
	v5 =	vand.u32 $0x7F, v5;
	v4 =	vadd.s32 v0, v4  }
0x3d7: {  	v4 =	vor.u32 v5, v4;
	v5 =	vor.u32 v6, v7;
	v6 =	vand.u32 $0xFFFFFF80, v8  }
0x3d8: {  	v57 =	vmovc v9;
	v7 =	vand.u32 $0x7F, v8;
	v8 =	vadd.s32 v9, v1;
	v9 =	vadd.s32 v10, v1  }
0x3d9: {  	v58 =	vmovc v10;
	v34 =	vmovc v17;
	v17 =	vadd.s32 v18, v1;
	v6 =	vadd.s32 v0, v6;
	v10 =	vand.u32 $0xFFFFFF80, v9  }
0x3da: {  	v9 =	vand.u32 $0x7F, v9;
	v6 =	vor.u32 v7, v6;
	v7 =	vand.u32 $0xFFFFFF80, v8  }
0x3db: {  	v8 =	vand.u32 $0x7F, v8;
	v10 =	vadd.s32 v0, v10;
	v7 =	vadd.s32 v0, v7  }
0x3dc: {  	v7 =	vor.u32 v8, v7;
	v8 =	vor.u32 v9, v10;
	v9 =	vand.u32 $0xFFFFFF80, v11  }
0x3dd: {  	v10 =	vand.u32 $0x7F, v11;
	v11 =	vadd.s32 v12, v1;
	v9 =	vadd.s32 v0, v9  }
0x3de: {  	v60 =	vmovc v12;
	v12 =	vadd.s32 v13, v1;
	v9 =	vor.u32 v10, v9;
	v10 =	vand.u32 $0xFFFFFF80, v11  }
0x3df: {  	v31 =	vmovc v13;
	v13 =	vand.u32 $0xFFFFFF80, v12;
	v11 =	vand.u32 $0x7F, v11;
	v10 =	vadd.s32 v0, v10  }
0x3e0: {  	v12 =	vand.u32 $0x7F, v12;
	v13 =	vadd.s32 v0, v13;
	v10 =	vor.u32 v11, v10  }
0x3e1: {  	v11 =	vor.u32 v12, v13;
	v12 =	vand.u32 $0xFFFFFF80, v14;
	v13 =	vand.u32 $0x7F, v14  }
0x3e2: {  	v33 =	vmovc v16;
	v30 =	vld [tilespmem:$0x1FCC0];
	v14 =	vadd.s32 v16, v1;
	v16 =	vand.u32 $0xFFFFFF80, v15;
	v12 =	vadd.s32 v0, v12  }
0x3e3: {  	v2 =	vld.idx.msk [tilespmem:v2+s15+$0x0], $0xffff;
	v15 =	vand.u32 $0x7F, v15;
	v12 =	vor.u32 v13, v12;
	v13 =	vand.u32 $0xFFFFFF80, v14  }
0x3e4: {  	v3 =	vld.idx.msk [tilespmem:v3+s15+$0x0], $0xffff;
	v16 =	vadd.s32 v0, v16;
	v14 =	vand.u32 $0x7F, v14;
	v13 =	vadd.s32 v0, v13  }
0x3e5: {  	v4 =	vld.idx.msk [tilespmem:v4+s15+$0x0], $0xffff;
	v13 =	vor.u32 v14, v13;
	v14 =	vor.u32 v15, v16;
	v15 =	vand.u32 $0xFFFFFF80, v17  }
0x3e6: {  	v5 =	vld.idx.msk [tilespmem:v5+s15+$0x0], $0xffff;
	v16 =	vand.u32 $0x7F, v17;
	v17 =	vadd.s32 v19, v1;
	v15 =	vadd.s32 v0, v15  }
0x3e7: {  	v35 =	vmovc v18;
	v18 =	vadd.s32 v20, v1;
	v6 =	vld.idx.msk [tilespmem:v6+s15+$0x0], $0xffff;
	v15 =	vor.u32 v16, v15;
	v16 =	vand.u32 $0xFFFFFF80, v17  }
0x3e8: {  	v36 =	vmovc v19;
	v7 =	vld.idx.msk [tilespmem:v7+s15+$0x0], $0xffff;
	v19 =	vand.u32 $0xFFFFFF80, v18;
	v17 =	vand.u32 $0x7F, v17;
	v16 =	vadd.s32 v0, v16  }
0x3e9: {  	v8 =	vld.idx.msk [tilespmem:v8+s15+$0x0], $0xffff;
	v16 =	vor.u32 v17, v16;
	v17 =	vand.u32 $0x7F, v18;
	v18 =	vadd.s32 v0, v19  }
0x3ea: {  	v17 =	vor.u32 v17, v18;
	v18 =	vld [tilespmem:$0x1FFE0]  }
0x3eb: {  	v9 =	vld.idx.msk [tilespmem:v9+s15+$0x0], $0xffff  }
0x3ec: {  	v10 =	vld.idx.msk [tilespmem:v10+s15+$0x0], $0xffff  }
0x3ed: {  	v37 =	vmov v20;
	v38 =	vmov v21;
	v11 =	vld.idx.msk [tilespmem:v11+s15+$0x0], $0xffff  }
0x3ee: {  	v39 =	vmovc v22;
	v40 =	vmovc v23;
	v41 =	vmov v24;
	v20 =	vor.u32 s31, v22;
	v22 =	vor.u32 s31, v24;
	v12 =	vld.idx.msk [tilespmem:v12+s15+$0x0], $0xffff  }
0x3ef: {  	v42 =	vmovc v25;
	v43 =	vmovc v26;
	v24 =	vor.u32 s31, v26;
	v26 =	vor.u32 s31, v28;
	v13 =	vld.idx.msk [tilespmem:v13+s15+$0x0], $0xffff;
	v18 =	vor.u32 s31, v18  }
0x3f0: {  	v45 =	vmovc v28;
	v62 =	vmovc v46;
	v28 =	vor.u32 s31, v46;
	v46 =	vor.u32 s31, v48;
	v19 =	vor.u32 s31, v21;
	v14 =	vld.idx.msk [tilespmem:v14+s15+$0x0], $0xffff  }
0x3f1: {  	v44 =	vmovc v27;
	v61 =	vmovc v29;
	v21 =	vor.u32 s31, v23;
	v23 =	vor.u32 s31, v25;
	v25 =	vor.u32 s31, v27;
	v15 =	vld.idx.msk [tilespmem:v15+s15+$0x0], $0xffff  }
0x3f2: {  	v63 =	vmovc v47;
	v51 =	vmovc v49;
	v27 =	vor.u32 s31, v29;
	v29 =	vor.u32 s31, v47;
	v47 =	vadd.s32 v30, v1;
	v16 =	vld.idx.msk [tilespmem:v16+s15+$0x0], $0xffff  }
0x3f3: {  	v56 =	vmovc v50;
	v30 =	vmovc v48;
	v48 =	vor.u32 s31, v49;
	v49 =	vor.u32 s31, v50;
	v50 =	vand.u32 $0xFFFFFF80, v47;
	v17 =	vld.idx.msk [tilespmem:v17+s15+$0x0], $0xffff  }
0x3f4: {  	[tilespmem:v18+s22+$0x0] =	vst.idx.msk $0xffff, v2;
	v18 =	vadd.s32 v0, v50;
	v50 =	vld [tilespmem:$0x1F410];
	_ =	sdelay $0x4  }
0x3f5: {  	v2 =	vand.u32 $0x7F, v47;
	v47 =	vadd.s32 v50, v1  }
0x3f6: {  	[tilespmem:v19+s22+$0x0] =	vst.idx.msk $0xffff, v3;
	v2 =	vor.u32 v2, v18;
	v18 =	vand.u32 $0xFFFFFF80, v47  }
0x3f7: {  	v19 =	vld [tilespmem:$0x1F420];
	[tilespmem:v20+s22+$0x0] =	vst.idx.msk $0xffff, v4;
	v4 =	vand.u32 $0x7F, v47;
	v18 =	vadd.s32 v0, v18  }
0x3f8: {  	v4 =	vor.u32 v4, v18;
	v18 =	vld [tilespmem:$0x1F430];
	_ =	sdelay $0x1  }
0x3f9: {  	[tilespmem:v21+s22+$0x0] =	vst.idx.msk $0xffff, v5  }
0x3fa: {  	[tilespmem:v22+s22+$0x0] =	vst.idx.msk $0xffff, v6  }
0x3fb: {  	[tilespmem:v23+s22+$0x0] =	vst.idx.msk $0xffff, v7  }
0x3fc: {  	v3 =	vld [tilespmem:$0x1F8F0];
	v19 =	vadd.s32 v19, v1;
	[tilespmem:v24+s22+$0x0] =	vst.idx.msk $0xffff, v8;
	v18 =	vadd.s32 v18, v1  }
0x3fd: {  	v5 =	vand.u32 $0xFFFFFF80, v19;
	v6 =	vand.u32 $0x7F, v19;
	[tilespmem:v25+s22+$0x0] =	vst.idx.msk $0xffff, v9;
	v9 =	vld [tilespmem:$0x1F450];
	v19 =	vand.u32 $0xFFFFFF80, v18  }
0x3fe: {  	v7 =	vand.u32 $0x7F, v18;
	v18 =	vadd.s32 v0, v19;
	v19 =	vld [tilespmem:$0x1F440]  }
0x3ff: {  	[tilespmem:v26+s22+$0x0] =	vst.idx.msk $0xffff, v10;
	v10 =	vld [tilespmem:$0x1F460];
	_ =	sdelay $0x1  }
0x400: {  	v5 =	vadd.s32 v0, v5;
	[tilespmem:v27+s22+$0x0] =	vst.idx.msk $0xffff, v11  }
0x401: {  	v5 =	vor.u32 v6, v5;
	[tilespmem:v28+s22+$0x0] =	vst.idx.msk $0xffff, v12;
	v12 =	vld [tilespmem:$0x1F470]  }
0x402: {  	v3 =	vor.u32 s31, v3;
	[tilespmem:v29+s22+$0x0] =	vst.idx.msk $0xffff, v13;
	v13 =	vld [tilespmem:$0x1F490];
	v9 =	vadd.s32 v9, v1;
	v19 =	vadd.s32 v19, v1  }
0x403: {  	v10 =	vadd.s32 v10, v1;
	v6 =	vor.u32 v7, v18;
	v7 =	vand.u32 $0xFFFFFF80, v19  }
0x404: {  	v11 =	vand.u32 $0xFFFFFF80, v10;
	v8 =	vand.u32 $0x7F, v19;
	v7 =	vadd.s32 v0, v7  }
0x405: {  	v10 =	vand.u32 $0x7F, v10;
	v7 =	vor.u32 v8, v7;
	v8 =	vand.u32 $0xFFFFFF80, v9  }
0x406: {  	[tilespmem:v46+s22+$0x0] =	vst.idx.msk $0xffff, v14;
	v11 =	vadd.s32 v0, v11;
	v9 =	vand.u32 $0x7F, v9;
	v8 =	vadd.s32 v0, v8  }
0x407: {  	v12 =	vadd.s32 v12, v1;
	v13 =	vadd.s32 v13, v1;
	v8 =	vor.u32 v9, v8  }
0x408: {  	[tilespmem:v48+s22+$0x0] =	vst.idx.msk $0xffff, v15;
	v9 =	vor.u32 v10, v11;
	v10 =	vand.u32 $0xFFFFFF80, v12;
	v11 =	vand.u32 $0x7F, v12;
	v12 =	vld [tilespmem:$0x1F480]  }
0x409: {  	[tilespmem:v49+s22+$0x0] =	vst.idx.msk $0xffff, v16;
	v14 =	vand.u32 $0xFFFFFF80, v13  }
0x40a: {  	[tilespmem:v3+s22+$0x0] =	vst.idx.msk $0xffff, v17;
	v3 =	vand.u32 $0x7F, v13;
	v13 =	vadd.s32 v0, v14;
	v14 =	vld [tilespmem:$0x1F4A0];
	_ =	sdelay $0x2  }
0x40b: {  	v10 =	vadd.s32 v0, v10;
	v12 =	vadd.s32 v12, v1  }
0x40c: {  	v3 =	vor.u32 v3, v13;
	v10 =	vor.u32 v11, v10;
	v11 =	vand.u32 $0xFFFFFF80, v12  }
0x40d: {  	v15 =	vld [tilespmem:$0x1F4C0];
	v14 =	vadd.s32 v14, v1;
	v12 =	vand.u32 $0x7F, v12;
	v11 =	vadd.s32 v0, v11  }
0x40e: {  	v13 =	vand.u32 $0x7F, v14;
	v11 =	vor.u32 v12, v11;
	v12 =	vand.u32 $0xFFFFFF80, v14;
	v14 =	vld [tilespmem:$0x1F4B0]  }
0x40f: {  	v20 =	vld [tilespmem:$0x1F960]  }
0x410: {  	v21 =	vld [tilespmem:$0x1F970]  }
0x411: {  	v17 =	vld [tilespmem:$0x1F4D0]  }
0x412: {  	v22 =	vld [tilespmem:$0x1F980]  }
0x413: {  	v23 =	vld [tilespmem:$0x1F990];
	v15 =	vadd.s32 v15, v1;
	v12 =	vadd.s32 v0, v12;
	v14 =	vadd.s32 v14, v1  }
0x414: {  	v50 =	vld [tilespmem:$0x1F570];
	v16 =	vand.u32 $0xFFFFFF80, v15;
	v12 =	vor.u32 v13, v12;
	v13 =	vand.u32 $0xFFFFFF80, v14  }
0x415: {  	v24 =	vld [tilespmem:$0x1F9A0];
	v15 =	vand.u32 $0x7F, v15;
	v14 =	vand.u32 $0x7F, v14;
	v13 =	vadd.s32 v0, v13  }
0x416: {  	v2 =	vld.idx.msk [tilespmem:v2+s15+$0x0], $0xffff;
	v16 =	vadd.s32 v0, v16;
	v17 =	vadd.s32 v17, v1;
	v13 =	vor.u32 v14, v13  }
0x417: {  	v14 =	vor.u32 v15, v16;
	v15 =	vand.u32 $0xFFFFFF80, v17;
	v16 =	vand.u32 $0x7F, v17;
	v17 =	vld [tilespmem:$0x1F4F0]  }
0x418: {  	v18 =	vld [tilespmem:$0x1F510]  }
0x419: {  	v4 =	vld.idx.msk [tilespmem:v4+s15+$0x0], $0xffff  }
0x41a: {  	v5 =	vld.idx.msk [tilespmem:v5+s15+$0x0], $0xffff  }
0x41b: {  	v6 =	vld.idx.msk [tilespmem:v6+s15+$0x0], $0xffff  }
0x41c: {  	v3 =	vld.idx.msk [tilespmem:v3+s15+$0x0], $0xffff;
	v15 =	vadd.s32 v0, v15;
	v17 =	vadd.s32 v17, v1  }
0x41d: {  	v18 =	vadd.s32 v18, v1;
	v7 =	vld.idx.msk [tilespmem:v7+s15+$0x0], $0xffff;
	v15 =	vor.u32 v16, v15;
	v16 =	vand.u32 $0xFFFFFF80, v17  }
0x41e: {  	v19 =	vand.u32 $0xFFFFFF80, v18;
	v8 =	vld.idx.msk [tilespmem:v8+s15+$0x0], $0xffff;
	v17 =	vand.u32 $0x7F, v17;
	v16 =	vadd.s32 v0, v16  }
0x41f: {  	v9 =	vld.idx.msk [tilespmem:v9+s15+$0x0], $0xffff;
	v16 =	vor.u32 v17, v16;
	v17 =	vand.u32 $0x7F, v18;
	v18 =	vadd.s32 v0, v19  }
0x420: {  	v17 =	vor.u32 v17, v18;
	v18 =	vld [tilespmem:$0x1F560]  }
0x421: {  	v10 =	vld.idx.msk [tilespmem:v10+s15+$0x0], $0xffff  }
0x422: {  	v11 =	vld.idx.msk [tilespmem:v11+s15+$0x0], $0xffff  }
0x423: {  	v12 =	vld.idx.msk [tilespmem:v12+s15+$0x0], $0xffff  }
0x424: {  	v13 =	vld.idx.msk [tilespmem:v13+s15+$0x0], $0xffff  }
0x425: {  	v14 =	vld.idx.msk [tilespmem:v14+s15+$0x0], $0xffff;
	v18 =	vor.u32 s31, v18  }
0x426: {  	v19 =	vld [tilespmem:$0x1F950]  }
0x427: {  	v15 =	vld.idx.msk [tilespmem:v15+s15+$0x0], $0xffff  }
0x428: {  	v16 =	vld.idx.msk [tilespmem:v16+s15+$0x0], $0xffff  }
0x429: {  	v47 =	vadd.s32 v50, v1;
	v17 =	vld.idx.msk [tilespmem:v17+s15+$0x0], $0xffff  }
0x42a: {  	v50 =	vand.u32 $0xFFFFFF80, v47;
	[tilespmem:v18+s22+$0x0] =	vst.idx.msk $0xffff, v2;
	v2 =	vand.u32 $0x7F, v47;
	v47 =	vld [tilespmem:$0x1F590]  }
0x42b: {  	v25 =	vld [tilespmem:$0x1F9B0];
	v19 =	vor.u32 s31, v19  }
0x42c: {  	v20 =	vor.u32 s31, v20;
	v26 =	vld [tilespmem:$0x1F9C0]  }
0x42d: {  	v27 =	vld [tilespmem:$0x1F9D0]  }
0x42e: {  	v28 =	vld [tilespmem:$0x1F9E0]  }
0x42f: {  	v21 =	vor.u32 s31, v21;
	v29 =	vld [tilespmem:$0x1F9F0];
	v18 =	vadd.s32 v0, v50;
	v47 =	vadd.s32 v47, v1  }
0x430: {  	v22 =	vor.u32 s31, v22;
	v49 =	vld [tilespmem:$0x1FA00];
	[tilespmem:v19+s22+$0x0] =	vst.idx.msk $0xffff, v4;
	v2 =	vor.u32 v2, v18;
	v18 =	vand.u32 $0xFFFFFF80, v47  }
0x431: {  	v23 =	vor.u32 s31, v23;
	v19 =	vld [tilespmem:$0x1F5E0];
	[tilespmem:v20+s22+$0x0] =	vst.idx.msk $0xffff, v5;
	v5 =	vand.u32 $0x7F, v47;
	v18 =	vadd.s32 v0, v18  }
0x432: {  	v24 =	vor.u32 s31, v24;
	v5 =	vor.u32 v5, v18;
	v18 =	vld [tilespmem:$0x1F5F0]  }
0x433: {  	v25 =	vor.u32 s31, v25  }
0x434: {  	[tilespmem:v21+s22+$0x0] =	vst.idx.msk $0xffff, v6  }
0x435: {  	v26 =	vor.u32 s31, v26;
	v48 =	vld [tilespmem:$0x1FA10];
	[tilespmem:v22+s22+$0x0] =	vst.idx.msk $0xffff, v7  }
0x436: {  	v27 =	vor.u32 s31, v27;
	v28 =	vor.u32 s31, v28;
	v46 =	vor.u32 s31, v49;
	v49 =	vld [tilespmem:$0x1FA20];
	[tilespmem:v23+s22+$0x0] =	vst.idx.msk $0xffff, v8  }
0x437: {  	v29 =	vor.u32 s31, v29;
	v4 =	vld [tilespmem:$0x1FD80];
	v19 =	vadd.s32 v19, v1;
	[tilespmem:v24+s22+$0x0] =	vst.idx.msk $0xffff, v9;
	v18 =	vadd.s32 v18, v1  }
0x438: {  	v6 =	vand.u32 $0xFFFFFF80, v19;
	v7 =	vand.u32 $0x7F, v19;
	[tilespmem:v25+s22+$0x0] =	vst.idx.msk $0xffff, v10;
	v10 =	vld [tilespmem:$0x1F610];
	v19 =	vand.u32 $0xFFFFFF80, v18  }
0x439: {  	v8 =	vand.u32 $0x7F, v18;
	v18 =	vadd.s32 v0, v19;
	v19 =	vld [tilespmem:$0x1F600]  }
0x43a: {  	[tilespmem:v26+s22+$0x0] =	vst.idx.msk $0xffff, v11;
	v11 =	vld [tilespmem:$0x1F620]  }
0x43b: {  	[tilespmem:v27+s22+$0x0] =	vst.idx.msk $0xffff, v3  }
0x43c: {  	v48 =	vor.u32 s31, v48;
	[tilespmem:v28+s22+$0x0] =	vst.idx.msk $0xffff, v12;
	v12 =	vld [tilespmem:$0x1F630]  }
0x43d: {  	v49 =	vor.u32 s31, v49;
	v4 =	vor.u32 s31, v4;
	v6 =	vadd.s32 v0, v6;
	[tilespmem:v29+s22+$0x0] =	vst.idx.msk $0xffff, v13;
	v13 =	vld [tilespmem:$0x1F650]  }
0x43e: {  	v6 =	vor.u32 v7, v6;
	v10 =	vadd.s32 v10, v1;
	v19 =	vadd.s32 v19, v1  }
0x43f: {  	v11 =	vadd.s32 v11, v1;
	v7 =	vor.u32 v8, v18;
	v8 =	vand.u32 $0xFFFFFF80, v19  }
0x440: {  	v3 =	vand.u32 $0x7F, v10;
	v9 =	vand.u32 $0x7F, v19;
	v8 =	vadd.s32 v0, v8  }
0x441: {  	v12 =	vadd.s32 v12, v1;
	v8 =	vor.u32 v9, v8;
	v9 =	vand.u32 $0xFFFFFF80, v10  }
0x442: {  	v13 =	vadd.s32 v13, v1;
	v10 =	vand.u32 $0xFFFFFF80, v11;
	v9 =	vadd.s32 v0, v9  }
0x443: {  	[tilespmem:v46+s22+$0x0] =	vst.idx.msk $0xffff, v14;
	v11 =	vand.u32 $0x7F, v11;
	v10 =	vadd.s32 v0, v10;
	v3 =	vor.u32 v3, v9  }
0x444: {  	[tilespmem:v48+s22+$0x0] =	vst.idx.msk $0xffff, v15;
	v9 =	vor.u32 v11, v10;
	v10 =	vand.u32 $0xFFFFFF80, v12;
	v11 =	vand.u32 $0x7F, v12;
	v12 =	vld [tilespmem:$0x1F640]  }
0x445: {  	[tilespmem:v49+s22+$0x0] =	vst.idx.msk $0xffff, v16;
	v14 =	vand.u32 $0xFFFFFF80, v13  }
0x446: {  	[tilespmem:v4+s22+$0x0] =	vst.idx.msk $0xffff, v17;
	v4 =	vand.u32 $0x7F, v13;
	v13 =	vadd.s32 v0, v14;
	v14 =	vld [tilespmem:$0x1F660];
	_ =	sdelay $0x2  }
0x447: {  	v10 =	vadd.s32 v0, v10;
	v12 =	vadd.s32 v12, v1  }
0x448: {  	v4 =	vor.u32 v4, v13;
	v10 =	vor.u32 v11, v10;
	v11 =	vand.u32 $0xFFFFFF80, v12  }
0x449: {  	v15 =	vld [tilespmem:$0x1F3F0];
	v14 =	vadd.s32 v14, v1;
	v12 =	vand.u32 $0x7F, v12;
	v11 =	vadd.s32 v0, v11  }
0x44a: {  	v13 =	vand.u32 $0x7F, v14;
	v11 =	vor.u32 v12, v11;
	v12 =	vand.u32 $0xFFFFFF80, v14;
	v14 =	vld [tilespmem:$0x1F400]  }
0x44b: {  	v20 =	vld [tilespmem:$0x1FA40]  }
0x44c: {  	v21 =	vld [tilespmem:$0x1FA50]  }
0x44d: {  	v17 =	vld [tilespmem:$0x1F3E0]  }
0x44e: {  	v22 =	vld [tilespmem:$0x1FA60]  }
0x44f: {  	v23 =	vld [tilespmem:$0x1FA70];
	v15 =	vadd.s32 v15, v1;
	v12 =	vadd.s32 v0, v12;
	v14 =	vadd.s32 v14, v1  }
0x450: {  	v28 =	vld [tilespmem:$0x1F3B0];
	v16 =	vand.u32 $0xFFFFFF80, v15;
	v12 =	vor.u32 v13, v12;
	v13 =	vand.u32 $0xFFFFFF80, v14  }
0x451: {  	v48 =	vld [tilespmem:$0x1FAD0];
	v15 =	vand.u32 $0x7F, v15;
	v14 =	vand.u32 $0x7F, v14;
	v13 =	vadd.s32 v0, v13  }
0x452: {  	v2 =	vld.idx.msk [tilespmem:v2+s15+$0x0], $0xffff;
	v16 =	vadd.s32 v0, v16;
	v17 =	vadd.s32 v17, v1;
	v13 =	vor.u32 v14, v13  }
0x453: {  	v14 =	vor.u32 v15, v16;
	v15 =	vand.u32 $0xFFFFFF80, v17;
	v16 =	vand.u32 $0x7F, v17;
	v17 =	vld [tilespmem:$0x1F3D0]  }
0x454: {  	v18 =	vld [tilespmem:$0x1F3C0]  }
0x455: {  	v28 =	vadd.s32 v28, v1;
	v5 =	vld.idx.msk [tilespmem:v5+s15+$0x0], $0xffff  }
0x456: {  	v6 =	vld.idx.msk [tilespmem:v6+s15+$0x0], $0xffff;
	v46 =	vor.u32 s31, v48;
	v48 =	vand.u32 $0xFFFFFF80, v28  }
0x457: {  	v47 =	vadd.s32 v0, v48;
	v48 =	vld [tilespmem:$0x1F3A0]  }
0x458: {  	v7 =	vld.idx.msk [tilespmem:v7+s15+$0x0], $0xffff;
	v15 =	vadd.s32 v0, v15;
	v17 =	vadd.s32 v17, v1  }
0x459: {  	v18 =	vadd.s32 v18, v1;
	v4 =	vld.idx.msk [tilespmem:v4+s15+$0x0], $0xffff;
	v15 =	vor.u32 v16, v15;
	v16 =	vand.u32 $0xFFFFFF80, v17  }
0x45a: {  	v19 =	vand.u32 $0xFFFFFF80, v18;
	v8 =	vld.idx.msk [tilespmem:v8+s15+$0x0], $0xffff;
	v17 =	vand.u32 $0x7F, v17;
	v16 =	vadd.s32 v0, v16  }
0x45b: {  	v3 =	vld.idx.msk [tilespmem:v3+s15+$0x0], $0xffff;
	v16 =	vor.u32 v17, v16;
	v17 =	vand.u32 $0x7F, v18;
	v18 =	vadd.s32 v0, v19  }
0x45c: {  	v17 =	vor.u32 v17, v18;
	v18 =	vld [tilespmem:$0x1F370]  }
0x45d: {  	v19 =	vld [tilespmem:$0x1FA30]  }
0x45e: {  	v9 =	vld.idx.msk [tilespmem:v9+s15+$0x0], $0xffff  }
0x45f: {  	v10 =	vld.idx.msk [tilespmem:v10+s15+$0x0], $0xffff  }
0x460: {  	v11 =	vld.idx.msk [tilespmem:v11+s15+$0x0], $0xffff  }
0x461: {  	v12 =	vld.idx.msk [tilespmem:v12+s15+$0x0], $0xffff;
	v18 =	vor.u32 s31, v18  }
0x462: {  	v13 =	vld.idx.msk [tilespmem:v13+s15+$0x0], $0xffff;
	v19 =	vor.u32 s31, v19  }
0x463: {  	v14 =	vld.idx.msk [tilespmem:v14+s15+$0x0], $0xffff  }
0x464: {  	v20 =	vor.u32 s31, v20;
	v15 =	vld.idx.msk [tilespmem:v15+s15+$0x0], $0xffff  }
0x465: {  	v28 =	vand.u32 $0x7F, v28;
	v48 =	vadd.s32 v48, v1;
	v16 =	vld.idx.msk [tilespmem:v16+s15+$0x0], $0xffff  }
0x466: {  	v17 =	vld.idx.msk [tilespmem:v17+s15+$0x0], $0xffff;
	[tilespmem:v18+s22+$0x0] =	vst.idx.msk $0xffff, v2;
	v18 =	vor.u32 v28, v47;
	v28 =	vand.u32 $0xFFFFFF80, v48  }
0x467: {  	[tilespmem:v19+s22+$0x0] =	vst.idx.msk $0xffff, v5;
	v19 =	vadd.s32 v0, v28;
	v28 =	vld [tilespmem:$0x1F390]  }
0x468: {  	v21 =	vor.u32 s31, v21  }
0x469: {  	v22 =	vor.u32 s31, v22;
	[tilespmem:v20+s22+$0x0] =	vst.idx.msk $0xffff, v6;
	v20 =	vld [tilespmem:$0x1F380]  }
0x46a: {  	v23 =	vor.u32 s31, v23  }
0x46b: {  	v24 =	vld [tilespmem:$0x1FA80]  }
0x46c: {  	v25 =	vld [tilespmem:$0x1FA90];
	v5 =	vand.u32 $0x7F, v48;
	v28 =	vadd.s32 v28, v1  }
0x46d: {  	v5 =	vor.u32 v5, v19;
	[tilespmem:v21+s22+$0x0] =	vst.idx.msk $0xffff, v7;
	v19 =	vand.u32 $0xFFFFFF80, v28  }
0x46e: {  	[tilespmem:v22+s22+$0x0] =	vst.idx.msk $0xffff, v8;
	v7 =	vand.u32 $0x7F, v28;
	v20 =	vadd.s32 v20, v1;
	v19 =	vadd.s32 v0, v19  }
0x46f: {  	[tilespmem:v23+s22+$0x0] =	vst.idx.msk $0xffff, v3;
	v3 =	vand.u32 $0x7F, v20;
	v7 =	vor.u32 v7, v19;
	v19 =	vand.u32 $0xFFFFFF80, v20;
	v20 =	vld [tilespmem:$0x1F360]  }
0x470: {  	v24 =	vor.u32 s31, v24  }
0x471: {  	v25 =	vor.u32 s31, v25  }
0x472: {  	v26 =	vld [tilespmem:$0x1FAA0]  }
0x473: {  	v27 =	vld [tilespmem:$0x1FAB0]  }
0x474: {  	v29 =	vld [tilespmem:$0x1FAC0];
	v19 =	vadd.s32 v0, v19;
	v20 =	vadd.s32 v20, v1  }
0x475: {  	[tilespmem:v24+s22+$0x0] =	vst.idx.msk $0xffff, v9;
	v3 =	vor.u32 v3, v19;
	v19 =	vand.u32 $0xFFFFFF80, v20  }
0x476: {  	[tilespmem:v25+s22+$0x0] =	vst.idx.msk $0xffff, v10;
	v10 =	vand.u32 $0x7F, v20;
	v20 =	vld [tilespmem:$0x1F350];
	v19 =	vadd.s32 v0, v19  }
0x477: {  	v26 =	vor.u32 s31, v26;
	v10 =	vor.u32 v10, v19;
	v19 =	vld [tilespmem:$0x1F340]  }
0x478: {  	v27 =	vor.u32 s31, v27  }
0x479: {  	v29 =	vor.u32 s31, v29;
	_ =	sdelay $0x1  }
0x47a: {  	v2 =	vld [tilespmem:$0x1FAE0]  }
0x47b: {  	[tilespmem:v26+s22+$0x0] =	vst.idx.msk $0xffff, v11;
	v20 =	vadd.s32 v20, v1;
	v19 =	vadd.s32 v19, v1  }
0x47c: {  	[tilespmem:v27+s22+$0x0] =	vst.idx.msk $0xffff, v4;
	v11 =	vand.u32 $0xFFFFFF80, v20;
	v4 =	vand.u32 $0x7F, v20;
	v20 =	vand.u32 $0xFFFFFF80, v19  }
0x47d: {  	[tilespmem:v29+s22+$0x0] =	vst.idx.msk $0xffff, v12;
	v12 =	vand.u32 $0x7F, v19;
	v19 =	vadd.s32 v0, v20;
	v20 =	vld [tilespmem:$0x1F330];
	_ =	sdelay $0x1  }
0x47e: {  	v2 =	vor.u32 s31, v2  }
0x47f: {  	v6 =	vld [tilespmem:$0x1FAF0]  }
0x480: {  	v8 =	vld [tilespmem:$0x1FB00]  }
0x481: {  	v9 =	vld [tilespmem:$0x1FB10];
	v11 =	vadd.s32 v0, v11;
	v20 =	vadd.s32 v20, v1  }
0x482: {  	[tilespmem:v46+s22+$0x0] =	vst.idx.msk $0xffff, v13;
	v4 =	vor.u32 v4, v11;
	v11 =	vor.u32 v12, v19;
	v12 =	vand.u32 $0xFFFFFF80, v20  }
0x483: {  	v13 =	vld [tilespmem:$0x1F320];
	[tilespmem:v2+s22+$0x0] =	vst.idx.msk $0xffff, v14;
	v2 =	vand.u32 $0x7F, v20;
	v12 =	vadd.s32 v0, v12  }
0x484: {  	v6 =	vor.u32 s31, v6;
	v2 =	vor.u32 v2, v12;
	v12 =	vld [tilespmem:$0x1F310]  }
0x485: {  	v8 =	vor.u32 s31, v8  }
0x486: {  	v9 =	vor.u32 s31, v9;
	_ =	sdelay $0x2  }
0x487: {  	[tilespmem:v6+s22+$0x0] =	vst.idx.msk $0xffff, v15;
	v13 =	vadd.s32 v13, v1;
	v12 =	vadd.s32 v12, v1  }
0x488: {  	[tilespmem:v8+s22+$0x0] =	vst.idx.msk $0xffff, v16;
	v6 =	vand.u32 $0xFFFFFF80, v13;
	v8 =	vand.u32 $0x7F, v13;
	v13 =	vand.u32 $0xFFFFFF80, v12  }
0x489: {  	[tilespmem:v9+s22+$0x0] =	vst.idx.msk $0xffff, v17;
	v9 =	vand.u32 $0x7F, v12;
	v12 =	vadd.s32 v0, v13;
	v13 =	vld [tilespmem:$0x1F300];
	_ =	sdelay $0x3  }
0x48a: {  	v6 =	vadd.s32 v0, v6  }
0x48b: {  	v15 =	vld [tilespmem:$0x1F2E0];
	v6 =	vor.u32 v8, v6;
	v13 =	vadd.s32 v13, v1  }
0x48c: {  	v8 =	vor.u32 v9, v12;
	v9 =	vand.u32 $0xFFFFFF80, v13;
	v12 =	vand.u32 $0x7F, v13;
	v13 =	vld [tilespmem:$0x1F2F0];
	_ =	sdelay $0x2  }
0x48d: {  	v17 =	vld [tilespmem:$0x1F2D0];
	_ =	sdelay $0x1  }
0x48e: {  	v14 =	vld.idx.msk [tilespmem:v18+s15+$0x0], $0xffff;
	v15 =	vadd.s32 v15, v1;
	v9 =	vadd.s32 v0, v9;
	v13 =	vadd.s32 v13, v1  }
0x48f: {  	v5 =	vld.idx.msk [tilespmem:v5+s15+$0x0], $0xffff;
	v16 =	vand.u32 $0xFFFFFF80, v15;
	v9 =	vor.u32 v12, v9;
	v12 =	vand.u32 $0xFFFFFF80, v13  }
0x490: {  	v7 =	vld.idx.msk [tilespmem:v7+s15+$0x0], $0xffff;
	v15 =	vand.u32 $0x7F, v15;
	v13 =	vand.u32 $0x7F, v13;
	v12 =	vadd.s32 v0, v12  }
0x491: {  	v18 =	vld [tilespmem:$0x1F2B0];
	v16 =	vadd.s32 v0, v16;
	v17 =	vadd.s32 v17, v1;
	v12 =	vor.u32 v13, v12  }
0x492: {  	v13 =	vor.u32 v15, v16;
	v15 =	vand.u32 $0xFFFFFF80, v17;
	v16 =	vand.u32 $0x7F, v17;
	v17 =	vld [tilespmem:$0x1F2C0]  }
0x493: {  	v3 =	vld.idx.msk [tilespmem:v3+s15+$0x0], $0xffff  }
0x494: {  	v10 =	vld.idx.msk [tilespmem:v10+s15+$0x0], $0xffff  }
0x495: {  	v6 =	vld.idx.msk [tilespmem:v6+s15+$0x0], $0xffff  }
0x496: {  	v19 =	vld [tilespmem:$0x1FB40]  }
0x497: {  	v4 =	vld.idx.msk [tilespmem:v4+s15+$0x0], $0xffff;
	v15 =	vadd.s32 v0, v15;
	v17 =	vadd.s32 v17, v1;
	v1 =	vadd.s32 v18, v1  }
0x498: {  	v11 =	vld.idx.msk [tilespmem:v11+s15+$0x0], $0xffff;
	v15 =	vor.u32 v16, v15;
	v16 =	vand.u32 $0xFFFFFF80, v17;
	v18 =	vand.u32 $0xFFFFFF80, v1  }
0x499: {  	v20 =	vld [tilespmem:$0x1FB50];
	v1 =	vand.u32 $0x7F, v1;
	v16 =	vadd.s32 v0, v16;
	v0 =	vadd.s32 v0, v18  }
0x49a: {  	v0 =	vor.u32 v1, v0;
	v1 =	vld.idx.msk [tilespmem:v12+s15+$0x0], $0xffff  }
0x49b: {  	v12 =	vld [tilespmem:$0x1F2A0]  }
0x49c: {  	v2 =	vld.idx.msk [tilespmem:v2+s15+$0x0], $0xffff  }
0x49d: {  	v8 =	vld.idx.msk [tilespmem:v8+s15+$0x0], $0xffff;
	v17 =	vand.u32 $0x7F, v17  }
0x49e: {  	v9 =	vld.idx.msk [tilespmem:v9+s15+$0x0], $0xffff;
	v16 =	vor.u32 v17, v16  }
0x49f: {  	v13 =	vld.idx.msk [tilespmem:v13+s15+$0x0], $0xffff  }
0x4a0: {  	v15 =	vld.idx.msk [tilespmem:v15+s15+$0x0], $0xffff;
	v12 =	vor.u32 s31, v12  }
0x4a1: {  	v17 =	vld [tilespmem:$0x1FB20]  }
0x4a2: {  	v18 =	vld [tilespmem:$0x1FB30]  }
0x4a3: {  	v16 =	vld.idx.msk [tilespmem:v16+s15+$0x0], $0xffff  }
0x4a4: {  	v0 =	vld.idx.msk [tilespmem:v0+s15+$0x0], $0xffff  }
0x4a5: {  	[tilespmem:v12+s22+$0x0] =	vst.idx.msk $0xffff, v14;
	v14 =	vld [tilespmem:$0x1FFF0]  }
0x4a6: {  	v17 =	vor.u32 s31, v17  }
0x4a7: {  	v18 =	vor.u32 s31, v18  }
0x4a8: {  	v19 =	vor.u32 s31, v19  }
0x4a9: {  	v20 =	vor.u32 s31, v20  }
0x4aa: {  	v12 =	vor.u32 s31, v14  }
0x4ab: {  	[tilespmem:v17+s22+$0x0] =	vst.idx.msk $0xffff, v5;
	v5 =	vld [tilespmem:$0x1FDD0]  }
0x4ac: {  	[tilespmem:v18+s22+$0x0] =	vst.idx.msk $0xffff, v7;
	v7 =	vld [tilespmem:$0x1FDE0]  }
0x4ad: {  	[tilespmem:v19+s22+$0x0] =	vst.idx.msk $0xffff, v3;
	v3 =	vld [tilespmem:$0x1FDF0]  }
0x4ae: {  	[tilespmem:v20+s22+$0x0] =	vst.idx.msk $0xffff, v10;
	v10 =	vld [tilespmem:$0x1FE00]  }
0x4af: {  	[tilespmem:v12+s22+$0x0] =	vst.idx.msk $0xffff, v4;
	v4 =	vld [tilespmem:$0x1FE10]  }
0x4b0: {  	v5 =	vor.u32 s31, v5  }
0x4b1: {  	v7 =	vor.u32 s31, v7  }
0x4b2: {  	v3 =	vor.u32 s31, v3  }
0x4b3: {  	v10 =	vor.u32 s31, v10  }
0x4b4: {  	v4 =	vor.u32 s31, v4  }
0x4b5: {  	[tilespmem:v5+s22+$0x0] =	vst.idx.msk $0xffff, v11;
	v5 =	vld [tilespmem:$0x1FE20]  }
0x4b6: {  	[tilespmem:v7+s22+$0x0] =	vst.idx.msk $0xffff, v2;
	v2 =	vld [tilespmem:$0x1FE30]  }
0x4b7: {  	[tilespmem:v3+s22+$0x0] =	vst.idx.msk $0xffff, v6;
	v3 =	vld [tilespmem:$0x1FE40]  }
0x4b8: {  	v6 =	vld [tilespmem:$0x1FE50];
	[tilespmem:v10+s22+$0x0] =	vst.idx.msk $0xffff, v8  }
0x4b9: {  	[tilespmem:v4+s22+$0x0] =	vst.idx.msk $0xffff, v9;
	v4 =	vld [tilespmem:$0x1FE60]  }
0x4ba: {  	v5 =	vor.u32 s31, v5  }
0x4bb: {  	v2 =	vor.u32 s31, v2  }
0x4bc: {  	v3 =	vor.u32 s31, v3  }
0x4bd: {  	v50 =	vmov v56;
	v6 =	vor.u32 s31, v6  }
0x4be: {  	p0 =	sne.s32 s31, $0x70;
	v49 =	vmovc v51;
	v47 =	vmovc v63;
	v48 =	vmov v30;
	v21 =	vmov v38;
	v4 =	vor.u32 s31, v4  }
.Ltmp1:
0x4bf: {  	v22 =	vmovc v39;
	v23 =	vmovc v40;
	v24 =	vmov v41;
	v25 =	vmov v42;
	v26 =	vmov v43;
	[tilespmem:v5+s22+$0x0] =	vst.idx.msk $0xffff, v1;
	(pc) =	sbr.rel @p0 .LBB2_5-.Ltmp1, $4  }
0x4c0: {  	v28 =	vmovc v45;
	v27 =	vmovc v44;
	v29 =	vmov v61;
	v46 =	vmov v62;
	v17 =	vmov v34;
	[tilespmem:v2+s22+$0x0] =	vst.idx.msk $0xffff, v13  }
0x4c1: {  	v18 =	vmovc v35;
	v19 =	vmovc v36;
	v20 =	vmov v37;
	v12 =	vmov v60;
	v11 =	vmov v59;
	[tilespmem:v3+s22+$0x0] =	vst.idx.msk $0xffff, v15  }
0x4c2: {  	v7 =	vmovc v54;
	v10 =	vmovc v58;
	v8 =	vmov v55;
	v9 =	vmov v57;
	v5 =	vmov v52;
	[tilespmem:v6+s22+$0x0] =	vst.idx.msk $0xffff, v16  }
0x4c3: {  	s1 =	sadd.s32 $0x80, s1;
	v13 =	vmovc v31;
	v15 =	vmovc v32;
	v3 =	vlaneseq.u32;
	v16 =	vmov v33;
	v6 =	vmov v53;
	s31 =	sadd.s32 $0x10, s31;
	[tilespmem:v4+s22+$0x0] =	vst.idx.msk $0xffff, v0;
	v4 =	vld [tilespmem:$0x1FFD0]  }
0x4c4: {  	s1 =	sadd.s32 $0xFFFFFFFF, s30;
	s30 =	sor.u32 $0x1, s30  }
0x4c5: {  	s0 =	smulhi.u32 $0x51EB851F, s30  }
0x4c6: {  	s31 =	smulhi.u32 $0x51EB851F, s1  }
0x4c7: {  	v0 =	vld [tilespmem:$0x1FCA0];
	s0 =	sshrl.u32 s0, $0x4  }
0x4c8: {  	s31 =	sshrl.u32 s31, $0x4;
	s0 =	smul.u32 $0x32, s0  }
0x4c9: {  	s8 =	sshra.s32 s1, $0x1F;
	s5 =	smul.u32 $0x32, s31  }
0x4ca: {  	s8 =	sadd.s32 s7, s8;
	s0 =	ssub.s32 s30, s0  }
0x4cb: {  	s31 =	sadd.s32 s31, s8;
	s1 =	ssub.s32 s1, s5;
	s0 =	sor.u32 s0, s29  }
0x4cc: {  	s5 =	sshll.u32 s31, $0xA;
	s1 =	sshll.u32 s1, $0x14;
	v0 =	vadd.s32 s0, v0  }
0x4cd: {  	s1 =	sadd.s32 s5, s1  }
0x4ce: {  	s1 =	sshrl.u32 s1, $0x3  }
0x4cf: {  	v1 =	vld [tilespmem:$0x1FBC0];
	s29 =	simm.s32 $0x0;
	s1 =	sadd.s32 s2, s1  }
0x4d0: {  	[hbm4b:s1+s18] =	stream.strided.scatter [tilespmem:s22], [sflag:$0x4], $0x2000, s19, s18, $0x38;
	[tilespmem:$0x12D00] =	vst v63  }
0x4d1: {  	v0 =	vld.idx.msk [tilespmem:v0+s29+$0x0], $0xffff;
	_ =	sdelay $0x2  }
0x4d2: {  	v1 =	vadd.s32 s0, v1;
	_ =	sdelay $0x1  }
0x4d3: {  	v2 =	vshrl.u32 v0, $0x1;
	v0 =	vshll.u32 v0, $0x6  }
0x4d4: {  	[tilespmem:$0x6480] =	vst v2;
	v0 =	vand.u32 $0x40, v0  }
0x4d5: {  	[tilespmem:$0x6900] =	vst v0  }
0x4d6: {  	v0 =	vld.idx.msk [tilespmem:v1+s29+$0x0], $0xffff  }
0x4d7: {  	v1 =	vld [tilespmem:$0x1FBD0];
	_ =	sdelay $0x4  }
0x4d8: {  	v1 =	vadd.s32 s0, v1;
	_ =	sdelay $0x1  }
0x4d9: {  	v2 =	vshrl.u32 v0, $0x1;
	v0 =	vshll.u32 v0, $0x6  }
0x4da: {  	[tilespmem:$0x6490] =	vst v2;
	v0 =	vand.u32 $0x40, v0  }
0x4db: {  	[tilespmem:$0x6980] =	vst v0  }
0x4dc: {  	v0 =	vld.idx.msk [tilespmem:v1+s29+$0x0], $0xffff  }
0x4dd: {  	v1 =	vld [tilespmem:$0x1FBE0];
	_ =	sdelay $0x4  }
0x4de: {  	v1 =	vadd.s32 s0, v1;
	_ =	sdelay $0x1  }
0x4df: {  	v2 =	vshrl.u32 v0, $0x1;
	v0 =	vshll.u32 v0, $0x6  }
0x4e0: {  	[tilespmem:$0x64A0] =	vst v2;
	v0 =	vand.u32 $0x40, v0  }
0x4e1: {  	[tilespmem:$0x6A00] =	vst v0  }
0x4e2: {  	v0 =	vld.idx.msk [tilespmem:v1+s29+$0x0], $0xffff  }
0x4e3: {  	v1 =	vld [tilespmem:$0x1FBF0];
	_ =	sdelay $0x4  }
0x4e4: {  	v1 =	vadd.s32 s0, v1;
	_ =	sdelay $0x1  }
0x4e5: {  	v2 =	vshrl.u32 v0, $0x1;
	v0 =	vshll.u32 v0, $0x6  }
0x4e6: {  	[tilespmem:$0x64B0] =	vst v2;
	v0 =	vand.u32 $0x40, v0  }
0x4e7: {  	[tilespmem:$0x6A80] =	vst v0  }
0x4e8: {  	v0 =	vld.idx.msk [tilespmem:v1+s29+$0x0], $0xffff  }
0x4e9: {  	v1 =	vld [tilespmem:$0x1FC00];
	_ =	sdelay $0x4  }
0x4ea: {  	v1 =	vadd.s32 s0, v1;
	_ =	sdelay $0x1  }
0x4eb: {  	v2 =	vshrl.u32 v0, $0x1;
	v0 =	vshll.u32 v0, $0x6  }
0x4ec: {  	[tilespmem:$0x64C0] =	vst v2;
	v0 =	vand.u32 $0x40, v0  }
0x4ed: {  	[tilespmem:$0x6B00] =	vst v0  }
0x4ee: {  	v0 =	vld.idx.msk [tilespmem:v1+s29+$0x0], $0xffff  }
0x4ef: {  	v1 =	vld [tilespmem:$0x1FC10];
	_ =	sdelay $0x4  }
0x4f0: {  	v1 =	vadd.s32 s0, v1;
	_ =	sdelay $0x1  }
0x4f1: {  	v2 =	vshrl.u32 v0, $0x1;
	v0 =	vshll.u32 v0, $0x6  }
0x4f2: {  	[tilespmem:$0x64D0] =	vst v2;
	v0 =	vand.u32 $0x40, v0  }
0x4f3: {  	[tilespmem:$0x6B80] =	vst v0  }
0x4f4: {  	v0 =	vld.idx.msk [tilespmem:v1+s29+$0x0], $0xffff  }
0x4f5: {  	v1 =	vld [tilespmem:$0x1FC20];
	_ =	sdelay $0x4  }
0x4f6: {  	v1 =	vadd.s32 s0, v1;
	_ =	sdelay $0x1  }
0x4f7: {  	v2 =	vshrl.u32 v0, $0x1;
	v0 =	vshll.u32 v0, $0x6  }
0x4f8: {  	[tilespmem:$0x64E0] =	vst v2;
	v0 =	vand.u32 $0x40, v0  }
0x4f9: {  	[tilespmem:$0x6C00] =	vst v0  }
0x4fa: {  	v0 =	vld.idx.msk [tilespmem:v1+s29+$0x0], $0xffff;
	_ =	sdelay $0x4  }
0x4fb: {  	v1 =	vshrl.u32 v0, $0x1;
	v0 =	vshll.u32 v0, $0x6  }
0x4fc: {  	[tilespmem:$0x64F0] =	vst v1;
	v0 =	vand.u32 $0x40, v0  }
0x4fd: {  	[tilespmem:$0x6C80] =	vst v0  }
0x4fe: {  	_ =	swait.ge [sflag:s23], $0x2000  }
0x4ff: {  	[sflag:s23] =	ssyncset.done $0x0  }
0x500: {  	[sflag:s23] =	ssyncadd.s32 $0xFFFFE000  }
0x501: {  	[tilespmem:s15], [sflag:$0x2] =	stream.indirect.gather [hbm4b:s4+s11], $0x80, s14, s11, $0xb8;
	[tilespmem:$0x12D00] =	vst v63  }
0x502: {  	_ =	swait.ge [sflag:s16], $0x4000  }
0x503: {  	[sflag:s16] =	ssyncset.done $0x0  }
0x504: {  	s1 =	simm.s32 $0x6500;
	[sflag:s16] =	ssyncadd.s32 $0xFFFFC000  }
.LBB2_7:
0x505: {  	v1 =	vld [tilespmem:s1+$0x0];
	_ =	sdelay $0x2  }
0x506: {  	v0 =	vmov s29  }
0x507: {  	v0 =	vshll.u32 v0, $0x7  }
0x508: {  	v0 =	vor.u32 v4, v0;
	v2 =	vadd.s32 v3, v1;
	v4 =	vadd.s32 v5, v1  }
0x509: {  	v5 =	vadd.s32 v6, v1;
	v6 =	vadd.s32 v7, v1;
	v8 =	vadd.s32 v55, v1  }
0x50a: {  	v11 =	vadd.s32 v59, v1;
	v14 =	vadd.s32 v15, v1;
	v15 =	vadd.s32 v17, v1  }
0x50b: {  	v17 =	vadd.s32 v18, v1;
	v18 =	vadd.s32 v20, v1;
	v20 =	vor.u32 s29, v22  }
0x50c: {  	v22 =	vor.u32 s29, v24;
	v24 =	vor.u32 s29, v26;
	v3 =	vand.u32 $0xFFFFFF80, v2  }
0x50d: {  	v26 =	vor.u32 s29, v28;
	v2 =	vand.u32 $0x7F, v2;
	v3 =	vadd.s32 v0, v3  }
0x50e: {  	v28 =	vor.u32 s29, v46;
	v2 =	vor.u32 v2, v3;
	v3 =	vand.u32 $0xFFFFFF80, v4  }
0x50f: {  	v7 =	vand.u32 $0xFFFFFF80, v6;
	v4 =	vand.u32 $0x7F, v4;
	v3 =	vadd.s32 v0, v3  }
0x510: {  	v6 =	vand.u32 $0x7F, v6;
	v3 =	vor.u32 v4, v3;
	v4 =	vand.u32 $0xFFFFFF80, v5  }
0x511: {  	v7 =	vadd.s32 v0, v7;
	v5 =	vand.u32 $0x7F, v5;
	v4 =	vadd.s32 v0, v4  }
0x512: {  	v4 =	vor.u32 v5, v4;
	v5 =	vor.u32 v6, v7;
	v6 =	vand.u32 $0xFFFFFF80, v8  }
0x513: {  	v7 =	vand.u32 $0x7F, v8;
	v8 =	vadd.s32 v9, v1;
	v9 =	vadd.s32 v10, v1  }
0x514: {  	v46 =	vor.u32 s29, v48;
	v6 =	vadd.s32 v0, v6;
	v10 =	vand.u32 $0xFFFFFF80, v9  }
0x515: {  	v9 =	vand.u32 $0x7F, v9;
	v6 =	vor.u32 v7, v6;
	v7 =	vand.u32 $0xFFFFFF80, v8  }
0x516: {  	v8 =	vand.u32 $0x7F, v8;
	v10 =	vadd.s32 v0, v10;
	v7 =	vadd.s32 v0, v7  }
0x517: {  	v7 =	vor.u32 v8, v7;
	v8 =	vor.u32 v9, v10;
	v9 =	vand.u32 $0xFFFFFF80, v11  }
0x518: {  	v10 =	vand.u32 $0x7F, v11;
	v11 =	vadd.s32 v12, v1;
	v9 =	vadd.s32 v0, v9  }
0x519: {  	v12 =	vadd.s32 v13, v1;
	v9 =	vor.u32 v10, v9;
	v10 =	vand.u32 $0xFFFFFF80, v11  }
0x51a: {  	v13 =	vand.u32 $0xFFFFFF80, v12;
	v11 =	vand.u32 $0x7F, v11;
	v10 =	vadd.s32 v0, v10  }
0x51b: {  	v12 =	vand.u32 $0x7F, v12;
	v13 =	vadd.s32 v0, v13;
	v10 =	vor.u32 v11, v10  }
0x51c: {  	v11 =	vor.u32 v12, v13;
	v12 =	vand.u32 $0xFFFFFF80, v14;
	v13 =	vand.u32 $0x7F, v14  }
0x51d: {  	v48 =	vld [tilespmem:$0x1FCC0];
	v14 =	vadd.s32 v16, v1;
	v16 =	vand.u32 $0xFFFFFF80, v15;
	v12 =	vadd.s32 v0, v12  }
0x51e: {  	v2 =	vld.idx.msk [tilespmem:v2+s13+$0x0], $0xffff;
	v15 =	vand.u32 $0x7F, v15;
	v12 =	vor.u32 v13, v12;
	v13 =	vand.u32 $0xFFFFFF80, v14  }
0x51f: {  	v3 =	vld.idx.msk [tilespmem:v3+s13+$0x0], $0xffff;
	v16 =	vadd.s32 v0, v16;
	v14 =	vand.u32 $0x7F, v14;
	v13 =	vadd.s32 v0, v13  }
0x520: {  	v4 =	vld.idx.msk [tilespmem:v4+s13+$0x0], $0xffff;
	v13 =	vor.u32 v14, v13;
	v14 =	vor.u32 v15, v16;
	v15 =	vand.u32 $0xFFFFFF80, v17  }
0x521: {  	v5 =	vld.idx.msk [tilespmem:v5+s13+$0x0], $0xffff;
	v16 =	vand.u32 $0x7F, v17;
	v17 =	vadd.s32 v19, v1;
	v15 =	vadd.s32 v0, v15  }
0x522: {  	v6 =	vld.idx.msk [tilespmem:v6+s13+$0x0], $0xffff;
	v15 =	vor.u32 v16, v15;
	v16 =	vand.u32 $0xFFFFFF80, v17  }
0x523: {  	v7 =	vld.idx.msk [tilespmem:v7+s13+$0x0], $0xffff;
	v19 =	vand.u32 $0xFFFFFF80, v18;
	v17 =	vand.u32 $0x7F, v17;
	v16 =	vadd.s32 v0, v16  }
0x524: {  	v8 =	vld.idx.msk [tilespmem:v8+s13+$0x0], $0xffff;
	v16 =	vor.u32 v17, v16;
	v17 =	vand.u32 $0x7F, v18;
	v18 =	vadd.s32 v0, v19  }
0x525: {  	v17 =	vor.u32 v17, v18;
	v18 =	vld [tilespmem:$0x1FFE0]  }
0x526: {  	v9 =	vld.idx.msk [tilespmem:v9+s13+$0x0], $0xffff  }
0x527: {  	v10 =	vld.idx.msk [tilespmem:v10+s13+$0x0], $0xffff  }
0x528: {  	v11 =	vld.idx.msk [tilespmem:v11+s13+$0x0], $0xffff  }
0x529: {  	v12 =	vld.idx.msk [tilespmem:v12+s13+$0x0], $0xffff  }
0x52a: {  	v13 =	vld.idx.msk [tilespmem:v13+s13+$0x0], $0xffff;
	v18 =	vor.u32 s29, v18  }
0x52b: {  	v19 =	vor.u32 s29, v21;
	v14 =	vld.idx.msk [tilespmem:v14+s13+$0x0], $0xffff  }
0x52c: {  	v21 =	vor.u32 s29, v23;
	v23 =	vor.u32 s29, v25;
	v25 =	vor.u32 s29, v27;
	v15 =	vld.idx.msk [tilespmem:v15+s13+$0x0], $0xffff  }
0x52d: {  	v27 =	vor.u32 s29, v29;
	v29 =	vor.u32 s29, v47;
	v47 =	vadd.s32 v48, v1;
	v16 =	vld.idx.msk [tilespmem:v16+s13+$0x0], $0xffff  }
0x52e: {  	v48 =	vor.u32 s29, v49;
	v49 =	vor.u32 s29, v50;
	v50 =	vand.u32 $0xFFFFFF80, v47;
	v17 =	vld.idx.msk [tilespmem:v17+s13+$0x0], $0xffff  }
0x52f: {  	[tilespmem:v18+s17+$0x0] =	vst.idx.msk $0xffff, v2;
	v18 =	vadd.s32 v0, v50;
	v50 =	vld [tilespmem:$0x1F410];
	_ =	sdelay $0x4  }
0x530: {  	v2 =	vand.u32 $0x7F, v47;
	v47 =	vadd.s32 v50, v1  }
0x531: {  	[tilespmem:v19+s17+$0x0] =	vst.idx.msk $0xffff, v3;
	v2 =	vor.u32 v2, v18;
	v18 =	vand.u32 $0xFFFFFF80, v47  }
0x532: {  	v19 =	vld [tilespmem:$0x1F420];
	[tilespmem:v20+s17+$0x0] =	vst.idx.msk $0xffff, v4;
	v4 =	vand.u32 $0x7F, v47;
	v18 =	vadd.s32 v0, v18  }
0x533: {  	v4 =	vor.u32 v4, v18;
	v18 =	vld [tilespmem:$0x1F430];
	_ =	sdelay $0x1  }
0x534: {  	[tilespmem:v21+s17+$0x0] =	vst.idx.msk $0xffff, v5  }
0x535: {  	[tilespmem:v22+s17+$0x0] =	vst.idx.msk $0xffff, v6  }
0x536: {  	[tilespmem:v23+s17+$0x0] =	vst.idx.msk $0xffff, v7  }
0x537: {  	v3 =	vld [tilespmem:$0x1F8F0];
	v19 =	vadd.s32 v19, v1;
	[tilespmem:v24+s17+$0x0] =	vst.idx.msk $0xffff, v8;
	v18 =	vadd.s32 v18, v1  }
0x538: {  	v5 =	vand.u32 $0xFFFFFF80, v19;
	v6 =	vand.u32 $0x7F, v19;
	[tilespmem:v25+s17+$0x0] =	vst.idx.msk $0xffff, v9;
	v9 =	vld [tilespmem:$0x1F450];
	v19 =	vand.u32 $0xFFFFFF80, v18  }
0x539: {  	v7 =	vand.u32 $0x7F, v18;
	v18 =	vadd.s32 v0, v19;
	v19 =	vld [tilespmem:$0x1F440]  }
0x53a: {  	[tilespmem:v26+s17+$0x0] =	vst.idx.msk $0xffff, v10;
	v10 =	vld [tilespmem:$0x1F460];
	_ =	sdelay $0x1  }
0x53b: {  	v5 =	vadd.s32 v0, v5;
	[tilespmem:v27+s17+$0x0] =	vst.idx.msk $0xffff, v11  }
0x53c: {  	v5 =	vor.u32 v6, v5;
	[tilespmem:v28+s17+$0x0] =	vst.idx.msk $0xffff, v12;
	v12 =	vld [tilespmem:$0x1F470]  }
0x53d: {  	v3 =	vor.u32 s29, v3;
	[tilespmem:v29+s17+$0x0] =	vst.idx.msk $0xffff, v13;
	v13 =	vld [tilespmem:$0x1F490];
	v9 =	vadd.s32 v9, v1;
	v19 =	vadd.s32 v19, v1  }
0x53e: {  	v10 =	vadd.s32 v10, v1;
	v6 =	vor.u32 v7, v18;
	v7 =	vand.u32 $0xFFFFFF80, v19  }
0x53f: {  	v11 =	vand.u32 $0xFFFFFF80, v10;
	v8 =	vand.u32 $0x7F, v19;
	v7 =	vadd.s32 v0, v7  }
0x540: {  	v10 =	vand.u32 $0x7F, v10;
	v7 =	vor.u32 v8, v7;
	v8 =	vand.u32 $0xFFFFFF80, v9  }
0x541: {  	[tilespmem:v46+s17+$0x0] =	vst.idx.msk $0xffff, v14;
	v11 =	vadd.s32 v0, v11;
	v9 =	vand.u32 $0x7F, v9;
	v8 =	vadd.s32 v0, v8  }
0x542: {  	v12 =	vadd.s32 v12, v1;
	v13 =	vadd.s32 v13, v1;
	v8 =	vor.u32 v9, v8  }
0x543: {  	[tilespmem:v48+s17+$0x0] =	vst.idx.msk $0xffff, v15;
	v9 =	vor.u32 v10, v11;
	v10 =	vand.u32 $0xFFFFFF80, v12;
	v11 =	vand.u32 $0x7F, v12;
	v12 =	vld [tilespmem:$0x1F480]  }
0x544: {  	[tilespmem:v49+s17+$0x0] =	vst.idx.msk $0xffff, v16;
	v14 =	vand.u32 $0xFFFFFF80, v13  }
0x545: {  	[tilespmem:v3+s17+$0x0] =	vst.idx.msk $0xffff, v17;
	v3 =	vand.u32 $0x7F, v13;
	v13 =	vadd.s32 v0, v14;
	v14 =	vld [tilespmem:$0x1F4A0];
	_ =	sdelay $0x2  }
0x546: {  	v10 =	vadd.s32 v0, v10;
	v12 =	vadd.s32 v12, v1  }
0x547: {  	v3 =	vor.u32 v3, v13;
	v10 =	vor.u32 v11, v10;
	v11 =	vand.u32 $0xFFFFFF80, v12  }
0x548: {  	v15 =	vld [tilespmem:$0x1F4C0];
	v14 =	vadd.s32 v14, v1;
	v12 =	vand.u32 $0x7F, v12;
	v11 =	vadd.s32 v0, v11  }
0x549: {  	v13 =	vand.u32 $0x7F, v14;
	v11 =	vor.u32 v12, v11;
	v12 =	vand.u32 $0xFFFFFF80, v14;
	v14 =	vld [tilespmem:$0x1F4B0]  }
0x54a: {  	v20 =	vld [tilespmem:$0x1F960]  }
0x54b: {  	v21 =	vld [tilespmem:$0x1F970]  }
0x54c: {  	v17 =	vld [tilespmem:$0x1F4D0]  }
0x54d: {  	v22 =	vld [tilespmem:$0x1F980]  }
0x54e: {  	v23 =	vld [tilespmem:$0x1F990];
	v15 =	vadd.s32 v15, v1;
	v12 =	vadd.s32 v0, v12;
	v14 =	vadd.s32 v14, v1  }
0x54f: {  	v50 =	vld [tilespmem:$0x1F570];
	v16 =	vand.u32 $0xFFFFFF80, v15;
	v12 =	vor.u32 v13, v12;
	v13 =	vand.u32 $0xFFFFFF80, v14  }
0x550: {  	v24 =	vld [tilespmem:$0x1F9A0];
	v15 =	vand.u32 $0x7F, v15;
	v14 =	vand.u32 $0x7F, v14;
	v13 =	vadd.s32 v0, v13  }
0x551: {  	v2 =	vld.idx.msk [tilespmem:v2+s13+$0x0], $0xffff;
	v16 =	vadd.s32 v0, v16;
	v17 =	vadd.s32 v17, v1;
	v13 =	vor.u32 v14, v13  }
0x552: {  	v14 =	vor.u32 v15, v16;
	v15 =	vand.u32 $0xFFFFFF80, v17;
	v16 =	vand.u32 $0x7F, v17;
	v17 =	vld [tilespmem:$0x1F4F0]  }
0x553: {  	v18 =	vld [tilespmem:$0x1F510]  }
0x554: {  	v4 =	vld.idx.msk [tilespmem:v4+s13+$0x0], $0xffff  }
0x555: {  	v5 =	vld.idx.msk [tilespmem:v5+s13+$0x0], $0xffff  }
0x556: {  	v6 =	vld.idx.msk [tilespmem:v6+s13+$0x0], $0xffff  }
0x557: {  	v3 =	vld.idx.msk [tilespmem:v3+s13+$0x0], $0xffff;
	v15 =	vadd.s32 v0, v15;
	v17 =	vadd.s32 v17, v1  }
0x558: {  	v18 =	vadd.s32 v18, v1;
	v7 =	vld.idx.msk [tilespmem:v7+s13+$0x0], $0xffff;
	v15 =	vor.u32 v16, v15;
	v16 =	vand.u32 $0xFFFFFF80, v17  }
0x559: {  	v19 =	vand.u32 $0xFFFFFF80, v18;
	v8 =	vld.idx.msk [tilespmem:v8+s13+$0x0], $0xffff;
	v17 =	vand.u32 $0x7F, v17;
	v16 =	vadd.s32 v0, v16  }
0x55a: {  	v9 =	vld.idx.msk [tilespmem:v9+s13+$0x0], $0xffff;
	v16 =	vor.u32 v17, v16;
	v17 =	vand.u32 $0x7F, v18;
	v18 =	vadd.s32 v0, v19  }
0x55b: {  	v17 =	vor.u32 v17, v18;
	v18 =	vld [tilespmem:$0x1F560]  }
0x55c: {  	v10 =	vld.idx.msk [tilespmem:v10+s13+$0x0], $0xffff  }
0x55d: {  	v11 =	vld.idx.msk [tilespmem:v11+s13+$0x0], $0xffff  }
0x55e: {  	v12 =	vld.idx.msk [tilespmem:v12+s13+$0x0], $0xffff  }
0x55f: {  	v13 =	vld.idx.msk [tilespmem:v13+s13+$0x0], $0xffff  }
0x560: {  	v14 =	vld.idx.msk [tilespmem:v14+s13+$0x0], $0xffff;
	v18 =	vor.u32 s29, v18  }
0x561: {  	v19 =	vld [tilespmem:$0x1F950]  }
0x562: {  	v15 =	vld.idx.msk [tilespmem:v15+s13+$0x0], $0xffff  }
0x563: {  	v16 =	vld.idx.msk [tilespmem:v16+s13+$0x0], $0xffff  }
0x564: {  	v47 =	vadd.s32 v50, v1;
	v17 =	vld.idx.msk [tilespmem:v17+s13+$0x0], $0xffff  }
0x565: {  	v50 =	vand.u32 $0xFFFFFF80, v47;
	[tilespmem:v18+s17+$0x0] =	vst.idx.msk $0xffff, v2;
	v2 =	vand.u32 $0x7F, v47;
	v47 =	vld [tilespmem:$0x1F590]  }
0x566: {  	v25 =	vld [tilespmem:$0x1F9B0];
	v19 =	vor.u32 s29, v19  }
0x567: {  	v20 =	vor.u32 s29, v20;
	v26 =	vld [tilespmem:$0x1F9C0]  }
0x568: {  	v27 =	vld [tilespmem:$0x1F9D0]  }
0x569: {  	v28 =	vld [tilespmem:$0x1F9E0]  }
0x56a: {  	v21 =	vor.u32 s29, v21;
	v29 =	vld [tilespmem:$0x1F9F0];
	v18 =	vadd.s32 v0, v50;
	v47 =	vadd.s32 v47, v1  }
0x56b: {  	v22 =	vor.u32 s29, v22;
	v49 =	vld [tilespmem:$0x1FA00];
	[tilespmem:v19+s17+$0x0] =	vst.idx.msk $0xffff, v4;
	v2 =	vor.u32 v2, v18;
	v18 =	vand.u32 $0xFFFFFF80, v47  }
0x56c: {  	v23 =	vor.u32 s29, v23;
	v19 =	vld [tilespmem:$0x1F5E0];
	[tilespmem:v20+s17+$0x0] =	vst.idx.msk $0xffff, v5;
	v5 =	vand.u32 $0x7F, v47;
	v18 =	vadd.s32 v0, v18  }
0x56d: {  	v24 =	vor.u32 s29, v24;
	v5 =	vor.u32 v5, v18;
	v18 =	vld [tilespmem:$0x1F5F0]  }
0x56e: {  	v25 =	vor.u32 s29, v25  }
0x56f: {  	[tilespmem:v21+s17+$0x0] =	vst.idx.msk $0xffff, v6  }
0x570: {  	v26 =	vor.u32 s29, v26;
	v48 =	vld [tilespmem:$0x1FA10];
	[tilespmem:v22+s17+$0x0] =	vst.idx.msk $0xffff, v7  }
0x571: {  	v27 =	vor.u32 s29, v27;
	v28 =	vor.u32 s29, v28;
	v46 =	vor.u32 s29, v49;
	v49 =	vld [tilespmem:$0x1FA20];
	[tilespmem:v23+s17+$0x0] =	vst.idx.msk $0xffff, v8  }
0x572: {  	v29 =	vor.u32 s29, v29;
	v4 =	vld [tilespmem:$0x1FD80];
	v19 =	vadd.s32 v19, v1;
	[tilespmem:v24+s17+$0x0] =	vst.idx.msk $0xffff, v9;
	v18 =	vadd.s32 v18, v1  }
0x573: {  	v6 =	vand.u32 $0xFFFFFF80, v19;
	v7 =	vand.u32 $0x7F, v19;
	[tilespmem:v25+s17+$0x0] =	vst.idx.msk $0xffff, v10;
	v10 =	vld [tilespmem:$0x1F610];
	v19 =	vand.u32 $0xFFFFFF80, v18  }
0x574: {  	v8 =	vand.u32 $0x7F, v18;
	v18 =	vadd.s32 v0, v19;
	v19 =	vld [tilespmem:$0x1F600]  }
0x575: {  	[tilespmem:v26+s17+$0x0] =	vst.idx.msk $0xffff, v11;
	v11 =	vld [tilespmem:$0x1F620]  }
0x576: {  	[tilespmem:v27+s17+$0x0] =	vst.idx.msk $0xffff, v3  }
0x577: {  	v48 =	vor.u32 s29, v48;
	[tilespmem:v28+s17+$0x0] =	vst.idx.msk $0xffff, v12;
	v12 =	vld [tilespmem:$0x1F630]  }
0x578: {  	v49 =	vor.u32 s29, v49;
	v4 =	vor.u32 s29, v4;
	v6 =	vadd.s32 v0, v6;
	[tilespmem:v29+s17+$0x0] =	vst.idx.msk $0xffff, v13;
	v13 =	vld [tilespmem:$0x1F650]  }
0x579: {  	v6 =	vor.u32 v7, v6;
	v10 =	vadd.s32 v10, v1;
	v19 =	vadd.s32 v19, v1  }
0x57a: {  	v11 =	vadd.s32 v11, v1;
	v7 =	vor.u32 v8, v18;
	v8 =	vand.u32 $0xFFFFFF80, v19  }
0x57b: {  	v3 =	vand.u32 $0x7F, v10;
	v9 =	vand.u32 $0x7F, v19;
	v8 =	vadd.s32 v0, v8  }
0x57c: {  	v12 =	vadd.s32 v12, v1;
	v8 =	vor.u32 v9, v8;
	v9 =	vand.u32 $0xFFFFFF80, v10  }
0x57d: {  	v13 =	vadd.s32 v13, v1;
	v10 =	vand.u32 $0xFFFFFF80, v11;
	v9 =	vadd.s32 v0, v9  }
0x57e: {  	[tilespmem:v46+s17+$0x0] =	vst.idx.msk $0xffff, v14;
	v11 =	vand.u32 $0x7F, v11;
	v10 =	vadd.s32 v0, v10;
	v3 =	vor.u32 v3, v9  }
0x57f: {  	[tilespmem:v48+s17+$0x0] =	vst.idx.msk $0xffff, v15;
	v9 =	vor.u32 v11, v10;
	v10 =	vand.u32 $0xFFFFFF80, v12;
	v11 =	vand.u32 $0x7F, v12;
	v12 =	vld [tilespmem:$0x1F640]  }
0x580: {  	[tilespmem:v49+s17+$0x0] =	vst.idx.msk $0xffff, v16;
	v14 =	vand.u32 $0xFFFFFF80, v13  }
0x581: {  	[tilespmem:v4+s17+$0x0] =	vst.idx.msk $0xffff, v17;
	v4 =	vand.u32 $0x7F, v13;
	v13 =	vadd.s32 v0, v14;
	v14 =	vld [tilespmem:$0x1F660];
	_ =	sdelay $0x2  }
0x582: {  	v10 =	vadd.s32 v0, v10;
	v12 =	vadd.s32 v12, v1  }
0x583: {  	v4 =	vor.u32 v4, v13;
	v10 =	vor.u32 v11, v10;
	v11 =	vand.u32 $0xFFFFFF80, v12  }
0x584: {  	v15 =	vld [tilespmem:$0x1F3F0];
	v14 =	vadd.s32 v14, v1;
	v12 =	vand.u32 $0x7F, v12;
	v11 =	vadd.s32 v0, v11  }
0x585: {  	v13 =	vand.u32 $0x7F, v14;
	v11 =	vor.u32 v12, v11;
	v12 =	vand.u32 $0xFFFFFF80, v14;
	v14 =	vld [tilespmem:$0x1F400]  }
0x586: {  	v20 =	vld [tilespmem:$0x1FA40]  }
0x587: {  	v21 =	vld [tilespmem:$0x1FA50]  }
0x588: {  	v17 =	vld [tilespmem:$0x1F3E0]  }
0x589: {  	v22 =	vld [tilespmem:$0x1FA60]  }
0x58a: {  	v23 =	vld [tilespmem:$0x1FA70];
	v15 =	vadd.s32 v15, v1;
	v12 =	vadd.s32 v0, v12;
	v14 =	vadd.s32 v14, v1  }
0x58b: {  	v28 =	vld [tilespmem:$0x1F3B0];
	v16 =	vand.u32 $0xFFFFFF80, v15;
	v12 =	vor.u32 v13, v12;
	v13 =	vand.u32 $0xFFFFFF80, v14  }
0x58c: {  	v48 =	vld [tilespmem:$0x1FAD0];
	v15 =	vand.u32 $0x7F, v15;
	v14 =	vand.u32 $0x7F, v14;
	v13 =	vadd.s32 v0, v13  }
0x58d: {  	v2 =	vld.idx.msk [tilespmem:v2+s13+$0x0], $0xffff;
	v16 =	vadd.s32 v0, v16;
	v17 =	vadd.s32 v17, v1;
	v13 =	vor.u32 v14, v13  }
0x58e: {  	v14 =	vor.u32 v15, v16;
	v15 =	vand.u32 $0xFFFFFF80, v17;
	v16 =	vand.u32 $0x7F, v17;
	v17 =	vld [tilespmem:$0x1F3D0]  }
0x58f: {  	v18 =	vld [tilespmem:$0x1F3C0]  }
0x590: {  	v28 =	vadd.s32 v28, v1;
	v5 =	vld.idx.msk [tilespmem:v5+s13+$0x0], $0xffff  }
0x591: {  	v6 =	vld.idx.msk [tilespmem:v6+s13+$0x0], $0xffff;
	v46 =	vor.u32 s29, v48;
	v48 =	vand.u32 $0xFFFFFF80, v28  }
0x592: {  	v47 =	vadd.s32 v0, v48;
	v48 =	vld [tilespmem:$0x1F3A0]  }
0x593: {  	v7 =	vld.idx.msk [tilespmem:v7+s13+$0x0], $0xffff;
	v15 =	vadd.s32 v0, v15;
	v17 =	vadd.s32 v17, v1  }
0x594: {  	v18 =	vadd.s32 v18, v1;
	v4 =	vld.idx.msk [tilespmem:v4+s13+$0x0], $0xffff;
	v15 =	vor.u32 v16, v15;
	v16 =	vand.u32 $0xFFFFFF80, v17  }
0x595: {  	v19 =	vand.u32 $0xFFFFFF80, v18;
	v8 =	vld.idx.msk [tilespmem:v8+s13+$0x0], $0xffff;
	v17 =	vand.u32 $0x7F, v17;
	v16 =	vadd.s32 v0, v16  }
0x596: {  	v3 =	vld.idx.msk [tilespmem:v3+s13+$0x0], $0xffff;
	v16 =	vor.u32 v17, v16;
	v17 =	vand.u32 $0x7F, v18;
	v18 =	vadd.s32 v0, v19  }
0x597: {  	v17 =	vor.u32 v17, v18;
	v18 =	vld [tilespmem:$0x1F370]  }
0x598: {  	v19 =	vld [tilespmem:$0x1FA30]  }
0x599: {  	v9 =	vld.idx.msk [tilespmem:v9+s13+$0x0], $0xffff  }
0x59a: {  	v10 =	vld.idx.msk [tilespmem:v10+s13+$0x0], $0xffff  }
0x59b: {  	v11 =	vld.idx.msk [tilespmem:v11+s13+$0x0], $0xffff  }
0x59c: {  	v12 =	vld.idx.msk [tilespmem:v12+s13+$0x0], $0xffff;
	v18 =	vor.u32 s29, v18  }
0x59d: {  	v13 =	vld.idx.msk [tilespmem:v13+s13+$0x0], $0xffff;
	v19 =	vor.u32 s29, v19  }
0x59e: {  	v14 =	vld.idx.msk [tilespmem:v14+s13+$0x0], $0xffff  }
0x59f: {  	v20 =	vor.u32 s29, v20;
	v15 =	vld.idx.msk [tilespmem:v15+s13+$0x0], $0xffff  }
0x5a0: {  	v28 =	vand.u32 $0x7F, v28;
	v48 =	vadd.s32 v48, v1;
	v16 =	vld.idx.msk [tilespmem:v16+s13+$0x0], $0xffff  }
0x5a1: {  	v17 =	vld.idx.msk [tilespmem:v17+s13+$0x0], $0xffff;
	[tilespmem:v18+s17+$0x0] =	vst.idx.msk $0xffff, v2;
	v18 =	vor.u32 v28, v47;
	v28 =	vand.u32 $0xFFFFFF80, v48  }
0x5a2: {  	[tilespmem:v19+s17+$0x0] =	vst.idx.msk $0xffff, v5;
	v19 =	vadd.s32 v0, v28;
	v28 =	vld [tilespmem:$0x1F390]  }
0x5a3: {  	v21 =	vor.u32 s29, v21  }
0x5a4: {  	v22 =	vor.u32 s29, v22;
	[tilespmem:v20+s17+$0x0] =	vst.idx.msk $0xffff, v6;
	v20 =	vld [tilespmem:$0x1F380]  }
0x5a5: {  	v23 =	vor.u32 s29, v23  }
0x5a6: {  	v24 =	vld [tilespmem:$0x1FA80]  }
0x5a7: {  	v25 =	vld [tilespmem:$0x1FA90];
	v5 =	vand.u32 $0x7F, v48;
	v28 =	vadd.s32 v28, v1  }
0x5a8: {  	v5 =	vor.u32 v5, v19;
	[tilespmem:v21+s17+$0x0] =	vst.idx.msk $0xffff, v7;
	v19 =	vand.u32 $0xFFFFFF80, v28  }
0x5a9: {  	[tilespmem:v22+s17+$0x0] =	vst.idx.msk $0xffff, v8;
	v7 =	vand.u32 $0x7F, v28;
	v20 =	vadd.s32 v20, v1;
	v19 =	vadd.s32 v0, v19  }
0x5aa: {  	[tilespmem:v23+s17+$0x0] =	vst.idx.msk $0xffff, v3;
	v3 =	vand.u32 $0x7F, v20;
	v7 =	vor.u32 v7, v19;
	v19 =	vand.u32 $0xFFFFFF80, v20;
	v20 =	vld [tilespmem:$0x1F360]  }
0x5ab: {  	v24 =	vor.u32 s29, v24  }
0x5ac: {  	v25 =	vor.u32 s29, v25  }
0x5ad: {  	v26 =	vld [tilespmem:$0x1FAA0]  }
0x5ae: {  	v27 =	vld [tilespmem:$0x1FAB0]  }
0x5af: {  	v29 =	vld [tilespmem:$0x1FAC0];
	v19 =	vadd.s32 v0, v19;
	v20 =	vadd.s32 v20, v1  }
0x5b0: {  	[tilespmem:v24+s17+$0x0] =	vst.idx.msk $0xffff, v9;
	v3 =	vor.u32 v3, v19;
	v19 =	vand.u32 $0xFFFFFF80, v20  }
0x5b1: {  	[tilespmem:v25+s17+$0x0] =	vst.idx.msk $0xffff, v10;
	v10 =	vand.u32 $0x7F, v20;
	v20 =	vld [tilespmem:$0x1F350];
	v19 =	vadd.s32 v0, v19  }
0x5b2: {  	v26 =	vor.u32 s29, v26;
	v10 =	vor.u32 v10, v19;
	v19 =	vld [tilespmem:$0x1F340]  }
0x5b3: {  	v27 =	vor.u32 s29, v27  }
0x5b4: {  	v29 =	vor.u32 s29, v29;
	_ =	sdelay $0x1  }
0x5b5: {  	v2 =	vld [tilespmem:$0x1FAE0]  }
0x5b6: {  	[tilespmem:v26+s17+$0x0] =	vst.idx.msk $0xffff, v11;
	v20 =	vadd.s32 v20, v1;
	v19 =	vadd.s32 v19, v1  }
0x5b7: {  	[tilespmem:v27+s17+$0x0] =	vst.idx.msk $0xffff, v4;
	v11 =	vand.u32 $0xFFFFFF80, v20;
	v4 =	vand.u32 $0x7F, v20;
	v20 =	vand.u32 $0xFFFFFF80, v19  }
0x5b8: {  	[tilespmem:v29+s17+$0x0] =	vst.idx.msk $0xffff, v12;
	v12 =	vand.u32 $0x7F, v19;
	v19 =	vadd.s32 v0, v20;
	v20 =	vld [tilespmem:$0x1F330];
	_ =	sdelay $0x1  }
0x5b9: {  	v2 =	vor.u32 s29, v2  }
0x5ba: {  	v6 =	vld [tilespmem:$0x1FAF0]  }
0x5bb: {  	v8 =	vld [tilespmem:$0x1FB00]  }
0x5bc: {  	v9 =	vld [tilespmem:$0x1FB10];
	v11 =	vadd.s32 v0, v11;
	v20 =	vadd.s32 v20, v1  }
0x5bd: {  	[tilespmem:v46+s17+$0x0] =	vst.idx.msk $0xffff, v13;
	v4 =	vor.u32 v4, v11;
	v11 =	vor.u32 v12, v19;
	v12 =	vand.u32 $0xFFFFFF80, v20  }
0x5be: {  	v13 =	vld [tilespmem:$0x1F320];
	[tilespmem:v2+s17+$0x0] =	vst.idx.msk $0xffff, v14;
	v2 =	vand.u32 $0x7F, v20;
	v12 =	vadd.s32 v0, v12  }
0x5bf: {  	v6 =	vor.u32 s29, v6;
	v2 =	vor.u32 v2, v12;
	v12 =	vld [tilespmem:$0x1F310]  }
0x5c0: {  	v8 =	vor.u32 s29, v8  }
0x5c1: {  	v9 =	vor.u32 s29, v9;
	_ =	sdelay $0x2  }
0x5c2: {  	[tilespmem:v6+s17+$0x0] =	vst.idx.msk $0xffff, v15;
	v13 =	vadd.s32 v13, v1;
	v12 =	vadd.s32 v12, v1  }
0x5c3: {  	[tilespmem:v8+s17+$0x0] =	vst.idx.msk $0xffff, v16;
	v6 =	vand.u32 $0xFFFFFF80, v13;
	v8 =	vand.u32 $0x7F, v13;
	v13 =	vand.u32 $0xFFFFFF80, v12  }
0x5c4: {  	[tilespmem:v9+s17+$0x0] =	vst.idx.msk $0xffff, v17;
	v9 =	vand.u32 $0x7F, v12;
	v12 =	vadd.s32 v0, v13;
	v13 =	vld [tilespmem:$0x1F300];
	_ =	sdelay $0x3  }
0x5c5: {  	v6 =	vadd.s32 v0, v6  }
0x5c6: {  	v15 =	vld [tilespmem:$0x1F2E0];
	v6 =	vor.u32 v8, v6;
	v13 =	vadd.s32 v13, v1  }
0x5c7: {  	v8 =	vor.u32 v9, v12;
	v9 =	vand.u32 $0xFFFFFF80, v13;
	v12 =	vand.u32 $0x7F, v13;
	v13 =	vld [tilespmem:$0x1F2F0];
	_ =	sdelay $0x2  }
0x5c8: {  	v17 =	vld [tilespmem:$0x1F2D0];
	_ =	sdelay $0x1  }
0x5c9: {  	v14 =	vld.idx.msk [tilespmem:v18+s13+$0x0], $0xffff;
	v15 =	vadd.s32 v15, v1;
	v9 =	vadd.s32 v0, v9;
	v13 =	vadd.s32 v13, v1  }
0x5ca: {  	v5 =	vld.idx.msk [tilespmem:v5+s13+$0x0], $0xffff;
	v16 =	vand.u32 $0xFFFFFF80, v15;
	v9 =	vor.u32 v12, v9;
	v12 =	vand.u32 $0xFFFFFF80, v13  }
0x5cb: {  	v7 =	vld.idx.msk [tilespmem:v7+s13+$0x0], $0xffff;
	v15 =	vand.u32 $0x7F, v15;
	v13 =	vand.u32 $0x7F, v13;
	v12 =	vadd.s32 v0, v12  }
0x5cc: {  	v18 =	vld [tilespmem:$0x1F2B0];
	v16 =	vadd.s32 v0, v16;
	v17 =	vadd.s32 v17, v1;
	v12 =	vor.u32 v13, v12  }
0x5cd: {  	v13 =	vor.u32 v15, v16;
	v15 =	vand.u32 $0xFFFFFF80, v17;
	v16 =	vand.u32 $0x7F, v17;
	v17 =	vld [tilespmem:$0x1F2C0]  }
0x5ce: {  	v3 =	vld.idx.msk [tilespmem:v3+s13+$0x0], $0xffff  }
0x5cf: {  	v10 =	vld.idx.msk [tilespmem:v10+s13+$0x0], $0xffff  }
0x5d0: {  	v6 =	vld.idx.msk [tilespmem:v6+s13+$0x0], $0xffff  }
0x5d1: {  	v19 =	vld [tilespmem:$0x1FB40]  }
0x5d2: {  	v4 =	vld.idx.msk [tilespmem:v4+s13+$0x0], $0xffff;
	v15 =	vadd.s32 v0, v15;
	v17 =	vadd.s32 v17, v1;
	v1 =	vadd.s32 v18, v1  }
0x5d3: {  	v11 =	vld.idx.msk [tilespmem:v11+s13+$0x0], $0xffff;
	v15 =	vor.u32 v16, v15;
	v16 =	vand.u32 $0xFFFFFF80, v17;
	v18 =	vand.u32 $0xFFFFFF80, v1  }
0x5d4: {  	v20 =	vld [tilespmem:$0x1FB50];
	v1 =	vand.u32 $0x7F, v1;
	v16 =	vadd.s32 v0, v16;
	v0 =	vadd.s32 v0, v18  }
0x5d5: {  	v0 =	vor.u32 v1, v0;
	v1 =	vld.idx.msk [tilespmem:v12+s13+$0x0], $0xffff  }
0x5d6: {  	v12 =	vld [tilespmem:$0x1F2A0]  }
0x5d7: {  	v2 =	vld.idx.msk [tilespmem:v2+s13+$0x0], $0xffff  }
0x5d8: {  	v8 =	vld.idx.msk [tilespmem:v8+s13+$0x0], $0xffff;
	v17 =	vand.u32 $0x7F, v17  }
0x5d9: {  	v9 =	vld.idx.msk [tilespmem:v9+s13+$0x0], $0xffff;
	v16 =	vor.u32 v17, v16  }
0x5da: {  	v13 =	vld.idx.msk [tilespmem:v13+s13+$0x0], $0xffff  }
0x5db: {  	v15 =	vld.idx.msk [tilespmem:v15+s13+$0x0], $0xffff;
	v12 =	vor.u32 s29, v12  }
0x5dc: {  	v17 =	vld [tilespmem:$0x1FB20]  }
0x5dd: {  	v18 =	vld [tilespmem:$0x1FB30]  }
0x5de: {  	v16 =	vld.idx.msk [tilespmem:v16+s13+$0x0], $0xffff  }
0x5df: {  	v0 =	vld.idx.msk [tilespmem:v0+s13+$0x0], $0xffff  }
0x5e0: {  	[tilespmem:v12+s17+$0x0] =	vst.idx.msk $0xffff, v14;
	v14 =	vld [tilespmem:$0x1FFF0]  }
0x5e1: {  	v17 =	vor.u32 s29, v17  }
0x5e2: {  	v18 =	vor.u32 s29, v18  }
0x5e3: {  	v19 =	vor.u32 s29, v19  }
0x5e4: {  	v20 =	vor.u32 s29, v20  }
0x5e5: {  	v12 =	vor.u32 s29, v14  }
0x5e6: {  	[tilespmem:v17+s17+$0x0] =	vst.idx.msk $0xffff, v5;
	v5 =	vld [tilespmem:$0x1FDD0]  }
0x5e7: {  	[tilespmem:v18+s17+$0x0] =	vst.idx.msk $0xffff, v7;
	v7 =	vld [tilespmem:$0x1FDE0]  }
0x5e8: {  	[tilespmem:v19+s17+$0x0] =	vst.idx.msk $0xffff, v3;
	v3 =	vld [tilespmem:$0x1FDF0]  }
0x5e9: {  	[tilespmem:v20+s17+$0x0] =	vst.idx.msk $0xffff, v10;
	v10 =	vld [tilespmem:$0x1FE00]  }
0x5ea: {  	[tilespmem:v12+s17+$0x0] =	vst.idx.msk $0xffff, v4;
	v4 =	vld [tilespmem:$0x1FE10]  }
0x5eb: {  	v5 =	vor.u32 s29, v5  }
0x5ec: {  	v7 =	vor.u32 s29, v7  }
0x5ed: {  	v3 =	vor.u32 s29, v3  }
0x5ee: {  	v10 =	vor.u32 s29, v10  }
0x5ef: {  	v4 =	vor.u32 s29, v4  }
0x5f0: {  	[tilespmem:v5+s17+$0x0] =	vst.idx.msk $0xffff, v11;
	v5 =	vld [tilespmem:$0x1FE20]  }
0x5f1: {  	[tilespmem:v7+s17+$0x0] =	vst.idx.msk $0xffff, v2;
	v2 =	vld [tilespmem:$0x1FE30]  }
0x5f2: {  	[tilespmem:v3+s17+$0x0] =	vst.idx.msk $0xffff, v6;
	v3 =	vld [tilespmem:$0x1FE40]  }
0x5f3: {  	v6 =	vld [tilespmem:$0x1FE50];
	[tilespmem:v10+s17+$0x0] =	vst.idx.msk $0xffff, v8  }
0x5f4: {  	[tilespmem:v4+s17+$0x0] =	vst.idx.msk $0xffff, v9;
	v4 =	vld [tilespmem:$0x1FE60]  }
0x5f5: {  	v5 =	vor.u32 s29, v5  }
0x5f6: {  	v2 =	vor.u32 s29, v2  }
0x5f7: {  	v3 =	vor.u32 s29, v3  }
0x5f8: {  	v6 =	vor.u32 s29, v6  }
0x5f9: {  	p0 =	sne.s32 s29, $0x70;
	v50 =	vmovc v56;
	v49 =	vmov v51;
	v47 =	vmov v63;
	v4 =	vor.u32 s29, v4  }
.Ltmp2:
0x5fa: {  	v48 =	vmovc v30;
	v21 =	vmovc v38;
	v22 =	vmov v39;
	v23 =	vmov v40;
	v24 =	vmov v41;
	[tilespmem:v5+s17+$0x0] =	vst.idx.msk $0xffff, v1;
	(pc) =	sbr.rel @p0 .LBB2_7-.Ltmp2, $4  }
0x5fb: {  	v25 =	vmovc v42;
	v26 =	vmovc v43;
	v28 =	vmov v45;
	v27 =	vmov v44;
	v29 =	vmov v61;
	[tilespmem:v2+s17+$0x0] =	vst.idx.msk $0xffff, v13  }
0x5fc: {  	v46 =	vmovc v62;
	v17 =	vmovc v34;
	v18 =	vmov v35;
	v19 =	vmov v36;
	v20 =	vmov v37;
	[tilespmem:v3+s17+$0x0] =	vst.idx.msk $0xffff, v15  }
0x5fd: {  	v12 =	vmovc v60;
	v7 =	vmovc v54;
	v10 =	vmov v58;
	v9 =	vmov v57;
	v5 =	vmov v52;
	[tilespmem:v6+s17+$0x0] =	vst.idx.msk $0xffff, v16  }
0x5fe: {  	s1 =	sadd.s32 $0x80, s1;
	v13 =	vmovc v31;
	v15 =	vmovc v32;
	v3 =	vlaneseq.u32;
	v16 =	vmov v33;
	v6 =	vmov v53;
	s29 =	sadd.s32 $0x10, s29;
	[tilespmem:v4+s17+$0x0] =	vst.idx.msk $0xffff, v0;
	v4 =	vld [tilespmem:$0x1FFD0]  }
0x5ff: {  	s25 =	sadd.s32 $0x1, s25  }
0x600: {  	p0 =	sne.s32 s25, $0x64  }
.Ltmp3:
0x601: {  	s0 =	sadd.s32 s26, s7;
	(pc) =	sbr.rel @p0 .LBB2_4-.Ltmp3, $4  }
0x602: {  	s0 =	sshll.u32 s0, $0x7  }
0x603: {  	s1 =	sshll.u32 s28, $0x11;
	s0 =	sadd.s32 s2, s0  }
0x604: {  	s0 =	sadd.s32 s1, s0  }
0x605: {  	[hbm4b:s0+s18] =	stream.strided.scatter [tilespmem:s17], [sflag:$0x3], $0x2000, s19, s18, $0x38;
	[tilespmem:$0x12D00] =	vst v63  }
0x606: {  	_ =	swait.ge [sflag:s21], $0x4000  }
0x607: {  	v56 =	vld [tilespmem:$0x1FFE0]  }
0x608: {  	v51 =	vld [tilespmem:$0x1F620]  }
0x609: {  	v52 =	vld [tilespmem:$0x1F630]  }
0x60a: {  	v53 =	vld [tilespmem:$0x1F640]  }
0x60b: {  	v54 =	vld [tilespmem:$0x1F650]  }
0x60c: {  	v55 =	vld [tilespmem:$0x1F660]  }
0x60d: {  	v57 =	vld [tilespmem:$0x1F400]  }
0x60e: {  	v58 =	vld [tilespmem:$0x1F3F0]  }
0x60f: {  	v59 =	vld [tilespmem:$0x1F3E0]  }
0x610: {  	v60 =	vld [tilespmem:$0x1F3D0]  }
0x611: {  	v31 =	vld [tilespmem:$0x1F3C0]  }
0x612: {  	v32 =	vld [tilespmem:$0x1F3B0]  }
0x613: {  	v33 =	vld [tilespmem:$0x1F3A0]  }
0x614: {  	v34 =	vld [tilespmem:$0x1F390]  }
0x615: {  	v35 =	vld [tilespmem:$0x1F380]  }
0x616: {  	v36 =	vld [tilespmem:$0x1F370]  }
0x617: {  	v37 =	vld [tilespmem:$0x1F360]  }
0x618: {  	v38 =	vld [tilespmem:$0x1F350]  }
0x619: {  	v39 =	vld [tilespmem:$0x1F340]  }
0x61a: {  	v40 =	vld [tilespmem:$0x1F330]  }
0x61b: {  	v41 =	vld [tilespmem:$0x1F320]  }
0x61c: {  	v42 =	vld [tilespmem:$0x1F310]  }
0x61d: {  	v43 =	vld [tilespmem:$0x1F300]  }
0x61e: {  	v44 =	vld [tilespmem:$0x1F2F0]  }
0x61f: {  	v45 =	vld [tilespmem:$0x1F2E0]  }
0x620: {  	v61 =	vld [tilespmem:$0x1F2D0]  }
0x621: {  	v62 =	vld [tilespmem:$0x1F2C0]  }
0x622: {  	[sflag:s21] =	ssyncset.done $0x0;
	v63 =	vld [tilespmem:$0x1F2B0]  }
0x623: {  	s25 =	simm.s32 $0x0;
	s1 =	simm.s32 $0x6900;
	v30 =	vld [tilespmem:$0x1F2A0];
	[sflag:s21] =	ssyncadd.s32 $0xFFFFC000  }
.LBB2_10:
0x624: {  	v1 =	vld [tilespmem:s1+$0x0]  }
0x625: {  	v5 =	vld [tilespmem:$0x1F730]  }
0x626: {  	v6 =	vld [tilespmem:$0x1F740]  }
0x627: {  	v8 =	vld [tilespmem:$0x1F750]  }
0x628: {  	v9 =	vld [tilespmem:$0x1F770]  }
0x629: {  	v11 =	vld [tilespmem:$0x1F780]  }
0x62a: {  	v12 =	vld [tilespmem:$0x1F7A0]  }
0x62b: {  	v14 =	vld [tilespmem:$0x1F7B0]  }
0x62c: {  	v0 =	vmov s25;
	v15 =	vld [tilespmem:$0x1F7D0]  }
0x62d: {  	v17 =	vld [tilespmem:$0x1F7E0];
	v0 =	vshll.u32 v0, $0x7  }
0x62e: {  	v0 =	vor.u32 v4, v0  }
0x62f: {  	v2 =	vadd.s32 v3, v1;
	v5 =	vadd.s32 v5, v1;
	v6 =	vadd.s32 v6, v1  }
0x630: {  	v48 =	vld [tilespmem:$0x1F790];
	v8 =	vadd.s32 v8, v1;
	v9 =	vadd.s32 v9, v1;
	v11 =	vadd.s32 v11, v1  }
0x631: {  	v22 =	vld [tilespmem:$0x1F7C0];
	v12 =	vadd.s32 v12, v1;
	v14 =	vadd.s32 v14, v1;
	v15 =	vadd.s32 v15, v1  }
0x632: {  	v17 =	vadd.s32 v17, v1;
	v3 =	vand.u32 $0xFFFFFF80, v2;
	v2 =	vand.u32 $0x7F, v2  }
0x633: {  	v7 =	vand.u32 $0xFFFFFF80, v6;
	v6 =	vand.u32 $0x7F, v6;
	v10 =	vand.u32 $0xFFFFFF80, v9  }
0x634: {  	v9 =	vand.u32 $0x7F, v9;
	v46 =	vand.u32 $0xFFFFFF80, v11;
	v47 =	vand.u32 $0x7F, v11  }
0x635: {  	v11 =	vadd.s32 v48, v1;
	v13 =	vand.u32 $0xFFFFFF80, v12;
	v12 =	vand.u32 $0x7F, v12  }
0x636: {  	v26 =	vld [tilespmem:$0x1F760];
	v20 =	vand.u32 $0xFFFFFF80, v14;
	v21 =	vand.u32 $0x7F, v14;
	v14 =	vadd.s32 v22, v1  }
0x637: {  	v18 =	vld [tilespmem:$0x1F800];
	v16 =	vand.u32 $0xFFFFFF80, v15;
	v15 =	vand.u32 $0x7F, v15;
	v25 =	vand.u32 $0xFFFFFF80, v17  }
0x638: {  	v4 =	vld [tilespmem:$0x1F720];
	v3 =	vadd.s32 v0, v3;
	v7 =	vadd.s32 v0, v7;
	v10 =	vadd.s32 v0, v10  }
0x639: {  	v28 =	vld [tilespmem:$0x1F8A0];
	v49 =	vand.u32 $0xFFFFFF80, v11;
	v11 =	vand.u32 $0x7F, v11;
	v13 =	vadd.s32 v0, v13  }
0x63a: {  	v29 =	vld [tilespmem:$0x1F8B0];
	v23 =	vand.u32 $0xFFFFFF80, v14;
	v14 =	vand.u32 $0x7F, v14;
	v16 =	vadd.s32 v0, v16  }
0x63b: {  	v22 =	vld [tilespmem:$0x1F840];
	v2 =	vor.u32 v2, v3;
	v27 =	vor.u32 v9, v10;
	v9 =	vadd.s32 v0, v46  }
0x63c: {  	v10 =	vadd.s32 v0, v49;
	v50 =	vor.u32 v12, v13;
	v12 =	vadd.s32 v0, v20;
	v49 =	vld [tilespmem:$0x1F810]  }
0x63d: {  	v13 =	vadd.s32 v0, v23;
	v24 =	vor.u32 v15, v16;
	v20 =	vld [tilespmem:$0x1F820];
	v4 =	vadd.s32 v4, v1  }
0x63e: {  	v15 =	vadd.s32 v0, v25;
	v23 =	vld [tilespmem:$0x1F850];
	v9 =	vor.u32 v47, v9;
	v3 =	vand.u32 $0xFFFFFF80, v4  }
0x63f: {  	v25 =	vld [tilespmem:$0x1F870];
	v10 =	vor.u32 v11, v10;
	v4 =	vand.u32 $0x7F, v4;
	v3 =	vadd.s32 v0, v3  }
0x640: {  	v12 =	vor.u32 v21, v12;
	v21 =	vld [tilespmem:$0x1F830];
	v3 =	vor.u32 v4, v3;
	v4 =	vand.u32 $0xFFFFFF80, v5  }
0x641: {  	v13 =	vor.u32 v14, v13;
	v5 =	vand.u32 $0x7F, v5;
	v4 =	vadd.s32 v0, v4;
	v2 =	vld.idx.msk [tilespmem:v2+s15+$0x0], $0xffff  }
0x642: {  	v11 =	vld.idx.msk [tilespmem:v50+s15+$0x0], $0xffff;
	v4 =	vor.u32 v5, v4;
	v5 =	vor.u32 v6, v7;
	v6 =	vand.u32 $0xFFFFFF80, v8  }
0x643: {  	v14 =	vld.idx.msk [tilespmem:v24+s15+$0x0], $0xffff;
	v7 =	vand.u32 $0x7F, v8;
	v8 =	vadd.s32 v26, v1;
	v6 =	vadd.s32 v0, v6  }
0x644: {  	v24 =	vld [tilespmem:$0x1F860];
	v6 =	vor.u32 v7, v6;
	v7 =	vand.u32 $0xFFFFFF80, v8  }
0x645: {  	v9 =	vld.idx.msk [tilespmem:v9+s15+$0x0], $0xffff;
	v8 =	vand.u32 $0x7F, v8;
	v7 =	vadd.s32 v0, v7  }
0x646: {  	v7 =	vor.u32 v8, v7;
	v8 =	vld.idx.msk [tilespmem:v27+s15+$0x0], $0xffff  }
0x647: {  	v27 =	vld [tilespmem:$0x1F7F0]  }
0x648: {  	v10 =	vld.idx.msk [tilespmem:v10+s15+$0x0], $0xffff  }
0x649: {  	v26 =	vand.u32 $0x7F, v17;
	v12 =	vld.idx.msk [tilespmem:v12+s15+$0x0], $0xffff  }
0x64a: {  	v13 =	vld.idx.msk [tilespmem:v13+s15+$0x0], $0xffff;
	v15 =	vor.u32 v26, v15  }
0x64b: {  	v26 =	vld [tilespmem:$0x1F880]  }
0x64c: {  	v3 =	vld.idx.msk [tilespmem:v3+s15+$0x0], $0xffff;
	v17 =	vadd.s32 v27, v1  }
0x64d: {  	v18 =	vadd.s32 v18, v1;
	v4 =	vld.idx.msk [tilespmem:v4+s15+$0x0], $0xffff;
	v46 =	vand.u32 $0xFFFFFF80, v17  }
0x64e: {  	v19 =	vand.u32 $0xFFFFFF80, v18;
	v5 =	vld.idx.msk [tilespmem:v5+s15+$0x0], $0xffff;
	v17 =	vand.u32 $0x7F, v17;
	v16 =	vadd.s32 v0, v46  }
0x64f: {  	v48 =	vadd.s32 v0, v19;
	v47 =	vand.u32 $0x7F, v18;
	v15 =	vld.idx.msk [tilespmem:v15+s15+$0x0], $0xffff;
	v16 =	vor.u32 v17, v16  }
0x650: {  	v18 =	vor.u32 s25, v56;
	v17 =	vor.u32 v47, v48;
	v47 =	vld [tilespmem:$0x1FCC0]  }
0x651: {  	v19 =	vor.u32 s25, v49;
	v6 =	vld.idx.msk [tilespmem:v6+s15+$0x0], $0xffff  }
0x652: {  	v20 =	vor.u32 s25, v20;
	v7 =	vld.idx.msk [tilespmem:v7+s15+$0x0], $0xffff  }
0x653: {  	v21 =	vor.u32 s25, v21;
	v27 =	vld [tilespmem:$0x1F890]  }
0x654: {  	v22 =	vor.u32 s25, v22;
	v16 =	vld.idx.msk [tilespmem:v16+s15+$0x0], $0xffff  }
0x655: {  	v23 =	vor.u32 s25, v23;
	v47 =	vadd.s32 v47, v1;
	v17 =	vld.idx.msk [tilespmem:v17+s15+$0x0], $0xffff;
	[tilespmem:v18+s22+$0x0] =	vst.idx.msk $0xffff, v2  }
0x656: {  	v24 =	vor.u32 s25, v24;
	v46 =	vld [tilespmem:$0x1F8C0];
	v50 =	vand.u32 $0xFFFFFF80, v47;
	[tilespmem:v19+s22+$0x0] =	vst.idx.msk $0xffff, v3  }
0x657: {  	v25 =	vor.u32 s25, v25;
	v18 =	vadd.s32 v0, v50;
	v50 =	vld [tilespmem:$0x1F410];
	[tilespmem:v20+s22+$0x0] =	vst.idx.msk $0xffff, v4  }
0x658: {  	v26 =	vor.u32 s25, v26;
	v48 =	vld [tilespmem:$0x1F8D0];
	[tilespmem:v21+s22+$0x0] =	vst.idx.msk $0xffff, v5  }
0x659: {  	v49 =	vld [tilespmem:$0x1F8E0];
	v27 =	vor.u32 s25, v27;
	[tilespmem:v22+s22+$0x0] =	vst.idx.msk $0xffff, v6  }
0x65a: {  	v28 =	vor.u32 s25, v28;
	v21 =	vld [tilespmem:$0x1F430];
	[tilespmem:v23+s22+$0x0] =	vst.idx.msk $0xffff, v7  }
0x65b: {  	v3 =	vld [tilespmem:$0x1F8F0];
	[tilespmem:v24+s22+$0x0] =	vst.idx.msk $0xffff, v8  }
0x65c: {  	v29 =	vor.u32 s25, v29;
	v2 =	vand.u32 $0x7F, v47;
	v24 =	vld [tilespmem:$0x1F460];
	v47 =	vadd.s32 v50, v1;
	[tilespmem:v25+s22+$0x0] =	vst.idx.msk $0xffff, v9  }
0x65d: {  	v46 =	vor.u32 s25, v46;
	v48 =	vor.u32 s25, v48;
	v50 =	vand.u32 $0xFFFFFF80, v47;
	[tilespmem:v26+s22+$0x0] =	vst.idx.msk $0xffff, v10;
	v26 =	vld [tilespmem:$0x1F470]  }
0x65e: {  	v2 =	vor.u32 v2, v18;
	v4 =	vand.u32 $0x7F, v47;
	v18 =	vadd.s32 v0, v50;
	v50 =	vld [tilespmem:$0x1F420];
	[tilespmem:v27+s22+$0x0] =	vst.idx.msk $0xffff, v11  }
0x65f: {  	v49 =	vor.u32 s25, v49;
	v4 =	vor.u32 v4, v18;
	v18 =	vadd.s32 v21, v1;
	[tilespmem:v28+s22+$0x0] =	vst.idx.msk $0xffff, v12;
	v28 =	vld [tilespmem:$0x1F9E0]  }
0x660: {  	v3 =	vor.u32 s25, v3;
	v22 =	vand.u32 $0xFFFFFF80, v18;
	v7 =	vand.u32 $0x7F, v18;
	v18 =	vld [tilespmem:$0x1F490]  }
0x661: {  	[tilespmem:v29+s22+$0x0] =	vst.idx.msk $0xffff, v13;
	v47 =	vadd.s32 v0, v22;
	v22 =	vld [tilespmem:$0x1F450]  }
0x662: {  	v10 =	vadd.s32 v24, v1;
	[tilespmem:v46+s22+$0x0] =	vst.idx.msk $0xffff, v14;
	v12 =	vadd.s32 v26, v1;
	v26 =	vld [tilespmem:$0x1F4C0]  }
0x663: {  	v25 =	vand.u32 $0xFFFFFF80, v10;
	[tilespmem:v48+s22+$0x0] =	vst.idx.msk $0xffff, v15;
	v19 =	vadd.s32 v50, v1;
	v50 =	vld [tilespmem:$0x1F440]  }
0x664: {  	v24 =	vld [tilespmem:$0x1F4B0];
	v10 =	vand.u32 $0x7F, v10;
	v11 =	vadd.s32 v0, v25;
	[tilespmem:v49+s22+$0x0] =	vst.idx.msk $0xffff, v16;
	v5 =	vand.u32 $0xFFFFFF80, v19  }
0x665: {  	v27 =	vand.u32 $0xFFFFFF80, v12;
	v49 =	vld [tilespmem:$0x1F4F0];
	v6 =	vand.u32 $0x7F, v19;
	[tilespmem:v3+s22+$0x0] =	vst.idx.msk $0xffff, v17;
	v5 =	vadd.s32 v0, v5  }
0x666: {  	v46 =	vand.u32 $0x7F, v12;
	v2 =	vld.idx.msk [tilespmem:v2+s15+$0x0], $0xffff;
	v5 =	vor.u32 v6, v5;
	v9 =	vadd.s32 v22, v1  }
0x667: {  	v4 =	vld.idx.msk [tilespmem:v4+s15+$0x0], $0xffff;
	v6 =	vor.u32 v7, v47;
	v23 =	vand.u32 $0xFFFFFF80, v9;
	v9 =	vand.u32 $0x7F, v9  }
0x668: {  	v47 =	vld [tilespmem:$0x1F480];
	v15 =	vadd.s32 v26, v1;
	v19 =	vadd.s32 v50, v1;
	v8 =	vadd.s32 v0, v23  }
0x669: {  	v26 =	vld [tilespmem:$0x1F950];
	v8 =	vor.u32 v9, v8;
	v9 =	vor.u32 v10, v11;
	v10 =	vadd.s32 v0, v27  }
0x66a: {  	v7 =	vand.u32 $0xFFFFFF80, v19;
	v27 =	vand.u32 $0xFFFFFF80, v15;
	v10 =	vor.u32 v46, v10;
	v46 =	vld [tilespmem:$0x1F4D0]  }
0x66b: {  	v21 =	vand.u32 $0x7F, v19;
	v7 =	vadd.s32 v0, v7;
	v16 =	vadd.s32 v0, v27;
	v27 =	vld [tilespmem:$0x1F960]  }
0x66c: {  	v7 =	vor.u32 v21, v7;
	v21 =	vld [tilespmem:$0x1F4A0]  }
0x66d: {  	v13 =	vadd.s32 v18, v1;
	v5 =	vld.idx.msk [tilespmem:v5+s15+$0x0], $0xffff  }
0x66e: {  	v19 =	vand.u32 $0xFFFFFF80, v13;
	v6 =	vld.idx.msk [tilespmem:v6+s15+$0x0], $0xffff  }
0x66f: {  	v3 =	vand.u32 $0x7F, v13;
	v20 =	vadd.s32 v0, v19;
	v12 =	vadd.s32 v47, v1;
	v8 =	vld.idx.msk [tilespmem:v8+s15+$0x0], $0xffff  }
0x670: {  	v3 =	vor.u32 v3, v20;
	v50 =	vand.u32 $0xFFFFFF80, v12;
	v9 =	vld.idx.msk [tilespmem:v9+s15+$0x0], $0xffff  }
0x671: {  	v12 =	vand.u32 $0x7F, v12;
	v11 =	vadd.s32 v0, v50;
	v10 =	vld.idx.msk [tilespmem:v10+s15+$0x0], $0xffff  }
0x672: {  	v11 =	vor.u32 v12, v11;
	v17 =	vadd.s32 v46, v1;
	v46 =	vld [tilespmem:$0x1F970]  }
0x673: {  	v7 =	vld.idx.msk [tilespmem:v7+s15+$0x0], $0xffff  }
0x674: {  	v15 =	vand.u32 $0x7F, v15;
	v14 =	vadd.s32 v21, v1;
	v21 =	vld [tilespmem:$0x1F510]  }
0x675: {  	v47 =	vand.u32 $0xFFFFFF80, v17;
	v48 =	vand.u32 $0x7F, v17;
	v17 =	vadd.s32 v49, v1;
	v3 =	vld.idx.msk [tilespmem:v3+s15+$0x0], $0xffff  }
0x676: {  	v49 =	vld [tilespmem:$0x1F9A0];
	v22 =	vand.u32 $0xFFFFFF80, v14;
	v23 =	vand.u32 $0x7F, v14;
	v14 =	vadd.s32 v24, v1  }
0x677: {  	v50 =	vand.u32 $0xFFFFFF80, v17;
	v12 =	vadd.s32 v0, v22;
	v25 =	vand.u32 $0xFFFFFF80, v14;
	v11 =	vld.idx.msk [tilespmem:v11+s15+$0x0], $0xffff  }
0x678: {  	v14 =	vand.u32 $0x7F, v14;
	v12 =	vor.u32 v23, v12;
	v13 =	vadd.s32 v0, v25;
	v25 =	vld [tilespmem:$0x1F560]  }
0x679: {  	v13 =	vor.u32 v14, v13;
	v14 =	vor.u32 v15, v16;
	v15 =	vadd.s32 v0, v47;
	v47 =	vld [tilespmem:$0x1F980]  }
0x67a: {  	v16 =	vadd.s32 v0, v50;
	v50 =	vld [tilespmem:$0x1F9B0]  }
0x67b: {  	v15 =	vor.u32 v48, v15;
	v18 =	vadd.s32 v21, v1;
	v48 =	vld [tilespmem:$0x1F990]  }
0x67c: {  	v21 =	vor.u32 s25, v46;
	v46 =	vld [tilespmem:$0x1F9C0];
	v22 =	vand.u32 $0xFFFFFF80, v18  }
0x67d: {  	v17 =	vand.u32 $0x7F, v17;
	v23 =	vand.u32 $0x7F, v18;
	v24 =	vadd.s32 v0, v22;
	v12 =	vld.idx.msk [tilespmem:v12+s15+$0x0], $0xffff  }
0x67e: {  	v16 =	vor.u32 v17, v16;
	v17 =	vor.u32 v23, v24;
	v24 =	vor.u32 s25, v49;
	v49 =	vld [tilespmem:$0x1F570]  }
0x67f: {  	v13 =	vld.idx.msk [tilespmem:v13+s15+$0x0], $0xffff  }
0x680: {  	v22 =	vor.u32 s25, v47;
	v47 =	vld [tilespmem:$0x1F9D0]  }
0x681: {  	v18 =	vor.u32 s25, v25;
	v14 =	vld.idx.msk [tilespmem:v14+s15+$0x0], $0xffff  }
0x682: {  	v15 =	vld.idx.msk [tilespmem:v15+s15+$0x0], $0xffff  }
0x683: {  	v19 =	vor.u32 s25, v26;
	v16 =	vld.idx.msk [tilespmem:v16+s15+$0x0], $0xffff  }
0x684: {  	v20 =	vor.u32 s25, v27;
	v23 =	vor.u32 s25, v48;
	v48 =	vld [tilespmem:$0x1FA00]  }
0x685: {  	v17 =	vld.idx.msk [tilespmem:v17+s15+$0x0], $0xffff;
	v27 =	vor.u32 s25, v47;
	v47 =	vadd.s32 v49, v1  }
0x686: {  	v25 =	vor.u32 s25, v50;
	[tilespmem:v18+s22+$0x0] =	vst.idx.msk $0xffff, v2;
	v50 =	vand.u32 $0xFFFFFF80, v47;
	v2 =	vand.u32 $0x7F, v47;
	v47 =	vld [tilespmem:$0x1F590]  }
0x687: {  	v18 =	vadd.s32 v0, v50;
	v50 =	vld [tilespmem:$0x1FD80]  }
0x688: {  	v29 =	vld [tilespmem:$0x1F9F0];
	[tilespmem:v19+s22+$0x0] =	vst.idx.msk $0xffff, v4  }
0x689: {  	v26 =	vor.u32 s25, v46;
	v46 =	vor.u32 s25, v48;
	v48 =	vld [tilespmem:$0x1FA10];
	[tilespmem:v20+s22+$0x0] =	vst.idx.msk $0xffff, v5  }
0x68a: {  	[tilespmem:v21+s22+$0x0] =	vst.idx.msk $0xffff, v6;
	v21 =	vld [tilespmem:$0x1F5F0]  }
0x68b: {  	v49 =	vld [tilespmem:$0x1FA20];
	[tilespmem:v22+s22+$0x0] =	vst.idx.msk $0xffff, v7;
	v47 =	vadd.s32 v47, v1  }
0x68c: {  	v28 =	vor.u32 s25, v28;
	[tilespmem:v23+s22+$0x0] =	vst.idx.msk $0xffff, v8;
	v4 =	vor.u32 s25, v50;
	v50 =	vand.u32 $0xFFFFFF80, v47  }
0x68d: {  	v29 =	vor.u32 s25, v29;
	v2 =	vor.u32 v2, v18;
	[tilespmem:v24+s22+$0x0] =	vst.idx.msk $0xffff, v9;
	v18 =	vadd.s32 v0, v50;
	v50 =	vld [tilespmem:$0x1F5E0]  }
0x68e: {  	v24 =	vadd.s32 v51, v1;
	[tilespmem:v25+s22+$0x0] =	vst.idx.msk $0xffff, v10;
	v5 =	vand.u32 $0x7F, v47  }
0x68f: {  	v48 =	vor.u32 s25, v48;
	[tilespmem:v26+s22+$0x0] =	vst.idx.msk $0xffff, v11;
	v5 =	vor.u32 v5, v18;
	v18 =	vadd.s32 v21, v1  }
0x690: {  	v49 =	vor.u32 s25, v49;
	v25 =	vand.u32 $0xFFFFFF80, v24;
	[tilespmem:v27+s22+$0x0] =	vst.idx.msk $0xffff, v3;
	v22 =	vand.u32 $0xFFFFFF80, v18  }
0x691: {  	v11 =	vand.u32 $0x7F, v24;
	v26 =	vadd.s32 v52, v1;
	[tilespmem:v28+s22+$0x0] =	vst.idx.msk $0xffff, v12;
	v47 =	vadd.s32 v0, v22;
	v22 =	vld [tilespmem:$0x1F610]  }
0x692: {  	v24 =	vadd.s32 v58, v1;
	v27 =	vand.u32 $0xFFFFFF80, v26;
	[tilespmem:v29+s22+$0x0] =	vst.idx.msk $0xffff, v13;
	v19 =	vadd.s32 v50, v1  }
0x693: {  	v23 =	vand.u32 $0x7F, v18;
	[tilespmem:v46+s22+$0x0] =	vst.idx.msk $0xffff, v14;
	v46 =	vand.u32 $0x7F, v26;
	v6 =	vand.u32 $0xFFFFFF80, v19  }
0x694: {  	v26 =	vadd.s32 v59, v1;
	[tilespmem:v48+s22+$0x0] =	vst.idx.msk $0xffff, v15;
	v50 =	vld [tilespmem:$0x1F600];
	v7 =	vand.u32 $0x7F, v19;
	v6 =	vadd.s32 v0, v6  }
0x695: {  	v15 =	vand.u32 $0x7F, v24;
	[tilespmem:v49+s22+$0x0] =	vst.idx.msk $0xffff, v16;
	v49 =	vadd.s32 v31, v1;
	v6 =	vor.u32 v7, v6  }
0x696: {  	v7 =	vor.u32 v23, v47;
	v10 =	vadd.s32 v22, v1;
	v47 =	vadd.s32 v53, v1  }
0x697: {  	v22 =	vadd.s32 v57, v1;
	v23 =	vand.u32 $0xFFFFFF80, v10;
	v3 =	vand.u32 $0x7F, v10  }
0x698: {  	v29 =	vld [tilespmem:$0x1FAC0];
	[tilespmem:v4+s22+$0x0] =	vst.idx.msk $0xffff, v17;
	v10 =	vadd.s32 v0, v25;
	v48 =	vand.u32 $0xFFFFFF80, v47;
	v12 =	vand.u32 $0x7F, v47  }
0x699: {  	v2 =	vld.idx.msk [tilespmem:v2+s15+$0x0], $0xffff;
	v25 =	vand.u32 $0xFFFFFF80, v24;
	v47 =	vadd.s32 v60, v1;
	v19 =	vadd.s32 v50, v1  }
0x69a: {  	v5 =	vld.idx.msk [tilespmem:v5+s15+$0x0], $0xffff;
	v9 =	vadd.s32 v0, v23;
	v50 =	vadd.s32 v54, v1;
	v23 =	vand.u32 $0xFFFFFF80, v22  }
0x69b: {  	v24 =	vld [tilespmem:$0x1FA40];
	v17 =	vand.u32 $0x7F, v47;
	v3 =	vor.u32 v3, v9;
	v9 =	vor.u32 v11, v10  }
0x69c: {  	v10 =	vadd.s32 v0, v27;
	v11 =	vadd.s32 v0, v48;
	v13 =	vadd.s32 v0, v23;
	v23 =	vld [tilespmem:$0x1FA30]  }
0x69d: {  	v16 =	vand.u32 $0xFFFFFF80, v50;
	v4 =	vand.u32 $0x7F, v50;
	v48 =	vand.u32 $0xFFFFFF80, v47;
	v47 =	vld [tilespmem:$0x1FA90]  }
0x69e: {  	v27 =	vand.u32 $0xFFFFFF80, v26;
	v18 =	vadd.s32 v0, v16;
	v16 =	vadd.s32 v0, v25;
	v25 =	vld [tilespmem:$0x1FA50]  }
0x69f: {  	v50 =	vand.u32 $0xFFFFFF80, v49;
	v10 =	vor.u32 v46, v10;
	v46 =	vand.u32 $0x7F, v26;
	v26 =	vld [tilespmem:$0x1FA60]  }
0x6a0: {  	v14 =	vand.u32 $0x7F, v22;
	v22 =	vadd.s32 v0, v50;
	v50 =	vld [tilespmem:$0x1FAD0]  }
0x6a1: {  	v20 =	vand.u32 $0xFFFFFF80, v19;
	v21 =	vand.u32 $0x7F, v19;
	v6 =	vld.idx.msk [tilespmem:v6+s15+$0x0], $0xffff  }
0x6a2: {  	v19 =	vadd.s32 v55, v1;
	v8 =	vadd.s32 v0, v20;
	v11 =	vor.u32 v12, v11;
	v7 =	vld.idx.msk [tilespmem:v7+s15+$0x0], $0xffff  }
0x6a3: {  	v13 =	vor.u32 v14, v13;
	v14 =	vor.u32 v15, v16;
	v15 =	vadd.s32 v0, v27;
	v27 =	vld [tilespmem:$0x1FA70]  }
0x6a4: {  	v20 =	vand.u32 $0xFFFFFF80, v19;
	v8 =	vor.u32 v21, v8;
	v16 =	vadd.s32 v0, v48;
	v48 =	vld [tilespmem:$0x1FAA0]  }
0x6a5: {  	v21 =	vand.u32 $0x7F, v19;
	v12 =	vadd.s32 v0, v20;
	v15 =	vor.u32 v46, v15;
	v46 =	vld [tilespmem:$0x1FA80]  }
0x6a6: {  	v12 =	vor.u32 v21, v12;
	v21 =	vand.u32 $0x7F, v49;
	v49 =	vld [tilespmem:$0x1FAB0]  }
0x6a7: {  	v3 =	vld.idx.msk [tilespmem:v3+s15+$0x0], $0xffff  }
0x6a8: {  	v4 =	vor.u32 v4, v18;
	v9 =	vld.idx.msk [tilespmem:v9+s15+$0x0], $0xffff  }
0x6a9: {  	v10 =	vld.idx.msk [tilespmem:v10+s15+$0x0], $0xffff  }
0x6aa: {  	v11 =	vld.idx.msk [tilespmem:v11+s15+$0x0], $0xffff  }
0x6ab: {  	v13 =	vld.idx.msk [tilespmem:v13+s15+$0x0], $0xffff  }
0x6ac: {  	v16 =	vor.u32 v17, v16;
	v8 =	vld.idx.msk [tilespmem:v8+s15+$0x0], $0xffff  }
0x6ad: {  	v17 =	vor.u32 v21, v22;
	v4 =	vld.idx.msk [tilespmem:v4+s15+$0x0], $0xffff  }
0x6ae: {  	v28 =	vadd.s32 v32, v1;
	v29 =	vor.u32 s25, v29;
	v18 =	vor.u32 s25, v36;
	v14 =	vld.idx.msk [tilespmem:v14+s15+$0x0], $0xffff  }
0x6af: {  	v20 =	vor.u32 s25, v24;
	v19 =	vor.u32 s25, v23;
	v21 =	vor.u32 s25, v25;
	v12 =	vld.idx.msk [tilespmem:v12+s15+$0x0], $0xffff  }
0x6b0: {  	v22 =	vor.u32 s25, v26;
	v25 =	vor.u32 s25, v47;
	v23 =	vor.u32 s25, v27;
	v15 =	vld.idx.msk [tilespmem:v15+s15+$0x0], $0xffff  }
0x6b1: {  	v26 =	vor.u32 s25, v48;
	v48 =	vand.u32 $0xFFFFFF80, v28;
	v28 =	vand.u32 $0x7F, v28;
	v16 =	vld.idx.msk [tilespmem:v16+s15+$0x0], $0xffff  }
0x6b2: {  	v24 =	vor.u32 s25, v46;
	v47 =	vadd.s32 v0, v48;
	v48 =	vadd.s32 v33, v1;
	v17 =	vld.idx.msk [tilespmem:v17+s15+$0x0], $0xffff  }
0x6b3: {  	v27 =	vor.u32 s25, v49;
	[tilespmem:v18+s22+$0x0] =	vst.idx.msk $0xffff, v2;
	v2 =	vld [tilespmem:$0x1FAE0];
	v18 =	vor.u32 v28, v47;
	v28 =	vand.u32 $0xFFFFFF80, v48  }
0x6b4: {  	[tilespmem:v19+s22+$0x0] =	vst.idx.msk $0xffff, v5;
	v5 =	vand.u32 $0x7F, v48;
	v49 =	vadd.s32 v0, v28;
	v28 =	vadd.s32 v34, v1;
	v48 =	vld [tilespmem:$0x1FB00]  }
0x6b5: {  	v46 =	vor.u32 s25, v50;
	v47 =	vadd.s32 v35, v1;
	[tilespmem:v20+s22+$0x0] =	vst.idx.msk $0xffff, v6;
	v50 =	vand.u32 $0xFFFFFF80, v28  }
0x6b6: {  	v6 =	vld [tilespmem:$0x1FAF0];
	v5 =	vor.u32 v5, v49;
	[tilespmem:v21+s22+$0x0] =	vst.idx.msk $0xffff, v7;
	v7 =	vand.u32 $0x7F, v28;
	v19 =	vadd.s32 v0, v50  }
0x6b7: {  	v49 =	vand.u32 $0xFFFFFF80, v47;
	v50 =	vadd.s32 v37, v1;
	[tilespmem:v22+s22+$0x0] =	vst.idx.msk $0xffff, v8;
	v7 =	vor.u32 v7, v19  }
0x6b8: {  	v19 =	vadd.s32 v0, v49;
	v49 =	vand.u32 $0x7F, v50;
	[tilespmem:v23+s22+$0x0] =	vst.idx.msk $0xffff, v3;
	v3 =	vand.u32 $0x7F, v47  }
0x6b9: {  	v2 =	vor.u32 s25, v2;
	v8 =	vor.u32 s25, v48;
	v3 =	vor.u32 v3, v19  }
0x6ba: {  	v47 =	vld [tilespmem:$0x1FB10];
	[tilespmem:v24+s22+$0x0] =	vst.idx.msk $0xffff, v9;
	v48 =	vand.u32 $0xFFFFFF80, v50;
	v50 =	vadd.s32 v38, v1;
	v24 =	vadd.s32 v39, v1  }
0x6bb: {  	v6 =	vor.u32 s25, v6;
	[tilespmem:v25+s22+$0x0] =	vst.idx.msk $0xffff, v10;
	v19 =	vadd.s32 v0, v48;
	v23 =	vand.u32 $0xFFFFFF80, v50  }
0x6bc: {  	v25 =	vand.u32 $0xFFFFFF80, v24;
	[tilespmem:v26+s22+$0x0] =	vst.idx.msk $0xffff, v11;
	v10 =	vor.u32 v49, v19;
	v11 =	vadd.s32 v0, v23  }
0x6bd: {  	v26 =	vand.u32 $0x7F, v24;
	v49 =	vadd.s32 v41, v1;
	v24 =	vadd.s32 v43, v1  }
0x6be: {  	[tilespmem:v27+s22+$0x0] =	vst.idx.msk $0xffff, v4;
	v4 =	vand.u32 $0x7F, v50;
	v27 =	vadd.s32 v0, v25;
	v50 =	vadd.s32 v42, v1  }
0x6bf: {  	v25 =	vand.u32 $0xFFFFFF80, v24;
	v9 =	vor.u32 s25, v47;
	v47 =	vadd.s32 v40, v1  }
0x6c0: {  	[tilespmem:v29+s22+$0x0] =	vst.idx.msk $0xffff, v12;
	v4 =	vor.u32 v4, v11;
	v11 =	vor.u32 v26, v27;
	v19 =	vand.u32 $0xFFFFFF80, v50  }
0x6c1: {  	v20 =	vand.u32 $0x7F, v50;
	v26 =	vand.u32 $0x7F, v24;
	[tilespmem:v46+s22+$0x0] =	vst.idx.msk $0xffff, v13;
	v48 =	vand.u32 $0xFFFFFF80, v47  }
0x6c2: {  	v23 =	vadd.s32 v0, v19;
	[tilespmem:v2+s22+$0x0] =	vst.idx.msk $0xffff, v14;
	v2 =	vand.u32 $0x7F, v47;
	v47 =	vadd.s32 v45, v1  }
0x6c3: {  	v12 =	vadd.s32 v0, v48;
	[tilespmem:v6+s22+$0x0] =	vst.idx.msk $0xffff, v15;
	v6 =	vand.u32 $0xFFFFFF80, v49;
	v48 =	vand.u32 $0xFFFFFF80, v47  }
0x6c4: {  	v15 =	vand.u32 $0x7F, v47;
	v47 =	vld [tilespmem:$0x1FB20];
	[tilespmem:v8+s22+$0x0] =	vst.idx.msk $0xffff, v16;
	v16 =	vand.u32 $0x7F, v49;
	v6 =	vadd.s32 v0, v6  }
0x6c5: {  	v49 =	vadd.s32 v61, v1;
	v6 =	vor.u32 v16, v6;
	v16 =	vadd.s32 v0, v48;
	v48 =	vld [tilespmem:$0x1FB30]  }
0x6c6: {  	v8 =	vor.u32 v20, v23;
	[tilespmem:v9+s22+$0x0] =	vst.idx.msk $0xffff, v17;
	v23 =	vand.u32 $0xFFFFFF80, v49;
	v24 =	vand.u32 $0x7F, v49;
	v49 =	vld [tilespmem:$0x1FB40]  }
0x6c7: {  	v14 =	vld.idx.msk [tilespmem:v18+s15+$0x0], $0xffff  }
0x6c8: {  	v5 =	vld.idx.msk [tilespmem:v5+s15+$0x0], $0xffff  }
0x6c9: {  	v7 =	vld.idx.msk [tilespmem:v7+s15+$0x0], $0xffff  }
0x6ca: {  	v3 =	vld.idx.msk [tilespmem:v3+s15+$0x0], $0xffff  }
0x6cb: {  	v27 =	vadd.s32 v44, v1;
	v10 =	vld.idx.msk [tilespmem:v10+s15+$0x0], $0xffff  }
0x6cc: {  	v46 =	vand.u32 $0xFFFFFF80, v27;
	v13 =	vand.u32 $0x7F, v27;
	v4 =	vld.idx.msk [tilespmem:v4+s15+$0x0], $0xffff  }
0x6cd: {  	v2 =	vor.u32 v2, v12;
	v9 =	vadd.s32 v0, v25;
	v25 =	vadd.s32 v62, v1;
	v11 =	vld.idx.msk [tilespmem:v11+s15+$0x0], $0xffff  }
0x6ce: {  	v1 =	vadd.s32 v63, v1;
	v50 =	vor.u32 v15, v16;
	v15 =	vadd.s32 v0, v23;
	v23 =	vld [tilespmem:$0x1FFF0]  }
0x6cf: {  	v9 =	vor.u32 v26, v9;
	v26 =	vand.u32 $0xFFFFFF80, v25;
	v17 =	vand.u32 $0x7F, v25;
	v25 =	vld [tilespmem:$0x1FDD0]  }
0x6d0: {  	v12 =	vadd.s32 v0, v46;
	v27 =	vand.u32 $0xFFFFFF80, v1;
	v16 =	vadd.s32 v0, v26;
	v26 =	vld [tilespmem:$0x1FDE0]  }
0x6d1: {  	v12 =	vor.u32 v13, v12;
	v0 =	vadd.s32 v0, v27;
	v27 =	vld [tilespmem:$0x1FDF0]  }
0x6d2: {  	v2 =	vld.idx.msk [tilespmem:v2+s15+$0x0], $0xffff  }
0x6d3: {  	v8 =	vld.idx.msk [tilespmem:v8+s15+$0x0], $0xffff  }
0x6d4: {  	v15 =	vor.u32 v24, v15;
	v13 =	vld.idx.msk [tilespmem:v50+s15+$0x0], $0xffff  }
0x6d5: {  	v1 =	vand.u32 $0x7F, v1;
	v16 =	vor.u32 v17, v16;
	v50 =	vld [tilespmem:$0x1FB50]  }
0x6d6: {  	v46 =	vor.u32 s25, v30;
	v0 =	vor.u32 v1, v0;
	v1 =	vld.idx.msk [tilespmem:v12+s15+$0x0], $0xffff  }
0x6d7: {  	v17 =	vor.u32 s25, v47;
	v6 =	vld.idx.msk [tilespmem:v6+s15+$0x0], $0xffff  }
0x6d8: {  	v18 =	vor.u32 s25, v48;
	v9 =	vld.idx.msk [tilespmem:v9+s15+$0x0], $0xffff  }
0x6d9: {  	v19 =	vor.u32 s25, v49;
	v15 =	vld.idx.msk [tilespmem:v15+s15+$0x0], $0xffff  }
0x6da: {  	v16 =	vld.idx.msk [tilespmem:v16+s15+$0x0], $0xffff;
	v20 =	vor.u32 s25, v50  }
0x6db: {  	v24 =	vor.u32 s25, v23;
	v0 =	vld.idx.msk [tilespmem:v0+s15+$0x0], $0xffff;
	[tilespmem:v46+s22+$0x0] =	vst.idx.msk $0xffff, v14  }
0x6dc: {  	v46 =	vld [tilespmem:$0x1FE00];
	[tilespmem:v17+s22+$0x0] =	vst.idx.msk $0xffff, v5;
	v5 =	vor.u32 s25, v25  }
0x6dd: {  	v21 =	vld [tilespmem:$0x1FE10];
	[tilespmem:v18+s22+$0x0] =	vst.idx.msk $0xffff, v7;
	v7 =	vor.u32 s25, v26  }
0x6de: {  	v22 =	vld [tilespmem:$0x1FE20];
	[tilespmem:v19+s22+$0x0] =	vst.idx.msk $0xffff, v3  }
0x6df: {  	v49 =	vld [tilespmem:$0x1FE30];
	[tilespmem:v20+s22+$0x0] =	vst.idx.msk $0xffff, v10  }
0x6e0: {  	v48 =	vld [tilespmem:$0x1FE40];
	v3 =	vor.u32 s25, v27;
	[tilespmem:v24+s22+$0x0] =	vst.idx.msk $0xffff, v4  }
0x6e1: {  	v50 =	vld [tilespmem:$0x1FE50];
	v47 =	vor.u32 s25, v46;
	[tilespmem:v5+s22+$0x0] =	vst.idx.msk $0xffff, v11  }
0x6e2: {  	v4 =	vor.u32 s25, v21;
	[tilespmem:v7+s22+$0x0] =	vst.idx.msk $0xffff, v2;
	v7 =	vld [tilespmem:$0x1FE60]  }
0x6e3: {  	v5 =	vor.u32 s25, v22  }
0x6e4: {  	v2 =	vor.u32 s25, v49  }
0x6e5: {  	[tilespmem:v3+s22+$0x0] =	vst.idx.msk $0xffff, v6;
	v3 =	vor.u32 s25, v48  }
0x6e6: {  	v6 =	vor.u32 s25, v50;
	[tilespmem:v47+s22+$0x0] =	vst.idx.msk $0xffff, v8  }
0x6e7: {  	p0 =	sne.s32 s25, $0x70;
	[tilespmem:v4+s22+$0x0] =	vst.idx.msk $0xffff, v9;
	v4 =	vor.u32 s25, v7  }
.Ltmp4:
0x6e8: {  	[tilespmem:v5+s22+$0x0] =	vst.idx.msk $0xffff, v1;
	(pc) =	sbr.rel @p0 .LBB2_10-.Ltmp4, $4  }
0x6e9: {  	[tilespmem:v2+s22+$0x0] =	vst.idx.msk $0xffff, v13  }
0x6ea: {  	[tilespmem:v3+s22+$0x0] =	vst.idx.msk $0xffff, v15  }
0x6eb: {  	[tilespmem:v6+s22+$0x0] =	vst.idx.msk $0xffff, v16  }
0x6ec: {  	s1 =	sadd.s32 $0x80, s1;
	s25 =	sadd.s32 $0x10, s25;
	v3 =	vlaneseq.u32;
	[tilespmem:v4+s22+$0x0] =	vst.idx.msk $0xffff, v0;
	v4 =	vld [tilespmem:$0x1FFD0]  }
0x6ed: {  	s0 =	rddreg [dreg:$0x4]  }
0x6ee: {  	[hbm4b:s0+s18] =	stream.strided.scatter [tilespmem:s22], [sflag:$0x4], $0x2000, s19, s18, $0x38;
	[tilespmem:$0x12D00] =	vst v63  }
0x6ef: {  	_ =	swait.ge [sflag:s20], $0x2000  }
0x6f0: {  	[sflag:s20] =	ssyncset.done $0x0  }
0x6f1: {  	[sflag:s20] =	ssyncadd.s32 $0xFFFFE000  }
0x6f2: {  	_ =	swait.ge [sflag:s23], $0x2000  }
0x6f3: {  	v2 =	vld [tilespmem:$0x1FCD0]  }
0x6f4: {  	v5 =	vld [tilespmem:$0x1FCE0]  }
0x6f5: {  	v6 =	vld [tilespmem:$0x1FCF0]  }
0x6f6: {  	v61 =	vld [tilespmem:$0x1FD30]  }
0x6f7: {  	s24 =	sadd.s32 $0x1, s24;
	v62 =	vld [tilespmem:$0x1FD40]  }
0x6f8: {  	p0 =	sne.s32 s24, s9;
	v63 =	vld [tilespmem:$0x1FD50]  }
.Ltmp5:
0x6f9: {  	v38 =	vld [tilespmem:$0x1FD60];
	(pc) =	sbr.rel @p0 .LBB2_1-.Ltmp5, $4  }
0x6fa: {  	v39 =	vld [tilespmem:$0x1FD70]  }
0x6fb: {  	v9 =	vld [tilespmem:$0x1FE70]  }
0x6fc: {  	[sflag:s23] =	ssyncset.done $0x0;
	v13 =	vld [tilespmem:$0x1FE80]  }
0x6fd: {  	v8 =	vld [tilespmem:$0x1FF00];
	[sflag:s23] =	ssyncadd.s32 $0xFFFFE000  }
0x6fe: {  	_ =	sfence.sel $0x180000  }
0x6ff: {  	[bflag:$0x0] =	sbarrier.arrive $0xFFFF  }
0x700: {  	_ =	strace $0x90000047  }
0x701: {  	s0 =	stileid.u32;
	[bflag:$0x2] =	sbarrier.arrive $0xFFFF  }
0x702: {  	p0 =	sne.s32 s0, $0x0;
	s0 =	rddreg [dreg:$0x2]  }
0x703: {  	s0 =	sadd.s32 @!p0 $0x100000, s0  }
0x704: {  	[sflag:s0] =	ssyncadd.tile.s32 @!p0 $0x1;
	_ =	shalt  }
.Lfunc_end2:
_tile_overlayer_lowered:
.L_overlay_start_2:
0x705: {  	(tag) =	ssettag $0x2  }
0x706: {  	s0 =	rddreg [dreg:$0x0];
	s2 =	stileid.u32  }
0x707: {  	s1 =	rddreg [dreg:$0x1];
	p0 =	sne.s32 s2, $0x0  }
0x708: {  	s3 =	rddreg [dreg:$0x2];
	[bflag:$0x3] =	sbarrier.arrive $0xFFFF;
	s2 =	simm.s32 @!p0 $0x1C05  }
0x709: {  	[timem:s3], [sflag:s2] =	dma.local @!p0 [hbm:s0], s1  }
0x70a: {  	s0 =	simm.s32 @!p0 $0x5  }
0x70b: {  	_ =	swait.ge @!p0 [sflag:s0], s1  }
0x70c: {  	s1 =	ssub.s32 @!p0 $0x0, s1;
	[sflag:s0] =	ssyncset.done @!p0 $0x0  }
0x70d: {  	[sflag:s0] =	ssyncadd.s32 @!p0 s1  }
0x70e: {  	[bflag:$0x3] =	sbarrier.arrive $0xFFFF  }
0x70f: {  	_ =	shalt  }

</sc_bundles>
